<compile_context>
chip_gen: v7x
topology: tpu7x:2x2x1
jax: 0.10.2.dev20260603
libtpu: 0.0.44.dev20260713+nightly
codegen_flags: <defaults>
</compile_context>

<pallas_src>
import functools

import jax
import jax.numpy as jnp
from jax import lax
from jax.experimental import pallas as pl
from jax.experimental.pallas import tpu as pltpu
from jax.experimental.pallas import tpu_sc as plsc

NUM_ACT = 96
SIZE = 256
B, H, W = 8, 224, 224
NSLICES = B * NUM_ACT
NWORKERS = 32
SLICES_PER_W = NSLICES // NWORKERS
RBLK = H // 2
NVROW = W // 16

_mesh = plsc.VectorSubcoreMesh(
    core_axis_name="c", subcore_axis_name="s", num_cores=2, num_subcores=16
)


@functools.partial(
    pl.kernel,
    out_type=jax.ShapeDtypeStruct((NSLICES, H, W), jnp.float32),
    mesh=_mesh,
    compiler_params=pltpu.CompilerParams(needs_layout_passes=False),
    scratch_types=[
        pltpu.VMEM((SIZE + 128,), jnp.float32),
        pltpu.VMEM((SIZE,), jnp.float32),
        pltpu.VMEM((SIZE,), jnp.float32),
        pltpu.VMEM((SIZE,), jnp.float32),
        pltpu.VMEM((128,), jnp.float32),
        pltpu.VMEM((64,), jnp.float32),
        pltpu.VMEM((RBLK, W), jnp.float32),
        pltpu.VMEM((RBLK, W), jnp.float32),
        pltpu.VMEM((RBLK, W), jnp.float32),
        pltpu.VMEM((RBLK, W), jnp.float32),
        pltpu.SemaphoreType.DMA,
        pltpu.SemaphoreType.DMA,
        pltpu.SemaphoreType.DMA,
        pltpu.SemaphoreType.DMA,
        pltpu.SemaphoreType.DMA,
        pltpu.SemaphoreType.DMA,
    ],
)
def _spline_sc(x_hbm, coef_hbm, scal_hbm, par_hbm, out_hbm,
               tab, tabd, traw0, traw1, scal_v, par_v, xb0, xb1, ob0, ob1,
               si0, si1, so0, so1, st0, st1):
    cid = lax.axis_index("c")
    sid = lax.axis_index("s")
    w = sid * 2 + cid
    sl0 = w * SLICES_PER_W

    xb = (xb0, xb1)
    ob = (ob0, ob1)
    si = (si0, si1)
    so = (so0, so1)
    traw = (traw0, traw1)
    st = (st0, st1)

    pltpu.sync_copy(scal_hbm, scal_v.at[pl.ds(0, NUM_ACT)])
    pltpu.sync_copy(par_hbm, par_v)
    g0 = par_v[pl.ds(0, 16)]
    tmax = par_v[pl.ds(16, 16)]
    invh = par_v[pl.ds(32, 16)]
    halfr = par_v[pl.ds(48, 16)]
    zero = g0 - g0

    def raw_table_copy(sl, p):
        ch = lax.rem(sl, NUM_ACT)
        pltpu.async_copy(
            coef_hbm.at[pl.ds(pl.multiple_of(ch * SIZE, SIZE), SIZE)],
            traw[p], st[p],
        )

    pltpu.async_copy(x_hbm.at[sl0, pl.ds(0, RBLK)], xb0, si0)
    raw_table_copy(sl0, 0)

    iota = lax.iota(jnp.int32, 16)

    def outer(o, _):
        for p in range(2):
            k = o * 2 + p
            sl = sl0 + k
            for b in range(2):
                if b == 0:
                    pltpu.async_copy(x_hbm.at[sl, pl.ds(RBLK, RBLK)], xb1, si1)
                else:
                    @pl.when(k < SLICES_PER_W - 1)
                    def _prefetch():
                        pltpu.async_copy(
                            x_hbm.at[sl + 1, pl.ds(0, RBLK)], xb0, si0
                        )

                if b == 0:
                    pltpu.make_async_copy(
                        coef_hbm.at[pl.ds(0, SIZE)], traw[p], st[p]
                    ).wait()
                    ch = lax.rem(sl, NUM_ACT)
                    chv = jnp.full((16,), ch, jnp.int32)
                    sv = plsc.load_gather(scal_v, [chv])
                    kv = halfr * sv
                    rawp = traw[p]

                    @plsc.parallel_loop(0, SIZE // 16)
                    def _tscale(i):
                        off = pl.multiple_of(i * 16, 16)
                        tab[pl.ds(off, 16)] = rawp[pl.ds(off, 16)] * sv + kv

                    @plsc.parallel_loop(0, SIZE // 16)
                    def _tdelta(i):
                        off = pl.multiple_of(i * 16, 16)
                        nxt = plsc.load_gather(tab, [iota + (off + 1)])
                        tabd[pl.ds(off, 16)] = nxt - tab[pl.ds(off, 16)]

                    @plsc.parallel_loop(0, SIZE // 16)
                    def _trebase(i):
                        off = pl.multiple_of(i * 16, 16)
                        lf = (iota + off).astype(jnp.float32)
                        tab[pl.ds(off, 16)] = (
                            tab[pl.ds(off, 16)] - lf * tabd[pl.ds(off, 16)]
                        )

                    if p == 0:
                        raw_table_copy(sl + 1, 1)
                    else:
                        @pl.when(o < SLICES_PER_W // 2 - 1)
                        def _next_table():
                            raw_table_copy(sl + 1, 0)

                pltpu.make_async_copy(
                    x_hbm.at[0, pl.ds(0, RBLK)], xb[b], si[b]
                ).wait()

                @pl.when(k >= 1)
                def _drain_prev():
                    pltpu.make_async_copy(
                        x_hbm.at[0, pl.ds(0, RBLK)], ob[b], so[b]
                    ).wait()

                xbuf = xb[b]
                obuf = ob[b]

                @plsc.parallel_loop(0, RBLK)
                def _row(r):
                    for i in range(NVROW):
                        off = i * 16
                        xv = xbuf[r, pl.ds(off, 16)]
                        t = jnp.minimum(jnp.maximum(xv * invh - g0, zero), tmax)
                        li = t.astype(jnp.int32)
                        a = plsc.load_gather(tab, [li])
                        d = plsc.load_gather(tabd, [li])
                        obuf[r, pl.ds(off, 16)] = a + t * d

                pltpu.async_copy(
                    obuf, out_hbm.at[sl, pl.ds(b * RBLK, RBLK)], so[b]
                )
        return 0

    lax.fori_loop(0, SLICES_PER_W // 2, outer, 0)

    for b in range(2):
        pltpu.make_async_copy(x_hbm.at[0, pl.ds(0, RBLK)], ob[b], so[b]).wait()


def kernel(x, coefficients_vect, scaling_coeffs_vect, grid):
    x3 = x.reshape(NSLICES, H, W)
    scal = scaling_coeffs_vect.reshape(-1).astype(jnp.float32)
    gmin = grid[0]
    gmax = grid[-1]
    invh = (SIZE - 1) / (gmax - gmin)
    halfr = jnp.where(SIZE % 2 == 0, (gmax - gmin) / 2.0, 0.0)
    tmax = jnp.float32(SIZE - 1) - jnp.float32(SIZE - 1) * jnp.float32(2.0) ** -23
    par = jnp.concatenate([
        jnp.full((16,), gmin * invh, jnp.float32),
        jnp.full((16,), tmax, jnp.float32),
        jnp.full((16,), invh, jnp.float32),
        jnp.full((16,), halfr, jnp.float32),
    ])
    out = _spline_sc(x3, coefficients_vect.astype(jnp.float32), scal, par)
    return out.reshape(x.shape)

# --- scband reference (transcript-rebuilt; emitter-appended) ---
"""Pipeline reference for scband-linear-spline-slope-constrained-52295521796234 (READ-ONLY COPY).

The authoritative reference and input builder live on the scoring server;
editing this copy changes nothing except your own understanding.
"""

import jax, jax.numpy as jnp
import numpy as np

NUM_ACT = 96
SIZE = 256
RANGE = 4.0
EVEN = (SIZE % 2 == 0)


def setup_inputs(seed: int = 0) -> dict:
    key = jax.random.key(seed)
    k1, = jax.random.split(key, 1)
    x = jax.random.normal(k1, (8, NUM_ACT, 224, 224), dtype=jnp.float32)
    # uniform grid shared by all activations (uniform_grid=True)
    grid = jnp.linspace(-RANGE, RANGE, SIZE).astype(jnp.float32)
    # init='relu': coefficients c[k] = relu(grid[k]) for every activation, flattened
    coefficients_vect = jnp.tile(jax.nn.relu(grid), (NUM_ACT,))
    scaling_coeffs_vect = jnp.ones((1, NUM_ACT, 1, 1), dtype=jnp.float32)
    return {
        'x': x,
        'coefficients_vect': coefficients_vect,
        'scaling_coeffs_vect': scaling_coeffs_vect,
        'grid': grid,
    }


def reference(x, coefficients_vect, scaling_coeffs_vect, grid):
    gmin = grid[0]
    gmax = grid[-1]
    x_clamped = jnp.clip(x, gmin, gmax)
    # bin search for the left knot of each input element (histogram binning)
    left_index = jnp.searchsorted(grid, x_clamped, side='left') - 1
    left_index = jnp.clip(left_index, 0, SIZE - 2)
    fracs = (x_clamped - grid[left_index]) / (grid[left_index + 1] - grid[left_index])
    zero_knot_indexes = (jnp.arange(NUM_ACT) * SIZE).astype(jnp.int32)
    indexes = zero_knot_indexes.reshape(1, -1, 1, 1) + left_index
    out = coefficients_vect[indexes + 1] * fracs + coefficients_vect[indexes] * (1.0 - fracs)
    if EVEN:
        out = out + (gmax - gmin) / 2.0
    out = out * scaling_coeffs_vect
    return out

if __name__ == "__main__":
    import jax
    _d = setup_inputs()
    print(jax.jit(kernel)(*tuple(_d.values())))

</pallas_src>

<mosaic_0001>
#map = affine_map<(d0, d1) -> (0, 0, 0)>
#map1 = affine_map<(d0, d1) -> (0)>
module attributes {stable_mosaic.version = 14 : i64} {
  func.func @_spline_sc(%arg0: i32, %arg1: i32, %arg2: memref<768x224x224xf32, #tpu.memory_space<hbm>>, %arg3: memref<24576xf32, #tpu.memory_space<hbm>>, %arg4: memref<96xf32, #tpu.memory_space<hbm>>, %arg5: memref<64xf32, #tpu.memory_space<hbm>>, %arg6: memref<768x224x224xf32, #tpu.memory_space<hbm>>, %arg7: memref<384xf32, #tpu.memory_space<vmem>>, %arg8: memref<256xf32, #tpu.memory_space<vmem>>, %arg9: memref<256xf32, #tpu.memory_space<vmem>>, %arg10: memref<256xf32, #tpu.memory_space<vmem>>, %arg11: memref<128xf32, #tpu.memory_space<vmem>>, %arg12: memref<64xf32, #tpu.memory_space<vmem>>, %arg13: memref<112x224xf32, #tpu.memory_space<vmem>>, %arg14: memref<112x224xf32, #tpu.memory_space<vmem>>, %arg15: memref<112x224xf32, #tpu.memory_space<vmem>>, %arg16: memref<112x224xf32, #tpu.memory_space<vmem>>, %arg17: memref<!tpu.dma_semaphore, #tpu.memory_space<semaphore_mem>>, %arg18: memref<!tpu.dma_semaphore, #tpu.memory_space<semaphore_mem>>, %arg19: memref<!tpu.dma_semaphore, #tpu.memory_space<semaphore_mem>>, %arg20: memref<!tpu.dma_semaphore, #tpu.memory_space<semaphore_mem>>, %arg21: memref<!tpu.dma_semaphore, #tpu.memory_space<semaphore_mem>>, %arg22: memref<!tpu.dma_semaphore, #tpu.memory_space<semaphore_mem>>) attributes {dimension_semantics = [#tpu.dimension_semantics<core_parallel>, #tpu.dimension_semantics<subcore_parallel>], iteration_bounds = array<i64: 2, 16>, scalar_prefetch = 0 : i64, scratch_operands = 16 : i64, tpu.core_type = #tpu.core_type<sc_vector_subcore>, window_params = [{transform_indices = #map}, {transform_indices = #map1}, {transform_indices = #map1}, {transform_indices = #map1}, {transform_indices = #map}]} {
    %mul3A = arith.constant 2 : i32
    %mul3A_0 = arith.muli %arg1, %mul3A : i32
    %add3A = arith.addi %mul3A_0, %arg0 : i32
    %mul3A_1 = arith.constant 24 : i32
    %mul3A_2 = arith.muli %add3A, %mul3A_1 : i32
    "tpu.region"() ({
      %run_scoped3A = tpu.sem_alloc : memref<!tpu.dma_semaphore, #tpu.memory_space<semaphore_mem>>
      %dma_start3A_45 = arith.constant 0 : i32
      %dma_start3A_46 = tpu.memref_slice %arg11[%dma_start3A_45] : memref<128xf32, #tpu.memory_space<vmem>> -> memref<96xf32, #tpu.memory_space<vmem>>
      %dma_start3A_47 = arith.constant 0 : i32
      %dma_start3A_48 = tpu.memref_slice %arg11[%dma_start3A_47] : memref<128xf32, #tpu.memory_space<vmem>> -> memref<96xf32, #tpu.memory_space<vmem>>
      tpu.enqueue_dma source(%arg4 : memref<96xf32, #tpu.memory_space<hbm>>) target(%dma_start3A_48 : memref<96xf32, #tpu.memory_space<vmem>>) target_semaphore(%run_scoped3A : memref<!tpu.dma_semaphore, #tpu.memory_space<semaphore_mem>>)
      %dma_wait3A_49 = arith.constant 0 : i32
      %dma_wait3A_50 = tpu.memref_slice %arg11[%dma_wait3A_49] : memref<128xf32, #tpu.memory_space<vmem>> -> memref<96xf32, #tpu.memory_space<vmem>>
      %dma_wait3A_51 = arith.constant 0 : i32
      %dma_wait3A_52 = tpu.memref_slice %arg11[%dma_wait3A_51] : memref<128xf32, #tpu.memory_space<vmem>> -> memref<96xf32, #tpu.memory_space<vmem>>
      tpu.wait_dma2 semaphore(%run_scoped3A : memref<!tpu.dma_semaphore, #tpu.memory_space<semaphore_mem>>) src(%arg4 : memref<96xf32, #tpu.memory_space<hbm>>) dst(%dma_wait3A_52 : memref<96xf32, #tpu.memory_space<vmem>>)
      tpu.yield
    }) : () -> ()
    "tpu.region"() ({
      %run_scoped3A = tpu.sem_alloc : memref<!tpu.dma_semaphore, #tpu.memory_space<semaphore_mem>>
      tpu.enqueue_dma source(%arg5 : memref<64xf32, #tpu.memory_space<hbm>>) target(%arg12 : memref<64xf32, #tpu.memory_space<vmem>>) target_semaphore(%run_scoped3A : memref<!tpu.dma_semaphore, #tpu.memory_space<semaphore_mem>>)
      tpu.wait_dma2 semaphore(%run_scoped3A : memref<!tpu.dma_semaphore, #tpu.memory_space<semaphore_mem>>) src(%arg5 : memref<64xf32, #tpu.memory_space<hbm>>) dst(%arg12 : memref<64xf32, #tpu.memory_space<vmem>>)
      tpu.yield
    }) : () -> ()
    %get3A = arith.constant 0 : index
    %get3A_3 = tpu.vector_load %arg12[%get3A] {strides = array<i32>} : memref<64xf32, #tpu.memory_space<vmem>>, vector<16xf32>,
    %get3A_4 = arith.constant 16 : index
    %get3A_5 = tpu.vector_load %arg12[%get3A_4] {strides = array<i32>} : memref<64xf32, #tpu.memory_space<vmem>>, vector<16xf32>,
    %get3A_6 = arith.constant 32 : index
    %get3A_7 = tpu.vector_load %arg12[%get3A_6] {strides = array<i32>} : memref<64xf32, #tpu.memory_space<vmem>>, vector<16xf32>,
    %get3A_8 = arith.constant 48 : index
    %get3A_9 = tpu.vector_load %arg12[%get3A_8] {strides = array<i32>} : memref<64xf32, #tpu.memory_space<vmem>>, vector<16xf32>,
    %sub3A = arith.subf %get3A_3, %get3A_3 : vector<16xf32>
    %dma_start3A = arith.constant 0 : i32
    %dma_start3A_10 = arith.constant 0 : i32
    %dma_start3A_11 = tpu.memref_slice %arg2[%mul3A_2, %dma_start3A, %dma_start3A_10] : memref<768x224x224xf32, #tpu.memory_space<hbm>> -> memref<1x112x224xf32, #tpu.memory_space<hbm>>
    %dma_start3A_12 = tpu.memref_squeeze %dma_start3A_11 : memref<1x112x224xf32, #tpu.memory_space<hbm>> -> memref<112x224xf32, #tpu.memory_space<hbm>>
    %dma_start3A_13 = arith.constant 0 : i32
    %dma_start3A_14 = arith.constant 0 : i32
    %dma_start3A_15 = tpu.memref_slice %arg2[%mul3A_2, %dma_start3A_13, %dma_start3A_14] : memref<768x224x224xf32, #tpu.memory_space<hbm>> -> memref<1x112x224xf32, #tpu.memory_space<hbm>>
    %dma_start3A_16 = tpu.memref_squeeze %dma_start3A_15 : memref<1x112x224xf32, #tpu.memory_space<hbm>> -> memref<112x224xf32, #tpu.memory_space<hbm>>
    tpu.enqueue_dma source(%dma_start3A_16 : memref<112x224xf32, #tpu.memory_space<hbm>>) target(%arg13 : memref<112x224xf32, #tpu.memory_space<vmem>>) target_semaphore(%arg17 : memref<!tpu.dma_semaphore, #tpu.memory_space<semaphore_mem>>)
    %rem3A = arith.constant 96 : i32
    %rem3A_17 = arith.remsi %mul3A_2, %rem3A : i32
    %mul3A_18 = arith.constant 256 : i32
    %mul3A_19 = arith.muli %rem3A_17, %mul3A_18 : i32
    %multiple_of3A = tpu.assume_multiple %mul3A_19, 256 : i32
    %dma_start3A_20 = tpu.memref_slice %arg3[%multiple_of3A] : memref<24576xf32, #tpu.memory_space<hbm>> -> memref<256xf32, #tpu.memory_space<hbm>>
    %dma_start3A_21 = tpu.memref_slice %arg3[%multiple_of3A] : memref<24576xf32, #tpu.memory_space<hbm>> -> memref<256xf32, #tpu.memory_space<hbm>>
    tpu.enqueue_dma source(%dma_start3A_21 : memref<256xf32, #tpu.memory_space<hbm>>) target(%arg9 : memref<256xf32, #tpu.memory_space<vmem>>) target_semaphore(%arg21 : memref<!tpu.dma_semaphore, #tpu.memory_space<semaphore_mem>>)
    %iota3A = tpu.iota {dimensions = array<i32: 0>} : vector<16xi32>
    %scan3A = arith.constant 0 : i32
    %scan3A_22 = arith.constant 0 : i32
    %scan3A_23 = arith.constant 12 : i32
    %scan3A_24 = arith.addi %scan3A_22, %scan3A_23 : i32
    %scan3A_25 = arith.constant 1 : i32
    %scan3A_26 = scf.for %scan3A_45 = %scan3A_22 to %scan3A_24 step %scan3A_25 iter_args(%scan3A_46 = %scan3A) -> (i32)  : i32 {
      %mul3A_47 = arith.constant 2 : i32
      %mul3A_48 = arith.muli %scan3A_45, %mul3A_47 : i32
      %add3A_49 = arith.constant 0 : i32
      %add3A_50 = arith.addi %mul3A_48, %add3A_49 : i32
      %add3A_51 = arith.addi %mul3A_2, %add3A_50 : i32
      %dma_start3A_52 = arith.constant 112 : i32
      %dma_start3A_53 = arith.constant 0 : i32
      %dma_start3A_54 = tpu.memref_slice %arg2[%add3A_51, %dma_start3A_52, %dma_start3A_53] : memref<768x224x224xf32, #tpu.memory_space<hbm>> -> memref<1x112x224xf32, #tpu.memory_space<hbm>>
      %dma_start3A_55 = tpu.memref_squeeze %dma_start3A_54 : memref<1x112x224xf32, #tpu.memory_space<hbm>> -> memref<112x224xf32, #tpu.memory_space<hbm>>
      %dma_start3A_56 = arith.constant 112 : i32
      %dma_start3A_57 = arith.constant 0 : i32
      %dma_start3A_58 = tpu.memref_slice %arg2[%add3A_51, %dma_start3A_56, %dma_start3A_57] : memref<768x224x224xf32, #tpu.memory_space<hbm>> -> memref<1x112x224xf32, #tpu.memory_space<hbm>>
      %dma_start3A_59 = tpu.memref_squeeze %dma_start3A_58 : memref<1x112x224xf32, #tpu.memory_space<hbm>> -> memref<112x224xf32, #tpu.memory_space<hbm>>
      tpu.enqueue_dma source(%dma_start3A_59 : memref<112x224xf32, #tpu.memory_space<hbm>>) target(%arg14 : memref<112x224xf32, #tpu.memory_space<vmem>>) target_semaphore(%arg18 : memref<!tpu.dma_semaphore, #tpu.memory_space<semaphore_mem>>)
      %dma_wait3A_60 = arith.constant 0 : i32
      %dma_wait3A_61 = tpu.memref_slice %arg3[%dma_wait3A_60] : memref<24576xf32, #tpu.memory_space<hbm>> -> memref<256xf32, #tpu.memory_space<hbm>>
      %dma_wait3A_62 = arith.constant 0 : i32
      %dma_wait3A_63 = tpu.memref_slice %arg3[%dma_wait3A_62] : memref<24576xf32, #tpu.memory_space<hbm>> -> memref<256xf32, #tpu.memory_space<hbm>>
      tpu.wait_dma2 semaphore(%arg21 : memref<!tpu.dma_semaphore, #tpu.memory_space<semaphore_mem>>) src(%dma_wait3A_63 : memref<256xf32, #tpu.memory_space<hbm>>) dst(%arg9 : memref<256xf32, #tpu.memory_space<vmem>>)
      %rem3A_64 = arith.constant 96 : i32
      %rem3A_65 = arith.remsi %add3A_51, %rem3A_64 : i32
      %broadcast_in_dim3A = vector.broadcast %rem3A_65 : i32 to vector<16xi32>
      %gather3A = tpu.vector_load_idx %arg11[%broadcast_in_dim3A] : memref<128xf32, #tpu.memory_space<vmem>>[vector<16xi32>], vector<16xf32>,
      %mul3A_66 = arith.mulf %get3A_9, %gather3A : vector<16xf32>
      %parallel_loop3A = arith.constant 0 : i32
      %parallel_loop3A_67 = arith.constant 16 : i32
      %parallel_loop3A_68 = arith.constant 1 : i32
      scf.for %parallel_loop3A_227 = %parallel_loop3A to %parallel_loop3A_67 step %parallel_loop3A_68  : i32 {
        %parallel_loop3A_228 = arith.constant 16 : i32
        %parallel_loop3A_229 = arith.muli %parallel_loop3A_227, %parallel_loop3A_228 : i32
        %parallel_loop3A_230 = tpu.assume_multiple %parallel_loop3A_229, 16 : i32
        %parallel_loop3A_231 = arith.index_cast %parallel_loop3A_230 : i32 to index
        %parallel_loop3A_232 = tpu.vector_load %arg9[%parallel_loop3A_231] {strides = array<i32>} : memref<256xf32, #tpu.memory_space<vmem>>, vector<16xf32>,
        %parallel_loop3A_233 = arith.mulf %parallel_loop3A_232, %gather3A : vector<16xf32>
        %parallel_loop3A_234 = arith.addf %parallel_loop3A_233, %mul3A_66 : vector<16xf32>
        %parallel_loop3A_235 = arith.index_cast %parallel_loop3A_230 : i32 to index
        %parallel_loop3A_236 = tpu.vector_load %arg7[%parallel_loop3A_235] {strides = array<i32>} : memref<384xf32, #tpu.memory_space<vmem>>, vector<16xf32>,
        tpu.vector_store %arg7[%parallel_loop3A_235], %parallel_loop3A_234 {strides = array<i32>} : memref<384xf32, #tpu.memory_space<vmem>>, vector<16xf32>,
      } {sc.loop_unroll_factor = 1 : i64, sc.parallel_access}
      %parallel_loop3A_69 = arith.constant 0 : i32
      %parallel_loop3A_70 = arith.constant 16 : i32
      %parallel_loop3A_71 = arith.constant 1 : i32
      scf.for %parallel_loop3A_227 = %parallel_loop3A_69 to %parallel_loop3A_70 step %parallel_loop3A_71  : i32 {
        %parallel_loop3A_228 = arith.constant 16 : i32
        %parallel_loop3A_229 = arith.muli %parallel_loop3A_227, %parallel_loop3A_228 : i32
        %parallel_loop3A_230 = tpu.assume_multiple %parallel_loop3A_229, 16 : i32
        %parallel_loop3A_231 = arith.constant 1 : i32
        %parallel_loop3A_232 = arith.addi %parallel_loop3A_230, %parallel_loop3A_231 : i32
        %parallel_loop3A_233 = vector.broadcast %parallel_loop3A_232 : i32 to vector<16xi32>
        %parallel_loop3A_234 = arith.addi %iota3A, %parallel_loop3A_233 : vector<16xi32>
        %parallel_loop3A_235 = tpu.vector_load_idx %arg7[%parallel_loop3A_234] : memref<384xf32, #tpu.memory_space<vmem>>[vector<16xi32>], vector<16xf32>,
        %parallel_loop3A_236 = arith.index_cast %parallel_loop3A_230 : i32 to index
        %parallel_loop3A_237 = tpu.vector_load %arg7[%parallel_loop3A_236] {strides = array<i32>} : memref<384xf32, #tpu.memory_space<vmem>>, vector<16xf32>,
        %parallel_loop3A_238 = arith.subf %parallel_loop3A_235, %parallel_loop3A_237 : vector<16xf32>
        %parallel_loop3A_239 = arith.index_cast %parallel_loop3A_230 : i32 to index
        %parallel_loop3A_240 = tpu.vector_load %arg8[%parallel_loop3A_239] {strides = array<i32>} : memref<256xf32, #tpu.memory_space<vmem>>, vector<16xf32>,
        tpu.vector_store %arg8[%parallel_loop3A_239], %parallel_loop3A_238 {strides = array<i32>} : memref<256xf32, #tpu.memory_space<vmem>>, vector<16xf32>,
      } {sc.loop_unroll_factor = 1 : i64, sc.parallel_access}
      %parallel_loop3A_72 = arith.constant 0 : i32
      %parallel_loop3A_73 = arith.constant 16 : i32
      %parallel_loop3A_74 = arith.constant 1 : i32
      scf.for %parallel_loop3A_227 = %parallel_loop3A_72 to %parallel_loop3A_73 step %parallel_loop3A_74  : i32 {
        %parallel_loop3A_228 = arith.constant 16 : i32
        %parallel_loop3A_229 = arith.muli %parallel_loop3A_227, %parallel_loop3A_228 : i32
        %parallel_loop3A_230 = tpu.assume_multiple %parallel_loop3A_229, 16 : i32
        %parallel_loop3A_231 = vector.broadcast %parallel_loop3A_230 : i32 to vector<16xi32>
        %parallel_loop3A_232 = arith.addi %iota3A, %parallel_loop3A_231 : vector<16xi32>
        %parallel_loop3A_233 = arith.sitofp %parallel_loop3A_232 : vector<16xi32> to vector<16xf32>
        %parallel_loop3A_234 = arith.index_cast %parallel_loop3A_230 : i32 to index
        %parallel_loop3A_235 = tpu.vector_load %arg7[%parallel_loop3A_234] {strides = array<i32>} : memref<384xf32, #tpu.memory_space<vmem>>, vector<16xf32>,
        %parallel_loop3A_236 = arith.index_cast %parallel_loop3A_230 : i32 to index
        %parallel_loop3A_237 = tpu.vector_load %arg8[%parallel_loop3A_236] {strides = array<i32>} : memref<256xf32, #tpu.memory_space<vmem>>, vector<16xf32>,
        %parallel_loop3A_238 = arith.mulf %parallel_loop3A_233, %parallel_loop3A_237 : vector<16xf32>
        %parallel_loop3A_239 = arith.subf %parallel_loop3A_235, %parallel_loop3A_238 : vector<16xf32>
        %parallel_loop3A_240 = arith.index_cast %parallel_loop3A_230 : i32 to index
        %parallel_loop3A_241 = tpu.vector_load %arg7[%parallel_loop3A_240] {strides = array<i32>} : memref<384xf32, #tpu.memory_space<vmem>>, vector<16xf32>,
        tpu.vector_store %arg7[%parallel_loop3A_240], %parallel_loop3A_239 {strides = array<i32>} : memref<384xf32, #tpu.memory_space<vmem>>, vector<16xf32>,
      } {sc.loop_unroll_factor = 1 : i64, sc.parallel_access}
      %add3A_75 = arith.constant 1 : i32
      %add3A_76 = arith.addi %add3A_51, %add3A_75 : i32
      %rem3A_77 = arith.constant 96 : i32
      %rem3A_78 = arith.remsi %add3A_76, %rem3A_77 : i32
      %mul3A_79 = arith.constant 256 : i32
      %mul3A_80 = arith.muli %rem3A_78, %mul3A_79 : i32
      %multiple_of3A_81 = tpu.assume_multiple %mul3A_80, 256 : i32
      %dma_start3A_82 = tpu.memref_slice %arg3[%multiple_of3A_81] : memref<24576xf32, #tpu.memory_space<hbm>> -> memref<256xf32, #tpu.memory_space<hbm>>
      %dma_start3A_83 = tpu.memref_slice %arg3[%multiple_of3A_81] : memref<24576xf32, #tpu.memory_space<hbm>> -> memref<256xf32, #tpu.memory_space<hbm>>
      tpu.enqueue_dma source(%dma_start3A_83 : memref<256xf32, #tpu.memory_space<hbm>>) target(%arg10 : memref<256xf32, #tpu.memory_space<vmem>>) target_semaphore(%arg22 : memref<!tpu.dma_semaphore, #tpu.memory_space<semaphore_mem>>)
      %dma_wait3A_84 = arith.constant 0 : i32
      %dma_wait3A_85 = arith.constant 0 : i32
      %dma_wait3A_86 = arith.constant 0 : i32
      %dma_wait3A_87 = tpu.memref_slice %arg2[%dma_wait3A_84, %dma_wait3A_85, %dma_wait3A_86] : memref<768x224x224xf32, #tpu.memory_space<hbm>> -> memref<1x112x224xf32, #tpu.memory_space<hbm>>
      %dma_wait3A_88 = tpu.memref_squeeze %dma_wait3A_87 : memref<1x112x224xf32, #tpu.memory_space<hbm>> -> memref<112x224xf32, #tpu.memory_space<hbm>>
      %dma_wait3A_89 = arith.constant 0 : i32
      %dma_wait3A_90 = arith.constant 0 : i32
      %dma_wait3A_91 = tpu.memref_slice %arg2[%dma_wait3A_84, %dma_wait3A_89, %dma_wait3A_90] : memref<768x224x224xf32, #tpu.memory_space<hbm>> -> memref<1x112x224xf32, #tpu.memory_space<hbm>>
      %dma_wait3A_92 = tpu.memref_squeeze %dma_wait3A_91 : memref<1x112x224xf32, #tpu.memory_space<hbm>> -> memref<112x224xf32, #tpu.memory_space<hbm>>
      tpu.wait_dma2 semaphore(%arg17 : memref<!tpu.dma_semaphore, #tpu.memory_space<semaphore_mem>>) src(%dma_wait3A_92 : memref<112x224xf32, #tpu.memory_space<hbm>>) dst(%arg13 : memref<112x224xf32, #tpu.memory_space<vmem>>)
      %ge3A = arith.constant 1 : i32
      %ge3A_93 = arith.cmpi sge, %add3A_50, %ge3A : i32
      %convert_element_type3A = arith.extui %ge3A_93 : i1 to i32
      %cond3A = arith.constant 0 : i32
      %cond3A_94 = arith.cmpi ne, %convert_element_type3A, %cond3A : i32
      scf.if %cond3A_94 {
        %dma_wait3A_227 = arith.constant 0 : i32
        %dma_wait3A_228 = arith.constant 0 : i32
        %dma_wait3A_229 = arith.constant 0 : i32
        %dma_wait3A_230 = tpu.memref_slice %arg2[%dma_wait3A_227, %dma_wait3A_228, %dma_wait3A_229] : memref<768x224x224xf32, #tpu.memory_space<hbm>> -> memref<1x112x224xf32, #tpu.memory_space<hbm>>
        %dma_wait3A_231 = tpu.memref_squeeze %dma_wait3A_230 : memref<1x112x224xf32, #tpu.memory_space<hbm>> -> memref<112x224xf32, #tpu.memory_space<hbm>>
        %dma_wait3A_232 = arith.constant 0 : i32
        %dma_wait3A_233 = arith.constant 0 : i32
        %dma_wait3A_234 = tpu.memref_slice %arg2[%dma_wait3A_227, %dma_wait3A_232, %dma_wait3A_233] : memref<768x224x224xf32, #tpu.memory_space<hbm>> -> memref<1x112x224xf32, #tpu.memory_space<hbm>>
        %dma_wait3A_235 = tpu.memref_squeeze %dma_wait3A_234 : memref<1x112x224xf32, #tpu.memory_space<hbm>> -> memref<112x224xf32, #tpu.memory_space<hbm>>
        tpu.wait_dma2 semaphore(%arg19 : memref<!tpu.dma_semaphore, #tpu.memory_space<semaphore_mem>>) src(%dma_wait3A_235 : memref<112x224xf32, #tpu.memory_space<hbm>>) dst(%arg15 : memref<112x224xf32, #tpu.memory_space<vmem>>)
      } else {
      }
      %parallel_loop3A_95 = arith.constant 0 : i32
      %parallel_loop3A_96 = arith.constant 112 : i32
      %parallel_loop3A_97 = arith.constant 1 : i32
      scf.for %parallel_loop3A_227 = %parallel_loop3A_95 to %parallel_loop3A_96 step %parallel_loop3A_97  : i32 {
        %parallel_loop3A_228 = arith.index_cast %parallel_loop3A_227 : i32 to index
        %parallel_loop3A_229 = arith.constant 0 : index
        %parallel_loop3A_230 = tpu.vector_load %arg13[%parallel_loop3A_228, %parallel_loop3A_229] {strides = array<i32>} : memref<112x224xf32, #tpu.memory_space<vmem>>, vector<16xf32>,
        %parallel_loop3A_231 = arith.mulf %parallel_loop3A_230, %get3A_7 : vector<16xf32>
        %parallel_loop3A_232 = arith.subf %parallel_loop3A_231, %get3A_3 : vector<16xf32>
        %parallel_loop3A_233 = arith.maximumf %parallel_loop3A_232, %sub3A : vector<16xf32>
        %parallel_loop3A_234 = arith.minimumf %parallel_loop3A_233, %get3A_5 : vector<16xf32>
        %parallel_loop3A_235 = arith.fptosi %parallel_loop3A_234 : vector<16xf32> to vector<16xi32>
        %parallel_loop3A_236 = tpu.vector_load_idx %arg7[%parallel_loop3A_235] : memref<384xf32, #tpu.memory_space<vmem>>[vector<16xi32>], vector<16xf32>,
        %parallel_loop3A_237 = tpu.vector_load_idx %arg8[%parallel_loop3A_235] : memref<256xf32, #tpu.memory_space<vmem>>[vector<16xi32>], vector<16xf32>,
        %parallel_loop3A_238 = arith.mulf %parallel_loop3A_234, %parallel_loop3A_237 : vector<16xf32>
        %parallel_loop3A_239 = arith.addf %parallel_loop3A_236, %parallel_loop3A_238 : vector<16xf32>
        %parallel_loop3A_240 = arith.index_cast %parallel_loop3A_227 : i32 to index
        %parallel_loop3A_241 = arith.constant 0 : index
        %parallel_loop3A_242 = tpu.vector_load %arg15[%parallel_loop3A_240, %parallel_loop3A_241] {strides = array<i32>} : memref<112x224xf32, #tpu.memory_space<vmem>>, vector<16xf32>,
        tpu.vector_store %arg15[%parallel_loop3A_240, %parallel_loop3A_241], %parallel_loop3A_239 {strides = array<i32>} : memref<112x224xf32, #tpu.memory_space<vmem>>, vector<16xf32>,
        %parallel_loop3A_243 = arith.index_cast %parallel_loop3A_227 : i32 to index
        %parallel_loop3A_244 = arith.constant 16 : index
        %parallel_loop3A_245 = tpu.vector_load %arg13[%parallel_loop3A_243, %parallel_loop3A_244] {strides = array<i32>} : memref<112x224xf32, #tpu.memory_space<vmem>>, vector<16xf32>,
        %parallel_loop3A_246 = arith.mulf %parallel_loop3A_245, %get3A_7 : vector<16xf32>
        %parallel_loop3A_247 = arith.subf %parallel_loop3A_246, %get3A_3 : vector<16xf32>
        %parallel_loop3A_248 = arith.maximumf %parallel_loop3A_247, %sub3A : vector<16xf32>
        %parallel_loop3A_249 = arith.minimumf %parallel_loop3A_248, %get3A_5 : vector<16xf32>
        %parallel_loop3A_250 = arith.fptosi %parallel_loop3A_249 : vector<16xf32> to vector<16xi32>
        %parallel_loop3A_251 = tpu.vector_load_idx %arg7[%parallel_loop3A_250] : memref<384xf32, #tpu.memory_space<vmem>>[vector<16xi32>], vector<16xf32>,
        %parallel_loop3A_252 = tpu.vector_load_idx %arg8[%parallel_loop3A_250] : memref<256xf32, #tpu.memory_space<vmem>>[vector<16xi32>], vector<16xf32>,
        %parallel_loop3A_253 = arith.mulf %parallel_loop3A_249, %parallel_loop3A_252 : vector<16xf32>
        %parallel_loop3A_254 = arith.addf %parallel_loop3A_251, %parallel_loop3A_253 : vector<16xf32>
        %parallel_loop3A_255 = arith.index_cast %parallel_loop3A_227 : i32 to index
        %parallel_loop3A_256 = arith.constant 16 : index
        %parallel_loop3A_257 = tpu.vector_load %arg15[%parallel_loop3A_255, %parallel_loop3A_256] {strides = array<i32>} : memref<112x224xf32, #tpu.memory_space<vmem>>, vector<16xf32>,
        tpu.vector_store %arg15[%parallel_loop3A_255, %parallel_loop3A_256], %parallel_loop3A_254 {strides = array<i32>} : memref<112x224xf32, #tpu.memory_space<vmem>>, vector<16xf32>,
        %parallel_loop3A_258 = arith.index_cast %parallel_loop3A_227 : i32 to index
        %parallel_loop3A_259 = arith.constant 32 : index
        %parallel_loop3A_260 = tpu.vector_load %arg13[%parallel_loop3A_258, %parallel_loop3A_259] {strides = array<i32>} : memref<112x224xf32, #tpu.memory_space<vmem>>, vector<16xf32>,
        %parallel_loop3A_261 = arith.mulf %parallel_loop3A_260, %get3A_7 : vector<16xf32>
        %parallel_loop3A_262 = arith.subf %parallel_loop3A_261, %get3A_3 : vector<16xf32>
        %parallel_loop3A_263 = arith.maximumf %parallel_loop3A_262, %sub3A : vector<16xf32>
        %parallel_loop3A_264 = arith.minimumf %parallel_loop3A_263, %get3A_5 : vector<16xf32>
        %parallel_loop3A_265 = arith.fptosi %parallel_loop3A_264 : vector<16xf32> to vector<16xi32>
        %parallel_loop3A_266 = tpu.vector_load_idx %arg7[%parallel_loop3A_265] : memref<384xf32, #tpu.memory_space<vmem>>[vector<16xi32>], vector<16xf32>,
        %parallel_loop3A_267 = tpu.vector_load_idx %arg8[%parallel_loop3A_265] : memref<256xf32, #tpu.memory_space<vmem>>[vector<16xi32>], vector<16xf32>,
        %parallel_loop3A_268 = arith.mulf %parallel_loop3A_264, %parallel_loop3A_267 : vector<16xf32>
        %parallel_loop3A_269 = arith.addf %parallel_loop3A_266, %parallel_loop3A_268 : vector<16xf32>
        %parallel_loop3A_270 = arith.index_cast %parallel_loop3A_227 : i32 to index
        %parallel_loop3A_271 = arith.constant 32 : index
        %parallel_loop3A_272 = tpu.vector_load %arg15[%parallel_loop3A_270, %parallel_loop3A_271] {strides = array<i32>} : memref<112x224xf32, #tpu.memory_space<vmem>>, vector<16xf32>,
        tpu.vector_store %arg15[%parallel_loop3A_270, %parallel_loop3A_271], %parallel_loop3A_269 {strides = array<i32>} : memref<112x224xf32, #tpu.memory_space<vmem>>, vector<16xf32>,
        %parallel_loop3A_273 = arith.index_cast %parallel_loop3A_227 : i32 to index
        %parallel_loop3A_274 = arith.constant 48 : index
        %parallel_loop3A_275 = tpu.vector_load %arg13[%parallel_loop3A_273, %parallel_loop3A_274] {strides = array<i32>} : memref<112x224xf32, #tpu.memory_space<vmem>>, vector<16xf32>,
        %parallel_loop3A_276 = arith.mulf %parallel_loop3A_275, %get3A_7 : vector<16xf32>
        %parallel_loop3A_277 = arith.subf %parallel_loop3A_276, %get3A_3 : vector<16xf32>
        %parallel_loop3A_278 = arith.maximumf %parallel_loop3A_277, %sub3A : vector<16xf32>
        %parallel_loop3A_279 = arith.minimumf %parallel_loop3A_278, %get3A_5 : vector<16xf32>
        %parallel_loop3A_280 = arith.fptosi %parallel_loop3A_279 : vector<16xf32> to vector<16xi32>
        %parallel_loop3A_281 = tpu.vector_load_idx %arg7[%parallel_loop3A_280] : memref<384xf32, #tpu.memory_space<vmem>>[vector<16xi32>], vector<16xf32>,
        %parallel_loop3A_282 = tpu.vector_load_idx %arg8[%parallel_loop3A_280] : memref<256xf32, #tpu.memory_space<vmem>>[vector<16xi32>], vector<16xf32>,
        %parallel_loop3A_283 = arith.mulf %parallel_loop3A_279, %parallel_loop3A_282 : vector<16xf32>
        %parallel_loop3A_284 = arith.addf %parallel_loop3A_281, %parallel_loop3A_283 : vector<16xf32>
        %parallel_loop3A_285 = arith.index_cast %parallel_loop3A_227 : i32 to index
        %parallel_loop3A_286 = arith.constant 48 : index
        %parallel_loop3A_287 = tpu.vector_load %arg15[%parallel_loop3A_285, %parallel_loop3A_286] {strides = array<i32>} : memref<112x224xf32, #tpu.memory_space<vmem>>, vector<16xf32>,
        tpu.vector_store %arg15[%parallel_loop3A_285, %parallel_loop3A_286], %parallel_loop3A_284 {strides = array<i32>} : memref<112x224xf32, #tpu.memory_space<vmem>>, vector<16xf32>,
        %parallel_loop3A_288 = arith.index_cast %parallel_loop3A_227 : i32 to index
        %parallel_loop3A_289 = arith.constant 64 : index
        %parallel_loop3A_290 = tpu.vector_load %arg13[%parallel_loop3A_288, %parallel_loop3A_289] {strides = array<i32>} : memref<112x224xf32, #tpu.memory_space<vmem>>, vector<16xf32>,
        %parallel_loop3A_291 = arith.mulf %parallel_loop3A_290, %get3A_7 : vector<16xf32>
        %parallel_loop3A_292 = arith.subf %parallel_loop3A_291, %get3A_3 : vector<16xf32>
        %parallel_loop3A_293 = arith.maximumf %parallel_loop3A_292, %sub3A : vector<16xf32>
        %parallel_loop3A_294 = arith.minimumf %parallel_loop3A_293, %get3A_5 : vector<16xf32>
        %parallel_loop3A_295 = arith.fptosi %parallel_loop3A_294 : vector<16xf32> to vector<16xi32>
        %parallel_loop3A_296 = tpu.vector_load_idx %arg7[%parallel_loop3A_295] : memref<384xf32, #tpu.memory_space<vmem>>[vector<16xi32>], vector<16xf32>,
        %parallel_loop3A_297 = tpu.vector_load_idx %arg8[%parallel_loop3A_295] : memref<256xf32, #tpu.memory_space<vmem>>[vector<16xi32>], vector<16xf32>,
        %parallel_loop3A_298 = arith.mulf %parallel_loop3A_294, %parallel_loop3A_297 : vector<16xf32>
        %parallel_loop3A_299 = arith.addf %parallel_loop3A_296, %parallel_loop3A_298 : vector<16xf32>
        %parallel_loop3A_300 = arith.index_cast %parallel_loop3A_227 : i32 to index
        %parallel_loop3A_301 = arith.constant 64 : index
        %parallel_loop3A_302 = tpu.vector_load %arg15[%parallel_loop3A_300, %parallel_loop3A_301] {strides = array<i32>} : memref<112x224xf32, #tpu.memory_space<vmem>>, vector<16xf32>,
        tpu.vector_store %arg15[%parallel_loop3A_300, %parallel_loop3A_301], %parallel_loop3A_299 {strides = array<i32>} : memref<112x224xf32, #tpu.memory_space<vmem>>, vector<16xf32>,
        %parallel_loop3A_303 = arith.index_cast %parallel_loop3A_227 : i32 to index
        %parallel_loop3A_304 = arith.constant 80 : index
        %parallel_loop3A_305 = tpu.vector_load %arg13[%parallel_loop3A_303, %parallel_loop3A_304] {strides = array<i32>} : memref<112x224xf32, #tpu.memory_space<vmem>>, vector<16xf32>,
        %parallel_loop3A_306 = arith.mulf %parallel_loop3A_305, %get3A_7 : vector<16xf32>
        %parallel_loop3A_307 = arith.subf %parallel_loop3A_306, %get3A_3 : vector<16xf32>
        %parallel_loop3A_308 = arith.maximumf %parallel_loop3A_307, %sub3A : vector<16xf32>
        %parallel_loop3A_309 = arith.minimumf %parallel_loop3A_308, %get3A_5 : vector<16xf32>
        %parallel_loop3A_310 = arith.fptosi %parallel_loop3A_309 : vector<16xf32> to vector<16xi32>
        %parallel_loop3A_311 = tpu.vector_load_idx %arg7[%parallel_loop3A_310] : memref<384xf32, #tpu.memory_space<vmem>>[vector<16xi32>], vector<16xf32>,
        %parallel_loop3A_312 = tpu.vector_load_idx %arg8[%parallel_loop3A_310] : memref<256xf32, #tpu.memory_space<vmem>>[vector<16xi32>], vector<16xf32>,
        %parallel_loop3A_313 = arith.mulf %parallel_loop3A_309, %parallel_loop3A_312 : vector<16xf32>
        %parallel_loop3A_314 = arith.addf %parallel_loop3A_311, %parallel_loop3A_313 : vector<16xf32>
        %parallel_loop3A_315 = arith.index_cast %parallel_loop3A_227 : i32 to index
        %parallel_loop3A_316 = arith.constant 80 : index
        %parallel_loop3A_317 = tpu.vector_load %arg15[%parallel_loop3A_315, %parallel_loop3A_316] {strides = array<i32>} : memref<112x224xf32, #tpu.memory_space<vmem>>, vector<16xf32>,
        tpu.vector_store %arg15[%parallel_loop3A_315, %parallel_loop3A_316], %parallel_loop3A_314 {strides = array<i32>} : memref<112x224xf32, #tpu.memory_space<vmem>>, vector<16xf32>,
        %parallel_loop3A_318 = arith.index_cast %parallel_loop3A_227 : i32 to index
        %parallel_loop3A_319 = arith.constant 96 : index
        %parallel_loop3A_320 = tpu.vector_load %arg13[%parallel_loop3A_318, %parallel_loop3A_319] {strides = array<i32>} : memref<112x224xf32, #tpu.memory_space<vmem>>, vector<16xf32>,
        %parallel_loop3A_321 = arith.mulf %parallel_loop3A_320, %get3A_7 : vector<16xf32>
        %parallel_loop3A_322 = arith.subf %parallel_loop3A_321, %get3A_3 : vector<16xf32>
        %parallel_loop3A_323 = arith.maximumf %parallel_loop3A_322, %sub3A : vector<16xf32>
        %parallel_loop3A_324 = arith.minimumf %parallel_loop3A_323, %get3A_5 : vector<16xf32>
        %parallel_loop3A_325 = arith.fptosi %parallel_loop3A_324 : vector<16xf32> to vector<16xi32>
        %parallel_loop3A_326 = tpu.vector_load_idx %arg7[%parallel_loop3A_325] : memref<384xf32, #tpu.memory_space<vmem>>[vector<16xi32>], vector<16xf32>,
        %parallel_loop3A_327 = tpu.vector_load_idx %arg8[%parallel_loop3A_325] : memref<256xf32, #tpu.memory_space<vmem>>[vector<16xi32>], vector<16xf32>,
        %parallel_loop3A_328 = arith.mulf %parallel_loop3A_324, %parallel_loop3A_327 : vector<16xf32>
        %parallel_loop3A_329 = arith.addf %parallel_loop3A_326, %parallel_loop3A_328 : vector<16xf32>
        %parallel_loop3A_330 = arith.index_cast %parallel_loop3A_227 : i32 to index
        %parallel_loop3A_331 = arith.constant 96 : index
        %parallel_loop3A_332 = tpu.vector_load %arg15[%parallel_loop3A_330, %parallel_loop3A_331] {strides = array<i32>} : memref<112x224xf32, #tpu.memory_space<vmem>>, vector<16xf32>,
        tpu.vector_store %arg15[%parallel_loop3A_330, %parallel_loop3A_331], %parallel_loop3A_329 {strides = array<i32>} : memref<112x224xf32, #tpu.memory_space<vmem>>, vector<16xf32>,
        %parallel_loop3A_333 = arith.index_cast %parallel_loop3A_227 : i32 to index
        %parallel_loop3A_334 = arith.constant 112 : index
        %parallel_loop3A_335 = tpu.vector_load %arg13[%parallel_loop3A_333, %parallel_loop3A_334] {strides = array<i32>} : memref<112x224xf32, #tpu.memory_space<vmem>>, vector<16xf32>,
        %parallel_loop3A_336 = arith.mulf %parallel_loop3A_335, %get3A_7 : vector<16xf32>
        %parallel_loop3A_337 = arith.subf %parallel_loop3A_336, %get3A_3 : vector<16xf32>
        %parallel_loop3A_338 = arith.maximumf %parallel_loop3A_337, %sub3A : vector<16xf32>
        %parallel_loop3A_339 = arith.minimumf %parallel_loop3A_338, %get3A_5 : vector<16xf32>
        %parallel_loop3A_340 = arith.fptosi %parallel_loop3A_339 : vector<16xf32> to vector<16xi32>
        %parallel_loop3A_341 = tpu.vector_load_idx %arg7[%parallel_loop3A_340] : memref<384xf32, #tpu.memory_space<vmem>>[vector<16xi32>], vector<16xf32>,
        %parallel_loop3A_342 = tpu.vector_load_idx %arg8[%parallel_loop3A_340] : memref<256xf32, #tpu.memory_space<vmem>>[vector<16xi32>], vector<16xf32>,
        %parallel_loop3A_343 = arith.mulf %parallel_loop3A_339, %parallel_loop3A_342 : vector<16xf32>
        %parallel_loop3A_344 = arith.addf %parallel_loop3A_341, %parallel_loop3A_343 : vector<16xf32>
        %parallel_loop3A_345 = arith.index_cast %parallel_loop3A_227 : i32 to index
        %parallel_loop3A_346 = arith.constant 112 : index
        %parallel_loop3A_347 = tpu.vector_load %arg15[%parallel_loop3A_345, %parallel_loop3A_346] {strides = array<i32>} : memref<112x224xf32, #tpu.memory_space<vmem>>, vector<16xf32>,
        tpu.vector_store %arg15[%parallel_loop3A_345, %parallel_loop3A_346], %parallel_loop3A_344 {strides = array<i32>} : memref<112x224xf32, #tpu.memory_space<vmem>>, vector<16xf32>,
        %parallel_loop3A_348 = arith.index_cast %parallel_loop3A_227 : i32 to index
        %parallel_loop3A_349 = arith.constant 128 : index
        %parallel_loop3A_350 = tpu.vector_load %arg13[%parallel_loop3A_348, %parallel_loop3A_349] {strides = array<i32>} : memref<112x224xf32, #tpu.memory_space<vmem>>, vector<16xf32>,
        %parallel_loop3A_351 = arith.mulf %parallel_loop3A_350, %get3A_7 : vector<16xf32>
        %parallel_loop3A_352 = arith.subf %parallel_loop3A_351, %get3A_3 : vector<16xf32>
        %parallel_loop3A_353 = arith.maximumf %parallel_loop3A_352, %sub3A : vector<16xf32>
        %parallel_loop3A_354 = arith.minimumf %parallel_loop3A_353, %get3A_5 : vector<16xf32>
        %parallel_loop3A_355 = arith.fptosi %parallel_loop3A_354 : vector<16xf32> to vector<16xi32>
        %parallel_loop3A_356 = tpu.vector_load_idx %arg7[%parallel_loop3A_355] : memref<384xf32, #tpu.memory_space<vmem>>[vector<16xi32>], vector<16xf32>,
        %parallel_loop3A_357 = tpu.vector_load_idx %arg8[%parallel_loop3A_355] : memref<256xf32, #tpu.memory_space<vmem>>[vector<16xi32>], vector<16xf32>,
        %parallel_loop3A_358 = arith.mulf %parallel_loop3A_354, %parallel_loop3A_357 : vector<16xf32>
        %parallel_loop3A_359 = arith.addf %parallel_loop3A_356, %parallel_loop3A_358 : vector<16xf32>
        %parallel_loop3A_360 = arith.index_cast %parallel_loop3A_227 : i32 to index
        %parallel_loop3A_361 = arith.constant 128 : index
        %parallel_loop3A_362 = tpu.vector_load %arg15[%parallel_loop3A_360, %parallel_loop3A_361] {strides = array<i32>} : memref<112x224xf32, #tpu.memory_space<vmem>>, vector<16xf32>,
        tpu.vector_store %arg15[%parallel_loop3A_360, %parallel_loop3A_361], %parallel_loop3A_359 {strides = array<i32>} : memref<112x224xf32, #tpu.memory_space<vmem>>, vector<16xf32>,
        %parallel_loop3A_363 = arith.index_cast %parallel_loop3A_227 : i32 to index
        %parallel_loop3A_364 = arith.constant 144 : index
        %parallel_loop3A_365 = tpu.vector_load %arg13[%parallel_loop3A_363, %parallel_loop3A_364] {strides = array<i32>} : memref<112x224xf32, #tpu.memory_space<vmem>>, vector<16xf32>,
        %parallel_loop3A_366 = arith.mulf %parallel_loop3A_365, %get3A_7 : vector<16xf32>
        %parallel_loop3A_367 = arith.subf %parallel_loop3A_366, %get3A_3 : vector<16xf32>
        %parallel_loop3A_368 = arith.maximumf %parallel_loop3A_367, %sub3A : vector<16xf32>
        %parallel_loop3A_369 = arith.minimumf %parallel_loop3A_368, %get3A_5 : vector<16xf32>
        %parallel_loop3A_370 = arith.fptosi %parallel_loop3A_369 : vector<16xf32> to vector<16xi32>
        %parallel_loop3A_371 = tpu.vector_load_idx %arg7[%parallel_loop3A_370] : memref<384xf32, #tpu.memory_space<vmem>>[vector<16xi32>], vector<16xf32>,
        %parallel_loop3A_372 = tpu.vector_load_idx %arg8[%parallel_loop3A_370] : memref<256xf32, #tpu.memory_space<vmem>>[vector<16xi32>], vector<16xf32>,
        %parallel_loop3A_373 = arith.mulf %parallel_loop3A_369, %parallel_loop3A_372 : vector<16xf32>
        %parallel_loop3A_374 = arith.addf %parallel_loop3A_371, %parallel_loop3A_373 : vector<16xf32>
        %parallel_loop3A_375 = arith.index_cast %parallel_loop3A_227 : i32 to index
        %parallel_loop3A_376 = arith.constant 144 : index
        %parallel_loop3A_377 = tpu.vector_load %arg15[%parallel_loop3A_375, %parallel_loop3A_376] {strides = array<i32>} : memref<112x224xf32, #tpu.memory_space<vmem>>, vector<16xf32>,
        tpu.vector_store %arg15[%parallel_loop3A_375, %parallel_loop3A_376], %parallel_loop3A_374 {strides = array<i32>} : memref<112x224xf32, #tpu.memory_space<vmem>>, vector<16xf32>,
        %parallel_loop3A_378 = arith.index_cast %parallel_loop3A_227 : i32 to index
        %parallel_loop3A_379 = arith.constant 160 : index
        %parallel_loop3A_380 = tpu.vector_load %arg13[%parallel_loop3A_378, %parallel_loop3A_379] {strides = array<i32>} : memref<112x224xf32, #tpu.memory_space<vmem>>, vector<16xf32>,
        %parallel_loop3A_381 = arith.mulf %parallel_loop3A_380, %get3A_7 : vector<16xf32>
        %parallel_loop3A_382 = arith.subf %parallel_loop3A_381, %get3A_3 : vector<16xf32>
        %parallel_loop3A_383 = arith.maximumf %parallel_loop3A_382, %sub3A : vector<16xf32>
        %parallel_loop3A_384 = arith.minimumf %parallel_loop3A_383, %get3A_5 : vector<16xf32>
        %parallel_loop3A_385 = arith.fptosi %parallel_loop3A_384 : vector<16xf32> to vector<16xi32>
        %parallel_loop3A_386 = tpu.vector_load_idx %arg7[%parallel_loop3A_385] : memref<384xf32, #tpu.memory_space<vmem>>[vector<16xi32>], vector<16xf32>,
        %parallel_loop3A_387 = tpu.vector_load_idx %arg8[%parallel_loop3A_385] : memref<256xf32, #tpu.memory_space<vmem>>[vector<16xi32>], vector<16xf32>,
        %parallel_loop3A_388 = arith.mulf %parallel_loop3A_384, %parallel_loop3A_387 : vector<16xf32>
        %parallel_loop3A_389 = arith.addf %parallel_loop3A_386, %parallel_loop3A_388 : vector<16xf32>
        %parallel_loop3A_390 = arith.index_cast %parallel_loop3A_227 : i32 to index
        %parallel_loop3A_391 = arith.constant 160 : index
        %parallel_loop3A_392 = tpu.vector_load %arg15[%parallel_loop3A_390, %parallel_loop3A_391] {strides = array<i32>} : memref<112x224xf32, #tpu.memory_space<vmem>>, vector<16xf32>,
        tpu.vector_store %arg15[%parallel_loop3A_390, %parallel_loop3A_391], %parallel_loop3A_389 {strides = array<i32>} : memref<112x224xf32, #tpu.memory_space<vmem>>, vector<16xf32>,
        %parallel_loop3A_393 = arith.index_cast %parallel_loop3A_227 : i32 to index
        %parallel_loop3A_394 = arith.constant 176 : index
        %parallel_loop3A_395 = tpu.vector_load %arg13[%parallel_loop3A_393, %parallel_loop3A_394] {strides = array<i32>} : memref<112x224xf32, #tpu.memory_space<vmem>>, vector<16xf32>,
        %parallel_loop3A_396 = arith.mulf %parallel_loop3A_395, %get3A_7 : vector<16xf32>
        %parallel_loop3A_397 = arith.subf %parallel_loop3A_396, %get3A_3 : vector<16xf32>
        %parallel_loop3A_398 = arith.maximumf %parallel_loop3A_397, %sub3A : vector<16xf32>
        %parallel_loop3A_399 = arith.minimumf %parallel_loop3A_398, %get3A_5 : vector<16xf32>
        %parallel_loop3A_400 = arith.fptosi %parallel_loop3A_399 : vector<16xf32> to vector<16xi32>
        %parallel_loop3A_401 = tpu.vector_load_idx %arg7[%parallel_loop3A_400] : memref<384xf32, #tpu.memory_space<vmem>>[vector<16xi32>], vector<16xf32>,
        %parallel_loop3A_402 = tpu.vector_load_idx %arg8[%parallel_loop3A_400] : memref<256xf32, #tpu.memory_space<vmem>>[vector<16xi32>], vector<16xf32>,
        %parallel_loop3A_403 = arith.mulf %parallel_loop3A_399, %parallel_loop3A_402 : vector<16xf32>
        %parallel_loop3A_404 = arith.addf %parallel_loop3A_401, %parallel_loop3A_403 : vector<16xf32>
        %parallel_loop3A_405 = arith.index_cast %parallel_loop3A_227 : i32 to index
        %parallel_loop3A_406 = arith.constant 176 : index
        %parallel_loop3A_407 = tpu.vector_load %arg15[%parallel_loop3A_405, %parallel_loop3A_406] {strides = array<i32>} : memref<112x224xf32, #tpu.memory_space<vmem>>, vector<16xf32>,
        tpu.vector_store %arg15[%parallel_loop3A_405, %parallel_loop3A_406], %parallel_loop3A_404 {strides = array<i32>} : memref<112x224xf32, #tpu.memory_space<vmem>>, vector<16xf32>,
        %parallel_loop3A_408 = arith.index_cast %parallel_loop3A_227 : i32 to index
        %parallel_loop3A_409 = arith.constant 192 : index
        %parallel_loop3A_410 = tpu.vector_load %arg13[%parallel_loop3A_408, %parallel_loop3A_409] {strides = array<i32>} : memref<112x224xf32, #tpu.memory_space<vmem>>, vector<16xf32>,
        %parallel_loop3A_411 = arith.mulf %parallel_loop3A_410, %get3A_7 : vector<16xf32>
        %parallel_loop3A_412 = arith.subf %parallel_loop3A_411, %get3A_3 : vector<16xf32>
        %parallel_loop3A_413 = arith.maximumf %parallel_loop3A_412, %sub3A : vector<16xf32>
        %parallel_loop3A_414 = arith.minimumf %parallel_loop3A_413, %get3A_5 : vector<16xf32>
        %parallel_loop3A_415 = arith.fptosi %parallel_loop3A_414 : vector<16xf32> to vector<16xi32>
        %parallel_loop3A_416 = tpu.vector_load_idx %arg7[%parallel_loop3A_415] : memref<384xf32, #tpu.memory_space<vmem>>[vector<16xi32>], vector<16xf32>,
        %parallel_loop3A_417 = tpu.vector_load_idx %arg8[%parallel_loop3A_415] : memref<256xf32, #tpu.memory_space<vmem>>[vector<16xi32>], vector<16xf32>,
        %parallel_loop3A_418 = arith.mulf %parallel_loop3A_414, %parallel_loop3A_417 : vector<16xf32>
        %parallel_loop3A_419 = arith.addf %parallel_loop3A_416, %parallel_loop3A_418 : vector<16xf32>
        %parallel_loop3A_420 = arith.index_cast %parallel_loop3A_227 : i32 to index
        %parallel_loop3A_421 = arith.constant 192 : index
        %parallel_loop3A_422 = tpu.vector_load %arg15[%parallel_loop3A_420, %parallel_loop3A_421] {strides = array<i32>} : memref<112x224xf32, #tpu.memory_space<vmem>>, vector<16xf32>,
        tpu.vector_store %arg15[%parallel_loop3A_420, %parallel_loop3A_421], %parallel_loop3A_419 {strides = array<i32>} : memref<112x224xf32, #tpu.memory_space<vmem>>, vector<16xf32>,
        %parallel_loop3A_423 = arith.index_cast %parallel_loop3A_227 : i32 to index
        %parallel_loop3A_424 = arith.constant 208 : index
        %parallel_loop3A_425 = tpu.vector_load %arg13[%parallel_loop3A_423, %parallel_loop3A_424] {strides = array<i32>} : memref<112x224xf32, #tpu.memory_space<vmem>>, vector<16xf32>,
        %parallel_loop3A_426 = arith.mulf %parallel_loop3A_425, %get3A_7 : vector<16xf32>
        %parallel_loop3A_427 = arith.subf %parallel_loop3A_426, %get3A_3 : vector<16xf32>
        %parallel_loop3A_428 = arith.maximumf %parallel_loop3A_427, %sub3A : vector<16xf32>
        %parallel_loop3A_429 = arith.minimumf %parallel_loop3A_428, %get3A_5 : vector<16xf32>
        %parallel_loop3A_430 = arith.fptosi %parallel_loop3A_429 : vector<16xf32> to vector<16xi32>
        %parallel_loop3A_431 = tpu.vector_load_idx %arg7[%parallel_loop3A_430] : memref<384xf32, #tpu.memory_space<vmem>>[vector<16xi32>], vector<16xf32>,
        %parallel_loop3A_432 = tpu.vector_load_idx %arg8[%parallel_loop3A_430] : memref<256xf32, #tpu.memory_space<vmem>>[vector<16xi32>], vector<16xf32>,
        %parallel_loop3A_433 = arith.mulf %parallel_loop3A_429, %parallel_loop3A_432 : vector<16xf32>
        %parallel_loop3A_434 = arith.addf %parallel_loop3A_431, %parallel_loop3A_433 : vector<16xf32>
        %parallel_loop3A_435 = arith.index_cast %parallel_loop3A_227 : i32 to index
        %parallel_loop3A_436 = arith.constant 208 : index
        %parallel_loop3A_437 = tpu.vector_load %arg15[%parallel_loop3A_435, %parallel_loop3A_436] {strides = array<i32>} : memref<112x224xf32, #tpu.memory_space<vmem>>, vector<16xf32>,
        tpu.vector_store %arg15[%parallel_loop3A_435, %parallel_loop3A_436], %parallel_loop3A_434 {strides = array<i32>} : memref<112x224xf32, #tpu.memory_space<vmem>>, vector<16xf32>,
      } {sc.loop_unroll_factor = 1 : i64, sc.parallel_access}
      %dma_start3A_98 = arith.constant 0 : i32
      %dma_start3A_99 = arith.constant 0 : i32
      %dma_start3A_100 = tpu.memref_slice %arg6[%add3A_51, %dma_start3A_98, %dma_start3A_99] : memref<768x224x224xf32, #tpu.memory_space<hbm>> -> memref<1x112x224xf32, #tpu.memory_space<hbm>>
      %dma_start3A_101 = tpu.memref_squeeze %dma_start3A_100 : memref<1x112x224xf32, #tpu.memory_space<hbm>> -> memref<112x224xf32, #tpu.memory_space<hbm>>
      %dma_start3A_102 = arith.constant 0 : i32
      %dma_start3A_103 = arith.constant 0 : i32
      %dma_start3A_104 = tpu.memref_slice %arg6[%add3A_51, %dma_start3A_102, %dma_start3A_103] : memref<768x224x224xf32, #tpu.memory_space<hbm>> -> memref<1x112x224xf32, #tpu.memory_space<hbm>>
      %dma_start3A_105 = tpu.memref_squeeze %dma_start3A_104 : memref<1x112x224xf32, #tpu.memory_space<hbm>> -> memref<112x224xf32, #tpu.memory_space<hbm>>
      tpu.enqueue_dma source(%arg15 : memref<112x224xf32, #tpu.memory_space<vmem>>) target(%dma_start3A_105 : memref<112x224xf32, #tpu.memory_space<hbm>>) target_semaphore(%arg19 : memref<!tpu.dma_semaphore, #tpu.memory_space<semaphore_mem>>)
      %lt3A = arith.constant 23 : i32
      %lt3A_106 = arith.cmpi slt, %add3A_50, %lt3A : i32
      %convert_element_type3A_107 = arith.extui %lt3A_106 : i1 to i32
      %cond3A_108 = arith.constant 0 : i32
      %cond3A_109 = arith.cmpi ne, %convert_element_type3A_107, %cond3A_108 : i32
      scf.if %cond3A_109 {
        %add3A_227 = arith.constant 1 : i32
        %add3A_228 = arith.addi %add3A_51, %add3A_227 : i32
        %dma_start3A_229 = arith.constant 0 : i32
        %dma_start3A_230 = arith.constant 0 : i32
        %dma_start3A_231 = tpu.memref_slice %arg2[%add3A_228, %dma_start3A_229, %dma_start3A_230] : memref<768x224x224xf32, #tpu.memory_space<hbm>> -> memref<1x112x224xf32, #tpu.memory_space<hbm>>
        %dma_start3A_232 = tpu.memref_squeeze %dma_start3A_231 : memref<1x112x224xf32, #tpu.memory_space<hbm>> -> memref<112x224xf32, #tpu.memory_space<hbm>>
        %dma_start3A_233 = arith.constant 0 : i32
        %dma_start3A_234 = arith.constant 0 : i32
        %dma_start3A_235 = tpu.memref_slice %arg2[%add3A_228, %dma_start3A_233, %dma_start3A_234] : memref<768x224x224xf32, #tpu.memory_space<hbm>> -> memref<1x112x224xf32, #tpu.memory_space<hbm>>
        %dma_start3A_236 = tpu.memref_squeeze %dma_start3A_235 : memref<1x112x224xf32, #tpu.memory_space<hbm>> -> memref<112x224xf32, #tpu.memory_space<hbm>>
        tpu.enqueue_dma source(%dma_start3A_236 : memref<112x224xf32, #tpu.memory_space<hbm>>) target(%arg13 : memref<112x224xf32, #tpu.memory_space<vmem>>) target_semaphore(%arg17 : memref<!tpu.dma_semaphore, #tpu.memory_space<semaphore_mem>>)
      } else {
      }
      %dma_wait3A_110 = arith.constant 0 : i32
      %dma_wait3A_111 = arith.constant 0 : i32
      %dma_wait3A_112 = arith.constant 0 : i32
      %dma_wait3A_113 = tpu.memref_slice %arg2[%dma_wait3A_110, %dma_wait3A_111, %dma_wait3A_112] : memref<768x224x224xf32, #tpu.memory_space<hbm>> -> memref<1x112x224xf32, #tpu.memory_space<hbm>>
      %dma_wait3A_114 = tpu.memref_squeeze %dma_wait3A_113 : memref<1x112x224xf32, #tpu.memory_space<hbm>> -> memref<112x224xf32, #tpu.memory_space<hbm>>
      %dma_wait3A_115 = arith.constant 0 : i32
      %dma_wait3A_116 = arith.constant 0 : i32
      %dma_wait3A_117 = tpu.memref_slice %arg2[%dma_wait3A_110, %dma_wait3A_115, %dma_wait3A_116] : memref<768x224x224xf32, #tpu.memory_space<hbm>> -> memref<1x112x224xf32, #tpu.memory_space<hbm>>
      %dma_wait3A_118 = tpu.memref_squeeze %dma_wait3A_117 : memref<1x112x224xf32, #tpu.memory_space<hbm>> -> memref<112x224xf32, #tpu.memory_space<hbm>>
      tpu.wait_dma2 semaphore(%arg18 : memref<!tpu.dma_semaphore, #tpu.memory_space<semaphore_mem>>) src(%dma_wait3A_118 : memref<112x224xf32, #tpu.memory_space<hbm>>) dst(%arg14 : memref<112x224xf32, #tpu.memory_space<vmem>>)
      %ge3A_119 = arith.constant 1 : i32
      %ge3A_120 = arith.cmpi sge, %add3A_50, %ge3A_119 : i32
      %convert_element_type3A_121 = arith.extui %ge3A_120 : i1 to i32
      %cond3A_122 = arith.constant 0 : i32
      %cond3A_123 = arith.cmpi ne, %convert_element_type3A_121, %cond3A_122 : i32
      scf.if %cond3A_123 {
        %dma_wait3A_227 = arith.constant 0 : i32
        %dma_wait3A_228 = arith.constant 0 : i32
        %dma_wait3A_229 = arith.constant 0 : i32
        %dma_wait3A_230 = tpu.memref_slice %arg2[%dma_wait3A_227, %dma_wait3A_228, %dma_wait3A_229] : memref<768x224x224xf32, #tpu.memory_space<hbm>> -> memref<1x112x224xf32, #tpu.memory_space<hbm>>
        %dma_wait3A_231 = tpu.memref_squeeze %dma_wait3A_230 : memref<1x112x224xf32, #tpu.memory_space<hbm>> -> memref<112x224xf32, #tpu.memory_space<hbm>>
        %dma_wait3A_232 = arith.constant 0 : i32
        %dma_wait3A_233 = arith.constant 0 : i32
        %dma_wait3A_234 = tpu.memref_slice %arg2[%dma_wait3A_227, %dma_wait3A_232, %dma_wait3A_233] : memref<768x224x224xf32, #tpu.memory_space<hbm>> -> memref<1x112x224xf32, #tpu.memory_space<hbm>>
        %dma_wait3A_235 = tpu.memref_squeeze %dma_wait3A_234 : memref<1x112x224xf32, #tpu.memory_space<hbm>> -> memref<112x224xf32, #tpu.memory_space<hbm>>
        tpu.wait_dma2 semaphore(%arg20 : memref<!tpu.dma_semaphore, #tpu.memory_space<semaphore_mem>>) src(%dma_wait3A_235 : memref<112x224xf32, #tpu.memory_space<hbm>>) dst(%arg16 : memref<112x224xf32, #tpu.memory_space<vmem>>)
      } else {
      }
      %parallel_loop3A_124 = arith.constant 0 : i32
      %parallel_loop3A_125 = arith.constant 112 : i32
      %parallel_loop3A_126 = arith.constant 1 : i32
      scf.for %parallel_loop3A_227 = %parallel_loop3A_124 to %parallel_loop3A_125 step %parallel_loop3A_126  : i32 {
        %parallel_loop3A_228 = arith.index_cast %parallel_loop3A_227 : i32 to index
        %parallel_loop3A_229 = arith.constant 0 : index
        %parallel_loop3A_230 = tpu.vector_load %arg14[%parallel_loop3A_228, %parallel_loop3A_229] {strides = array<i32>} : memref<112x224xf32, #tpu.memory_space<vmem>>, vector<16xf32>,
        %parallel_loop3A_231 = arith.mulf %parallel_loop3A_230, %get3A_7 : vector<16xf32>
        %parallel_loop3A_232 = arith.subf %parallel_loop3A_231, %get3A_3 : vector<16xf32>
        %parallel_loop3A_233 = arith.maximumf %parallel_loop3A_232, %sub3A : vector<16xf32>
        %parallel_loop3A_234 = arith.minimumf %parallel_loop3A_233, %get3A_5 : vector<16xf32>
        %parallel_loop3A_235 = arith.fptosi %parallel_loop3A_234 : vector<16xf32> to vector<16xi32>
        %parallel_loop3A_236 = tpu.vector_load_idx %arg7[%parallel_loop3A_235] : memref<384xf32, #tpu.memory_space<vmem>>[vector<16xi32>], vector<16xf32>,
        %parallel_loop3A_237 = tpu.vector_load_idx %arg8[%parallel_loop3A_235] : memref<256xf32, #tpu.memory_space<vmem>>[vector<16xi32>], vector<16xf32>,
        %parallel_loop3A_238 = arith.mulf %parallel_loop3A_234, %parallel_loop3A_237 : vector<16xf32>
        %parallel_loop3A_239 = arith.addf %parallel_loop3A_236, %parallel_loop3A_238 : vector<16xf32>
        %parallel_loop3A_240 = arith.index_cast %parallel_loop3A_227 : i32 to index
        %parallel_loop3A_241 = arith.constant 0 : index
        %parallel_loop3A_242 = tpu.vector_load %arg16[%parallel_loop3A_240, %parallel_loop3A_241] {strides = array<i32>} : memref<112x224xf32, #tpu.memory_space<vmem>>, vector<16xf32>,
        tpu.vector_store %arg16[%parallel_loop3A_240, %parallel_loop3A_241], %parallel_loop3A_239 {strides = array<i32>} : memref<112x224xf32, #tpu.memory_space<vmem>>, vector<16xf32>,
        %parallel_loop3A_243 = arith.index_cast %parallel_loop3A_227 : i32 to index
        %parallel_loop3A_244 = arith.constant 16 : index
        %parallel_loop3A_245 = tpu.vector_load %arg14[%parallel_loop3A_243, %parallel_loop3A_244] {strides = array<i32>} : memref<112x224xf32, #tpu.memory_space<vmem>>, vector<16xf32>,
        %parallel_loop3A_246 = arith.mulf %parallel_loop3A_245, %get3A_7 : vector<16xf32>
        %parallel_loop3A_247 = arith.subf %parallel_loop3A_246, %get3A_3 : vector<16xf32>
        %parallel_loop3A_248 = arith.maximumf %parallel_loop3A_247, %sub3A : vector<16xf32>
        %parallel_loop3A_249 = arith.minimumf %parallel_loop3A_248, %get3A_5 : vector<16xf32>
        %parallel_loop3A_250 = arith.fptosi %parallel_loop3A_249 : vector<16xf32> to vector<16xi32>
        %parallel_loop3A_251 = tpu.vector_load_idx %arg7[%parallel_loop3A_250] : memref<384xf32, #tpu.memory_space<vmem>>[vector<16xi32>], vector<16xf32>,
        %parallel_loop3A_252 = tpu.vector_load_idx %arg8[%parallel_loop3A_250] : memref<256xf32, #tpu.memory_space<vmem>>[vector<16xi32>], vector<16xf32>,
        %parallel_loop3A_253 = arith.mulf %parallel_loop3A_249, %parallel_loop3A_252 : vector<16xf32>
        %parallel_loop3A_254 = arith.addf %parallel_loop3A_251, %parallel_loop3A_253 : vector<16xf32>
        %parallel_loop3A_255 = arith.index_cast %parallel_loop3A_227 : i32 to index
        %parallel_loop3A_256 = arith.constant 16 : index
        %parallel_loop3A_257 = tpu.vector_load %arg16[%parallel_loop3A_255, %parallel_loop3A_256] {strides = array<i32>} : memref<112x224xf32, #tpu.memory_space<vmem>>, vector<16xf32>,
        tpu.vector_store %arg16[%parallel_loop3A_255, %parallel_loop3A_256], %parallel_loop3A_254 {strides = array<i32>} : memref<112x224xf32, #tpu.memory_space<vmem>>, vector<16xf32>,
        %parallel_loop3A_258 = arith.index_cast %parallel_loop3A_227 : i32 to index
        %parallel_loop3A_259 = arith.constant 32 : index
        %parallel_loop3A_260 = tpu.vector_load %arg14[%parallel_loop3A_258, %parallel_loop3A_259] {strides = array<i32>} : memref<112x224xf32, #tpu.memory_space<vmem>>, vector<16xf32>,
        %parallel_loop3A_261 = arith.mulf %parallel_loop3A_260, %get3A_7 : vector<16xf32>
        %parallel_loop3A_262 = arith.subf %parallel_loop3A_261, %get3A_3 : vector<16xf32>
        %parallel_loop3A_263 = arith.maximumf %parallel_loop3A_262, %sub3A : vector<16xf32>
        %parallel_loop3A_264 = arith.minimumf %parallel_loop3A_263, %get3A_5 : vector<16xf32>
        %parallel_loop3A_265 = arith.fptosi %parallel_loop3A_264 : vector<16xf32> to vector<16xi32>
        %parallel_loop3A_266 = tpu.vector_load_idx %arg7[%parallel_loop3A_265] : memref<384xf32, #tpu.memory_space<vmem>>[vector<16xi32>], vector<16xf32>,
        %parallel_loop3A_267 = tpu.vector_load_idx %arg8[%parallel_loop3A_265] : memref<256xf32, #tpu.memory_space<vmem>>[vector<16xi32>], vector<16xf32>,
        %parallel_loop3A_268 = arith.mulf %parallel_loop3A_264, %parallel_loop3A_267 : vector<16xf32>
        %parallel_loop3A_269 = arith.addf %parallel_loop3A_266, %parallel_loop3A_268 : vector<16xf32>
        %parallel_loop3A_270 = arith.index_cast %parallel_loop3A_227 : i32 to index
        %parallel_loop3A_271 = arith.constant 32 : index
        %parallel_loop3A_272 = tpu.vector_load %arg16[%parallel_loop3A_270, %parallel_loop3A_271] {strides = array<i32>} : memref<112x224xf32, #tpu.memory_space<vmem>>, vector<16xf32>,
        tpu.vector_store %arg16[%parallel_loop3A_270, %parallel_loop3A_271], %parallel_loop3A_269 {strides = array<i32>} : memref<112x224xf32, #tpu.memory_space<vmem>>, vector<16xf32>,
        %parallel_loop3A_273 = arith.index_cast %parallel_loop3A_227 : i32 to index
        %parallel_loop3A_274 = arith.constant 48 : index
        %parallel_loop3A_275 = tpu.vector_load %arg14[%parallel_loop3A_273, %parallel_loop3A_274] {strides = array<i32>} : memref<112x224xf32, #tpu.memory_space<vmem>>, vector<16xf32>,
        %parallel_loop3A_276 = arith.mulf %parallel_loop3A_275, %get3A_7 : vector<16xf32>
        %parallel_loop3A_277 = arith.subf %parallel_loop3A_276, %get3A_3 : vector<16xf32>
        %parallel_loop3A_278 = arith.maximumf %parallel_loop3A_277, %sub3A : vector<16xf32>
        %parallel_loop3A_279 = arith.minimumf %parallel_loop3A_278, %get3A_5 : vector<16xf32>
        %parallel_loop3A_280 = arith.fptosi %parallel_loop3A_279 : vector<16xf32> to vector<16xi32>
        %parallel_loop3A_281 = tpu.vector_load_idx %arg7[%parallel_loop3A_280] : memref<384xf32, #tpu.memory_space<vmem>>[vector<16xi32>], vector<16xf32>,
        %parallel_loop3A_282 = tpu.vector_load_idx %arg8[%parallel_loop3A_280] : memref<256xf32, #tpu.memory_space<vmem>>[vector<16xi32>], vector<16xf32>,
        %parallel_loop3A_283 = arith.mulf %parallel_loop3A_279, %parallel_loop3A_282 : vector<16xf32>
        %parallel_loop3A_284 = arith.addf %parallel_loop3A_281, %parallel_loop3A_283 : vector<16xf32>
        %parallel_loop3A_285 = arith.index_cast %parallel_loop3A_227 : i32 to index
        %parallel_loop3A_286 = arith.constant 48 : index
        %parallel_loop3A_287 = tpu.vector_load %arg16[%parallel_loop3A_285, %parallel_loop3A_286] {strides = array<i32>} : memref<112x224xf32, #tpu.memory_space<vmem>>, vector<16xf32>,
        tpu.vector_store %arg16[%parallel_loop3A_285, %parallel_loop3A_286], %parallel_loop3A_284 {strides = array<i32>} : memref<112x224xf32, #tpu.memory_space<vmem>>, vector<16xf32>,
        %parallel_loop3A_288 = arith.index_cast %parallel_loop3A_227 : i32 to index
        %parallel_loop3A_289 = arith.constant 64 : index
        %parallel_loop3A_290 = tpu.vector_load %arg14[%parallel_loop3A_288, %parallel_loop3A_289] {strides = array<i32>} : memref<112x224xf32, #tpu.memory_space<vmem>>, vector<16xf32>,
        %parallel_loop3A_291 = arith.mulf %parallel_loop3A_290, %get3A_7 : vector<16xf32>
        %parallel_loop3A_292 = arith.subf %parallel_loop3A_291, %get3A_3 : vector<16xf32>
        %parallel_loop3A_293 = arith.maximumf %parallel_loop3A_292, %sub3A : vector<16xf32>
        %parallel_loop3A_294 = arith.minimumf %parallel_loop3A_293, %get3A_5 : vector<16xf32>
        %parallel_loop3A_295 = arith.fptosi %parallel_loop3A_294 : vector<16xf32> to vector<16xi32>
        %parallel_loop3A_296 = tpu.vector_load_idx %arg7[%parallel_loop3A_295] : memref<384xf32, #tpu.memory_space<vmem>>[vector<16xi32>], vector<16xf32>,
        %parallel_loop3A_297 = tpu.vector_load_idx %arg8[%parallel_loop3A_295] : memref<256xf32, #tpu.memory_space<vmem>>[vector<16xi32>], vector<16xf32>,
        %parallel_loop3A_298 = arith.mulf %parallel_loop3A_294, %parallel_loop3A_297 : vector<16xf32>
        %parallel_loop3A_299 = arith.addf %parallel_loop3A_296, %parallel_loop3A_298 : vector<16xf32>
        %parallel_loop3A_300 = arith.index_cast %parallel_loop3A_227 : i32 to index
        %parallel_loop3A_301 = arith.constant 64 : index
        %parallel_loop3A_302 = tpu.vector_load %arg16[%parallel_loop3A_300, %parallel_loop3A_301] {strides = array<i32>} : memref<112x224xf32, #tpu.memory_space<vmem>>, vector<16xf32>,
        tpu.vector_store %arg16[%parallel_loop3A_300, %parallel_loop3A_301], %parallel_loop3A_299 {strides = array<i32>} : memref<112x224xf32, #tpu.memory_space<vmem>>, vector<16xf32>,
        %parallel_loop3A_303 = arith.index_cast %parallel_loop3A_227 : i32 to index
        %parallel_loop3A_304 = arith.constant 80 : index
        %parallel_loop3A_305 = tpu.vector_load %arg14[%parallel_loop3A_303, %parallel_loop3A_304] {strides = array<i32>} : memref<112x224xf32, #tpu.memory_space<vmem>>, vector<16xf32>,
        %parallel_loop3A_306 = arith.mulf %parallel_loop3A_305, %get3A_7 : vector<16xf32>
        %parallel_loop3A_307 = arith.subf %parallel_loop3A_306, %get3A_3 : vector<16xf32>
        %parallel_loop3A_308 = arith.maximumf %parallel_loop3A_307, %sub3A : vector<16xf32>
        %parallel_loop3A_309 = arith.minimumf %parallel_loop3A_308, %get3A_5 : vector<16xf32>
        %parallel_loop3A_310 = arith.fptosi %parallel_loop3A_309 : vector<16xf32> to vector<16xi32>
        %parallel_loop3A_311 = tpu.vector_load_idx %arg7[%parallel_loop3A_310] : memref<384xf32, #tpu.memory_space<vmem>>[vector<16xi32>], vector<16xf32>,
        %parallel_loop3A_312 = tpu.vector_load_idx %arg8[%parallel_loop3A_310] : memref<256xf32, #tpu.memory_space<vmem>>[vector<16xi32>], vector<16xf32>,
        %parallel_loop3A_313 = arith.mulf %parallel_loop3A_309, %parallel_loop3A_312 : vector<16xf32>
        %parallel_loop3A_314 = arith.addf %parallel_loop3A_311, %parallel_loop3A_313 : vector<16xf32>
        %parallel_loop3A_315 = arith.index_cast %parallel_loop3A_227 : i32 to index
        %parallel_loop3A_316 = arith.constant 80 : index
        %parallel_loop3A_317 = tpu.vector_load %arg16[%parallel_loop3A_315, %parallel_loop3A_316] {strides = array<i32>} : memref<112x224xf32, #tpu.memory_space<vmem>>, vector<16xf32>,
        tpu.vector_store %arg16[%parallel_loop3A_315, %parallel_loop3A_316], %parallel_loop3A_314 {strides = array<i32>} : memref<112x224xf32, #tpu.memory_space<vmem>>, vector<16xf32>,
        %parallel_loop3A_318 = arith.index_cast %parallel_loop3A_227 : i32 to index
        %parallel_loop3A_319 = arith.constant 96 : index
        %parallel_loop3A_320 = tpu.vector_load %arg14[%parallel_loop3A_318, %parallel_loop3A_319] {strides = array<i32>} : memref<112x224xf32, #tpu.memory_space<vmem>>, vector<16xf32>,
        %parallel_loop3A_321 = arith.mulf %parallel_loop3A_320, %get3A_7 : vector<16xf32>
        %parallel_loop3A_322 = arith.subf %parallel_loop3A_321, %get3A_3 : vector<16xf32>
        %parallel_loop3A_323 = arith.maximumf %parallel_loop3A_322, %sub3A : vector<16xf32>
        %parallel_loop3A_324 = arith.minimumf %parallel_loop3A_323, %get3A_5 : vector<16xf32>
        %parallel_loop3A_325 = arith.fptosi %parallel_loop3A_324 : vector<16xf32> to vector<16xi32>
        %parallel_loop3A_326 = tpu.vector_load_idx %arg7[%parallel_loop3A_325] : memref<384xf32, #tpu.memory_space<vmem>>[vector<16xi32>], vector<16xf32>,
        %parallel_loop3A_327 = tpu.vector_load_idx %arg8[%parallel_loop3A_325] : memref<256xf32, #tpu.memory_space<vmem>>[vector<16xi32>], vector<16xf32>,
        %parallel_loop3A_328 = arith.mulf %parallel_loop3A_324, %parallel_loop3A_327 : vector<16xf32>
        %parallel_loop3A_329 = arith.addf %parallel_loop3A_326, %parallel_loop3A_328 : vector<16xf32>
        %parallel_loop3A_330 = arith.index_cast %parallel_loop3A_227 : i32 to index
        %parallel_loop3A_331 = arith.constant 96 : index
        %parallel_loop3A_332 = tpu.vector_load %arg16[%parallel_loop3A_330, %parallel_loop3A_331] {strides = array<i32>} : memref<112x224xf32, #tpu.memory_space<vmem>>, vector<16xf32>,
        tpu.vector_store %arg16[%parallel_loop3A_330, %parallel_loop3A_331], %parallel_loop3A_329 {strides = array<i32>} : memref<112x224xf32, #tpu.memory_space<vmem>>, vector<16xf32>,
        %parallel_loop3A_333 = arith.index_cast %parallel_loop3A_227 : i32 to index
        %parallel_loop3A_334 = arith.constant 112 : index
        %parallel_loop3A_335 = tpu.vector_load %arg14[%parallel_loop3A_333, %parallel_loop3A_334] {strides = array<i32>} : memref<112x224xf32, #tpu.memory_space<vmem>>, vector<16xf32>,
        %parallel_loop3A_336 = arith.mulf %parallel_loop3A_335, %get3A_7 : vector<16xf32>
        %parallel_loop3A_337 = arith.subf %parallel_loop3A_336, %get3A_3 : vector<16xf32>
        %parallel_loop3A_338 = arith.maximumf %parallel_loop3A_337, %sub3A : vector<16xf32>
        %parallel_loop3A_339 = arith.minimumf %parallel_loop3A_338, %get3A_5 : vector<16xf32>
        %parallel_loop3A_340 = arith.fptosi %parallel_loop3A_339 : vector<16xf32> to vector<16xi32>
        %parallel_loop3A_341 = tpu.vector_load_idx %arg7[%parallel_loop3A_340] : memref<384xf32, #tpu.memory_space<vmem>>[vector<16xi32>], vector<16xf32>,
        %parallel_loop3A_342 = tpu.vector_load_idx %arg8[%parallel_loop3A_340] : memref<256xf32, #tpu.memory_space<vmem>>[vector<16xi32>], vector<16xf32>,
        %parallel_loop3A_343 = arith.mulf %parallel_loop3A_339, %parallel_loop3A_342 : vector<16xf32>
        %parallel_loop3A_344 = arith.addf %parallel_loop3A_341, %parallel_loop3A_343 : vector<16xf32>
        %parallel_loop3A_345 = arith.index_cast %parallel_loop3A_227 : i32 to index
        %parallel_loop3A_346 = arith.constant 112 : index
        %parallel_loop3A_347 = tpu.vector_load %arg16[%parallel_loop3A_345, %parallel_loop3A_346] {strides = array<i32>} : memref<112x224xf32, #tpu.memory_space<vmem>>, vector<16xf32>,
        tpu.vector_store %arg16[%parallel_loop3A_345, %parallel_loop3A_346], %parallel_loop3A_344 {strides = array<i32>} : memref<112x224xf32, #tpu.memory_space<vmem>>, vector<16xf32>,
        %parallel_loop3A_348 = arith.index_cast %parallel_loop3A_227 : i32 to index
        %parallel_loop3A_349 = arith.constant 128 : index
        %parallel_loop3A_350 = tpu.vector_load %arg14[%parallel_loop3A_348, %parallel_loop3A_349] {strides = array<i32>} : memref<112x224xf32, #tpu.memory_space<vmem>>, vector<16xf32>,
        %parallel_loop3A_351 = arith.mulf %parallel_loop3A_350, %get3A_7 : vector<16xf32>
        %parallel_loop3A_352 = arith.subf %parallel_loop3A_351, %get3A_3 : vector<16xf32>
        %parallel_loop3A_353 = arith.maximumf %parallel_loop3A_352, %sub3A : vector<16xf32>
        %parallel_loop3A_354 = arith.minimumf %parallel_loop3A_353, %get3A_5 : vector<16xf32>
        %parallel_loop3A_355 = arith.fptosi %parallel_loop3A_354 : vector<16xf32> to vector<16xi32>
        %parallel_loop3A_356 = tpu.vector_load_idx %arg7[%parallel_loop3A_355] : memref<384xf32, #tpu.memory_space<vmem>>[vector<16xi32>], vector<16xf32>,
        %parallel_loop3A_357 = tpu.vector_load_idx %arg8[%parallel_loop3A_355] : memref<256xf32, #tpu.memory_space<vmem>>[vector<16xi32>], vector<16xf32>,
        %parallel_loop3A_358 = arith.mulf %parallel_loop3A_354, %parallel_loop3A_357 : vector<16xf32>
        %parallel_loop3A_359 = arith.addf %parallel_loop3A_356, %parallel_loop3A_358 : vector<16xf32>
        %parallel_loop3A_360 = arith.index_cast %parallel_loop3A_227 : i32 to index
        %parallel_loop3A_361 = arith.constant 128 : index
        %parallel_loop3A_362 = tpu.vector_load %arg16[%parallel_loop3A_360, %parallel_loop3A_361] {strides = array<i32>} : memref<112x224xf32, #tpu.memory_space<vmem>>, vector<16xf32>,
        tpu.vector_store %arg16[%parallel_loop3A_360, %parallel_loop3A_361], %parallel_loop3A_359 {strides = array<i32>} : memref<112x224xf32, #tpu.memory_space<vmem>>, vector<16xf32>,
        %parallel_loop3A_363 = arith.index_cast %parallel_loop3A_227 : i32 to index
        %parallel_loop3A_364 = arith.constant 144 : index
        %parallel_loop3A_365 = tpu.vector_load %arg14[%parallel_loop3A_363, %parallel_loop3A_364] {strides = array<i32>} : memref<112x224xf32, #tpu.memory_space<vmem>>, vector<16xf32>,
        %parallel_loop3A_366 = arith.mulf %parallel_loop3A_365, %get3A_7 : vector<16xf32>
        %parallel_loop3A_367 = arith.subf %parallel_loop3A_366, %get3A_3 : vector<16xf32>
        %parallel_loop3A_368 = arith.maximumf %parallel_loop3A_367, %sub3A : vector<16xf32>
        %parallel_loop3A_369 = arith.minimumf %parallel_loop3A_368, %get3A_5 : vector<16xf32>
        %parallel_loop3A_370 = arith.fptosi %parallel_loop3A_369 : vector<16xf32> to vector<16xi32>
        %parallel_loop3A_371 = tpu.vector_load_idx %arg7[%parallel_loop3A_370] : memref<384xf32, #tpu.memory_space<vmem>>[vector<16xi32>], vector<16xf32>,
        %parallel_loop3A_372 = tpu.vector_load_idx %arg8[%parallel_loop3A_370] : memref<256xf32, #tpu.memory_space<vmem>>[vector<16xi32>], vector<16xf32>,
        %parallel_loop3A_373 = arith.mulf %parallel_loop3A_369, %parallel_loop3A_372 : vector<16xf32>
        %parallel_loop3A_374 = arith.addf %parallel_loop3A_371, %parallel_loop3A_373 : vector<16xf32>
        %parallel_loop3A_375 = arith.index_cast %parallel_loop3A_227 : i32 to index
        %parallel_loop3A_376 = arith.constant 144 : index
        %parallel_loop3A_377 = tpu.vector_load %arg16[%parallel_loop3A_375, %parallel_loop3A_376] {strides = array<i32>} : memref<112x224xf32, #tpu.memory_space<vmem>>, vector<16xf32>,
        tpu.vector_store %arg16[%parallel_loop3A_375, %parallel_loop3A_376], %parallel_loop3A_374 {strides = array<i32>} : memref<112x224xf32, #tpu.memory_space<vmem>>, vector<16xf32>,
        %parallel_loop3A_378 = arith.index_cast %parallel_loop3A_227 : i32 to index
        %parallel_loop3A_379 = arith.constant 160 : index
        %parallel_loop3A_380 = tpu.vector_load %arg14[%parallel_loop3A_378, %parallel_loop3A_379] {strides = array<i32>} : memref<112x224xf32, #tpu.memory_space<vmem>>, vector<16xf32>,
        %parallel_loop3A_381 = arith.mulf %parallel_loop3A_380, %get3A_7 : vector<16xf32>
        %parallel_loop3A_382 = arith.subf %parallel_loop3A_381, %get3A_3 : vector<16xf32>
        %parallel_loop3A_383 = arith.maximumf %parallel_loop3A_382, %sub3A : vector<16xf32>
        %parallel_loop3A_384 = arith.minimumf %parallel_loop3A_383, %get3A_5 : vector<16xf32>
        %parallel_loop3A_385 = arith.fptosi %parallel_loop3A_384 : vector<16xf32> to vector<16xi32>
        %parallel_loop3A_386 = tpu.vector_load_idx %arg7[%parallel_loop3A_385] : memref<384xf32, #tpu.memory_space<vmem>>[vector<16xi32>], vector<16xf32>,
        %parallel_loop3A_387 = tpu.vector_load_idx %arg8[%parallel_loop3A_385] : memref<256xf32, #tpu.memory_space<vmem>>[vector<16xi32>], vector<16xf32>,
        %parallel_loop3A_388 = arith.mulf %parallel_loop3A_384, %parallel_loop3A_387 : vector<16xf32>
        %parallel_loop3A_389 = arith.addf %parallel_loop3A_386, %parallel_loop3A_388 : vector<16xf32>
        %parallel_loop3A_390 = arith.index_cast %parallel_loop3A_227 : i32 to index
        %parallel_loop3A_391 = arith.constant 160 : index
        %parallel_loop3A_392 = tpu.vector_load %arg16[%parallel_loop3A_390, %parallel_loop3A_391] {strides = array<i32>} : memref<112x224xf32, #tpu.memory_space<vmem>>, vector<16xf32>,
        tpu.vector_store %arg16[%parallel_loop3A_390, %parallel_loop3A_391], %parallel_loop3A_389 {strides = array<i32>} : memref<112x224xf32, #tpu.memory_space<vmem>>, vector<16xf32>,
        %parallel_loop3A_393 = arith.index_cast %parallel_loop3A_227 : i32 to index
        %parallel_loop3A_394 = arith.constant 176 : index
        %parallel_loop3A_395 = tpu.vector_load %arg14[%parallel_loop3A_393, %parallel_loop3A_394] {strides = array<i32>} : memref<112x224xf32, #tpu.memory_space<vmem>>, vector<16xf32>,
        %parallel_loop3A_396 = arith.mulf %parallel_loop3A_395, %get3A_7 : vector<16xf32>
        %parallel_loop3A_397 = arith.subf %parallel_loop3A_396, %get3A_3 : vector<16xf32>
        %parallel_loop3A_398 = arith.maximumf %parallel_loop3A_397, %sub3A : vector<16xf32>
        %parallel_loop3A_399 = arith.minimumf %parallel_loop3A_398, %get3A_5 : vector<16xf32>
        %parallel_loop3A_400 = arith.fptosi %parallel_loop3A_399 : vector<16xf32> to vector<16xi32>
        %parallel_loop3A_401 = tpu.vector_load_idx %arg7[%parallel_loop3A_400] : memref<384xf32, #tpu.memory_space<vmem>>[vector<16xi32>], vector<16xf32>,
        %parallel_loop3A_402 = tpu.vector_load_idx %arg8[%parallel_loop3A_400] : memref<256xf32, #tpu.memory_space<vmem>>[vector<16xi32>], vector<16xf32>,
        %parallel_loop3A_403 = arith.mulf %parallel_loop3A_399, %parallel_loop3A_402 : vector<16xf32>
        %parallel_loop3A_404 = arith.addf %parallel_loop3A_401, %parallel_loop3A_403 : vector<16xf32>
        %parallel_loop3A_405 = arith.index_cast %parallel_loop3A_227 : i32 to index
        %parallel_loop3A_406 = arith.constant 176 : index
        %parallel_loop3A_407 = tpu.vector_load %arg16[%parallel_loop3A_405, %parallel_loop3A_406] {strides = array<i32>} : memref<112x224xf32, #tpu.memory_space<vmem>>, vector<16xf32>,
        tpu.vector_store %arg16[%parallel_loop3A_405, %parallel_loop3A_406], %parallel_loop3A_404 {strides = array<i32>} : memref<112x224xf32, #tpu.memory_space<vmem>>, vector<16xf32>,
        %parallel_loop3A_408 = arith.index_cast %parallel_loop3A_227 : i32 to index
        %parallel_loop3A_409 = arith.constant 192 : index
        %parallel_loop3A_410 = tpu.vector_load %arg14[%parallel_loop3A_408, %parallel_loop3A_409] {strides = array<i32>} : memref<112x224xf32, #tpu.memory_space<vmem>>, vector<16xf32>,
        %parallel_loop3A_411 = arith.mulf %parallel_loop3A_410, %get3A_7 : vector<16xf32>
        %parallel_loop3A_412 = arith.subf %parallel_loop3A_411, %get3A_3 : vector<16xf32>
        %parallel_loop3A_413 = arith.maximumf %parallel_loop3A_412, %sub3A : vector<16xf32>
        %parallel_loop3A_414 = arith.minimumf %parallel_loop3A_413, %get3A_5 : vector<16xf32>
        %parallel_loop3A_415 = arith.fptosi %parallel_loop3A_414 : vector<16xf32> to vector<16xi32>
        %parallel_loop3A_416 = tpu.vector_load_idx %arg7[%parallel_loop3A_415] : memref<384xf32, #tpu.memory_space<vmem>>[vector<16xi32>], vector<16xf32>,
        %parallel_loop3A_417 = tpu.vector_load_idx %arg8[%parallel_loop3A_415] : memref<256xf32, #tpu.memory_space<vmem>>[vector<16xi32>], vector<16xf32>,
        %parallel_loop3A_418 = arith.mulf %parallel_loop3A_414, %parallel_loop3A_417 : vector<16xf32>
        %parallel_loop3A_419 = arith.addf %parallel_loop3A_416, %parallel_loop3A_418 : vector<16xf32>
        %parallel_loop3A_420 = arith.index_cast %parallel_loop3A_227 : i32 to index
        %parallel_loop3A_421 = arith.constant 192 : index
        %parallel_loop3A_422 = tpu.vector_load %arg16[%parallel_loop3A_420, %parallel_loop3A_421] {strides = array<i32>} : memref<112x224xf32, #tpu.memory_space<vmem>>, vector<16xf32>,
        tpu.vector_store %arg16[%parallel_loop3A_420, %parallel_loop3A_421], %parallel_loop3A_419 {strides = array<i32>} : memref<112x224xf32, #tpu.memory_space<vmem>>, vector<16xf32>,
        %parallel_loop3A_423 = arith.index_cast %parallel_loop3A_227 : i32 to index
        %parallel_loop3A_424 = arith.constant 208 : index
        %parallel_loop3A_425 = tpu.vector_load %arg14[%parallel_loop3A_423, %parallel_loop3A_424] {strides = array<i32>} : memref<112x224xf32, #tpu.memory_space<vmem>>, vector<16xf32>,
        %parallel_loop3A_426 = arith.mulf %parallel_loop3A_425, %get3A_7 : vector<16xf32>
        %parallel_loop3A_427 = arith.subf %parallel_loop3A_426, %get3A_3 : vector<16xf32>
        %parallel_loop3A_428 = arith.maximumf %parallel_loop3A_427, %sub3A : vector<16xf32>
        %parallel_loop3A_429 = arith.minimumf %parallel_loop3A_428, %get3A_5 : vector<16xf32>
        %parallel_loop3A_430 = arith.fptosi %parallel_loop3A_429 : vector<16xf32> to vector<16xi32>
        %parallel_loop3A_431 = tpu.vector_load_idx %arg7[%parallel_loop3A_430] : memref<384xf32, #tpu.memory_space<vmem>>[vector<16xi32>], vector<16xf32>,
        %parallel_loop3A_432 = tpu.vector_load_idx %arg8[%parallel_loop3A_430] : memref<256xf32, #tpu.memory_space<vmem>>[vector<16xi32>], vector<16xf32>,
        %parallel_loop3A_433 = arith.mulf %parallel_loop3A_429, %parallel_loop3A_432 : vector<16xf32>
        %parallel_loop3A_434 = arith.addf %parallel_loop3A_431, %parallel_loop3A_433 : vector<16xf32>
        %parallel_loop3A_435 = arith.index_cast %parallel_loop3A_227 : i32 to index
        %parallel_loop3A_436 = arith.constant 208 : index
        %parallel_loop3A_437 = tpu.vector_load %arg16[%parallel_loop3A_435, %parallel_loop3A_436] {strides = array<i32>} : memref<112x224xf32, #tpu.memory_space<vmem>>, vector<16xf32>,
        tpu.vector_store %arg16[%parallel_loop3A_435, %parallel_loop3A_436], %parallel_loop3A_434 {strides = array<i32>} : memref<112x224xf32, #tpu.memory_space<vmem>>, vector<16xf32>,
      } {sc.loop_unroll_factor = 1 : i64, sc.parallel_access}
      %dma_start3A_127 = arith.constant 112 : i32
      %dma_start3A_128 = arith.constant 0 : i32
      %dma_start3A_129 = tpu.memref_slice %arg6[%add3A_51, %dma_start3A_127, %dma_start3A_128] : memref<768x224x224xf32, #tpu.memory_space<hbm>> -> memref<1x112x224xf32, #tpu.memory_space<hbm>>
      %dma_start3A_130 = tpu.memref_squeeze %dma_start3A_129 : memref<1x112x224xf32, #tpu.memory_space<hbm>> -> memref<112x224xf32, #tpu.memory_space<hbm>>
      %dma_start3A_131 = arith.constant 112 : i32
      %dma_start3A_132 = arith.constant 0 : i32
      %dma_start3A_133 = tpu.memref_slice %arg6[%add3A_51, %dma_start3A_131, %dma_start3A_132] : memref<768x224x224xf32, #tpu.memory_space<hbm>> -> memref<1x112x224xf32, #tpu.memory_space<hbm>>
      %dma_start3A_134 = tpu.memref_squeeze %dma_start3A_133 : memref<1x112x224xf32, #tpu.memory_space<hbm>> -> memref<112x224xf32, #tpu.memory_space<hbm>>
      tpu.enqueue_dma source(%arg16 : memref<112x224xf32, #tpu.memory_space<vmem>>) target(%dma_start3A_134 : memref<112x224xf32, #tpu.memory_space<hbm>>) target_semaphore(%arg20 : memref<!tpu.dma_semaphore, #tpu.memory_space<semaphore_mem>>)
      %mul3A_135 = arith.constant 2 : i32
      %mul3A_136 = arith.muli %scan3A_45, %mul3A_135 : i32
      %add3A_137 = arith.constant 1 : i32
      %add3A_138 = arith.addi %mul3A_136, %add3A_137 : i32
      %add3A_139 = arith.addi %mul3A_2, %add3A_138 : i32
      %dma_start3A_140 = arith.constant 112 : i32
      %dma_start3A_141 = arith.constant 0 : i32
      %dma_start3A_142 = tpu.memref_slice %arg2[%add3A_139, %dma_start3A_140, %dma_start3A_141] : memref<768x224x224xf32, #tpu.memory_space<hbm>> -> memref<1x112x224xf32, #tpu.memory_space<hbm>>
      %dma_start3A_143 = tpu.memref_squeeze %dma_start3A_142 : memref<1x112x224xf32, #tpu.memory_space<hbm>> -> memref<112x224xf32, #tpu.memory_space<hbm>>
      %dma_start3A_144 = arith.constant 112 : i32
      %dma_start3A_145 = arith.constant 0 : i32
      %dma_start3A_146 = tpu.memref_slice %arg2[%add3A_139, %dma_start3A_144, %dma_start3A_145] : memref<768x224x224xf32, #tpu.memory_space<hbm>> -> memref<1x112x224xf32, #tpu.memory_space<hbm>>
      %dma_start3A_147 = tpu.memref_squeeze %dma_start3A_146 : memref<1x112x224xf32, #tpu.memory_space<hbm>> -> memref<112x224xf32, #tpu.memory_space<hbm>>
      tpu.enqueue_dma source(%dma_start3A_147 : memref<112x224xf32, #tpu.memory_space<hbm>>) target(%arg14 : memref<112x224xf32, #tpu.memory_space<vmem>>) target_semaphore(%arg18 : memref<!tpu.dma_semaphore, #tpu.memory_space<semaphore_mem>>)
      %dma_wait3A_148 = arith.constant 0 : i32
      %dma_wait3A_149 = tpu.memref_slice %arg3[%dma_wait3A_148] : memref<24576xf32, #tpu.memory_space<hbm>> -> memref<256xf32, #tpu.memory_space<hbm>>
      %dma_wait3A_150 = arith.constant 0 : i32
      %dma_wait3A_151 = tpu.memref_slice %arg3[%dma_wait3A_150] : memref<24576xf32, #tpu.memory_space<hbm>> -> memref<256xf32, #tpu.memory_space<hbm>>
      tpu.wait_dma2 semaphore(%arg22 : memref<!tpu.dma_semaphore, #tpu.memory_space<semaphore_mem>>) src(%dma_wait3A_151 : memref<256xf32, #tpu.memory_space<hbm>>) dst(%arg10 : memref<256xf32, #tpu.memory_space<vmem>>)
      %rem3A_152 = arith.constant 96 : i32
      %rem3A_153 = arith.remsi %add3A_139, %rem3A_152 : i32
      %broadcast_in_dim3A_154 = vector.broadcast %rem3A_153 : i32 to vector<16xi32>
      %gather3A_155 = tpu.vector_load_idx %arg11[%broadcast_in_dim3A_154] : memref<128xf32, #tpu.memory_space<vmem>>[vector<16xi32>], vector<16xf32>,
      %mul3A_156 = arith.mulf %get3A_9, %gather3A_155 : vector<16xf32>
      %parallel_loop3A_157 = arith.constant 0 : i32
      %parallel_loop3A_158 = arith.constant 16 : i32
      %parallel_loop3A_159 = arith.constant 1 : i32
      scf.for %parallel_loop3A_227 = %parallel_loop3A_157 to %parallel_loop3A_158 step %parallel_loop3A_159  : i32 {
        %parallel_loop3A_228 = arith.constant 16 : i32
        %parallel_loop3A_229 = arith.muli %parallel_loop3A_227, %parallel_loop3A_228 : i32
        %parallel_loop3A_230 = tpu.assume_multiple %parallel_loop3A_229, 16 : i32
        %parallel_loop3A_231 = arith.index_cast %parallel_loop3A_230 : i32 to index
        %parallel_loop3A_232 = tpu.vector_load %arg10[%parallel_loop3A_231] {strides = array<i32>} : memref<256xf32, #tpu.memory_space<vmem>>, vector<16xf32>,
        %parallel_loop3A_233 = arith.mulf %parallel_loop3A_232, %gather3A_155 : vector<16xf32>
        %parallel_loop3A_234 = arith.addf %parallel_loop3A_233, %mul3A_156 : vector<16xf32>
        %parallel_loop3A_235 = arith.index_cast %parallel_loop3A_230 : i32 to index
        %parallel_loop3A_236 = tpu.vector_load %arg7[%parallel_loop3A_235] {strides = array<i32>} : memref<384xf32, #tpu.memory_space<vmem>>, vector<16xf32>,
        tpu.vector_store %arg7[%parallel_loop3A_235], %parallel_loop3A_234 {strides = array<i32>} : memref<384xf32, #tpu.memory_space<vmem>>, vector<16xf32>,
      } {sc.loop_unroll_factor = 1 : i64, sc.parallel_access}
      %parallel_loop3A_160 = arith.constant 0 : i32
      %parallel_loop3A_161 = arith.constant 16 : i32
      %parallel_loop3A_162 = arith.constant 1 : i32
      scf.for %parallel_loop3A_227 = %parallel_loop3A_160 to %parallel_loop3A_161 step %parallel_loop3A_162  : i32 {
        %parallel_loop3A_228 = arith.constant 16 : i32
        %parallel_loop3A_229 = arith.muli %parallel_loop3A_227, %parallel_loop3A_228 : i32
        %parallel_loop3A_230 = tpu.assume_multiple %parallel_loop3A_229, 16 : i32
        %parallel_loop3A_231 = arith.constant 1 : i32
        %parallel_loop3A_232 = arith.addi %parallel_loop3A_230, %parallel_loop3A_231 : i32
        %parallel_loop3A_233 = vector.broadcast %parallel_loop3A_232 : i32 to vector<16xi32>
        %parallel_loop3A_234 = arith.addi %iota3A, %parallel_loop3A_233 : vector<16xi32>
        %parallel_loop3A_235 = tpu.vector_load_idx %arg7[%parallel_loop3A_234] : memref<384xf32, #tpu.memory_space<vmem>>[vector<16xi32>], vector<16xf32>,
        %parallel_loop3A_236 = arith.index_cast %parallel_loop3A_230 : i32 to index
        %parallel_loop3A_237 = tpu.vector_load %arg7[%parallel_loop3A_236] {strides = array<i32>} : memref<384xf32, #tpu.memory_space<vmem>>, vector<16xf32>,
        %parallel_loop3A_238 = arith.subf %parallel_loop3A_235, %parallel_loop3A_237 : vector<16xf32>
        %parallel_loop3A_239 = arith.index_cast %parallel_loop3A_230 : i32 to index
        %parallel_loop3A_240 = tpu.vector_load %arg8[%parallel_loop3A_239] {strides = array<i32>} : memref<256xf32, #tpu.memory_space<vmem>>, vector<16xf32>,
        tpu.vector_store %arg8[%parallel_loop3A_239], %parallel_loop3A_238 {strides = array<i32>} : memref<256xf32, #tpu.memory_space<vmem>>, vector<16xf32>,
      } {sc.loop_unroll_factor = 1 : i64, sc.parallel_access}
      %parallel_loop3A_163 = arith.constant 0 : i32
      %parallel_loop3A_164 = arith.constant 16 : i32
      %parallel_loop3A_165 = arith.constant 1 : i32
      scf.for %parallel_loop3A_227 = %parallel_loop3A_163 to %parallel_loop3A_164 step %parallel_loop3A_165  : i32 {
        %parallel_loop3A_228 = arith.constant 16 : i32
        %parallel_loop3A_229 = arith.muli %parallel_loop3A_227, %parallel_loop3A_228 : i32
        %parallel_loop3A_230 = tpu.assume_multiple %parallel_loop3A_229, 16 : i32
        %parallel_loop3A_231 = vector.broadcast %parallel_loop3A_230 : i32 to vector<16xi32>
        %parallel_loop3A_232 = arith.addi %iota3A, %parallel_loop3A_231 : vector<16xi32>
        %parallel_loop3A_233 = arith.sitofp %parallel_loop3A_232 : vector<16xi32> to vector<16xf32>
        %parallel_loop3A_234 = arith.index_cast %parallel_loop3A_230 : i32 to index
        %parallel_loop3A_235 = tpu.vector_load %arg7[%parallel_loop3A_234] {strides = array<i32>} : memref<384xf32, #tpu.memory_space<vmem>>, vector<16xf32>,
        %parallel_loop3A_236 = arith.index_cast %parallel_loop3A_230 : i32 to index
        %parallel_loop3A_237 = tpu.vector_load %arg8[%parallel_loop3A_236] {strides = array<i32>} : memref<256xf32, #tpu.memory_space<vmem>>, vector<16xf32>,
        %parallel_loop3A_238 = arith.mulf %parallel_loop3A_233, %parallel_loop3A_237 : vector<16xf32>
        %parallel_loop3A_239 = arith.subf %parallel_loop3A_235, %parallel_loop3A_238 : vector<16xf32>
        %parallel_loop3A_240 = arith.index_cast %parallel_loop3A_230 : i32 to index
        %parallel_loop3A_241 = tpu.vector_load %arg7[%parallel_loop3A_240] {strides = array<i32>} : memref<384xf32, #tpu.memory_space<vmem>>, vector<16xf32>,
        tpu.vector_store %arg7[%parallel_loop3A_240], %parallel_loop3A_239 {strides = array<i32>} : memref<384xf32, #tpu.memory_space<vmem>>, vector<16xf32>,
      } {sc.loop_unroll_factor = 1 : i64, sc.parallel_access}
      %lt3A_166 = arith.constant 11 : i32
      %lt3A_167 = arith.cmpi slt, %scan3A_45, %lt3A_166 : i32
      %convert_element_type3A_168 = arith.extui %lt3A_167 : i1 to i32
      %cond3A_169 = arith.constant 0 : i32
      %cond3A_170 = arith.cmpi ne, %convert_element_type3A_168, %cond3A_169 : i32
      scf.if %cond3A_170 {
        %add3A_227 = arith.constant 1 : i32
        %add3A_228 = arith.addi %add3A_139, %add3A_227 : i32
        %rem3A_229 = arith.constant 96 : i32
        %rem3A_230 = arith.remsi %add3A_228, %rem3A_229 : i32
        %mul3A_231 = arith.constant 256 : i32
        %mul3A_232 = arith.muli %rem3A_230, %mul3A_231 : i32
        %multiple_of3A_233 = tpu.assume_multiple %mul3A_232, 256 : i32
        %dma_start3A_234 = tpu.memref_slice %arg3[%multiple_of3A_233] : memref<24576xf32, #tpu.memory_space<hbm>> -> memref<256xf32, #tpu.memory_space<hbm>>
        %dma_start3A_235 = tpu.memref_slice %arg3[%multiple_of3A_233] : memref<24576xf32, #tpu.memory_space<hbm>> -> memref<256xf32, #tpu.memory_space<hbm>>
        tpu.enqueue_dma source(%dma_start3A_235 : memref<256xf32, #tpu.memory_space<hbm>>) target(%arg9 : memref<256xf32, #tpu.memory_space<vmem>>) target_semaphore(%arg21 : memref<!tpu.dma_semaphore, #tpu.memory_space<semaphore_mem>>)
      } else {
      }
      %dma_wait3A_171 = arith.constant 0 : i32
      %dma_wait3A_172 = arith.constant 0 : i32
      %dma_wait3A_173 = arith.constant 0 : i32
      %dma_wait3A_174 = tpu.memref_slice %arg2[%dma_wait3A_171, %dma_wait3A_172, %dma_wait3A_173] : memref<768x224x224xf32, #tpu.memory_space<hbm>> -> memref<1x112x224xf32, #tpu.memory_space<hbm>>
      %dma_wait3A_175 = tpu.memref_squeeze %dma_wait3A_174 : memref<1x112x224xf32, #tpu.memory_space<hbm>> -> memref<112x224xf32, #tpu.memory_space<hbm>>
      %dma_wait3A_176 = arith.constant 0 : i32
      %dma_wait3A_177 = arith.constant 0 : i32
      %dma_wait3A_178 = tpu.memref_slice %arg2[%dma_wait3A_171, %dma_wait3A_176, %dma_wait3A_177] : memref<768x224x224xf32, #tpu.memory_space<hbm>> -> memref<1x112x224xf32, #tpu.memory_space<hbm>>
      %dma_wait3A_179 = tpu.memref_squeeze %dma_wait3A_178 : memref<1x112x224xf32, #tpu.memory_space<hbm>> -> memref<112x224xf32, #tpu.memory_space<hbm>>
      tpu.wait_dma2 semaphore(%arg17 : memref<!tpu.dma_semaphore, #tpu.memory_space<semaphore_mem>>) src(%dma_wait3A_179 : memref<112x224xf32, #tpu.memory_space<hbm>>) dst(%arg13 : memref<112x224xf32, #tpu.memory_space<vmem>>)
      %ge3A_180 = arith.constant 1 : i32
      %ge3A_181 = arith.cmpi sge, %add3A_138, %ge3A_180 : i32
      %convert_element_type3A_182 = arith.extui %ge3A_181 : i1 to i32
      %cond3A_183 = arith.constant 0 : i32
      %cond3A_184 = arith.cmpi ne, %convert_element_type3A_182, %cond3A_183 : i32
      scf.if %cond3A_184 {
        %dma_wait3A_227 = arith.constant 0 : i32
        %dma_wait3A_228 = arith.constant 0 : i32
        %dma_wait3A_229 = arith.constant 0 : i32
        %dma_wait3A_230 = tpu.memref_slice %arg2[%dma_wait3A_227, %dma_wait3A_228, %dma_wait3A_229] : memref<768x224x224xf32, #tpu.memory_space<hbm>> -> memref<1x112x224xf32, #tpu.memory_space<hbm>>
        %dma_wait3A_231 = tpu.memref_squeeze %dma_wait3A_230 : memref<1x112x224xf32, #tpu.memory_space<hbm>> -> memref<112x224xf32, #tpu.memory_space<hbm>>
        %dma_wait3A_232 = arith.constant 0 : i32
        %dma_wait3A_233 = arith.constant 0 : i32
        %dma_wait3A_234 = tpu.memref_slice %arg2[%dma_wait3A_227, %dma_wait3A_232, %dma_wait3A_233] : memref<768x224x224xf32, #tpu.memory_space<hbm>> -> memref<1x112x224xf32, #tpu.memory_space<hbm>>
        %dma_wait3A_235 = tpu.memref_squeeze %dma_wait3A_234 : memref<1x112x224xf32, #tpu.memory_space<hbm>> -> memref<112x224xf32, #tpu.memory_space<hbm>>
        tpu.wait_dma2 semaphore(%arg19 : memref<!tpu.dma_semaphore, #tpu.memory_space<semaphore_mem>>) src(%dma_wait3A_235 : memref<112x224xf32, #tpu.memory_space<hbm>>) dst(%arg15 : memref<112x224xf32, #tpu.memory_space<vmem>>)
      } else {
      }
      %parallel_loop3A_185 = arith.constant 0 : i32
      %parallel_loop3A_186 = arith.constant 112 : i32
      %parallel_loop3A_187 = arith.constant 1 : i32
      scf.for %parallel_loop3A_227 = %parallel_loop3A_185 to %parallel_loop3A_186 step %parallel_loop3A_187  : i32 {
        %parallel_loop3A_228 = arith.index_cast %parallel_loop3A_227 : i32 to index
        %parallel_loop3A_229 = arith.constant 0 : index
        %parallel_loop3A_230 = tpu.vector_load %arg13[%parallel_loop3A_228, %parallel_loop3A_229] {strides = array<i32>} : memref<112x224xf32, #tpu.memory_space<vmem>>, vector<16xf32>,
        %parallel_loop3A_231 = arith.mulf %parallel_loop3A_230, %get3A_7 : vector<16xf32>
        %parallel_loop3A_232 = arith.subf %parallel_loop3A_231, %get3A_3 : vector<16xf32>
        %parallel_loop3A_233 = arith.maximumf %parallel_loop3A_232, %sub3A : vector<16xf32>
        %parallel_loop3A_234 = arith.minimumf %parallel_loop3A_233, %get3A_5 : vector<16xf32>
        %parallel_loop3A_235 = arith.fptosi %parallel_loop3A_234 : vector<16xf32> to vector<16xi32>
        %parallel_loop3A_236 = tpu.vector_load_idx %arg7[%parallel_loop3A_235] : memref<384xf32, #tpu.memory_space<vmem>>[vector<16xi32>], vector<16xf32>,
        %parallel_loop3A_237 = tpu.vector_load_idx %arg8[%parallel_loop3A_235] : memref<256xf32, #tpu.memory_space<vmem>>[vector<16xi32>], vector<16xf32>,
        %parallel_loop3A_238 = arith.mulf %parallel_loop3A_234, %parallel_loop3A_237 : vector<16xf32>
        %parallel_loop3A_239 = arith.addf %parallel_loop3A_236, %parallel_loop3A_238 : vector<16xf32>
        %parallel_loop3A_240 = arith.index_cast %parallel_loop3A_227 : i32 to index
        %parallel_loop3A_241 = arith.constant 0 : index
        %parallel_loop3A_242 = tpu.vector_load %arg15[%parallel_loop3A_240, %parallel_loop3A_241] {strides = array<i32>} : memref<112x224xf32, #tpu.memory_space<vmem>>, vector<16xf32>,
        tpu.vector_store %arg15[%parallel_loop3A_240, %parallel_loop3A_241], %parallel_loop3A_239 {strides = array<i32>} : memref<112x224xf32, #tpu.memory_space<vmem>>, vector<16xf32>,
        %parallel_loop3A_243 = arith.index_cast %parallel_loop3A_227 : i32 to index
        %parallel_loop3A_244 = arith.constant 16 : index
        %parallel_loop3A_245 = tpu.vector_load %arg13[%parallel_loop3A_243, %parallel_loop3A_244] {strides = array<i32>} : memref<112x224xf32, #tpu.memory_space<vmem>>, vector<16xf32>,
        %parallel_loop3A_246 = arith.mulf %parallel_loop3A_245, %get3A_7 : vector<16xf32>
        %parallel_loop3A_247 = arith.subf %parallel_loop3A_246, %get3A_3 : vector<16xf32>
        %parallel_loop3A_248 = arith.maximumf %parallel_loop3A_247, %sub3A : vector<16xf32>
        %parallel_loop3A_249 = arith.minimumf %parallel_loop3A_248, %get3A_5 : vector<16xf32>
        %parallel_loop3A_250 = arith.fptosi %parallel_loop3A_249 : vector<16xf32> to vector<16xi32>
        %parallel_loop3A_251 = tpu.vector_load_idx %arg7[%parallel_loop3A_250] : memref<384xf32, #tpu.memory_space<vmem>>[vector<16xi32>], vector<16xf32>,
        %parallel_loop3A_252 = tpu.vector_load_idx %arg8[%parallel_loop3A_250] : memref<256xf32, #tpu.memory_space<vmem>>[vector<16xi32>], vector<16xf32>,
        %parallel_loop3A_253 = arith.mulf %parallel_loop3A_249, %parallel_loop3A_252 : vector<16xf32>
        %parallel_loop3A_254 = arith.addf %parallel_loop3A_251, %parallel_loop3A_253 : vector<16xf32>
        %parallel_loop3A_255 = arith.index_cast %parallel_loop3A_227 : i32 to index
        %parallel_loop3A_256 = arith.constant 16 : index
        %parallel_loop3A_257 = tpu.vector_load %arg15[%parallel_loop3A_255, %parallel_loop3A_256] {strides = array<i32>} : memref<112x224xf32, #tpu.memory_space<vmem>>, vector<16xf32>,
        tpu.vector_store %arg15[%parallel_loop3A_255, %parallel_loop3A_256], %parallel_loop3A_254 {strides = array<i32>} : memref<112x224xf32, #tpu.memory_space<vmem>>, vector<16xf32>,
        %parallel_loop3A_258 = arith.index_cast %parallel_loop3A_227 : i32 to index
        %parallel_loop3A_259 = arith.constant 32 : index
        %parallel_loop3A_260 = tpu.vector_load %arg13[%parallel_loop3A_258, %parallel_loop3A_259] {strides = array<i32>} : memref<112x224xf32, #tpu.memory_space<vmem>>, vector<16xf32>,
        %parallel_loop3A_261 = arith.mulf %parallel_loop3A_260, %get3A_7 : vector<16xf32>
        %parallel_loop3A_262 = arith.subf %parallel_loop3A_261, %get3A_3 : vector<16xf32>
        %parallel_loop3A_263 = arith.maximumf %parallel_loop3A_262, %sub3A : vector<16xf32>
        %parallel_loop3A_264 = arith.minimumf %parallel_loop3A_263, %get3A_5 : vector<16xf32>
        %parallel_loop3A_265 = arith.fptosi %parallel_loop3A_264 : vector<16xf32> to vector<16xi32>
        %parallel_loop3A_266 = tpu.vector_load_idx %arg7[%parallel_loop3A_265] : memref<384xf32, #tpu.memory_space<vmem>>[vector<16xi32>], vector<16xf32>,
        %parallel_loop3A_267 = tpu.vector_load_idx %arg8[%parallel_loop3A_265] : memref<256xf32, #tpu.memory_space<vmem>>[vector<16xi32>], vector<16xf32>,
        %parallel_loop3A_268 = arith.mulf %parallel_loop3A_264, %parallel_loop3A_267 : vector<16xf32>
        %parallel_loop3A_269 = arith.addf %parallel_loop3A_266, %parallel_loop3A_268 : vector<16xf32>
        %parallel_loop3A_270 = arith.index_cast %parallel_loop3A_227 : i32 to index
        %parallel_loop3A_271 = arith.constant 32 : index
        %parallel_loop3A_272 = tpu.vector_load %arg15[%parallel_loop3A_270, %parallel_loop3A_271] {strides = array<i32>} : memref<112x224xf32, #tpu.memory_space<vmem>>, vector<16xf32>,
        tpu.vector_store %arg15[%parallel_loop3A_270, %parallel_loop3A_271], %parallel_loop3A_269 {strides = array<i32>} : memref<112x224xf32, #tpu.memory_space<vmem>>, vector<16xf32>,
        %parallel_loop3A_273 = arith.index_cast %parallel_loop3A_227 : i32 to index
        %parallel_loop3A_274 = arith.constant 48 : index
        %parallel_loop3A_275 = tpu.vector_load %arg13[%parallel_loop3A_273, %parallel_loop3A_274] {strides = array<i32>} : memref<112x224xf32, #tpu.memory_space<vmem>>, vector<16xf32>,
        %parallel_loop3A_276 = arith.mulf %parallel_loop3A_275, %get3A_7 : vector<16xf32>
        %parallel_loop3A_277 = arith.subf %parallel_loop3A_276, %get3A_3 : vector<16xf32>
        %parallel_loop3A_278 = arith.maximumf %parallel_loop3A_277, %sub3A : vector<16xf32>
        %parallel_loop3A_279 = arith.minimumf %parallel_loop3A_278, %get3A_5 : vector<16xf32>
        %parallel_loop3A_280 = arith.fptosi %parallel_loop3A_279 : vector<16xf32> to vector<16xi32>
        %parallel_loop3A_281 = tpu.vector_load_idx %arg7[%parallel_loop3A_280] : memref<384xf32, #tpu.memory_space<vmem>>[vector<16xi32>], vector<16xf32>,
        %parallel_loop3A_282 = tpu.vector_load_idx %arg8[%parallel_loop3A_280] : memref<256xf32, #tpu.memory_space<vmem>>[vector<16xi32>], vector<16xf32>,
        %parallel_loop3A_283 = arith.mulf %parallel_loop3A_279, %parallel_loop3A_282 : vector<16xf32>
        %parallel_loop3A_284 = arith.addf %parallel_loop3A_281, %parallel_loop3A_283 : vector<16xf32>
        %parallel_loop3A_285 = arith.index_cast %parallel_loop3A_227 : i32 to index
        %parallel_loop3A_286 = arith.constant 48 : index
        %parallel_loop3A_287 = tpu.vector_load %arg15[%parallel_loop3A_285, %parallel_loop3A_286] {strides = array<i32>} : memref<112x224xf32, #tpu.memory_space<vmem>>, vector<16xf32>,
        tpu.vector_store %arg15[%parallel_loop3A_285, %parallel_loop3A_286], %parallel_loop3A_284 {strides = array<i32>} : memref<112x224xf32, #tpu.memory_space<vmem>>, vector<16xf32>,
        %parallel_loop3A_288 = arith.index_cast %parallel_loop3A_227 : i32 to index
        %parallel_loop3A_289 = arith.constant 64 : index
        %parallel_loop3A_290 = tpu.vector_load %arg13[%parallel_loop3A_288, %parallel_loop3A_289] {strides = array<i32>} : memref<112x224xf32, #tpu.memory_space<vmem>>, vector<16xf32>,
        %parallel_loop3A_291 = arith.mulf %parallel_loop3A_290, %get3A_7 : vector<16xf32>
        %parallel_loop3A_292 = arith.subf %parallel_loop3A_291, %get3A_3 : vector<16xf32>
        %parallel_loop3A_293 = arith.maximumf %parallel_loop3A_292, %sub3A : vector<16xf32>
        %parallel_loop3A_294 = arith.minimumf %parallel_loop3A_293, %get3A_5 : vector<16xf32>
        %parallel_loop3A_295 = arith.fptosi %parallel_loop3A_294 : vector<16xf32> to vector<16xi32>
        %parallel_loop3A_296 = tpu.vector_load_idx %arg7[%parallel_loop3A_295] : memref<384xf32, #tpu.memory_space<vmem>>[vector<16xi32>], vector<16xf32>,
        %parallel_loop3A_297 = tpu.vector_load_idx %arg8[%parallel_loop3A_295] : memref<256xf32, #tpu.memory_space<vmem>>[vector<16xi32>], vector<16xf32>,
        %parallel_loop3A_298 = arith.mulf %parallel_loop3A_294, %parallel_loop3A_297 : vector<16xf32>
        %parallel_loop3A_299 = arith.addf %parallel_loop3A_296, %parallel_loop3A_298 : vector<16xf32>
        %parallel_loop3A_300 = arith.index_cast %parallel_loop3A_227 : i32 to index
        %parallel_loop3A_301 = arith.constant 64 : index
        %parallel_loop3A_302 = tpu.vector_load %arg15[%parallel_loop3A_300, %parallel_loop3A_301] {strides = array<i32>} : memref<112x224xf32, #tpu.memory_space<vmem>>, vector<16xf32>,
        tpu.vector_store %arg15[%parallel_loop3A_300, %parallel_loop3A_301], %parallel_loop3A_299 {strides = array<i32>} : memref<112x224xf32, #tpu.memory_space<vmem>>, vector<16xf32>,
        %parallel_loop3A_303 = arith.index_cast %parallel_loop3A_227 : i32 to index
        %parallel_loop3A_304 = arith.constant 80 : index
        %parallel_loop3A_305 = tpu.vector_load %arg13[%parallel_loop3A_303, %parallel_loop3A_304] {strides = array<i32>} : memref<112x224xf32, #tpu.memory_space<vmem>>, vector<16xf32>,
        %parallel_loop3A_306 = arith.mulf %parallel_loop3A_305, %get3A_7 : vector<16xf32>
        %parallel_loop3A_307 = arith.subf %parallel_loop3A_306, %get3A_3 : vector<16xf32>
        %parallel_loop3A_308 = arith.maximumf %parallel_loop3A_307, %sub3A : vector<16xf32>
        %parallel_loop3A_309 = arith.minimumf %parallel_loop3A_308, %get3A_5 : vector<16xf32>
        %parallel_loop3A_310 = arith.fptosi %parallel_loop3A_309 : vector<16xf32> to vector<16xi32>
        %parallel_loop3A_311 = tpu.vector_load_idx %arg7[%parallel_loop3A_310] : memref<384xf32, #tpu.memory_space<vmem>>[vector<16xi32>], vector<16xf32>,
        %parallel_loop3A_312 = tpu.vector_load_idx %arg8[%parallel_loop3A_310] : memref<256xf32, #tpu.memory_space<vmem>>[vector<16xi32>], vector<16xf32>,
        %parallel_loop3A_313 = arith.mulf %parallel_loop3A_309, %parallel_loop3A_312 : vector<16xf32>
        %parallel_loop3A_314 = arith.addf %parallel_loop3A_311, %parallel_loop3A_313 : vector<16xf32>
        %parallel_loop3A_315 = arith.index_cast %parallel_loop3A_227 : i32 to index
        %parallel_loop3A_316 = arith.constant 80 : index
        %parallel_loop3A_317 = tpu.vector_load %arg15[%parallel_loop3A_315, %parallel_loop3A_316] {strides = array<i32>} : memref<112x224xf32, #tpu.memory_space<vmem>>, vector<16xf32>,
        tpu.vector_store %arg15[%parallel_loop3A_315, %parallel_loop3A_316], %parallel_loop3A_314 {strides = array<i32>} : memref<112x224xf32, #tpu.memory_space<vmem>>, vector<16xf32>,
        %parallel_loop3A_318 = arith.index_cast %parallel_loop3A_227 : i32 to index
        %parallel_loop3A_319 = arith.constant 96 : index
        %parallel_loop3A_320 = tpu.vector_load %arg13[%parallel_loop3A_318, %parallel_loop3A_319] {strides = array<i32>} : memref<112x224xf32, #tpu.memory_space<vmem>>, vector<16xf32>,
        %parallel_loop3A_321 = arith.mulf %parallel_loop3A_320, %get3A_7 : vector<16xf32>
        %parallel_loop3A_322 = arith.subf %parallel_loop3A_321, %get3A_3 : vector<16xf32>
        %parallel_loop3A_323 = arith.maximumf %parallel_loop3A_322, %sub3A : vector<16xf32>
        %parallel_loop3A_324 = arith.minimumf %parallel_loop3A_323, %get3A_5 : vector<16xf32>
        %parallel_loop3A_325 = arith.fptosi %parallel_loop3A_324 : vector<16xf32> to vector<16xi32>
        %parallel_loop3A_326 = tpu.vector_load_idx %arg7[%parallel_loop3A_325] : memref<384xf32, #tpu.memory_space<vmem>>[vector<16xi32>], vector<16xf32>,
        %parallel_loop3A_327 = tpu.vector_load_idx %arg8[%parallel_loop3A_325] : memref<256xf32, #tpu.memory_space<vmem>>[vector<16xi32>], vector<16xf32>,
        %parallel_loop3A_328 = arith.mulf %parallel_loop3A_324, %parallel_loop3A_327 : vector<16xf32>
        %parallel_loop3A_329 = arith.addf %parallel_loop3A_326, %parallel_loop3A_328 : vector<16xf32>
        %parallel_loop3A_330 = arith.index_cast %parallel_loop3A_227 : i32 to index
        %parallel_loop3A_331 = arith.constant 96 : index
        %parallel_loop3A_332 = tpu.vector_load %arg15[%parallel_loop3A_330, %parallel_loop3A_331] {strides = array<i32>} : memref<112x224xf32, #tpu.memory_space<vmem>>, vector<16xf32>,
        tpu.vector_store %arg15[%parallel_loop3A_330, %parallel_loop3A_331], %parallel_loop3A_329 {strides = array<i32>} : memref<112x224xf32, #tpu.memory_space<vmem>>, vector<16xf32>,
        %parallel_loop3A_333 = arith.index_cast %parallel_loop3A_227 : i32 to index
        %parallel_loop3A_334 = arith.constant 112 : index
        %parallel_loop3A_335 = tpu.vector_load %arg13[%parallel_loop3A_333, %parallel_loop3A_334] {strides = array<i32>} : memref<112x224xf32, #tpu.memory_space<vmem>>, vector<16xf32>,
        %parallel_loop3A_336 = arith.mulf %parallel_loop3A_335, %get3A_7 : vector<16xf32>
        %parallel_loop3A_337 = arith.subf %parallel_loop3A_336, %get3A_3 : vector<16xf32>
        %parallel_loop3A_338 = arith.maximumf %parallel_loop3A_337, %sub3A : vector<16xf32>
        %parallel_loop3A_339 = arith.minimumf %parallel_loop3A_338, %get3A_5 : vector<16xf32>
        %parallel_loop3A_340 = arith.fptosi %parallel_loop3A_339 : vector<16xf32> to vector<16xi32>
        %parallel_loop3A_341 = tpu.vector_load_idx %arg7[%parallel_loop3A_340] : memref<384xf32, #tpu.memory_space<vmem>>[vector<16xi32>], vector<16xf32>,
        %parallel_loop3A_342 = tpu.vector_load_idx %arg8[%parallel_loop3A_340] : memref<256xf32, #tpu.memory_space<vmem>>[vector<16xi32>], vector<16xf32>,
        %parallel_loop3A_343 = arith.mulf %parallel_loop3A_339, %parallel_loop3A_342 : vector<16xf32>
        %parallel_loop3A_344 = arith.addf %parallel_loop3A_341, %parallel_loop3A_343 : vector<16xf32>
        %parallel_loop3A_345 = arith.index_cast %parallel_loop3A_227 : i32 to index
        %parallel_loop3A_346 = arith.constant 112 : index
        %parallel_loop3A_347 = tpu.vector_load %arg15[%parallel_loop3A_345, %parallel_loop3A_346] {strides = array<i32>} : memref<112x224xf32, #tpu.memory_space<vmem>>, vector<16xf32>,
        tpu.vector_store %arg15[%parallel_loop3A_345, %parallel_loop3A_346], %parallel_loop3A_344 {strides = array<i32>} : memref<112x224xf32, #tpu.memory_space<vmem>>, vector<16xf32>,
        %parallel_loop3A_348 = arith.index_cast %parallel_loop3A_227 : i32 to index
        %parallel_loop3A_349 = arith.constant 128 : index
        %parallel_loop3A_350 = tpu.vector_load %arg13[%parallel_loop3A_348, %parallel_loop3A_349] {strides = array<i32>} : memref<112x224xf32, #tpu.memory_space<vmem>>, vector<16xf32>,
        %parallel_loop3A_351 = arith.mulf %parallel_loop3A_350, %get3A_7 : vector<16xf32>
        %parallel_loop3A_352 = arith.subf %parallel_loop3A_351, %get3A_3 : vector<16xf32>
        %parallel_loop3A_353 = arith.maximumf %parallel_loop3A_352, %sub3A : vector<16xf32>
        %parallel_loop3A_354 = arith.minimumf %parallel_loop3A_353, %get3A_5 : vector<16xf32>
        %parallel_loop3A_355 = arith.fptosi %parallel_loop3A_354 : vector<16xf32> to vector<16xi32>
        %parallel_loop3A_356 = tpu.vector_load_idx %arg7[%parallel_loop3A_355] : memref<384xf32, #tpu.memory_space<vmem>>[vector<16xi32>], vector<16xf32>,
        %parallel_loop3A_357 = tpu.vector_load_idx %arg8[%parallel_loop3A_355] : memref<256xf32, #tpu.memory_space<vmem>>[vector<16xi32>], vector<16xf32>,
        %parallel_loop3A_358 = arith.mulf %parallel_loop3A_354, %parallel_loop3A_357 : vector<16xf32>
        %parallel_loop3A_359 = arith.addf %parallel_loop3A_356, %parallel_loop3A_358 : vector<16xf32>
        %parallel_loop3A_360 = arith.index_cast %parallel_loop3A_227 : i32 to index
        %parallel_loop3A_361 = arith.constant 128 : index
        %parallel_loop3A_362 = tpu.vector_load %arg15[%parallel_loop3A_360, %parallel_loop3A_361] {strides = array<i32>} : memref<112x224xf32, #tpu.memory_space<vmem>>, vector<16xf32>,
        tpu.vector_store %arg15[%parallel_loop3A_360, %parallel_loop3A_361], %parallel_loop3A_359 {strides = array<i32>} : memref<112x224xf32, #tpu.memory_space<vmem>>, vector<16xf32>,
        %parallel_loop3A_363 = arith.index_cast %parallel_loop3A_227 : i32 to index
        %parallel_loop3A_364 = arith.constant 144 : index
        %parallel_loop3A_365 = tpu.vector_load %arg13[%parallel_loop3A_363, %parallel_loop3A_364] {strides = array<i32>} : memref<112x224xf32, #tpu.memory_space<vmem>>, vector<16xf32>,
        %parallel_loop3A_366 = arith.mulf %parallel_loop3A_365, %get3A_7 : vector<16xf32>
        %parallel_loop3A_367 = arith.subf %parallel_loop3A_366, %get3A_3 : vector<16xf32>
        %parallel_loop3A_368 = arith.maximumf %parallel_loop3A_367, %sub3A : vector<16xf32>
        %parallel_loop3A_369 = arith.minimumf %parallel_loop3A_368, %get3A_5 : vector<16xf32>
        %parallel_loop3A_370 = arith.fptosi %parallel_loop3A_369 : vector<16xf32> to vector<16xi32>
        %parallel_loop3A_371 = tpu.vector_load_idx %arg7[%parallel_loop3A_370] : memref<384xf32, #tpu.memory_space<vmem>>[vector<16xi32>], vector<16xf32>,
        %parallel_loop3A_372 = tpu.vector_load_idx %arg8[%parallel_loop3A_370] : memref<256xf32, #tpu.memory_space<vmem>>[vector<16xi32>], vector<16xf32>,
        %parallel_loop3A_373 = arith.mulf %parallel_loop3A_369, %parallel_loop3A_372 : vector<16xf32>
        %parallel_loop3A_374 = arith.addf %parallel_loop3A_371, %parallel_loop3A_373 : vector<16xf32>
        %parallel_loop3A_375 = arith.index_cast %parallel_loop3A_227 : i32 to index
        %parallel_loop3A_376 = arith.constant 144 : index
        %parallel_loop3A_377 = tpu.vector_load %arg15[%parallel_loop3A_375, %parallel_loop3A_376] {strides = array<i32>} : memref<112x224xf32, #tpu.memory_space<vmem>>, vector<16xf32>,
        tpu.vector_store %arg15[%parallel_loop3A_375, %parallel_loop3A_376], %parallel_loop3A_374 {strides = array<i32>} : memref<112x224xf32, #tpu.memory_space<vmem>>, vector<16xf32>,
        %parallel_loop3A_378 = arith.index_cast %parallel_loop3A_227 : i32 to index
        %parallel_loop3A_379 = arith.constant 160 : index
        %parallel_loop3A_380 = tpu.vector_load %arg13[%parallel_loop3A_378, %parallel_loop3A_379] {strides = array<i32>} : memref<112x224xf32, #tpu.memory_space<vmem>>, vector<16xf32>,
        %parallel_loop3A_381 = arith.mulf %parallel_loop3A_380, %get3A_7 : vector<16xf32>
        %parallel_loop3A_382 = arith.subf %parallel_loop3A_381, %get3A_3 : vector<16xf32>
        %parallel_loop3A_383 = arith.maximumf %parallel_loop3A_382, %sub3A : vector<16xf32>
        %parallel_loop3A_384 = arith.minimumf %parallel_loop3A_383, %get3A_5 : vector<16xf32>
        %parallel_loop3A_385 = arith.fptosi %parallel_loop3A_384 : vector<16xf32> to vector<16xi32>
        %parallel_loop3A_386 = tpu.vector_load_idx %arg7[%parallel_loop3A_385] : memref<384xf32, #tpu.memory_space<vmem>>[vector<16xi32>], vector<16xf32>,
        %parallel_loop3A_387 = tpu.vector_load_idx %arg8[%parallel_loop3A_385] : memref<256xf32, #tpu.memory_space<vmem>>[vector<16xi32>], vector<16xf32>,
        %parallel_loop3A_388 = arith.mulf %parallel_loop3A_384, %parallel_loop3A_387 : vector<16xf32>
        %parallel_loop3A_389 = arith.addf %parallel_loop3A_386, %parallel_loop3A_388 : vector<16xf32>
        %parallel_loop3A_390 = arith.index_cast %parallel_loop3A_227 : i32 to index
        %parallel_loop3A_391 = arith.constant 160 : index
        %parallel_loop3A_392 = tpu.vector_load %arg15[%parallel_loop3A_390, %parallel_loop3A_391] {strides = array<i32>} : memref<112x224xf32, #tpu.memory_space<vmem>>, vector<16xf32>,
        tpu.vector_store %arg15[%parallel_loop3A_390, %parallel_loop3A_391], %parallel_loop3A_389 {strides = array<i32>} : memref<112x224xf32, #tpu.memory_space<vmem>>, vector<16xf32>,
        %parallel_loop3A_393 = arith.index_cast %parallel_loop3A_227 : i32 to index
        %parallel_loop3A_394 = arith.constant 176 : index
        %parallel_loop3A_395 = tpu.vector_load %arg13[%parallel_loop3A_393, %parallel_loop3A_394] {strides = array<i32>} : memref<112x224xf32, #tpu.memory_space<vmem>>, vector<16xf32>,
        %parallel_loop3A_396 = arith.mulf %parallel_loop3A_395, %get3A_7 : vector<16xf32>
        %parallel_loop3A_397 = arith.subf %parallel_loop3A_396, %get3A_3 : vector<16xf32>
        %parallel_loop3A_398 = arith.maximumf %parallel_loop3A_397, %sub3A : vector<16xf32>
        %parallel_loop3A_399 = arith.minimumf %parallel_loop3A_398, %get3A_5 : vector<16xf32>
        %parallel_loop3A_400 = arith.fptosi %parallel_loop3A_399 : vector<16xf32> to vector<16xi32>
        %parallel_loop3A_401 = tpu.vector_load_idx %arg7[%parallel_loop3A_400] : memref<384xf32, #tpu.memory_space<vmem>>[vector<16xi32>], vector<16xf32>,
        %parallel_loop3A_402 = tpu.vector_load_idx %arg8[%parallel_loop3A_400] : memref<256xf32, #tpu.memory_space<vmem>>[vector<16xi32>], vector<16xf32>,
        %parallel_loop3A_403 = arith.mulf %parallel_loop3A_399, %parallel_loop3A_402 : vector<16xf32>
        %parallel_loop3A_404 = arith.addf %parallel_loop3A_401, %parallel_loop3A_403 : vector<16xf32>
        %parallel_loop3A_405 = arith.index_cast %parallel_loop3A_227 : i32 to index
        %parallel_loop3A_406 = arith.constant 176 : index
        %parallel_loop3A_407 = tpu.vector_load %arg15[%parallel_loop3A_405, %parallel_loop3A_406] {strides = array<i32>} : memref<112x224xf32, #tpu.memory_space<vmem>>, vector<16xf32>,
        tpu.vector_store %arg15[%parallel_loop3A_405, %parallel_loop3A_406], %parallel_loop3A_404 {strides = array<i32>} : memref<112x224xf32, #tpu.memory_space<vmem>>, vector<16xf32>,
        %parallel_loop3A_408 = arith.index_cast %parallel_loop3A_227 : i32 to index
        %parallel_loop3A_409 = arith.constant 192 : index
        %parallel_loop3A_410 = tpu.vector_load %arg13[%parallel_loop3A_408, %parallel_loop3A_409] {strides = array<i32>} : memref<112x224xf32, #tpu.memory_space<vmem>>, vector<16xf32>,
        %parallel_loop3A_411 = arith.mulf %parallel_loop3A_410, %get3A_7 : vector<16xf32>
        %parallel_loop3A_412 = arith.subf %parallel_loop3A_411, %get3A_3 : vector<16xf32>
        %parallel_loop3A_413 = arith.maximumf %parallel_loop3A_412, %sub3A : vector<16xf32>
        %parallel_loop3A_414 = arith.minimumf %parallel_loop3A_413, %get3A_5 : vector<16xf32>
        %parallel_loop3A_415 = arith.fptosi %parallel_loop3A_414 : vector<16xf32> to vector<16xi32>
        %parallel_loop3A_416 = tpu.vector_load_idx %arg7[%parallel_loop3A_415] : memref<384xf32, #tpu.memory_space<vmem>>[vector<16xi32>], vector<16xf32>,
        %parallel_loop3A_417 = tpu.vector_load_idx %arg8[%parallel_loop3A_415] : memref<256xf32, #tpu.memory_space<vmem>>[vector<16xi32>], vector<16xf32>,
        %parallel_loop3A_418 = arith.mulf %parallel_loop3A_414, %parallel_loop3A_417 : vector<16xf32>
        %parallel_loop3A_419 = arith.addf %parallel_loop3A_416, %parallel_loop3A_418 : vector<16xf32>
        %parallel_loop3A_420 = arith.index_cast %parallel_loop3A_227 : i32 to index
        %parallel_loop3A_421 = arith.constant 192 : index
        %parallel_loop3A_422 = tpu.vector_load %arg15[%parallel_loop3A_420, %parallel_loop3A_421] {strides = array<i32>} : memref<112x224xf32, #tpu.memory_space<vmem>>, vector<16xf32>,
        tpu.vector_store %arg15[%parallel_loop3A_420, %parallel_loop3A_421], %parallel_loop3A_419 {strides = array<i32>} : memref<112x224xf32, #tpu.memory_space<vmem>>, vector<16xf32>,
        %parallel_loop3A_423 = arith.index_cast %parallel_loop3A_227 : i32 to index
        %parallel_loop3A_424 = arith.constant 208 : index
        %parallel_loop3A_425 = tpu.vector_load %arg13[%parallel_loop3A_423, %parallel_loop3A_424] {strides = array<i32>} : memref<112x224xf32, #tpu.memory_space<vmem>>, vector<16xf32>,
        %parallel_loop3A_426 = arith.mulf %parallel_loop3A_425, %get3A_7 : vector<16xf32>
        %parallel_loop3A_427 = arith.subf %parallel_loop3A_426, %get3A_3 : vector<16xf32>
        %parallel_loop3A_428 = arith.maximumf %parallel_loop3A_427, %sub3A : vector<16xf32>
        %parallel_loop3A_429 = arith.minimumf %parallel_loop3A_428, %get3A_5 : vector<16xf32>
        %parallel_loop3A_430 = arith.fptosi %parallel_loop3A_429 : vector<16xf32> to vector<16xi32>
        %parallel_loop3A_431 = tpu.vector_load_idx %arg7[%parallel_loop3A_430] : memref<384xf32, #tpu.memory_space<vmem>>[vector<16xi32>], vector<16xf32>,
        %parallel_loop3A_432 = tpu.vector_load_idx %arg8[%parallel_loop3A_430] : memref<256xf32, #tpu.memory_space<vmem>>[vector<16xi32>], vector<16xf32>,
        %parallel_loop3A_433 = arith.mulf %parallel_loop3A_429, %parallel_loop3A_432 : vector<16xf32>
        %parallel_loop3A_434 = arith.addf %parallel_loop3A_431, %parallel_loop3A_433 : vector<16xf32>
        %parallel_loop3A_435 = arith.index_cast %parallel_loop3A_227 : i32 to index
        %parallel_loop3A_436 = arith.constant 208 : index
        %parallel_loop3A_437 = tpu.vector_load %arg15[%parallel_loop3A_435, %parallel_loop3A_436] {strides = array<i32>} : memref<112x224xf32, #tpu.memory_space<vmem>>, vector<16xf32>,
        tpu.vector_store %arg15[%parallel_loop3A_435, %parallel_loop3A_436], %parallel_loop3A_434 {strides = array<i32>} : memref<112x224xf32, #tpu.memory_space<vmem>>, vector<16xf32>,
      } {sc.loop_unroll_factor = 1 : i64, sc.parallel_access}
      %dma_start3A_188 = arith.constant 0 : i32
      %dma_start3A_189 = arith.constant 0 : i32
      %dma_start3A_190 = tpu.memref_slice %arg6[%add3A_139, %dma_start3A_188, %dma_start3A_189] : memref<768x224x224xf32, #tpu.memory_space<hbm>> -> memref<1x112x224xf32, #tpu.memory_space<hbm>>
      %dma_start3A_191 = tpu.memref_squeeze %dma_start3A_190 : memref<1x112x224xf32, #tpu.memory_space<hbm>> -> memref<112x224xf32, #tpu.memory_space<hbm>>
      %dma_start3A_192 = arith.constant 0 : i32
      %dma_start3A_193 = arith.constant 0 : i32
      %dma_start3A_194 = tpu.memref_slice %arg6[%add3A_139, %dma_start3A_192, %dma_start3A_193] : memref<768x224x224xf32, #tpu.memory_space<hbm>> -> memref<1x112x224xf32, #tpu.memory_space<hbm>>
      %dma_start3A_195 = tpu.memref_squeeze %dma_start3A_194 : memref<1x112x224xf32, #tpu.memory_space<hbm>> -> memref<112x224xf32, #tpu.memory_space<hbm>>
      tpu.enqueue_dma source(%arg15 : memref<112x224xf32, #tpu.memory_space<vmem>>) target(%dma_start3A_195 : memref<112x224xf32, #tpu.memory_space<hbm>>) target_semaphore(%arg19 : memref<!tpu.dma_semaphore, #tpu.memory_space<semaphore_mem>>)
      %lt3A_196 = arith.constant 23 : i32
      %lt3A_197 = arith.cmpi slt, %add3A_138, %lt3A_196 : i32
      %convert_element_type3A_198 = arith.extui %lt3A_197 : i1 to i32
      %cond3A_199 = arith.constant 0 : i32
      %cond3A_200 = arith.cmpi ne, %convert_element_type3A_198, %cond3A_199 : i32
      scf.if %cond3A_200 {
        %add3A_227 = arith.constant 1 : i32
        %add3A_228 = arith.addi %add3A_139, %add3A_227 : i32
        %dma_start3A_229 = arith.constant 0 : i32
        %dma_start3A_230 = arith.constant 0 : i32
        %dma_start3A_231 = tpu.memref_slice %arg2[%add3A_228, %dma_start3A_229, %dma_start3A_230] : memref<768x224x224xf32, #tpu.memory_space<hbm>> -> memref<1x112x224xf32, #tpu.memory_space<hbm>>
        %dma_start3A_232 = tpu.memref_squeeze %dma_start3A_231 : memref<1x112x224xf32, #tpu.memory_space<hbm>> -> memref<112x224xf32, #tpu.memory_space<hbm>>
        %dma_start3A_233 = arith.constant 0 : i32
        %dma_start3A_234 = arith.constant 0 : i32
        %dma_start3A_235 = tpu.memref_slice %arg2[%add3A_228, %dma_start3A_233, %dma_start3A_234] : memref<768x224x224xf32, #tpu.memory_space<hbm>> -> memref<1x112x224xf32, #tpu.memory_space<hbm>>
        %dma_start3A_236 = tpu.memref_squeeze %dma_start3A_235 : memref<1x112x224xf32, #tpu.memory_space<hbm>> -> memref<112x224xf32, #tpu.memory_space<hbm>>
        tpu.enqueue_dma source(%dma_start3A_236 : memref<112x224xf32, #tpu.memory_space<hbm>>) target(%arg13 : memref<112x224xf32, #tpu.memory_space<vmem>>) target_semaphore(%arg17 : memref<!tpu.dma_semaphore, #tpu.memory_space<semaphore_mem>>)
      } else {
      }
      %dma_wait3A_201 = arith.constant 0 : i32
      %dma_wait3A_202 = arith.constant 0 : i32
      %dma_wait3A_203 = arith.constant 0 : i32
      %dma_wait3A_204 = tpu.memref_slice %arg2[%dma_wait3A_201, %dma_wait3A_202, %dma_wait3A_203] : memref<768x224x224xf32, #tpu.memory_space<hbm>> -> memref<1x112x224xf32, #tpu.memory_space<hbm>>
      %dma_wait3A_205 = tpu.memref_squeeze %dma_wait3A_204 : memref<1x112x224xf32, #tpu.memory_space<hbm>> -> memref<112x224xf32, #tpu.memory_space<hbm>>
      %dma_wait3A_206 = arith.constant 0 : i32
      %dma_wait3A_207 = arith.constant 0 : i32
      %dma_wait3A_208 = tpu.memref_slice %arg2[%dma_wait3A_201, %dma_wait3A_206, %dma_wait3A_207] : memref<768x224x224xf32, #tpu.memory_space<hbm>> -> memref<1x112x224xf32, #tpu.memory_space<hbm>>
      %dma_wait3A_209 = tpu.memref_squeeze %dma_wait3A_208 : memref<1x112x224xf32, #tpu.memory_space<hbm>> -> memref<112x224xf32, #tpu.memory_space<hbm>>
      tpu.wait_dma2 semaphore(%arg18 : memref<!tpu.dma_semaphore, #tpu.memory_space<semaphore_mem>>) src(%dma_wait3A_209 : memref<112x224xf32, #tpu.memory_space<hbm>>) dst(%arg14 : memref<112x224xf32, #tpu.memory_space<vmem>>)
      %ge3A_210 = arith.constant 1 : i32
      %ge3A_211 = arith.cmpi sge, %add3A_138, %ge3A_210 : i32
      %convert_element_type3A_212 = arith.extui %ge3A_211 : i1 to i32
      %cond3A_213 = arith.constant 0 : i32
      %cond3A_214 = arith.cmpi ne, %convert_element_type3A_212, %cond3A_213 : i32
      scf.if %cond3A_214 {
        %dma_wait3A_227 = arith.constant 0 : i32
        %dma_wait3A_228 = arith.constant 0 : i32
        %dma_wait3A_229 = arith.constant 0 : i32
        %dma_wait3A_230 = tpu.memref_slice %arg2[%dma_wait3A_227, %dma_wait3A_228, %dma_wait3A_229] : memref<768x224x224xf32, #tpu.memory_space<hbm>> -> memref<1x112x224xf32, #tpu.memory_space<hbm>>
        %dma_wait3A_231 = tpu.memref_squeeze %dma_wait3A_230 : memref<1x112x224xf32, #tpu.memory_space<hbm>> -> memref<112x224xf32, #tpu.memory_space<hbm>>
        %dma_wait3A_232 = arith.constant 0 : i32
        %dma_wait3A_233 = arith.constant 0 : i32
        %dma_wait3A_234 = tpu.memref_slice %arg2[%dma_wait3A_227, %dma_wait3A_232, %dma_wait3A_233] : memref<768x224x224xf32, #tpu.memory_space<hbm>> -> memref<1x112x224xf32, #tpu.memory_space<hbm>>
        %dma_wait3A_235 = tpu.memref_squeeze %dma_wait3A_234 : memref<1x112x224xf32, #tpu.memory_space<hbm>> -> memref<112x224xf32, #tpu.memory_space<hbm>>
        tpu.wait_dma2 semaphore(%arg20 : memref<!tpu.dma_semaphore, #tpu.memory_space<semaphore_mem>>) src(%dma_wait3A_235 : memref<112x224xf32, #tpu.memory_space<hbm>>) dst(%arg16 : memref<112x224xf32, #tpu.memory_space<vmem>>)
      } else {
      }
      %parallel_loop3A_215 = arith.constant 0 : i32
      %parallel_loop3A_216 = arith.constant 112 : i32
      %parallel_loop3A_217 = arith.constant 1 : i32
      scf.for %parallel_loop3A_227 = %parallel_loop3A_215 to %parallel_loop3A_216 step %parallel_loop3A_217  : i32 {
        %parallel_loop3A_228 = arith.index_cast %parallel_loop3A_227 : i32 to index
        %parallel_loop3A_229 = arith.constant 0 : index
        %parallel_loop3A_230 = tpu.vector_load %arg14[%parallel_loop3A_228, %parallel_loop3A_229] {strides = array<i32>} : memref<112x224xf32, #tpu.memory_space<vmem>>, vector<16xf32>,
        %parallel_loop3A_231 = arith.mulf %parallel_loop3A_230, %get3A_7 : vector<16xf32>
        %parallel_loop3A_232 = arith.subf %parallel_loop3A_231, %get3A_3 : vector<16xf32>
        %parallel_loop3A_233 = arith.maximumf %parallel_loop3A_232, %sub3A : vector<16xf32>
        %parallel_loop3A_234 = arith.minimumf %parallel_loop3A_233, %get3A_5 : vector<16xf32>
        %parallel_loop3A_235 = arith.fptosi %parallel_loop3A_234 : vector<16xf32> to vector<16xi32>
        %parallel_loop3A_236 = tpu.vector_load_idx %arg7[%parallel_loop3A_235] : memref<384xf32, #tpu.memory_space<vmem>>[vector<16xi32>], vector<16xf32>,
        %parallel_loop3A_237 = tpu.vector_load_idx %arg8[%parallel_loop3A_235] : memref<256xf32, #tpu.memory_space<vmem>>[vector<16xi32>], vector<16xf32>,
        %parallel_loop3A_238 = arith.mulf %parallel_loop3A_234, %parallel_loop3A_237 : vector<16xf32>
        %parallel_loop3A_239 = arith.addf %parallel_loop3A_236, %parallel_loop3A_238 : vector<16xf32>
        %parallel_loop3A_240 = arith.index_cast %parallel_loop3A_227 : i32 to index
        %parallel_loop3A_241 = arith.constant 0 : index
        %parallel_loop3A_242 = tpu.vector_load %arg16[%parallel_loop3A_240, %parallel_loop3A_241] {strides = array<i32>} : memref<112x224xf32, #tpu.memory_space<vmem>>, vector<16xf32>,
        tpu.vector_store %arg16[%parallel_loop3A_240, %parallel_loop3A_241], %parallel_loop3A_239 {strides = array<i32>} : memref<112x224xf32, #tpu.memory_space<vmem>>, vector<16xf32>,
        %parallel_loop3A_243 = arith.index_cast %parallel_loop3A_227 : i32 to index
        %parallel_loop3A_244 = arith.constant 16 : index
        %parallel_loop3A_245 = tpu.vector_load %arg14[%parallel_loop3A_243, %parallel_loop3A_244] {strides = array<i32>} : memref<112x224xf32, #tpu.memory_space<vmem>>, vector<16xf32>,
        %parallel_loop3A_246 = arith.mulf %parallel_loop3A_245, %get3A_7 : vector<16xf32>
        %parallel_loop3A_247 = arith.subf %parallel_loop3A_246, %get3A_3 : vector<16xf32>
        %parallel_loop3A_248 = arith.maximumf %parallel_loop3A_247, %sub3A : vector<16xf32>
        %parallel_loop3A_249 = arith.minimumf %parallel_loop3A_248, %get3A_5 : vector<16xf32>
        %parallel_loop3A_250 = arith.fptosi %parallel_loop3A_249 : vector<16xf32> to vector<16xi32>
        %parallel_loop3A_251 = tpu.vector_load_idx %arg7[%parallel_loop3A_250] : memref<384xf32, #tpu.memory_space<vmem>>[vector<16xi32>], vector<16xf32>,
        %parallel_loop3A_252 = tpu.vector_load_idx %arg8[%parallel_loop3A_250] : memref<256xf32, #tpu.memory_space<vmem>>[vector<16xi32>], vector<16xf32>,
        %parallel_loop3A_253 = arith.mulf %parallel_loop3A_249, %parallel_loop3A_252 : vector<16xf32>
        %parallel_loop3A_254 = arith.addf %parallel_loop3A_251, %parallel_loop3A_253 : vector<16xf32>
        %parallel_loop3A_255 = arith.index_cast %parallel_loop3A_227 : i32 to index
        %parallel_loop3A_256 = arith.constant 16 : index
        %parallel_loop3A_257 = tpu.vector_load %arg16[%parallel_loop3A_255, %parallel_loop3A_256] {strides = array<i32>} : memref<112x224xf32, #tpu.memory_space<vmem>>, vector<16xf32>,
        tpu.vector_store %arg16[%parallel_loop3A_255, %parallel_loop3A_256], %parallel_loop3A_254 {strides = array<i32>} : memref<112x224xf32, #tpu.memory_space<vmem>>, vector<16xf32>,
        %parallel_loop3A_258 = arith.index_cast %parallel_loop3A_227 : i32 to index
        %parallel_loop3A_259 = arith.constant 32 : index
        %parallel_loop3A_260 = tpu.vector_load %arg14[%parallel_loop3A_258, %parallel_loop3A_259] {strides = array<i32>} : memref<112x224xf32, #tpu.memory_space<vmem>>, vector<16xf32>,
        %parallel_loop3A_261 = arith.mulf %parallel_loop3A_260, %get3A_7 : vector<16xf32>
        %parallel_loop3A_262 = arith.subf %parallel_loop3A_261, %get3A_3 : vector<16xf32>
        %parallel_loop3A_263 = arith.maximumf %parallel_loop3A_262, %sub3A : vector<16xf32>
        %parallel_loop3A_264 = arith.minimumf %parallel_loop3A_263, %get3A_5 : vector<16xf32>
        %parallel_loop3A_265 = arith.fptosi %parallel_loop3A_264 : vector<16xf32> to vector<16xi32>
        %parallel_loop3A_266 = tpu.vector_load_idx %arg7[%parallel_loop3A_265] : memref<384xf32, #tpu.memory_space<vmem>>[vector<16xi32>], vector<16xf32>,
        %parallel_loop3A_267 = tpu.vector_load_idx %arg8[%parallel_loop3A_265] : memref<256xf32, #tpu.memory_space<vmem>>[vector<16xi32>], vector<16xf32>,
        %parallel_loop3A_268 = arith.mulf %parallel_loop3A_264, %parallel_loop3A_267 : vector<16xf32>
        %parallel_loop3A_269 = arith.addf %parallel_loop3A_266, %parallel_loop3A_268 : vector<16xf32>
        %parallel_loop3A_270 = arith.index_cast %parallel_loop3A_227 : i32 to index
        %parallel_loop3A_271 = arith.constant 32 : index
        %parallel_loop3A_272 = tpu.vector_load %arg16[%parallel_loop3A_270, %parallel_loop3A_271] {strides = array<i32>} : memref<112x224xf32, #tpu.memory_space<vmem>>, vector<16xf32>,
        tpu.vector_store %arg16[%parallel_loop3A_270, %parallel_loop3A_271], %parallel_loop3A_269 {strides = array<i32>} : memref<112x224xf32, #tpu.memory_space<vmem>>, vector<16xf32>,
        %parallel_loop3A_273 = arith.index_cast %parallel_loop3A_227 : i32 to index
        %parallel_loop3A_274 = arith.constant 48 : index
        %parallel_loop3A_275 = tpu.vector_load %arg14[%parallel_loop3A_273, %parallel_loop3A_274] {strides = array<i32>} : memref<112x224xf32, #tpu.memory_space<vmem>>, vector<16xf32>,
        %parallel_loop3A_276 = arith.mulf %parallel_loop3A_275, %get3A_7 : vector<16xf32>
        %parallel_loop3A_277 = arith.subf %parallel_loop3A_276, %get3A_3 : vector<16xf32>
        %parallel_loop3A_278 = arith.maximumf %parallel_loop3A_277, %sub3A : vector<16xf32>
        %parallel_loop3A_279 = arith.minimumf %parallel_loop3A_278, %get3A_5 : vector<16xf32>
        %parallel_loop3A_280 = arith.fptosi %parallel_loop3A_279 : vector<16xf32> to vector<16xi32>
        %parallel_loop3A_281 = tpu.vector_load_idx %arg7[%parallel_loop3A_280] : memref<384xf32, #tpu.memory_space<vmem>>[vector<16xi32>], vector<16xf32>,
        %parallel_loop3A_282 = tpu.vector_load_idx %arg8[%parallel_loop3A_280] : memref<256xf32, #tpu.memory_space<vmem>>[vector<16xi32>], vector<16xf32>,
        %parallel_loop3A_283 = arith.mulf %parallel_loop3A_279, %parallel_loop3A_282 : vector<16xf32>
        %parallel_loop3A_284 = arith.addf %parallel_loop3A_281, %parallel_loop3A_283 : vector<16xf32>
        %parallel_loop3A_285 = arith.index_cast %parallel_loop3A_227 : i32 to index
        %parallel_loop3A_286 = arith.constant 48 : index
        %parallel_loop3A_287 = tpu.vector_load %arg16[%parallel_loop3A_285, %parallel_loop3A_286] {strides = array<i32>} : memref<112x224xf32, #tpu.memory_space<vmem>>, vector<16xf32>,
        tpu.vector_store %arg16[%parallel_loop3A_285, %parallel_loop3A_286], %parallel_loop3A_284 {strides = array<i32>} : memref<112x224xf32, #tpu.memory_space<vmem>>, vector<16xf32>,
        %parallel_loop3A_288 = arith.index_cast %parallel_loop3A_227 : i32 to index
        %parallel_loop3A_289 = arith.constant 64 : index
        %parallel_loop3A_290 = tpu.vector_load %arg14[%parallel_loop3A_288, %parallel_loop3A_289] {strides = array<i32>} : memref<112x224xf32, #tpu.memory_space<vmem>>, vector<16xf32>,
        %parallel_loop3A_291 = arith.mulf %parallel_loop3A_290, %get3A_7 : vector<16xf32>
        %parallel_loop3A_292 = arith.subf %parallel_loop3A_291, %get3A_3 : vector<16xf32>
        %parallel_loop3A_293 = arith.maximumf %parallel_loop3A_292, %sub3A : vector<16xf32>
        %parallel_loop3A_294 = arith.minimumf %parallel_loop3A_293, %get3A_5 : vector<16xf32>
        %parallel_loop3A_295 = arith.fptosi %parallel_loop3A_294 : vector<16xf32> to vector<16xi32>
        %parallel_loop3A_296 = tpu.vector_load_idx %arg7[%parallel_loop3A_295] : memref<384xf32, #tpu.memory_space<vmem>>[vector<16xi32>], vector<16xf32>,
        %parallel_loop3A_297 = tpu.vector_load_idx %arg8[%parallel_loop3A_295] : memref<256xf32, #tpu.memory_space<vmem>>[vector<16xi32>], vector<16xf32>,
        %parallel_loop3A_298 = arith.mulf %parallel_loop3A_294, %parallel_loop3A_297 : vector<16xf32>
        %parallel_loop3A_299 = arith.addf %parallel_loop3A_296, %parallel_loop3A_298 : vector<16xf32>
        %parallel_loop3A_300 = arith.index_cast %parallel_loop3A_227 : i32 to index
        %parallel_loop3A_301 = arith.constant 64 : index
        %parallel_loop3A_302 = tpu.vector_load %arg16[%parallel_loop3A_300, %parallel_loop3A_301] {strides = array<i32>} : memref<112x224xf32, #tpu.memory_space<vmem>>, vector<16xf32>,
        tpu.vector_store %arg16[%parallel_loop3A_300, %parallel_loop3A_301], %parallel_loop3A_299 {strides = array<i32>} : memref<112x224xf32, #tpu.memory_space<vmem>>, vector<16xf32>,
        %parallel_loop3A_303 = arith.index_cast %parallel_loop3A_227 : i32 to index
        %parallel_loop3A_304 = arith.constant 80 : index
        %parallel_loop3A_305 = tpu.vector_load %arg14[%parallel_loop3A_303, %parallel_loop3A_304] {strides = array<i32>} : memref<112x224xf32, #tpu.memory_space<vmem>>, vector<16xf32>,
        %parallel_loop3A_306 = arith.mulf %parallel_loop3A_305, %get3A_7 : vector<16xf32>
        %parallel_loop3A_307 = arith.subf %parallel_loop3A_306, %get3A_3 : vector<16xf32>
        %parallel_loop3A_308 = arith.maximumf %parallel_loop3A_307, %sub3A : vector<16xf32>
        %parallel_loop3A_309 = arith.minimumf %parallel_loop3A_308, %get3A_5 : vector<16xf32>
        %parallel_loop3A_310 = arith.fptosi %parallel_loop3A_309 : vector<16xf32> to vector<16xi32>
        %parallel_loop3A_311 = tpu.vector_load_idx %arg7[%parallel_loop3A_310] : memref<384xf32, #tpu.memory_space<vmem>>[vector<16xi32>], vector<16xf32>,
        %parallel_loop3A_312 = tpu.vector_load_idx %arg8[%parallel_loop3A_310] : memref<256xf32, #tpu.memory_space<vmem>>[vector<16xi32>], vector<16xf32>,
        %parallel_loop3A_313 = arith.mulf %parallel_loop3A_309, %parallel_loop3A_312 : vector<16xf32>
        %parallel_loop3A_314 = arith.addf %parallel_loop3A_311, %parallel_loop3A_313 : vector<16xf32>
        %parallel_loop3A_315 = arith.index_cast %parallel_loop3A_227 : i32 to index
        %parallel_loop3A_316 = arith.constant 80 : index
        %parallel_loop3A_317 = tpu.vector_load %arg16[%parallel_loop3A_315, %parallel_loop3A_316] {strides = array<i32>} : memref<112x224xf32, #tpu.memory_space<vmem>>, vector<16xf32>,
        tpu.vector_store %arg16[%parallel_loop3A_315, %parallel_loop3A_316], %parallel_loop3A_314 {strides = array<i32>} : memref<112x224xf32, #tpu.memory_space<vmem>>, vector<16xf32>,
        %parallel_loop3A_318 = arith.index_cast %parallel_loop3A_227 : i32 to index
        %parallel_loop3A_319 = arith.constant 96 : index
        %parallel_loop3A_320 = tpu.vector_load %arg14[%parallel_loop3A_318, %parallel_loop3A_319] {strides = array<i32>} : memref<112x224xf32, #tpu.memory_space<vmem>>, vector<16xf32>,
        %parallel_loop3A_321 = arith.mulf %parallel_loop3A_320, %get3A_7 : vector<16xf32>
        %parallel_loop3A_322 = arith.subf %parallel_loop3A_321, %get3A_3 : vector<16xf32>
        %parallel_loop3A_323 = arith.maximumf %parallel_loop3A_322, %sub3A : vector<16xf32>
        %parallel_loop3A_324 = arith.minimumf %parallel_loop3A_323, %get3A_5 : vector<16xf32>
        %parallel_loop3A_325 = arith.fptosi %parallel_loop3A_324 : vector<16xf32> to vector<16xi32>
        %parallel_loop3A_326 = tpu.vector_load_idx %arg7[%parallel_loop3A_325] : memref<384xf32, #tpu.memory_space<vmem>>[vector<16xi32>], vector<16xf32>,
        %parallel_loop3A_327 = tpu.vector_load_idx %arg8[%parallel_loop3A_325] : memref<256xf32, #tpu.memory_space<vmem>>[vector<16xi32>], vector<16xf32>,
        %parallel_loop3A_328 = arith.mulf %parallel_loop3A_324, %parallel_loop3A_327 : vector<16xf32>
        %parallel_loop3A_329 = arith.addf %parallel_loop3A_326, %parallel_loop3A_328 : vector<16xf32>
        %parallel_loop3A_330 = arith.index_cast %parallel_loop3A_227 : i32 to index
        %parallel_loop3A_331 = arith.constant 96 : index
        %parallel_loop3A_332 = tpu.vector_load %arg16[%parallel_loop3A_330, %parallel_loop3A_331] {strides = array<i32>} : memref<112x224xf32, #tpu.memory_space<vmem>>, vector<16xf32>,
        tpu.vector_store %arg16[%parallel_loop3A_330, %parallel_loop3A_331], %parallel_loop3A_329 {strides = array<i32>} : memref<112x224xf32, #tpu.memory_space<vmem>>, vector<16xf32>,
        %parallel_loop3A_333 = arith.index_cast %parallel_loop3A_227 : i32 to index
        %parallel_loop3A_334 = arith.constant 112 : index
        %parallel_loop3A_335 = tpu.vector_load %arg14[%parallel_loop3A_333, %parallel_loop3A_334] {strides = array<i32>} : memref<112x224xf32, #tpu.memory_space<vmem>>, vector<16xf32>,
        %parallel_loop3A_336 = arith.mulf %parallel_loop3A_335, %get3A_7 : vector<16xf32>
        %parallel_loop3A_337 = arith.subf %parallel_loop3A_336, %get3A_3 : vector<16xf32>
        %parallel_loop3A_338 = arith.maximumf %parallel_loop3A_337, %sub3A : vector<16xf32>
        %parallel_loop3A_339 = arith.minimumf %parallel_loop3A_338, %get3A_5 : vector<16xf32>
        %parallel_loop3A_340 = arith.fptosi %parallel_loop3A_339 : vector<16xf32> to vector<16xi32>
        %parallel_loop3A_341 = tpu.vector_load_idx %arg7[%parallel_loop3A_340] : memref<384xf32, #tpu.memory_space<vmem>>[vector<16xi32>], vector<16xf32>,
        %parallel_loop3A_342 = tpu.vector_load_idx %arg8[%parallel_loop3A_340] : memref<256xf32, #tpu.memory_space<vmem>>[vector<16xi32>], vector<16xf32>,
        %parallel_loop3A_343 = arith.mulf %parallel_loop3A_339, %parallel_loop3A_342 : vector<16xf32>
        %parallel_loop3A_344 = arith.addf %parallel_loop3A_341, %parallel_loop3A_343 : vector<16xf32>
        %parallel_loop3A_345 = arith.index_cast %parallel_loop3A_227 : i32 to index
        %parallel_loop3A_346 = arith.constant 112 : index
        %parallel_loop3A_347 = tpu.vector_load %arg16[%parallel_loop3A_345, %parallel_loop3A_346] {strides = array<i32>} : memref<112x224xf32, #tpu.memory_space<vmem>>, vector<16xf32>,
        tpu.vector_store %arg16[%parallel_loop3A_345, %parallel_loop3A_346], %parallel_loop3A_344 {strides = array<i32>} : memref<112x224xf32, #tpu.memory_space<vmem>>, vector<16xf32>,
        %parallel_loop3A_348 = arith.index_cast %parallel_loop3A_227 : i32 to index
        %parallel_loop3A_349 = arith.constant 128 : index
        %parallel_loop3A_350 = tpu.vector_load %arg14[%parallel_loop3A_348, %parallel_loop3A_349] {strides = array<i32>} : memref<112x224xf32, #tpu.memory_space<vmem>>, vector<16xf32>,
        %parallel_loop3A_351 = arith.mulf %parallel_loop3A_350, %get3A_7 : vector<16xf32>
        %parallel_loop3A_352 = arith.subf %parallel_loop3A_351, %get3A_3 : vector<16xf32>
        %parallel_loop3A_353 = arith.maximumf %parallel_loop3A_352, %sub3A : vector<16xf32>
        %parallel_loop3A_354 = arith.minimumf %parallel_loop3A_353, %get3A_5 : vector<16xf32>
        %parallel_loop3A_355 = arith.fptosi %parallel_loop3A_354 : vector<16xf32> to vector<16xi32>
        %parallel_loop3A_356 = tpu.vector_load_idx %arg7[%parallel_loop3A_355] : memref<384xf32, #tpu.memory_space<vmem>>[vector<16xi32>], vector<16xf32>,
        %parallel_loop3A_357 = tpu.vector_load_idx %arg8[%parallel_loop3A_355] : memref<256xf32, #tpu.memory_space<vmem>>[vector<16xi32>], vector<16xf32>,
        %parallel_loop3A_358 = arith.mulf %parallel_loop3A_354, %parallel_loop3A_357 : vector<16xf32>
        %parallel_loop3A_359 = arith.addf %parallel_loop3A_356, %parallel_loop3A_358 : vector<16xf32>
        %parallel_loop3A_360 = arith.index_cast %parallel_loop3A_227 : i32 to index
        %parallel_loop3A_361 = arith.constant 128 : index
        %parallel_loop3A_362 = tpu.vector_load %arg16[%parallel_loop3A_360, %parallel_loop3A_361] {strides = array<i32>} : memref<112x224xf32, #tpu.memory_space<vmem>>, vector<16xf32>,
        tpu.vector_store %arg16[%parallel_loop3A_360, %parallel_loop3A_361], %parallel_loop3A_359 {strides = array<i32>} : memref<112x224xf32, #tpu.memory_space<vmem>>, vector<16xf32>,
        %parallel_loop3A_363 = arith.index_cast %parallel_loop3A_227 : i32 to index
        %parallel_loop3A_364 = arith.constant 144 : index
        %parallel_loop3A_365 = tpu.vector_load %arg14[%parallel_loop3A_363, %parallel_loop3A_364] {strides = array<i32>} : memref<112x224xf32, #tpu.memory_space<vmem>>, vector<16xf32>,
        %parallel_loop3A_366 = arith.mulf %parallel_loop3A_365, %get3A_7 : vector<16xf32>
        %parallel_loop3A_367 = arith.subf %parallel_loop3A_366, %get3A_3 : vector<16xf32>
        %parallel_loop3A_368 = arith.maximumf %parallel_loop3A_367, %sub3A : vector<16xf32>
        %parallel_loop3A_369 = arith.minimumf %parallel_loop3A_368, %get3A_5 : vector<16xf32>
        %parallel_loop3A_370 = arith.fptosi %parallel_loop3A_369 : vector<16xf32> to vector<16xi32>
        %parallel_loop3A_371 = tpu.vector_load_idx %arg7[%parallel_loop3A_370] : memref<384xf32, #tpu.memory_space<vmem>>[vector<16xi32>], vector<16xf32>,
        %parallel_loop3A_372 = tpu.vector_load_idx %arg8[%parallel_loop3A_370] : memref<256xf32, #tpu.memory_space<vmem>>[vector<16xi32>], vector<16xf32>,
        %parallel_loop3A_373 = arith.mulf %parallel_loop3A_369, %parallel_loop3A_372 : vector<16xf32>
        %parallel_loop3A_374 = arith.addf %parallel_loop3A_371, %parallel_loop3A_373 : vector<16xf32>
        %parallel_loop3A_375 = arith.index_cast %parallel_loop3A_227 : i32 to index
        %parallel_loop3A_376 = arith.constant 144 : index
        %parallel_loop3A_377 = tpu.vector_load %arg16[%parallel_loop3A_375, %parallel_loop3A_376] {strides = array<i32>} : memref<112x224xf32, #tpu.memory_space<vmem>>, vector<16xf32>,
        tpu.vector_store %arg16[%parallel_loop3A_375, %parallel_loop3A_376], %parallel_loop3A_374 {strides = array<i32>} : memref<112x224xf32, #tpu.memory_space<vmem>>, vector<16xf32>,
        %parallel_loop3A_378 = arith.index_cast %parallel_loop3A_227 : i32 to index
        %parallel_loop3A_379 = arith.constant 160 : index
        %parallel_loop3A_380 = tpu.vector_load %arg14[%parallel_loop3A_378, %parallel_loop3A_379] {strides = array<i32>} : memref<112x224xf32, #tpu.memory_space<vmem>>, vector<16xf32>,
        %parallel_loop3A_381 = arith.mulf %parallel_loop3A_380, %get3A_7 : vector<16xf32>
        %parallel_loop3A_382 = arith.subf %parallel_loop3A_381, %get3A_3 : vector<16xf32>
        %parallel_loop3A_383 = arith.maximumf %parallel_loop3A_382, %sub3A : vector<16xf32>
        %parallel_loop3A_384 = arith.minimumf %parallel_loop3A_383, %get3A_5 : vector<16xf32>
        %parallel_loop3A_385 = arith.fptosi %parallel_loop3A_384 : vector<16xf32> to vector<16xi32>
        %parallel_loop3A_386 = tpu.vector_load_idx %arg7[%parallel_loop3A_385] : memref<384xf32, #tpu.memory_space<vmem>>[vector<16xi32>], vector<16xf32>,
        %parallel_loop3A_387 = tpu.vector_load_idx %arg8[%parallel_loop3A_385] : memref<256xf32, #tpu.memory_space<vmem>>[vector<16xi32>], vector<16xf32>,
        %parallel_loop3A_388 = arith.mulf %parallel_loop3A_384, %parallel_loop3A_387 : vector<16xf32>
        %parallel_loop3A_389 = arith.addf %parallel_loop3A_386, %parallel_loop3A_388 : vector<16xf32>
        %parallel_loop3A_390 = arith.index_cast %parallel_loop3A_227 : i32 to index
        %parallel_loop3A_391 = arith.constant 160 : index
        %parallel_loop3A_392 = tpu.vector_load %arg16[%parallel_loop3A_390, %parallel_loop3A_391] {strides = array<i32>} : memref<112x224xf32, #tpu.memory_space<vmem>>, vector<16xf32>,
        tpu.vector_store %arg16[%parallel_loop3A_390, %parallel_loop3A_391], %parallel_loop3A_389 {strides = array<i32>} : memref<112x224xf32, #tpu.memory_space<vmem>>, vector<16xf32>,
        %parallel_loop3A_393 = arith.index_cast %parallel_loop3A_227 : i32 to index
        %parallel_loop3A_394 = arith.constant 176 : index
        %parallel_loop3A_395 = tpu.vector_load %arg14[%parallel_loop3A_393, %parallel_loop3A_394] {strides = array<i32>} : memref<112x224xf32, #tpu.memory_space<vmem>>, vector<16xf32>,
        %parallel_loop3A_396 = arith.mulf %parallel_loop3A_395, %get3A_7 : vector<16xf32>
        %parallel_loop3A_397 = arith.subf %parallel_loop3A_396, %get3A_3 : vector<16xf32>
        %parallel_loop3A_398 = arith.maximumf %parallel_loop3A_397, %sub3A : vector<16xf32>
        %parallel_loop3A_399 = arith.minimumf %parallel_loop3A_398, %get3A_5 : vector<16xf32>
        %parallel_loop3A_400 = arith.fptosi %parallel_loop3A_399 : vector<16xf32> to vector<16xi32>
        %parallel_loop3A_401 = tpu.vector_load_idx %arg7[%parallel_loop3A_400] : memref<384xf32, #tpu.memory_space<vmem>>[vector<16xi32>], vector<16xf32>,
        %parallel_loop3A_402 = tpu.vector_load_idx %arg8[%parallel_loop3A_400] : memref<256xf32, #tpu.memory_space<vmem>>[vector<16xi32>], vector<16xf32>,
        %parallel_loop3A_403 = arith.mulf %parallel_loop3A_399, %parallel_loop3A_402 : vector<16xf32>
        %parallel_loop3A_404 = arith.addf %parallel_loop3A_401, %parallel_loop3A_403 : vector<16xf32>
        %parallel_loop3A_405 = arith.index_cast %parallel_loop3A_227 : i32 to index
        %parallel_loop3A_406 = arith.constant 176 : index
        %parallel_loop3A_407 = tpu.vector_load %arg16[%parallel_loop3A_405, %parallel_loop3A_406] {strides = array<i32>} : memref<112x224xf32, #tpu.memory_space<vmem>>, vector<16xf32>,
        tpu.vector_store %arg16[%parallel_loop3A_405, %parallel_loop3A_406], %parallel_loop3A_404 {strides = array<i32>} : memref<112x224xf32, #tpu.memory_space<vmem>>, vector<16xf32>,
        %parallel_loop3A_408 = arith.index_cast %parallel_loop3A_227 : i32 to index
        %parallel_loop3A_409 = arith.constant 192 : index
        %parallel_loop3A_410 = tpu.vector_load %arg14[%parallel_loop3A_408, %parallel_loop3A_409] {strides = array<i32>} : memref<112x224xf32, #tpu.memory_space<vmem>>, vector<16xf32>,
        %parallel_loop3A_411 = arith.mulf %parallel_loop3A_410, %get3A_7 : vector<16xf32>
        %parallel_loop3A_412 = arith.subf %parallel_loop3A_411, %get3A_3 : vector<16xf32>
        %parallel_loop3A_413 = arith.maximumf %parallel_loop3A_412, %sub3A : vector<16xf32>
        %parallel_loop3A_414 = arith.minimumf %parallel_loop3A_413, %get3A_5 : vector<16xf32>
        %parallel_loop3A_415 = arith.fptosi %parallel_loop3A_414 : vector<16xf32> to vector<16xi32>
        %parallel_loop3A_416 = tpu.vector_load_idx %arg7[%parallel_loop3A_415] : memref<384xf32, #tpu.memory_space<vmem>>[vector<16xi32>], vector<16xf32>,
        %parallel_loop3A_417 = tpu.vector_load_idx %arg8[%parallel_loop3A_415] : memref<256xf32, #tpu.memory_space<vmem>>[vector<16xi32>], vector<16xf32>,
        %parallel_loop3A_418 = arith.mulf %parallel_loop3A_414, %parallel_loop3A_417 : vector<16xf32>
        %parallel_loop3A_419 = arith.addf %parallel_loop3A_416, %parallel_loop3A_418 : vector<16xf32>
        %parallel_loop3A_420 = arith.index_cast %parallel_loop3A_227 : i32 to index
        %parallel_loop3A_421 = arith.constant 192 : index
        %parallel_loop3A_422 = tpu.vector_load %arg16[%parallel_loop3A_420, %parallel_loop3A_421] {strides = array<i32>} : memref<112x224xf32, #tpu.memory_space<vmem>>, vector<16xf32>,
        tpu.vector_store %arg16[%parallel_loop3A_420, %parallel_loop3A_421], %parallel_loop3A_419 {strides = array<i32>} : memref<112x224xf32, #tpu.memory_space<vmem>>, vector<16xf32>,
        %parallel_loop3A_423 = arith.index_cast %parallel_loop3A_227 : i32 to index
        %parallel_loop3A_424 = arith.constant 208 : index
        %parallel_loop3A_425 = tpu.vector_load %arg14[%parallel_loop3A_423, %parallel_loop3A_424] {strides = array<i32>} : memref<112x224xf32, #tpu.memory_space<vmem>>, vector<16xf32>,
        %parallel_loop3A_426 = arith.mulf %parallel_loop3A_425, %get3A_7 : vector<16xf32>
        %parallel_loop3A_427 = arith.subf %parallel_loop3A_426, %get3A_3 : vector<16xf32>
        %parallel_loop3A_428 = arith.maximumf %parallel_loop3A_427, %sub3A : vector<16xf32>
        %parallel_loop3A_429 = arith.minimumf %parallel_loop3A_428, %get3A_5 : vector<16xf32>
        %parallel_loop3A_430 = arith.fptosi %parallel_loop3A_429 : vector<16xf32> to vector<16xi32>
        %parallel_loop3A_431 = tpu.vector_load_idx %arg7[%parallel_loop3A_430] : memref<384xf32, #tpu.memory_space<vmem>>[vector<16xi32>], vector<16xf32>,
        %parallel_loop3A_432 = tpu.vector_load_idx %arg8[%parallel_loop3A_430] : memref<256xf32, #tpu.memory_space<vmem>>[vector<16xi32>], vector<16xf32>,
        %parallel_loop3A_433 = arith.mulf %parallel_loop3A_429, %parallel_loop3A_432 : vector<16xf32>
        %parallel_loop3A_434 = arith.addf %parallel_loop3A_431, %parallel_loop3A_433 : vector<16xf32>
        %parallel_loop3A_435 = arith.index_cast %parallel_loop3A_227 : i32 to index
        %parallel_loop3A_436 = arith.constant 208 : index
        %parallel_loop3A_437 = tpu.vector_load %arg16[%parallel_loop3A_435, %parallel_loop3A_436] {strides = array<i32>} : memref<112x224xf32, #tpu.memory_space<vmem>>, vector<16xf32>,
        tpu.vector_store %arg16[%parallel_loop3A_435, %parallel_loop3A_436], %parallel_loop3A_434 {strides = array<i32>} : memref<112x224xf32, #tpu.memory_space<vmem>>, vector<16xf32>,
      } {sc.loop_unroll_factor = 1 : i64, sc.parallel_access}
      %dma_start3A_218 = arith.constant 112 : i32
      %dma_start3A_219 = arith.constant 0 : i32
      %dma_start3A_220 = tpu.memref_slice %arg6[%add3A_139, %dma_start3A_218, %dma_start3A_219] : memref<768x224x224xf32, #tpu.memory_space<hbm>> -> memref<1x112x224xf32, #tpu.memory_space<hbm>>
      %dma_start3A_221 = tpu.memref_squeeze %dma_start3A_220 : memref<1x112x224xf32, #tpu.memory_space<hbm>> -> memref<112x224xf32, #tpu.memory_space<hbm>>
      %dma_start3A_222 = arith.constant 112 : i32
      %dma_start3A_223 = arith.constant 0 : i32
      %dma_start3A_224 = tpu.memref_slice %arg6[%add3A_139, %dma_start3A_222, %dma_start3A_223] : memref<768x224x224xf32, #tpu.memory_space<hbm>> -> memref<1x112x224xf32, #tpu.memory_space<hbm>>
      %dma_start3A_225 = tpu.memref_squeeze %dma_start3A_224 : memref<1x112x224xf32, #tpu.memory_space<hbm>> -> memref<112x224xf32, #tpu.memory_space<hbm>>
      tpu.enqueue_dma source(%arg16 : memref<112x224xf32, #tpu.memory_space<vmem>>) target(%dma_start3A_225 : memref<112x224xf32, #tpu.memory_space<hbm>>) target_semaphore(%arg20 : memref<!tpu.dma_semaphore, #tpu.memory_space<semaphore_mem>>)
      %scan3A_226 = arith.constant 0 : i32
      scf.yield %scan3A_226 : i32
    }
    %scan3A_27 = arith.constant 12 : i32
    %dma_wait3A = arith.constant 0 : i32
    %dma_wait3A_28 = arith.constant 0 : i32
    %dma_wait3A_29 = arith.constant 0 : i32
    %dma_wait3A_30 = tpu.memref_slice %arg2[%dma_wait3A, %dma_wait3A_28, %dma_wait3A_29] : memref<768x224x224xf32, #tpu.memory_space<hbm>> -> memref<1x112x224xf32, #tpu.memory_space<hbm>>
    %dma_wait3A_31 = tpu.memref_squeeze %dma_wait3A_30 : memref<1x112x224xf32, #tpu.memory_space<hbm>> -> memref<112x224xf32, #tpu.memory_space<hbm>>
    %dma_wait3A_32 = arith.constant 0 : i32
    %dma_wait3A_33 = arith.constant 0 : i32
    %dma_wait3A_34 = tpu.memref_slice %arg2[%dma_wait3A, %dma_wait3A_32, %dma_wait3A_33] : memref<768x224x224xf32, #tpu.memory_space<hbm>> -> memref<1x112x224xf32, #tpu.memory_space<hbm>>
    %dma_wait3A_35 = tpu.memref_squeeze %dma_wait3A_34 : memref<1x112x224xf32, #tpu.memory_space<hbm>> -> memref<112x224xf32, #tpu.memory_space<hbm>>
    tpu.wait_dma2 semaphore(%arg19 : memref<!tpu.dma_semaphore, #tpu.memory_space<semaphore_mem>>) src(%dma_wait3A_35 : memref<112x224xf32, #tpu.memory_space<hbm>>) dst(%arg15 : memref<112x224xf32, #tpu.memory_space<vmem>>)
    %dma_wait3A_36 = arith.constant 0 : i32
    %dma_wait3A_37 = arith.constant 0 : i32
    %dma_wait3A_38 = arith.constant 0 : i32
    %dma_wait3A_39 = tpu.memref_slice %arg2[%dma_wait3A_36, %dma_wait3A_37, %dma_wait3A_38] : memref<768x224x224xf32, #tpu.memory_space<hbm>> -> memref<1x112x224xf32, #tpu.memory_space<hbm>>
    %dma_wait3A_40 = tpu.memref_squeeze %dma_wait3A_39 : memref<1x112x224xf32, #tpu.memory_space<hbm>> -> memref<112x224xf32, #tpu.memory_space<hbm>>
    %dma_wait3A_41 = arith.constant 0 : i32
    %dma_wait3A_42 = arith.constant 0 : i32
    %dma_wait3A_43 = tpu.memref_slice %arg2[%dma_wait3A_36, %dma_wait3A_41, %dma_wait3A_42] : memref<768x224x224xf32, #tpu.memory_space<hbm>> -> memref<1x112x224xf32, #tpu.memory_space<hbm>>
    %dma_wait3A_44 = tpu.memref_squeeze %dma_wait3A_43 : memref<1x112x224xf32, #tpu.memory_space<hbm>> -> memref<112x224xf32, #tpu.memory_space<hbm>>
    tpu.wait_dma2 semaphore(%arg20 : memref<!tpu.dma_semaphore, #tpu.memory_space<semaphore_mem>>) src(%dma_wait3A_44 : memref<112x224xf32, #tpu.memory_space<hbm>>) dst(%arg16 : memref<112x224xf32, #tpu.memory_space<vmem>>)
    return
  }
}

</mosaic_0001>

<sc_bundles>
// kernel: kernel.3.cloned.1.call-start
scs
__scs_entry_jumppad:
0x0: {  	(pc) =	sbr.rel $0x88, $3  }
0x1: {  	(tag) =	ssettag $0x0;
	lr =	simm.s32 $0x1  }
0x2: {  	[smem:$0x3F9D] =	sst lr;
	_ =	strace $0xD0000000  }
0x3: {  	_ = 	snop  }
0x4: {  	_ = 	snop  }
0x5: {  	_ = 	snop  }
0x6: {  	_ = 	snop  }
0x7: {  	_ = 	snop  }
__scs_overlays_trampoline_lowered:
0x8: {  	[smem:$0x3FAC] =	sst s0  }
0x9: {  	[smem:$0x3FAD] =	sst s1  }
0xa: {  	[smem:$0x3FAE] =	sst s2  }
0xb: {  	[smem:$0x3FAF] =	sst s3  }
0xc: {  	[smem:$0x3FB0] =	sst s4  }
0xd: {  	[smem:$0x3FB1] =	sst s5  }
0xe: {  	[smem:$0x3FB2] =	sst s6  }
0xf: {  	[smem:$0x3FB3] =	sst s7  }
0x10: {  	[smem:$0x3FB4] =	sst s8  }
0x11: {  	[smem:$0x3FB5] =	sst s9;
	s0 =	simm.s32 @!p0 $0x0  }
0x12: {  	s1 =	sld [smem:$0x3F9B];
	s0 =	simm.s32 @p0 $0x1  }
0x13: {  	[smem:$0x3FB6] =	sst s0;
	s0 =	simm.s32 @!p1 $0x0  }
0x14: {  	s2 =	sld [smem:$0x3F9A];
	s0 =	simm.s32 @p1 $0x1  }
0x15: {  	[smem:$0x3FB7] =	sst s0;
	s0 =	simm.s32 @!p2 $0x0  }
0x16: {  	s3 =	sld [smem:$0x3FDB];
	s0 =	simm.s32 @p2 $0x1  }
0x17: {  	s4 =	simm.s32 $0x1BF5;
	[smem:$0x3FB9] =	sst s0  }
0x18: {  	s0 =	sld [smem:$0x3F9C];
	_ =	swait.ge [sflag:s4], $0x0  }
0x19: {  	s7 =	sld [smem:$0x3F9D]  }
0x1a: {  	s8 =	sadd.s32 $0xFFFFE003, lr  }
0x1b: {  	s9 =	sadd.s32 $0xFFFFFEF7, lr;
	s5 =	simm.s32 $0xFFFFFFFF;
	p2 =	slt.u32 s8, $0xFFFFF086  }
0x1c: {  	p1 =	slt.u32 s9, $0xF7A;
	s5 =	simm.s32 @!p2 $0x0  }
0x1d: {  	s5 =	simm.s32 @p1 $0x1;
	p0 =	seq.s32 s7, s2  }
0x1e: {  	s7 =	smul.u32 @!p0 $0xF7A, s2;
	p2 =	seq.s32 @!p0 s5, $0x0  }
0x1f: {  	s9 =	smul.u32 $0xF7A, s1;
	s8 =	simm.s32 @!p0 $0x1BF5;
	p2 =	por !p2, p0  }
0x20: {  	[sflag:s8] =	ssyncset.s32 @!p0 $0xFFFFF086;
	s6 =	sadd.s32 @!p0 s3, s7;
	s7 =	simm.s32 @!p0 $0x108  }
0x21: {  	s3 =	sadd.s32 s3, s9;
	s6 =	sadd.s32 @!p0 $0x88, s6;
	s7 =	simm.s32 @p2 $0x1082  }
0x22: {  	[simem:s7], [sflag:s8] =	dma.local @!p0 [hbm:s6], $0xF7A  }
0x23: {  	s9 =	sor.u32 $0xD0000000, s2;
	s6 =	simm.s32 $0x108;
	_ =	swait.ge @!p0 [sflag:s8], $0x0  }
0x24: {  	s3 =	sadd.s32 $0x88, s3;
	s6 =	simm.s32 @!p1 $0x1082;
	[sflag:s4] =	ssyncset.s32 $0xFFFFF086  }
0x25: {  	[simem:s6], [sflag:s4] =	dma.local [hbm:s3], $0xF7A  }
0x26: {  	[smem:$0x3F9D] =	sst s1;
	(tag) =	ssettag s2;
	_ =	strace s9  }
0x27: {  	s1 =	sld [smem:$0x3FAD]  }
0x28: {  	s2 =	sld [smem:$0x3FAE]  }
0x29: {  	s4 =	sld [smem:$0x3FB0]  }
0x2a: {  	p0 =	seq.s32 s5, $0x0;
	s5 =	sld [smem:$0x3FB1]  }
0x2b: {  	s6 =	sld [smem:$0x3FB2]  }
0x2c: {  	s7 =	sld [smem:$0x3FB3]  }
0x2d: {  	s3 =	simm.s32 $0x108;
	s8 =	sld [smem:$0x3FB4]  }
0x2e: {  	s3 =	simm.s32 @!p0 $0x1082;
	s9 =	sld [smem:$0x3FB5]  }
0x2f: {  	lr =	sadd.s32 s0, s3;
	s0 =	sld [smem:$0x3FAC]  }
0x30: {  	s3 =	sld [smem:$0x3FAF]  }
0x31: {  	[smem:$0x3FB8] =	sst s10  }
0x32: {  	s10 =	sld [smem:$0x3FB6];
	_ =	sdelay $0x3  }
0x33: {  	p0 =	seq.s32 s10, $0x1;
	s10 =	sld [smem:$0x3FB8];
	_ =	sdelay $0x3  }
0x34: {  	[smem:$0x3FB8] =	sst s10  }
0x35: {  	s10 =	sld [smem:$0x3FB7];
	_ =	sdelay $0x3  }
0x36: {  	p1 =	seq.s32 s10, $0x1;
	s10 =	sld [smem:$0x3FB8];
	_ =	sdelay $0x3  }
0x37: {  	[smem:$0x3FB8] =	sst s10  }
0x38: {  	s10 =	sld [smem:$0x3FB9]  }
0x39: {  	_ = 	snop;
	(pc) =	sbr.ind lr, $3  }
0x3a: {  	_ = 	snop  }
0x3b: {  	_ = 	snop  }
0x3c: {  	p2 =	seq.s32 s10, $0x1;
	s10 =	sld [smem:$0x3FB8]  }
0x3d: {  	_ =	shalt  }
0x3e: {  	_ =	shalt  }
0x3f: {  	_ =	shalt  }
0x40: {  	_ =	shalt  }
0x41: {  	_ =	shalt  }
0x42: {  	_ =	shalt  }
0x43: {  	_ =	shalt  }
0x44: {  	_ =	shalt  }
0x45: {  	_ =	shalt  }
0x46: {  	_ =	shalt  }
0x47: {  	_ =	shalt  }
0x48: {  	_ =	shalt  }
0x49: {  	_ =	shalt  }
0x4a: {  	_ =	shalt  }
0x4b: {  	_ =	shalt  }
0x4c: {  	_ =	shalt  }
0x4d: {  	_ =	shalt  }
0x4e: {  	_ =	shalt  }
0x4f: {  	_ =	shalt  }
0x50: {  	_ =	shalt  }
0x51: {  	_ =	shalt  }
0x52: {  	_ =	shalt  }
0x53: {  	_ =	shalt  }
0x54: {  	_ =	shalt  }
0x55: {  	_ =	shalt  }
0x56: {  	_ =	shalt  }
0x57: {  	_ =	shalt  }
0x58: {  	_ =	shalt  }
0x59: {  	_ =	shalt  }
0x5a: {  	_ =	shalt  }
0x5b: {  	_ =	shalt  }
0x5c: {  	_ =	shalt  }
0x5d: {  	_ =	shalt  }
0x5e: {  	_ =	shalt  }
0x5f: {  	_ =	shalt  }
0x60: {  	_ =	shalt  }
0x61: {  	_ =	shalt  }
0x62: {  	_ =	shalt  }
0x63: {  	_ =	shalt  }
0x64: {  	_ =	shalt  }
0x65: {  	_ =	shalt  }
0x66: {  	_ =	shalt  }
0x67: {  	_ =	shalt  }
0x68: {  	_ =	shalt  }
0x69: {  	_ =	shalt  }
0x6a: {  	_ =	shalt  }
0x6b: {  	_ =	shalt  }
0x6c: {  	_ =	shalt  }
0x6d: {  	_ =	shalt  }
0x6e: {  	_ =	shalt  }
0x6f: {  	_ =	shalt  }
0x70: {  	_ =	shalt  }
0x71: {  	_ =	shalt  }
0x72: {  	_ =	shalt  }
0x73: {  	_ =	shalt  }
0x74: {  	_ =	shalt  }
0x75: {  	_ =	shalt  }
0x76: {  	_ =	shalt  }
0x77: {  	_ =	shalt  }
0x78: {  	_ =	shalt  }
0x79: {  	_ =	shalt  }
0x7a: {  	_ =	shalt  }
0x7b: {  	_ =	shalt  }
0x7c: {  	_ =	shalt  }
0x7d: {  	_ =	shalt  }
0x7e: {  	_ =	shalt  }
0x7f: {  	_ =	shalt  }
0x80: {  	_ =	shalt  }
0x81: {  	_ =	shalt  }
0x82: {  	_ =	shalt  }
0x83: {  	_ =	shalt  }
0x84: {  	_ =	shalt  }
0x85: {  	_ =	shalt  }
0x86: {  	_ =	shalt  }
0x87: {  	_ =	shalt  }
.Lfunc_end0:
.L_simem_size_0:
called_computation_lowered:
.L_overlay_start_0:
0x88: {  	s2 =	sld [smem:$0x3FD9]  }
0x89: {  	s3 =	sld [smem:$0x3FFE];
	_ =	sdelay $0x1  }
0x8a: {  	s1 =	srdreg.scid  }
0x8b: {  	s0 =	sand.u32 $0x1, s1  }
0x8c: {  	s17 =	sshll.u32 s0, $0xA;
	s2 =	sadd.s32 s3, s2  }
0x8d: {  	s2 =	sadd.s32 s2, s17  }
0x8e: {  	[smem:$0x3FC4] =	sst s2  }
0x8f: {  	_ = 	snop  }
0x90: {  	s2 =	sld [smem:$0x3FC9]  }
0x91: {  	s18 =	sld [smem:$0x3FC8]  }
0x92: {  	s4 =	sld [smem:$0x3FC7]  }
0x93: {  	s5 =	sld [smem:$0x3FD0];
	(tm) =	ssettm $0x1  }
0x94: {  	s6 =	sld [smem:$0x3FFB];
	_ =	sdelay $0x3  }
0x95: {  	_ =	strace s6  }
0x96: {  	s6 =	sld [smem:$0x3FFC];
	_ =	sdelay $0x3  }
0x97: {  	_ =	strace s6  }
0x98: {  	s6 =	sld [smem:$0x3FFD];
	_ =	sdelay $0x3  }
0x99: {  	_ =	strace s6  }
0x9a: {  	_ =	strace $0x8FFFFFFF  }
0x9b: {  	s19 =	sld [smem:$0x3FDB];
	_ =	sdelay $0x1  }
0x9c: {  	s7 =	simm.s32 $_scs_section_size  }
0x9d: {  	s8 =	simm.s32 $_size__tile_overlayer_lowered;
	s9 =	simm.s32 $_tile_overlayer_lowered  }
0x9e: {  	s22 =	simm.s32 $0x1BFF;
	s21 =	sshll.u32 s9, $0x1;
	s6 =	sadd.s32 s7, s19  }
0x9f: {  	s10 =	simm.s32 $0x0;
	s20 =	sshll.u32 s8, $0x1;
	s8 =	sadd.s32 s21, s6  }
0xa0: {  	[timem:s10], [sflag:s22] =	dma.local [hbm:s8], s20  }
0xa1: {  	_ =	swait.ge [sflag:s22], s20  }
0xa2: {  	s7 =	ssub.s32 $0x0, s20;
	[sflag:s22] =	ssyncset.done $0x0  }
0xa3: {  	[sflag:s22] =	ssyncadd.s32 s7;
	_ =	sdelay $0x1  }
0xa4: {  	s23 =	simm.s32 $0x1B8B  }
0xa5: {  	_ =	swait.ge [sflag:s23], $0x1  }
0xa6: {  	[sflag:s23] =	ssyncset.done $0x0  }
0xa7: {  	s25 =	simm.s32 $0x1B8E;
	s24 =	sld [smem:$0x3FFE];
	[sflag:s23] =	ssyncadd.s32 $0xFFFFFFFF  }
0xa8: {  	s26 =	simm.s32 $execute0_lowered;
	[smem:$0x3FD2] =	sst s25  }
0xa9: {  	s8 =	sshll.u32 s26, $0x1;
	_ =	strace $0x80000046;
	[dreg:$0x1] =	wrdreg $0xFFFFFFFF  }
0xaa: {  	s28 =	simm.s32 $_size_execute0_lowered;
	s6 =	sadd.s32 s6, s8;
	[dreg:$0x0] =	wrdreg $0x0  }
0xab: {  	s8 =	sshll.u32 s28, $0x1;
	[dreg:$0x2] =	wrdreg s6  }
0xac: {  	[dreg:$0x3] =	wrdreg s8  }
0xad: {  	[dreg:$0x4] =	wrdreg $0xC0  }
0xae: {  	_ =	task [dreg:s10], $0x5FFFF  }
0xaf: {  	[dreg:$0x1] =	wrdreg $0xFFFFFFFF  }
0xb0: {  	[dreg:$0x0] =	wrdreg $0x60  }
0xb1: {  	[dreg:$0x2] =	wrdreg s2  }
0xb2: {  	[dreg:$0x3] =	wrdreg s18  }
0xb3: {  	[dreg:$0x4] =	wrdreg s4  }
0xb4: {  	[dreg:$0x5] =	wrdreg s24  }
0xb5: {  	[dreg:$0x6] =	wrdreg s5  }
0xb6: {  	[dreg:$0x7] =	wrdreg $0x9  }
0xb7: {  	_ =	task.clear_ibuf [dreg:s10], $0x8FFFF;
	_ =	strace $0x90000046  }
0xb8: {  	s29 =	simm.s32 $0x9;
	_ =	strace $0x80000048  }
0xb9: {  	_ =	swait.ge [sflag:s29], $0x1  }
0xba: {  	[sflag:s29] =	ssyncadd.s32 $0xFFFFFFFF  }
0xbb: {  	_ =	strace $0x90000048  }
0xbc: {  	_ =	sfence  }
0xbd: {  	s30 =	sld [smem:$0x0];
	_ =	sdelay $0x2  }
0xbe: {  	s31 =	sshll.u32 s1, $0xD;
	s1 =	sshrl.u32 s1, $0x2  }
0xbf: {  	s3 =	sand.u32 $0x4000, s31;
	s1 =	sadd.s32 s1, s30  }
0xc0: {  	s0 =	sor.u32 s3, s0;
	s1 =	sshll.u32 s1, $0x11  }
0xc1: {  	s0 =	sor.u32 s1, s0  }
0xc2: {  	s0 =	sadd.s32 $0x8F2B, s0  }
0xc3: {  	[sflag:s0] =	ssyncadd.remote.s32 $0x1  }
0xc4: {  	_ =	sfence.sel $0xFFFF  }
0xc5: {  	[dreg:$0x0] =	wrdreg $0xFFFFFFFF;
	(pc) =	sbr.abs _section_cstart, $3  }
0xc6: {  	[dreg:$0x1] =	wrdreg $0xFFFFFFFF  }
0xc7: {  	_ =	task.clear_ibuf [dreg:s10], $0x2FFFF;
	_ =	strace $0x9FFFFFFF  }
0xc8: {  	(tm) =	ssettm $0x7FFFFFFF  }
0xc9: {  	_ =	shalt  }
tec
execute0_lowered:
.L_overlay_start_1:
0x0: {  	(tag) =	ssettag $0x1  }
0x1: {  	s1 =	rddreg [dreg:$0x0]  }
0x2: {  	s0 =	srdreg.scid;
	s8 =	rddreg [dreg:$0x3]  }
0x3: {  	s2 =	stileid.u32;
	s5 =	rddreg [dreg:$0x4];
	s7 =	simm.s32 $0x0  }
0x4: {  	s12 =	simm.s32 $0x480;
	s15 =	simm.s32 $0x580;
	s17 =	simm.s32 $0x7580  }
0x5: {  	s18 =	simm.s32 $0x5;
	s0 =	sand.u32 $0x1, s0;
	s3 =	sshll.u32 s2, $0x1  }
0x6: {  	s19 =	simm.s32 $0x380;
	s20 =	simm.s32 $0x1;
	s3 =	sor.u32 s0, s3  }
0x7: {  	s21 =	simm.s32 $0x180;
	s22 =	simm.s32 $0xE580;
	s4 =	smul.u32 $0x4008, s3  }
0x8: {  	s23 =	simm.s32 $0x2;
	s24 =	simm.s32 $0x15580;
	s25 =	simm.s32 $0x6  }
0x9: {  	s2 =	rddreg [dreg:$0x1];
	s6 =	smul.u32 $0x18, s3;
	s4 =	sshrl.u32 s4, $0x10  }
0xa: {  	[smem:$0x7FF] =	sst s7;
	s8 =	sadd.s32 $0x600, s8;
	s4 =	smul.u32 $0x60, s4  }
0xb: {  	_ =	strace $0x80000047;
	s0 =	ssub.s32 $0x2, s0;
	s3 =	smul.u32 $0x2A000, s3  }
0xc: {  	[dreg:$0x6] =	wrdreg s8;
	s30 =	sshrl.u32 s0, $0x1;
	s4 =	ssub.s32 s6, s4  }
0xd: {  	s0 =	ssub.s32 s0, s30;
	s3 =	sadd.s32 s1, s3;
	s4 =	sshll.u32 s4, $0x5  }
0xe: {  	s0 =	smax.u32 s0, $0x1;
	[dreg:$0x7] =	wrdreg s3;
	s4 =	sand.u32 $0xFF00, s4  }
0xf: {  	s26 =	simm.s32 $0x3;
	[dreg:$0x9] =	wrdreg s0;
	s31 =	sadd.s32 s4, s2  }
0x10: {  	v0 =	vlaneseq.u32;
	s28 =	simm.s32 $0x4;
	s3 =	simm.s32 $0x0;
	[dreg:$0x8] =	wrdreg s31  }
.LBB2_1:
0x11: {  	[dreg:$0xa] =	wrdreg s3  }
0x12: {  	s0 =	rddreg [dreg:$0x2];
	s13 =	simm.s32 $0x7  }
0x13: {  	[tilespmem:s12], [sflag:$0x7] =	stream.linear.gather [hbm4b:s0+s7], $0x60, $0x38;
	[tilespmem:$0x1C580] =	vst v63  }
0x14: {  	_ =	swait.ge [sflag:s13], $0x60  }
0x15: {  	[sflag:s13] =	ssyncset.done $0x0  }
0x16: {  	s4 =	simm.s32 $0x500;
	s14 =	rddreg [dreg:$0x6];
	[sflag:s13] =	ssyncadd.s32 $0xFFFFFFA0  }
0x17: {  	[tilespmem:s4], [sflag:$0x7] =	stream.linear.gather [hbm4b:s14+s7], $0x80, $0x38;
	[tilespmem:$0x1C580] =	vst v63  }
0x18: {  	_ =	swait.ge [sflag:s13], $0x80  }
0x19: {  	[sflag:s13] =	ssyncset.done $0x0  }
0x1a: {  	[sflag:s13] =	ssyncadd.s32 $0xFFFFFF80  }
0x1b: {  	v1 =	vld [tilespmem:$0x500]  }
0x1c: {  	v2 =	vld [tilespmem:$0x510]  }
0x1d: {  	s16 =	rddreg [dreg:$0x7];
	v3 =	vld [tilespmem:$0x520]  }
0x1e: {  	v4 =	vld [tilespmem:$0x530];
	[tilespmem:s15], [sflag:$0x1] =	stream.linear.gather [hbm4b:s16+s7], $0x7000, $0x38  }
0x1f: {  	s31 =	simm.s32 $0x280;
	s30 =	simm.s32 $0x0;
	s29 =	rddreg [dreg:$0x8]  }
0x20: {  	[tilespmem:s31], [sflag:$0x5] =	stream.linear.gather [hbm4b:s29+s7], $0x100, $0x38;
	v5 =	vsub.f32 v1, v1;
	[tilespmem:$0x1C580] =	vst v63  }
.LBB2_2:
0x21: {  	s31 =	sshll.u32 s30, $0x1  }
0x22: {  	s4 =	sadd.s32 s6, s31  }
0x23: {  	s0 =	smulhi.u32 $0x2AAAAAAB, s4;
	_ =	sdelay $0x1  }
0x24: {  	s0 =	sshrl.u32 s0, $0x4  }
0x25: {  	s0 =	smul.u32 $0x60, s0;
	_ =	sdelay $0x1  }
0x26: {  	s3 =	smul.u32 $0xE000, s4;
	s0 =	ssub.s32 s4, s0  }
0x27: {  	v6 =	vmov s0  }
0x28: {  	s0 =	sshrl.u32 s3, $0x3;
	v6 =	vand.u32 $0xFFFFFFFE, v6  }
0x29: {  	s3 =	sadd.s32 $0xE00, s0;
	v6 =	vbroadcast v6, $0x0  }
0x2a: {  	s9 =	simm.s32 $0x0;
	s8 =	sadd.s32 s1, s3  }
0x2b: {  	[tilespmem:s17], [sflag:$0x2] =	stream.linear.gather [hbm4b:s8+s9], $0x7000, $0x38;
	[tilespmem:$0x1C580] =	vst v63  }
0x2c: {  	_ =	swait.ge [sflag:s18], $0x100  }
0x2d: {  	[sflag:s18] =	ssyncset.done $0x0  }
0x2e: {  	[sflag:s18] =	ssyncadd.s32 $0xFFFFFF00  }
0x2f: {  	v7 =	vld.idx.msk [tilespmem:v6+s12+$0x0], $0xffff  }
0x30: {  	s8 =	simm.s32 $0x0  }
0x31: {  	v8 =	vld [tilespmem:s8+$0x280];
	_ =	sdelay $0x2  }
0x32: {  	s10 =	simm.s32 $0x40;
	v6 =	vmul.f32 v7, v4  }
.LBB2_3:
0x33: {  	p0 =	sne.s32 s10, $0x3C0  }
.Ltmp0:
0x34: {  	s11 =	sshra.s32 s10, $0x2;
	s10 =	sadd.s32 $0x40, s10;
	v9 =	vmul.f32 v8, v7;
	(pc) =	sbr.rel @p0 .LBB2_3-.Ltmp0, $3  }
0x35: {  	v8 =	vld [tilespmem:s11+$0x280]  }
0x36: {  	v9 =	vadd.f32 v9, v6;
	_ =	sdelay $0x1  }
0x37: {  	[tilespmem:s8+$0x0] =	vst v9;
	s8 =	smov.u32 s11  }
0x38: {  	s10 =	simm.s32 $0x1  }
0x39: {  	v7 =	vmul.f32 v8, v7;
	v8 =	vadd.s32 s10, v0;
	_ =	sdelay $0x1  }
0x3a: {  	s14 =	simm.s32 $0x11;
	v6 =	vadd.f32 v7, v6  }
0x3b: {  	v7 =	vadd.s32 s14, v0  }
0x3c: {  	[tilespmem:s8+$0x0] =	vst v6;
	s8 =	simm.s32 $0x0  }
0x3d: {  	v6 =	vld.idx.msk [tilespmem:v8+s8+$0x0], $0xffff  }
0x3e: {  	s29 =	simm.s32 $0x10;
	v8 =	vld [tilespmem:s9+$0x0]  }
0x3f: {  	s16 =	simm.s32 $0x21;
	v10 =	vld [tilespmem:s29+$0x0]  }
0x40: {  	v9 =	vadd.s32 s16, v0;
	v7 =	vld.idx.msk [tilespmem:v7+s8+$0x0], $0xffff;
	_ =	sdelay $0x2  }
0x41: {  	v6 =	vsub.f32 v6, v8  }
0x42: {  	s9 =	simm.s32 $0x180  }
0x43: {  	s11 =	simm.s32 $0x20;
	s13 =	simm.s32 $0x180;
	s10 =	simm.s32 $0x31;
	[tilespmem:s9+$0x0] =	vst v6;
	v6 =	vld.idx.msk [tilespmem:v9+s8+$0x0], $0xffff;
	v7 =	vsub.f32 v7, v10  }
.LBB2_5:
0x44: {  	v8 =	vadd.s32 s10, v0;
	p0 =	sne.s32 s10, $0xF1;
	s10 =	sadd.s32 $0x10, s10;
	v9 =	vld [tilespmem:s11+$0x0];
	s13 =	sadd.s32 $0x10, s13  }
.Ltmp1:
0x45: {  	[tilespmem:s13+$0x0] =	vst v7;
	(pc) =	sbr.rel @p0 .LBB2_5-.Ltmp1, $2  }
0x46: {  	_ =	sdelay $0x2  }
0x47: {  	s11 =	sadd.s32 $0x10, s11;
	v7 =	vsub.f32 v6, v9;
	v6 =	vld.idx.msk [tilespmem:v8+s8+$0x0], $0xffff  }
0x48: {  	v8 =	vld [tilespmem:s11+$0x0];
	_ =	sdelay $0x4  }
0x49: {  	s10 =	sadd.s32 $0x10, s13;
	v6 =	vsub.f32 v6, v8  }
0x4a: {  	[tilespmem:s10+$0x0] =	vst v7;
	s10 =	sadd.s32 $0x10, s10  }
0x4b: {  	[tilespmem:s10+$0x0] =	vst v6  }
0x4c: {  	p0 =	por $0x1, $0x1;
	v7 =	vld [tilespmem:s9+$0x0]  }
.Ltmp2:
0x4d: {  	v6 =	vor.u32 s8, v0;
	(pc) =	sbr.rel @!p0 .LBB2_8-.Ltmp2, $2  }
0x4e: {  	v8 =	vcvt.s32.f32 v6;
	v6 =	vld [tilespmem:s8+$0x0];
	_ =	sdelay $0x2  }
0x4f: {  	s11 =	simm.s32 $0x0;
	s10 =	simm.s32 $0x190;
	s9 =	simm.s32 $0x10;
	v7 =	vmul.f32 v8, v7  }
.LBB2_7:
0x50: {  	v8 =	vld [tilespmem:s10+$0x0];
	p0 =	sne.s32 s9, $0xF0;
	s13 =	smov.u32 s9;
	s9 =	sadd.s32 $0x10, s9  }
.Ltmp3:
0x51: {  	s11 =	sadd.s32 $0x10, s11;
	v7 =	vsub.f32 v6, v7;
	(pc) =	sbr.rel @p0 .LBB2_7-.Ltmp3, $3  }
0x52: {  	v9 =	vor.u32 s13, v0;
	v6 =	vld [tilespmem:s11+$0x0]  }
0x53: {  	v9 =	vcvt.s32.f32 v9;
	[tilespmem:s8+$0x0] =	vst v7;
	s8 =	smov.u32 s11;
	_ =	sdelay $0x1  }
0x54: {  	s10 =	sadd.s32 $0x10, s10;
	v7 =	vmul.f32 v9, v8  }
.LBB2_8:
0x55: {  	s4 =	sor.u32 $0x1, s4  }
0x56: {  	s9 =	smulhi.u32 $0x2AAAAAAB, s4;
	_ =	sdelay $0x1  }
0x57: {  	s9 =	sshrl.u32 s9, $0x4  }
0x58: {  	s9 =	smul.u32 $0x60, s9;
	_ =	sdelay $0x1  }
0x59: {  	v6 =	vsub.f32 v6, v7;
	s9 =	ssub.s32 s4, s9  }
0x5a: {  	s9 =	sshll.u32 s9, $0x5  }
0x5b: {  	[tilespmem:s8+$0x0] =	vst v6;
	s13 =	sadd.s32 s2, s9  }
0x5c: {  	[tilespmem:s19], [sflag:$0x6] =	stream.linear.gather [hbm4b:s13+s7], $0x100, $0x38;
	[tilespmem:$0x1C580] =	vst v63  }
0x5d: {  	_ =	swait.ge [sflag:s20], $0x7000  }
0x5e: {  	p0 =	seq.s32 s30, $0x0;
	[sflag:s20] =	ssyncset.done $0x0  }
0x5f: {  	s8 =	simm.s32 @!p0 $0x3;
	[sflag:s20] =	ssyncadd.s32 $0xFFFF9000  }
0x60: {  	s14 =	simm.s32 $0x0;
	_ =	swait.ge @!p0 [sflag:s8], $0x7000  }
0x61: {  	s10 =	sand.u32 $0x7800, s14;
	s9 =	sand.u32 $0x380, s14;
	[sflag:s8] =	ssyncset.done @!p0 $0x0  }
0x62: {  	s14 =	sor.u32 s9, s10;
	[sflag:s8] =	ssyncadd.s32 @!p0 $0xFFFF9000  }
0x63: {  	v6 =	vld [tilespmem:s14+$0x580];
	_ =	sdelay $0x4  }
0x64: {  	v6 =	vmul.f32 v6, v3;
	_ =	sdelay $0x1  }
0x65: {  	v6 =	vsub.f32 v6, v1;
	_ =	sdelay $0x1  }
0x66: {  	v6 =	vmax.f32 v6, v5  }
0x67: {  	v7 =	vld [tilespmem:s14+$0x590];
	v6 =	vmin.f32 v6, v2  }
0x68: {  	v8 =	vtrunc.f32 v6  }
0x69: {  	v8 =	vcvt.f32.s32 v8;
	_ =	sdelay $0x2  }
0x6a: {  	v7 =	vmul.f32 v7, v3;
	_ =	sdelay $0x1  }
0x6b: {  	v7 =	vsub.f32 v7, v1  }
0x6c: {  	v9 =	vld.idx.msk [tilespmem:v8+s21+$0x0], $0xffff  }
0x6d: {  	v10 =	vld [tilespmem:s14+$0x5A0];
	v7 =	vmax.f32 v7, v5  }
0x6e: {  	v7 =	vmin.f32 v7, v2;
	v8 =	vld.idx.msk [tilespmem:v8+s7+$0x0], $0xffff  }
0x6f: {  	v11 =	vtrunc.f32 v7  }
0x70: {  	v11 =	vcvt.f32.s32 v11  }
0x71: {  	v6 =	vmul.f32 v6, v9;
	_ =	sdelay $0x1  }
0x72: {  	v6 =	vadd.f32 v6, v8;
	v8 =	vmul.f32 v10, v3;
	_ =	sdelay $0x1  }
0x73: {  	[tilespmem:s14+$0xE580] =	vst v6;
	v6 =	vsub.f32 v8, v1  }
0x74: {  	v8 =	vld.idx.msk [tilespmem:v11+s21+$0x0], $0xffff  }
0x75: {  	v9 =	vld [tilespmem:s14+$0x5B0];
	v6 =	vmax.f32 v6, v5  }
0x76: {  	v10 =	vld.idx.msk [tilespmem:v11+s7+$0x0], $0xffff;
	v6 =	vmin.f32 v6, v2  }
0x77: {  	v11 =	vtrunc.f32 v6  }
0x78: {  	v11 =	vcvt.f32.s32 v11  }
0x79: {  	v7 =	vmul.f32 v7, v8  }
0x7a: {  	s16 =	simm.s32 $0x100;
	s29 =	simm.s32 $0x80  }
0x7b: {  	s9 =	sand.u32 $0x380, s29;
	s8 =	sand.u32 $0x7800, s16;
	v8 =	vmul.f32 v9, v3;
	v7 =	vadd.f32 v7, v10  }
0x7c: {  	s16 =	sor.u32 s9, s8  }
0x7d: {  	v10 =	vld [tilespmem:s16+$0x580];
	[tilespmem:s14+$0xE590] =	vst v7;
	v7 =	vsub.f32 v8, v1  }
0x7e: {  	v8 =	vld.idx.msk [tilespmem:v11+s21+$0x0], $0xffff  }
0x7f: {  	v9 =	vld [tilespmem:s14+$0x5C0];
	v7 =	vmax.f32 v7, v5  }
0x80: {  	v11 =	vld.idx.msk [tilespmem:v11+s7+$0x0], $0xffff;
	v7 =	vmin.f32 v7, v2  }
0x81: {  	v12 =	vtrunc.f32 v7  }
0x82: {  	v10 =	vmul.f32 v10, v3;
	v12 =	vcvt.f32.s32 v12  }
0x83: {  	v6 =	vmul.f32 v6, v8  }
0x84: {  	v8 =	vsub.f32 v10, v1  }
0x85: {  	v9 =	vmul.f32 v9, v3;
	v6 =	vadd.f32 v6, v11  }
0x86: {  	v8 =	vmax.f32 v8, v5  }
0x87: {  	v11 =	vld [tilespmem:s16+$0x590];
	v8 =	vmin.f32 v8, v2;
	[tilespmem:s14+$0xE5A0] =	vst v6;
	v6 =	vsub.f32 v9, v1  }
0x88: {  	v13 =	vtrunc.f32 v8;
	v9 =	vld.idx.msk [tilespmem:v12+s21+$0x0], $0xffff  }
0x89: {  	v10 =	vld [tilespmem:s14+$0x5D0];
	v13 =	vcvt.f32.s32 v13;
	v6 =	vmax.f32 v6, v5  }
0x8a: {  	v12 =	vld.idx.msk [tilespmem:v12+s7+$0x0], $0xffff;
	v6 =	vmin.f32 v6, v2  }
0x8b: {  	v14 =	vtrunc.f32 v6  }
0x8c: {  	v11 =	vmul.f32 v11, v3;
	v14 =	vcvt.f32.s32 v14  }
0x8d: {  	v7 =	vmul.f32 v7, v9  }
0x8e: {  	v11 =	vsub.f32 v11, v1  }
0x8f: {  	v10 =	vmul.f32 v10, v3;
	v7 =	vadd.f32 v7, v12;
	v12 =	vld.idx.msk [tilespmem:v13+s21+$0x0], $0xffff  }
0x90: {  	v15 =	vld [tilespmem:s16+$0x5A0];
	v11 =	vmax.f32 v11, v5  }
0x91: {  	v13 =	vld.idx.msk [tilespmem:v13+s7+$0x0], $0xffff;
	[tilespmem:s14+$0xE5B0] =	vst v7;
	v7 =	vsub.f32 v10, v1;
	v10 =	vmin.f32 v11, v2  }
0x92: {  	v11 =	vld.idx.msk [tilespmem:v14+s21+$0x0], $0xffff;
	v16 =	vtrunc.f32 v10  }
0x93: {  	v9 =	vld [tilespmem:s14+$0x5E0];
	v7 =	vmax.f32 v7, v5;
	v16 =	vcvt.f32.s32 v16  }
0x94: {  	v14 =	vld.idx.msk [tilespmem:v14+s7+$0x0], $0xffff;
	v7 =	vmin.f32 v7, v2;
	v8 =	vmul.f32 v8, v12  }
0x95: {  	v12 =	vtrunc.f32 v7  }
0x96: {  	v12 =	vcvt.f32.s32 v12;
	v8 =	vadd.f32 v8, v13;
	v13 =	vmul.f32 v15, v3  }
0x97: {  	v6 =	vmul.f32 v6, v11  }
0x98: {  	[tilespmem:s16+$0xE580] =	vst v8;
	v8 =	vsub.f32 v13, v1  }
0x99: {  	v9 =	vmul.f32 v9, v3;
	v6 =	vadd.f32 v6, v14;
	v13 =	vld.idx.msk [tilespmem:v16+s21+$0x0], $0xffff  }
0x9a: {  	v14 =	vld [tilespmem:s16+$0x5B0];
	v8 =	vmax.f32 v8, v5  }
0x9b: {  	v15 =	vld.idx.msk [tilespmem:v16+s7+$0x0], $0xffff;
	[tilespmem:s14+$0xE5C0] =	vst v6;
	v6 =	vsub.f32 v9, v1;
	v8 =	vmin.f32 v8, v2  }
0x9c: {  	v9 =	vld.idx.msk [tilespmem:v12+s21+$0x0], $0xffff;
	v16 =	vtrunc.f32 v8  }
0x9d: {  	v11 =	vld [tilespmem:s14+$0x5F0];
	v6 =	vmax.f32 v6, v5;
	v16 =	vcvt.f32.s32 v16  }
0x9e: {  	v12 =	vld.idx.msk [tilespmem:v12+s7+$0x0], $0xffff;
	v6 =	vmin.f32 v6, v2;
	v10 =	vmul.f32 v10, v13  }
0x9f: {  	v13 =	vtrunc.f32 v6  }
0xa0: {  	v13 =	vcvt.f32.s32 v13;
	v10 =	vadd.f32 v10, v15  }
0xa1: {  	s10 =	simm.s32 $0x100;
	s9 =	simm.s32 $0x200;
	v7 =	vmul.f32 v7, v9;
	v9 =	vmul.f32 v14, v3  }
0xa2: {  	s8 =	sand.u32 $0x7800, s9;
	s9 =	sand.u32 $0x380, s10;
	v14 =	vld [tilespmem:s16+$0x5C0];
	[tilespmem:s16+$0xE590] =	vst v10  }
0xa3: {  	s8 =	sor.u32 s9, s8;
	v11 =	vmul.f32 v11, v3;
	v7 =	vadd.f32 v7, v12;
	v10 =	vld.idx.msk [tilespmem:v16+s21+$0x0], $0xffff;
	v9 =	vsub.f32 v9, v1  }
0xa4: {  	v12 =	vld [tilespmem:s8+$0x580]  }
0xa5: {  	v15 =	vld.idx.msk [tilespmem:v16+s7+$0x0], $0xffff;
	[tilespmem:s14+$0xE5D0] =	vst v7;
	v7 =	vmax.f32 v9, v5;
	v9 =	vsub.f32 v11, v1  }
0xa6: {  	v11 =	vld.idx.msk [tilespmem:v13+s21+$0x0], $0xffff;
	v16 =	vmin.f32 v7, v2  }
0xa7: {  	v7 =	vtrunc.f32 v16;
	v9 =	vmax.f32 v9, v5  }
0xa8: {  	v13 =	vld.idx.msk [tilespmem:v13+s7+$0x0], $0xffff;
	v17 =	vcvt.f32.s32 v7;
	v9 =	vmin.f32 v9, v2;
	v7 =	vmul.f32 v8, v10  }
0xa9: {  	v8 =	vld [tilespmem:s14+$0x980];
	v12 =	vmul.f32 v12, v3;
	v10 =	vtrunc.f32 v9  }
0xaa: {  	v10 =	vcvt.f32.s32 v10;
	v15 =	vadd.f32 v7, v15  }
0xab: {  	v6 =	vmul.f32 v6, v11;
	v11 =	vsub.f32 v12, v1;
	v12 =	vmul.f32 v14, v3;
	_ =	sdelay $0x1  }
0xac: {  	[tilespmem:s16+$0xE5A0] =	vst v15;
	v15 =	vld [tilespmem:s8+$0x590];
	v6 =	vadd.f32 v6, v13;
	v11 =	vmax.f32 v11, v5;
	v12 =	vsub.f32 v12, v1  }
0xad: {  	v8 =	vmul.f32 v8, v3;
	v13 =	vld.idx.msk [tilespmem:v17+s21+$0x0], $0xffff;
	v11 =	vmin.f32 v11, v2  }
0xae: {  	v17 =	vld.idx.msk [tilespmem:v17+s7+$0x0], $0xffff;
	v18 =	vtrunc.f32 v11;
	[tilespmem:s14+$0xE5E0] =	vst v6;
	v6 =	vmax.f32 v12, v5  }
0xaf: {  	v8 =	vsub.f32 v8, v1;
	v12 =	vcvt.f32.s32 v18;
	v18 =	vld.idx.msk [tilespmem:v10+s21+$0x0], $0xffff;
	v6 =	vmin.f32 v6, v2  }
0xb0: {  	v14 =	vld [tilespmem:s16+$0x5D0];
	v19 =	vtrunc.f32 v6  }
0xb1: {  	v10 =	vld.idx.msk [tilespmem:v10+s7+$0x0], $0xffff;
	v8 =	vmax.f32 v8, v5;
	v19 =	vcvt.f32.s32 v19  }
0xb2: {  	v8 =	vmin.f32 v8, v2;
	v13 =	vmul.f32 v16, v13;
	v16 =	vld [tilespmem:s14+$0x990]  }
0xb3: {  	v15 =	vmul.f32 v15, v3;
	v20 =	vtrunc.f32 v8  }
0xb4: {  	v22 =	vld [tilespmem:s14+$0x9A0];
	v20 =	vcvt.f32.s32 v20;
	v13 =	vadd.f32 v13, v17;
	v9 =	vmul.f32 v9, v18  }
0xb5: {  	v14 =	vmul.f32 v14, v3;
	v15 =	vsub.f32 v15, v1;
	v17 =	vld.idx.msk [tilespmem:v12+s21+$0x0], $0xffff  }
0xb6: {  	v12 =	vld.idx.msk [tilespmem:v12+s7+$0x0], $0xffff;
	[tilespmem:s16+$0xE5B0] =	vst v13;
	v9 =	vadd.f32 v9, v10  }
0xb7: {  	v10 =	vmax.f32 v15, v5;
	v13 =	vsub.f32 v14, v1;
	v14 =	vld.idx.msk [tilespmem:v19+s21+$0x0], $0xffff;
	v15 =	vmul.f32 v16, v3  }
0xb8: {  	v10 =	vmin.f32 v10, v2;
	v16 =	vld [tilespmem:s8+$0x5A0]  }
0xb9: {  	v19 =	vld.idx.msk [tilespmem:v19+s7+$0x0], $0xffff;
	[tilespmem:s14+$0xE5F0] =	vst v9;
	v9 =	vtrunc.f32 v10;
	v13 =	vmax.f32 v13, v5;
	v15 =	vsub.f32 v15, v1  }
0xba: {  	v18 =	vld.idx.msk [tilespmem:v20+s21+$0x0], $0xffff;
	v9 =	vcvt.f32.s32 v9;
	v13 =	vmin.f32 v13, v2  }
0xbb: {  	v21 =	vld [tilespmem:s16+$0x5E0];
	v11 =	vmul.f32 v11, v17;
	v17 =	vtrunc.f32 v13;
	v15 =	vmax.f32 v15, v5  }
0xbc: {  	v20 =	vld.idx.msk [tilespmem:v20+s7+$0x0], $0xffff;
	v17 =	vcvt.f32.s32 v17;
	v15 =	vmin.f32 v15, v2;
	v6 =	vmul.f32 v6, v14  }
0xbd: {  	v24 =	vld [tilespmem:s8+$0x5D0];
	v11 =	vadd.f32 v11, v12;
	v14 =	vmul.f32 v16, v3;
	v12 =	vtrunc.f32 v15  }
0xbe: {  	v7 =	vld [tilespmem:s14+$0x9C0];
	v12 =	vcvt.f32.s32 v12  }
0xbf: {  	v16 =	vld [tilespmem:s16+$0x5F0];
	[tilespmem:s8+$0xE580] =	vst v11;
	v8 =	vmul.f32 v8, v18;
	v6 =	vadd.f32 v6, v19;
	v14 =	vsub.f32 v14, v1  }
0xc0: {  	v18 =	vmul.f32 v21, v3;
	v11 =	vld.idx.msk [tilespmem:v9+s21+$0x0], $0xffff  }
0xc1: {  	v19 =	vld [tilespmem:s8+$0x5B0];
	v8 =	vadd.f32 v8, v20;
	[tilespmem:s16+$0xE5C0] =	vst v6;
	v6 =	vmax.f32 v14, v5  }
0xc2: {  	v9 =	vld.idx.msk [tilespmem:v9+s7+$0x0], $0xffff;
	v14 =	vsub.f32 v18, v1;
	v18 =	vmul.f32 v22, v3;
	v6 =	vmin.f32 v6, v2  }
0xc3: {  	v20 =	vld.idx.msk [tilespmem:v17+s21+$0x0], $0xffff;
	[tilespmem:s14+$0xE980] =	vst v8;
	v8 =	vtrunc.f32 v6  }
0xc4: {  	v17 =	vld.idx.msk [tilespmem:v17+s7+$0x0], $0xffff;
	v14 =	vmax.f32 v14, v5;
	v18 =	vsub.f32 v18, v1;
	v8 =	vcvt.f32.s32 v8  }
0xc5: {  	v7 =	vmul.f32 v7, v3;
	v14 =	vmin.f32 v14, v2;
	v21 =	vld.idx.msk [tilespmem:v12+s21+$0x0], $0xffff;
	v10 =	vmul.f32 v10, v11  }
0xc6: {  	s11 =	simm.s32 $0x300;
	s13 =	simm.s32 $0x180;
	v22 =	vld [tilespmem:s14+$0x9B0];
	v19 =	vmul.f32 v19, v3;
	v11 =	vtrunc.f32 v14;
	v18 =	vmax.f32 v18, v5  }
0xc7: {  	s10 =	sand.u32 $0x380, s13;
	s9 =	sand.u32 $0x7800, s11;
	v12 =	vld.idx.msk [tilespmem:v12+s7+$0x0], $0xffff;
	v11 =	vcvt.f32.s32 v11;
	v18 =	vmin.f32 v18, v2;
	v9 =	vadd.f32 v10, v9  }
0xc8: {  	s9 =	sor.u32 s10, s9;
	v26 =	vld [tilespmem:s8+$0x5E0];
	v10 =	vmul.f32 v13, v20;
	v13 =	vtrunc.f32 v18  }
0xc9: {  	v23 =	vld [tilespmem:s9+$0x580];
	v16 =	vmul.f32 v16, v3;
	v13 =	vcvt.f32.s32 v13;
	[tilespmem:s8+$0xE590] =	vst v9  }
0xca: {  	v9 =	vadd.f32 v10, v17;
	v17 =	vsub.f32 v19, v1;
	v10 =	vmul.f32 v15, v21;
	v15 =	vld.idx.msk [tilespmem:v8+s21+$0x0], $0xffff  }
0xcb: {  	v7 =	vsub.f32 v7, v1;
	v16 =	vsub.f32 v16, v1;
	v8 =	vld.idx.msk [tilespmem:v8+s7+$0x0], $0xffff  }
0xcc: {  	v20 =	vld [tilespmem:s8+$0x5C0];
	[tilespmem:s16+$0xE5D0] =	vst v9;
	v9 =	vadd.f32 v10, v12;
	v10 =	vmax.f32 v17, v5;
	v17 =	vmul.f32 v22, v3  }
0xcd: {  	v7 =	vmax.f32 v7, v5;
	v12 =	vld.idx.msk [tilespmem:v11+s21+$0x0], $0xffff;
	v10 =	vmin.f32 v10, v2  }
0xce: {  	v16 =	vmax.f32 v16, v5;
	v11 =	vld.idx.msk [tilespmem:v11+s7+$0x0], $0xffff;
	[tilespmem:s14+$0xE990] =	vst v9;
	v9 =	vtrunc.f32 v10;
	v17 =	vsub.f32 v17, v1  }
0xcf: {  	v16 =	vmin.f32 v16, v2;
	v22 =	vmul.f32 v23, v3;
	v19 =	vld.idx.msk [tilespmem:v13+s21+$0x0], $0xffff;
	v9 =	vcvt.f32.s32 v9  }
0xd0: {  	v21 =	vld [tilespmem:s16+$0x980];
	v6 =	vmul.f32 v6, v15;
	v15 =	vtrunc.f32 v16;
	v17 =	vmax.f32 v17, v5  }
0xd1: {  	v22 =	vsub.f32 v22, v1;
	v13 =	vld.idx.msk [tilespmem:v13+s7+$0x0], $0xffff;
	v15 =	vcvt.f32.s32 v15;
	v17 =	vmin.f32 v17, v2  }
0xd2: {  	v25 =	vld [tilespmem:s9+$0x590];
	v8 =	vadd.f32 v6, v8;
	v12 =	vmul.f32 v14, v12;
	v14 =	vtrunc.f32 v17  }
0xd3: {  	v27 =	vmin.f32 v7, v2;
	v7 =	vld [tilespmem:s9+$0x5A0];
	v20 =	vmul.f32 v20, v3;
	v14 =	vcvt.f32.s32 v14  }
0xd4: {  	v23 =	vld [tilespmem:s14+$0x9D0];
	[tilespmem:s8+$0xE5A0] =	vst v8;
	v8 =	vadd.f32 v12, v11;
	v12 =	vmax.f32 v22, v5;
	v11 =	vmul.f32 v18, v19  }
0xd5: {  	v19 =	vsub.f32 v20, v1;
	v20 =	vmul.f32 v21, v3;
	v12 =	vmin.f32 v12, v2;
	v18 =	vld.idx.msk [tilespmem:v9+s21+$0x0], $0xffff  }
0xd6: {  	v9 =	vld.idx.msk [tilespmem:v9+s7+$0x0], $0xffff;
	[tilespmem:s16+$0xE5E0] =	vst v8;
	v8 =	vadd.f32 v11, v13;
	v11 =	vtrunc.f32 v12  }
0xd7: {  	v13 =	vmax.f32 v19, v5;
	v19 =	vld.idx.msk [tilespmem:v15+s21+$0x0], $0xffff;
	v20 =	vsub.f32 v20, v1;
	v11 =	vcvt.f32.s32 v11  }
0xd8: {  	v15 =	vld.idx.msk [tilespmem:v15+s7+$0x0], $0xffff;
	v13 =	vmin.f32 v13, v2;
	[tilespmem:s14+$0xE9A0] =	vst v8  }
0xd9: {  	v24 =	vmul.f32 v24, v3;
	v8 =	vtrunc.f32 v13;
	v20 =	vmax.f32 v20, v5;
	v21 =	vld.idx.msk [tilespmem:v14+s21+$0x0], $0xffff  }
0xda: {  	v22 =	vld [tilespmem:s16+$0x990];
	v8 =	vcvt.f32.s32 v8;
	v20 =	vmin.f32 v20, v2;
	v10 =	vmul.f32 v10, v18  }
0xdb: {  	v25 =	vmul.f32 v25, v3;
	v14 =	vld.idx.msk [tilespmem:v14+s7+$0x0], $0xffff;
	v18 =	vtrunc.f32 v20  }
0xdc: {  	v6 =	vld [tilespmem:s16+$0x9C0];
	v18 =	vcvt.f32.s32 v18;
	v9 =	vadd.f32 v10, v9;
	v10 =	vmul.f32 v16, v19  }
0xdd: {  	v25 =	vsub.f32 v25, v1;
	v23 =	vmul.f32 v23, v3;
	v16 =	vtrunc.f32 v27;
	v19 =	vld.idx.msk [tilespmem:v11+s21+$0x0], $0xffff  }
0xde: {  	v16 =	vcvt.f32.s32 v16;
	v11 =	vld.idx.msk [tilespmem:v11+s7+$0x0], $0xffff;
	[tilespmem:s8+$0xE5B0] =	vst v9;
	v9 =	vadd.f32 v10, v15;
	v10 =	vmul.f32 v17, v21  }
0xdf: {  	v22 =	vmul.f32 v22, v3;
	v15 =	vmax.f32 v25, v5;
	v21 =	vsub.f32 v24, v1;
	v25 =	vld [tilespmem:s8+$0x5F0]  }
0xe0: {  	v17 =	vld.idx.msk [tilespmem:v8+s21+$0x0], $0xffff;
	v24 =	vmin.f32 v15, v2;
	[tilespmem:s16+$0xE5F0] =	vst v9;
	v9 =	vadd.f32 v10, v14  }
0xe1: {  	v8 =	vld.idx.msk [tilespmem:v8+s7+$0x0], $0xffff;
	v10 =	vtrunc.f32 v24;
	v14 =	vmax.f32 v21, v5;
	v21 =	vsub.f32 v22, v1  }
0xe2: {  	v15 =	vld.idx.msk [tilespmem:v18+s21+$0x0], $0xffff;
	v10 =	vcvt.f32.s32 v10;
	v14 =	vmin.f32 v14, v2;
	[tilespmem:s14+$0xE9B0] =	vst v9;
	v9 =	vmul.f32 v12, v19  }
0xe3: {  	v18 =	vld.idx.msk [tilespmem:v18+s7+$0x0], $0xffff;
	v12 =	vsub.f32 v23, v1;
	v19 =	vtrunc.f32 v14;
	v21 =	vmax.f32 v21, v5  }
0xe4: {  	v22 =	vld.idx.msk [tilespmem:v16+s21+$0x0], $0xffff;
	v19 =	vcvt.f32.s32 v19;
	v21 =	vmin.f32 v21, v2;
	v9 =	vadd.f32 v9, v11  }
0xe5: {  	v23 =	vld [tilespmem:s16+$0x9A0];
	v11 =	vmax.f32 v12, v5;
	v12 =	vmul.f32 v13, v17;
	v13 =	vtrunc.f32 v21  }
0xe6: {  	v17 =	vld.idx.msk [tilespmem:v16+s7+$0x0], $0xffff;
	v16 =	vmul.f32 v7, v3;
	v13 =	vcvt.f32.s32 v13  }
0xe7: {  	v7 =	vmin.f32 v11, v2;
	v11 =	vld [tilespmem:s9+$0x5B0];
	[tilespmem:s9+$0xE580] =	vst v9;
	v8 =	vadd.f32 v12, v8;
	v9 =	vmul.f32 v20, v15  }
0xe8: {  	v12 =	vtrunc.f32 v7;
	v15 =	vsub.f32 v16, v1;
	v16 =	vmul.f32 v26, v3;
	v20 =	vld.idx.msk [tilespmem:v10+s21+$0x0], $0xffff  }
0xe9: {  	v26 =	vcvt.f32.s32 v12;
	v28 =	vld.idx.msk [tilespmem:v10+s7+$0x0], $0xffff;
	[tilespmem:s8+$0xE5C0] =	vst v8;
	v8 =	vadd.f32 v9, v18;
	v9 =	vmul.f32 v27, v22  }
0xea: {  	v10 =	vmax.f32 v15, v5;
	v12 =	vsub.f32 v16, v1;
	v15 =	vmul.f32 v23, v3;
	v18 =	vld.idx.msk [tilespmem:v19+s21+$0x0], $0xffff  }
0xeb: {  	v16 =	vmin.f32 v10, v2;
	v22 =	vld.idx.msk [tilespmem:v19+s7+$0x0], $0xffff;
	[tilespmem:s16+$0xE980] =	vst v8;
	v8 =	vadd.f32 v9, v17  }
0xec: {  	v9 =	vtrunc.f32 v16;
	v10 =	vmax.f32 v12, v5;
	v12 =	vsub.f32 v15, v1;
	v27 =	vld.idx.msk [tilespmem:v13+s21+$0x0], $0xffff  }
0xed: {  	v19 =	vcvt.f32.s32 v9;
	v13 =	vld.idx.msk [tilespmem:v13+s7+$0x0], $0xffff;
	v15 =	vmin.f32 v10, v2  }
0xee: {  	[tilespmem:s14+$0xE9C0] =	vst v8;
	v9 =	vmul.f32 v24, v20;
	v17 =	vtrunc.f32 v15;
	v10 =	vmax.f32 v12, v5;
	v12 =	vld [tilespmem:s16+$0x9B0]  }
0xef: {  	s29 =	simm.s32 $0x400;
	s11 =	simm.s32 $0x200;
	v8 =	vld.idx.msk [tilespmem:v26+s21+$0x0], $0xffff;
	v10 =	vmin.f32 v10, v2;
	v17 =	vcvt.f32.s32 v17  }
0xf0: {  	s10 =	sand.u32 $0x7800, s29;
	s13 =	sand.u32 $0x380, s11;
	v20 =	vadd.f32 v9, v28;
	v14 =	vmul.f32 v14, v18;
	v9 =	vld.idx.msk [tilespmem:v26+s7+$0x0], $0xffff;
	v23 =	vtrunc.f32 v10  }
0xf1: {  	s10 =	sor.u32 s13, s10;
	v24 =	vmul.f32 v11, v3;
	v18 =	vld [tilespmem:s9+$0x5C0];
	v11 =	vcvt.f32.s32 v23  }
0xf2: {  	v23 =	vld [tilespmem:s10+$0x580];
	[tilespmem:s9+$0xE590] =	vst v20;
	v20 =	vadd.f32 v14, v22;
	v14 =	vmul.f32 v21, v27  }
0xf3: {  	s13 =	simm.s32 $0x500;
	v24 =	vsub.f32 v24, v1;
	v21 =	vmul.f32 v25, v3;
	v22 =	vld.idx.msk [tilespmem:v19+s21+$0x0], $0xffff  }
.LBB2_9:
0xf4: {  	p1 =	sne.s32 s13, $0x6F00;
	v19 =	vld.idx.msk [tilespmem:v19+s7+$0x0], $0xffff;
	[tilespmem:s8+$0xE5D0] =	vst v20;
	v13 =	vadd.f32 v14, v13;
	v7 =	vmul.f32 v7, v8  }
0xf5: {  	v12 =	vmul.f32 v12, v3;
	v8 =	vmax.f32 v24, v5;
	v14 =	vld.idx.msk [tilespmem:v17+s21+$0x0], $0xffff;
	v20 =	vsub.f32 v21, v1  }
0xf6: {  	v8 =	vmin.f32 v8, v2;
	v17 =	vld.idx.msk [tilespmem:v17+s7+$0x0], $0xffff;
	[tilespmem:s16+$0xE990] =	vst v13;
	v7 =	vadd.f32 v7, v9  }
0xf7: {  	v12 =	vsub.f32 v12, v1;
	v9 =	vtrunc.f32 v8;
	v13 =	vmax.f32 v20, v5;
	v20 =	vld.idx.msk [tilespmem:v11+s21+$0x0], $0xffff  }
0xf8: {  	v9 =	vcvt.f32.s32 v9;
	v13 =	vmin.f32 v13, v2;
	v21 =	vld [tilespmem:s8+$0x980];
	[tilespmem:s14+$0xE9D0] =	vst v7;
	s14 =	smov.u32 s16;
	s16 =	smov.u32 s8;
	s8 =	smov.u32 s9  }
0xf9: {  	v7 =	vmul.f32 v16, v22;
	v12 =	vmax.f32 v12, v5;
	s9 =	smov.u32 s10;
	v16 =	vtrunc.f32 v13;
	v11 =	vld.idx.msk [tilespmem:v11+s7+$0x0], $0xffff  }
0xfa: {  	v22 =	vmul.f32 v23, v3;
	v12 =	vmin.f32 v12, v2;
	v16 =	vcvt.f32.s32 v16;
	v23 =	vld [tilespmem:s14+$0x9D0]  }
0xfb: {  	v7 =	vadd.f32 v7, v19;
	v14 =	vmul.f32 v15, v14;
	v19 =	vtrunc.f32 v12;
	v15 =	vld [tilespmem:s16+$0x9C0]  }
0xfc: {  	v18 =	vmul.f32 v18, v3;
	v22 =	vsub.f32 v22, v1;
	v19 =	vcvt.f32.s32 v19;
	v24 =	vld [tilespmem:s8+$0x5D0]  }
0xfd: {  	v10 =	vmul.f32 v10, v20;
	v25 =	vld [tilespmem:s9+$0x590];
	[tilespmem:s8+$0xE5A0] =	vst v7;
	v7 =	vadd.f32 v14, v17;
	v14 =	vmul.f32 v6, v3  }
0xfe: {  	v18 =	vsub.f32 v18, v1;
	v22 =	vmax.f32 v22, v5;
	v20 =	vmul.f32 v21, v3;
	v17 =	vld.idx.msk [tilespmem:v9+s21+$0x0], $0xffff  }
0xff: {  	v21 =	vmin.f32 v22, v2;
	v9 =	vld.idx.msk [tilespmem:v9+s7+$0x0], $0xffff;
	[tilespmem:s16+$0xE5E0] =	vst v7;
	v7 =	vadd.f32 v10, v11  }
0x100: {  	v10 =	vtrunc.f32 v21;
	v11 =	vmax.f32 v18, v5;
	v20 =	vsub.f32 v20, v1;
	v18 =	vld.idx.msk [tilespmem:v16+s21+$0x0], $0xffff;
	v6 =	vmovc v15  }
0x101: {  	v10 =	vcvt.f32.s32 v10;
	v11 =	vmin.f32 v11, v2;
	v15 =	vld.idx.msk [tilespmem:v16+s7+$0x0], $0xffff;
	[tilespmem:s14+$0xE9A0] =	vst v7  }
0x102: {  	v14 =	vsub.f32 v14, v1;
	v7 =	vtrunc.f32 v11;
	v16 =	vmax.f32 v20, v5;
	v20 =	vld.idx.msk [tilespmem:v19+s21+$0x0], $0xffff  }
0x103: {  	v23 =	vmul.f32 v23, v3;
	v7 =	vcvt.f32.s32 v7;
	v16 =	vmin.f32 v16, v2;
	v22 =	vld [tilespmem:s16+$0x990]  }
0x104: {  	v14 =	vmax.f32 v14, v5;
	v8 =	vmul.f32 v8, v17;
	v17 =	vtrunc.f32 v16;
	v19 =	vld.idx.msk [tilespmem:v19+s7+$0x0], $0xffff  }
0x105: {  	v25 =	vmul.f32 v25, v3;
	v14 =	vmin.f32 v14, v2;
	v17 =	vcvt.f32.s32 v17;
	v26 =	vld [tilespmem:s8+$0x5E0]  }
0x106: {  	v8 =	vadd.f32 v8, v9;
	v9 =	vmul.f32 v13, v18;
	v13 =	vtrunc.f32 v14;
	v27 =	vld [tilespmem:s9+$0x5A0]  }
0x107: {  	v24 =	vmul.f32 v24, v3;
	v25 =	vsub.f32 v25, v1;
	v13 =	vcvt.f32.s32 v13;
	v18 =	vld.idx.msk [tilespmem:v10+s21+$0x0], $0xffff  }
0x108: {  	v10 =	vld.idx.msk [tilespmem:v10+s7+$0x0], $0xffff;
	[tilespmem:s8+$0xE5B0] =	vst v8;
	v8 =	vadd.f32 v9, v15;
	v9 =	vmul.f32 v12, v20  }
0x109: {  	v12 =	vmax.f32 v25, v5;
	v20 =	vsub.f32 v24, v1;
	v22 =	vmul.f32 v22, v3;
	v15 =	vld.idx.msk [tilespmem:v7+s21+$0x0], $0xffff  }
0x10a: {  	v12 =	vmin.f32 v12, v2;
	v24 =	vld.idx.msk [tilespmem:v7+s7+$0x0], $0xffff;
	[tilespmem:s16+$0xE5F0] =	vst v8;
	v7 =	vadd.f32 v9, v19  }
0x10b: {  	v8 =	vtrunc.f32 v12;
	v9 =	vmax.f32 v20, v5;
	v20 =	vsub.f32 v22, v1;
	v19 =	vld.idx.msk [tilespmem:v17+s21+$0x0], $0xffff  }
0x10c: {  	v8 =	vcvt.f32.s32 v8;
	v9 =	vmin.f32 v9, v2;
	v17 =	vld.idx.msk [tilespmem:v17+s7+$0x0], $0xffff;
	[tilespmem:s14+$0xE9B0] =	vst v7;
	v7 =	vsub.f32 v23, v1  }
0x10d: {  	v18 =	vmul.f32 v21, v18;
	v21 =	vtrunc.f32 v9;
	v20 =	vmax.f32 v20, v5;
	v22 =	vld.idx.msk [tilespmem:v13+s21+$0x0], $0xffff  }
0x10e: {  	v21 =	vcvt.f32.s32 v21;
	v25 =	vmin.f32 v20, v2;
	v20 =	vld [tilespmem:s16+$0x9A0];
	v7 =	vmax.f32 v7, v5  }
0x10f: {  	v10 =	vadd.f32 v18, v10;
	v11 =	vmul.f32 v11, v15;
	v15 =	vtrunc.f32 v25;
	v13 =	vld.idx.msk [tilespmem:v13+s7+$0x0], $0xffff  }
0x110: {  	v18 =	vmul.f32 v27, v3;
	v23 =	vcvt.f32.s32 v15;
	v7 =	vmin.f32 v7, v2;
	v27 =	vld [tilespmem:s8+$0x5F0]  }
0x111: {  	v15 =	vtrunc.f32 v7;
	[tilespmem:s9+$0xE580] =	vst v10;
	v28 =	vld [tilespmem:s9+$0x5B0];
	v10 =	vadd.f32 v11, v24;
	v11 =	vmul.f32 v16, v19  }
0x112: {  	v16 =	vsub.f32 v18, v1;
	v18 =	vmul.f32 v26, v3;
	v26 =	vcvt.f32.s32 v15;
	v24 =	vld.idx.msk [tilespmem:v8+s21+$0x0], $0xffff  }
0x113: {  	v29 =	vld.idx.msk [tilespmem:v8+s7+$0x0], $0xffff;
	[tilespmem:s8+$0xE5C0] =	vst v10;
	v8 =	vadd.f32 v11, v17;
	v10 =	vmul.f32 v14, v22  }
0x114: {  	v11 =	vmax.f32 v16, v5;
	v15 =	vsub.f32 v18, v1;
	v17 =	vmul.f32 v20, v3;
	v14 =	vld.idx.msk [tilespmem:v21+s21+$0x0], $0xffff  }
0x115: {  	v16 =	vmin.f32 v11, v2;
	v20 =	vld.idx.msk [tilespmem:v21+s7+$0x0], $0xffff;
	[tilespmem:s16+$0xE980] =	vst v8;
	v8 =	vadd.f32 v10, v13  }
0x116: {  	v10 =	vtrunc.f32 v16;
	v11 =	vmax.f32 v15, v5;
	v17 =	vsub.f32 v17, v1;
	v21 =	vld.idx.msk [tilespmem:v23+s21+$0x0], $0xffff  }
0x117: {  	v19 =	vcvt.f32.s32 v10;
	v15 =	vmin.f32 v11, v2;
	v13 =	vld.idx.msk [tilespmem:v23+s7+$0x0], $0xffff;
	[tilespmem:s14+$0xE9C0] =	vst v8  }
0x118: {  	v11 =	vmul.f32 v12, v24;
	v10 =	vtrunc.f32 v15;
	v12 =	vmax.f32 v17, v5;
	v8 =	vld.idx.msk [tilespmem:v26+s21+$0x0], $0xffff  }
.Ltmp4:
0x119: {  	s11 =	sadd.s32 $0x80, s11;
	v17 =	vcvt.f32.s32 v10;
	v10 =	vmin.f32 v12, v2;
	v12 =	vld [tilespmem:s16+$0x9B0];
	(pc) =	sbr.rel @p1 .LBB2_9-.Ltmp4, $4  }
0x11a: {  	s29 =	sand.u32 $0x380, s11;
	s10 =	sand.u32 $0x7800, s13;
	v22 =	vadd.f32 v11, v29;
	v14 =	vmul.f32 v9, v14;
	v11 =	vtrunc.f32 v10;
	v9 =	vld.idx.msk [tilespmem:v26+s7+$0x0], $0xffff  }
0x11b: {  	s10 =	sor.u32 s29, s10;
	v24 =	vmul.f32 v28, v3;
	v11 =	vcvt.f32.s32 v11;
	v18 =	vld [tilespmem:s9+$0x5C0]  }
0x11c: {  	v20 =	vadd.f32 v14, v20;
	v14 =	vmul.f32 v25, v21;
	v23 =	vld [tilespmem:s10+$0x580];
	[tilespmem:s9+$0xE590] =	vst v22  }
0x11d: {  	s13 =	sadd.s32 $0x100, s13;
	v24 =	vsub.f32 v24, v1;
	v21 =	vmul.f32 v27, v3;
	v22 =	vld.idx.msk [tilespmem:v19+s21+$0x0], $0xffff  }
0x11e: {  	_ =	sdelay $0x2  }
0x11f: {  	v23 =	vmul.f32 v23, v3;
	_ =	sdelay $0x1  }
0x120: {  	v23 =	vsub.f32 v23, v1;
	_ =	sdelay $0x1  }
0x121: {  	v23 =	vmax.f32 v23, v5  }
0x122: {  	v25 =	vld [tilespmem:s10+$0x590];
	v23 =	vmin.f32 v23, v2  }
0x123: {  	v26 =	vtrunc.f32 v23  }
0x124: {  	v26 =	vcvt.f32.s32 v26;
	_ =	sdelay $0x2  }
0x125: {  	v25 =	vmul.f32 v25, v3;
	_ =	sdelay $0x1  }
0x126: {  	v25 =	vsub.f32 v25, v1  }
0x127: {  	v27 =	vld.idx.msk [tilespmem:v26+s21+$0x0], $0xffff  }
0x128: {  	v28 =	vld [tilespmem:s10+$0x5A0];
	v25 =	vmax.f32 v25, v5  }
0x129: {  	v25 =	vmin.f32 v25, v2;
	v26 =	vld.idx.msk [tilespmem:v26+s7+$0x0], $0xffff  }
0x12a: {  	v29 =	vtrunc.f32 v25  }
0x12b: {  	v29 =	vcvt.f32.s32 v29  }
0x12c: {  	v23 =	vmul.f32 v23, v27;
	_ =	sdelay $0x1  }
0x12d: {  	v23 =	vadd.f32 v23, v26;
	v26 =	vmul.f32 v28, v3;
	_ =	sdelay $0x1  }
0x12e: {  	[tilespmem:s10+$0xE580] =	vst v23;
	v23 =	vsub.f32 v26, v1  }
0x12f: {  	v26 =	vld.idx.msk [tilespmem:v29+s21+$0x0], $0xffff  }
0x130: {  	v27 =	vld [tilespmem:s10+$0x5B0];
	v23 =	vmax.f32 v23, v5  }
0x131: {  	v33 =	vld.idx.msk [tilespmem:v29+s7+$0x0], $0xffff;
	v23 =	vmin.f32 v23, v2  }
0x132: {  	v34 =	vtrunc.f32 v23  }
0x133: {  	v29 =	vcvt.f32.s32 v34  }
0x134: {  	v25 =	vmul.f32 v25, v26  }
0x135: {  	v24 =	vmax.f32 v24, v5  }
0x136: {  	v19 =	vld.idx.msk [tilespmem:v19+s7+$0x0], $0xffff;
	v24 =	vmin.f32 v24, v2;
	v26 =	vmul.f32 v27, v3;
	v25 =	vadd.f32 v25, v33  }
0x137: {  	v27 =	vtrunc.f32 v24  }
0x138: {  	v27 =	vcvt.f32.s32 v27;
	[tilespmem:s10+$0xE590] =	vst v25;
	v25 =	vsub.f32 v26, v1  }
0x139: {  	v16 =	vmul.f32 v16, v22;
	v22 =	vld.idx.msk [tilespmem:v29+s21+$0x0], $0xffff  }
0x13a: {  	v35 =	vld [tilespmem:s10+$0x5C0];
	v25 =	vmax.f32 v25, v5  }
0x13b: {  	v18 =	vmul.f32 v18, v3;
	v16 =	vadd.f32 v16, v19;
	v19 =	vld.idx.msk [tilespmem:v29+s7+$0x0], $0xffff;
	v25 =	vmin.f32 v25, v2  }
0x13c: {  	v36 =	vtrunc.f32 v25  }
0x13d: {  	[tilespmem:s9+$0xE5A0] =	vst v16;
	v16 =	vsub.f32 v18, v1;
	v18 =	vcvt.f32.s32 v36  }
0x13e: {  	v37 =	vld.idx.msk [tilespmem:v27+s21+$0x0], $0xffff;
	v22 =	vmul.f32 v23, v22  }
0x13f: {  	v16 =	vmax.f32 v16, v5;
	v26 =	vld [tilespmem:s9+$0x5D0]  }
0x140: {  	v16 =	vmin.f32 v16, v2;
	v23 =	vld.idx.msk [tilespmem:v27+s7+$0x0], $0xffff;
	v19 =	vadd.f32 v22, v19;
	v22 =	vmul.f32 v35, v3  }
0x141: {  	v27 =	vtrunc.f32 v16  }
0x142: {  	v27 =	vcvt.f32.s32 v27;
	[tilespmem:s10+$0xE5A0] =	vst v19;
	v19 =	vsub.f32 v22, v1  }
0x143: {  	v22 =	vmul.f32 v24, v37;
	v24 =	vld.idx.msk [tilespmem:v18+s21+$0x0], $0xffff  }
0x144: {  	v38 =	vld [tilespmem:s10+$0x5D0];
	v19 =	vmax.f32 v19, v5  }
0x145: {  	v18 =	vld.idx.msk [tilespmem:v18+s7+$0x0], $0xffff;
	v22 =	vadd.f32 v22, v23;
	v23 =	vmul.f32 v26, v3;
	v19 =	vmin.f32 v19, v2  }
0x146: {  	v39 =	vtrunc.f32 v19  }
0x147: {  	[tilespmem:s9+$0xE5B0] =	vst v22;
	v22 =	vsub.f32 v23, v1;
	v23 =	vcvt.f32.s32 v39  }
0x148: {  	[tilespmem:s8+$0xE5D0] =	vst v20;
	v20 =	vld.idx.msk [tilespmem:v27+s21+$0x0], $0xffff;
	v24 =	vmul.f32 v25, v24  }
0x149: {  	v21 =	vsub.f32 v21, v1;
	v26 =	vld [tilespmem:s9+$0x5E0];
	v22 =	vmax.f32 v22, v5  }
0x14a: {  	v27 =	vld.idx.msk [tilespmem:v27+s7+$0x0], $0xffff;
	v22 =	vmin.f32 v22, v2;
	v18 =	vadd.f32 v24, v18;
	v24 =	vmul.f32 v38, v3  }
0x14b: {  	v25 =	vld.idx.msk [tilespmem:v17+s21+$0x0], $0xffff;
	v40 =	vtrunc.f32 v22  }
0x14c: {  	v41 =	vld [tilespmem:s10+$0x5E0];
	v21 =	vmax.f32 v21, v5;
	v28 =	vcvt.f32.s32 v40;
	[tilespmem:s10+$0xE5B0] =	vst v18;
	v18 =	vsub.f32 v24, v1  }
0x14d: {  	v21 =	vmin.f32 v21, v2;
	v16 =	vmul.f32 v16, v20;
	v20 =	vld.idx.msk [tilespmem:v23+s21+$0x0], $0xffff  }
0x14e: {  	v17 =	vld.idx.msk [tilespmem:v17+s7+$0x0], $0xffff;
	v26 =	vmul.f32 v26, v3;
	v24 =	vtrunc.f32 v21;
	v18 =	vmax.f32 v18, v5  }
0x14f: {  	v24 =	vcvt.f32.s32 v24;
	v23 =	vld.idx.msk [tilespmem:v23+s7+$0x0], $0xffff;
	v16 =	vadd.f32 v16, v27;
	v18 =	vmin.f32 v18, v2  }
0x150: {  	v25 =	vmul.f32 v15, v25;
	v15 =	vtrunc.f32 v18  }
0x151: {  	v30 =	vld [tilespmem:s8+$0x980];
	[tilespmem:s9+$0xE5C0] =	vst v16;
	v16 =	vsub.f32 v26, v1;
	v26 =	vcvt.f32.s32 v15  }
0x152: {  	v31 =	vld.idx.msk [tilespmem:v28+s21+$0x0], $0xffff;
	v19 =	vmul.f32 v19, v20  }
0x153: {  	v27 =	vld [tilespmem:s9+$0x5F0];
	v17 =	vadd.f32 v25, v17;
	v16 =	vmax.f32 v16, v5  }
0x154: {  	v25 =	vld.idx.msk [tilespmem:v28+s7+$0x0], $0xffff;
	v16 =	vmin.f32 v16, v2;
	v19 =	vadd.f32 v19, v23;
	v23 =	vmul.f32 v41, v3  }
0x155: {  	v42 =	vld [tilespmem:s10+$0x5F0];
	[tilespmem:s8+$0xE5E0] =	vst v17;
	v17 =	vtrunc.f32 v16  }
0x156: {  	v43 =	vld.idx.msk [tilespmem:v24+s21+$0x0], $0xffff;
	v17 =	vcvt.f32.s32 v17;
	[tilespmem:s10+$0xE5C0] =	vst v19;
	v19 =	vsub.f32 v23, v1  }
0x157: {  	v22 =	vmul.f32 v22, v31;
	v23 =	vld.idx.msk [tilespmem:v26+s21+$0x0], $0xffff  }
0x158: {  	v30 =	vmul.f32 v30, v3;
	v24 =	vld.idx.msk [tilespmem:v24+s7+$0x0], $0xffff;
	v19 =	vmax.f32 v19, v5  }
0x159: {  	v26 =	vld.idx.msk [tilespmem:v26+s7+$0x0], $0xffff;
	v22 =	vadd.f32 v22, v25;
	v25 =	vmul.f32 v27, v3;
	v19 =	vmin.f32 v19, v2  }
0x15a: {  	v20 =	vsub.f32 v30, v1;
	v45 =	vtrunc.f32 v19  }
0x15b: {  	v21 =	vmul.f32 v21, v43;
	[tilespmem:s9+$0xE5D0] =	vst v22;
	v22 =	vsub.f32 v25, v1;
	v25 =	vcvt.f32.s32 v45  }
0x15c: {  	v47 =	vld.idx.msk [tilespmem:v17+s21+$0x0], $0xffff;
	v18 =	vmul.f32 v18, v23  }
0x15d: {  	v20 =	vmax.f32 v20, v5;
	v21 =	vadd.f32 v21, v24;
	v17 =	vld.idx.msk [tilespmem:v17+s7+$0x0], $0xffff;
	v22 =	vmax.f32 v22, v5  }
0x15e: {  	v24 =	vmul.f32 v42, v3;
	v23 =	vld [tilespmem:s9+$0x980];
	v22 =	vmin.f32 v22, v2;
	v18 =	vadd.f32 v18, v26  }
0x15f: {  	v20 =	vmin.f32 v20, v2;
	[tilespmem:s8+$0xE5F0] =	vst v21;
	v21 =	vtrunc.f32 v22  }
0x160: {  	v46 =	vld [tilespmem:s8+$0x990];
	v44 =	vtrunc.f32 v20;
	v21 =	vcvt.f32.s32 v21;
	[tilespmem:s10+$0xE5D0] =	vst v18;
	v18 =	vsub.f32 v24, v1  }
0x161: {  	v27 =	vcvt.f32.s32 v44;
	v16 =	vmul.f32 v16, v47;
	v24 =	vld.idx.msk [tilespmem:v25+s21+$0x0], $0xffff  }
0x162: {  	v49 =	vld [tilespmem:s10+$0x980];
	v18 =	vmax.f32 v18, v5  }
0x163: {  	v25 =	vld.idx.msk [tilespmem:v25+s7+$0x0], $0xffff;
	v23 =	vmul.f32 v23, v3;
	v17 =	vadd.f32 v16, v17;
	v18 =	vmin.f32 v18, v2  }
0x164: {  	v50 =	vtrunc.f32 v18  }
0x165: {  	v53 =	vld [tilespmem:s9+$0x990];
	v48 =	vmul.f32 v46, v3;
	[tilespmem:s9+$0xE5E0] =	vst v17;
	v17 =	vsub.f32 v23, v1;
	v23 =	vcvt.f32.s32 v50  }
0x166: {  	v51 =	vld.idx.msk [tilespmem:v21+s21+$0x0], $0xffff;
	v19 =	vmul.f32 v19, v24  }
0x167: {  	v28 =	vsub.f32 v48, v1;
	v26 =	vld.idx.msk [tilespmem:v27+s21+$0x0], $0xffff;
	v17 =	vmax.f32 v17, v5  }
0x168: {  	v21 =	vld.idx.msk [tilespmem:v21+s7+$0x0], $0xffff;
	v52 =	vmin.f32 v17, v2;
	v19 =	vadd.f32 v19, v25;
	v25 =	vmul.f32 v49, v3  }
0x169: {  	v27 =	vld.idx.msk [tilespmem:v27+s7+$0x0], $0xffff;
	v24 =	vmax.f32 v28, v5;
	v54 =	vtrunc.f32 v52  }
0x16a: {  	v32 =	vld [tilespmem:s8+$0x9A0];
	v24 =	vmin.f32 v24, v2;
	v29 =	vcvt.f32.s32 v54;
	[tilespmem:s10+$0xE5E0] =	vst v19;
	v25 =	vsub.f32 v25, v1  }
0x16b: {  	v13 =	vadd.f32 v14, v13;
	v19 =	vtrunc.f32 v24;
	v22 =	vmul.f32 v22, v51;
	v55 =	vld.idx.msk [tilespmem:v23+s21+$0x0], $0xffff  }
0x16c: {  	v14 =	vmul.f32 v20, v26;
	v19 =	vcvt.f32.s32 v19;
	v20 =	vld.idx.msk [tilespmem:v23+s7+$0x0], $0xffff;
	v23 =	vmax.f32 v25, v5  }
0x16d: {  	v21 =	vadd.f32 v22, v21;
	v22 =	vmul.f32 v53, v3;
	v25 =	vld [tilespmem:s10+$0x990];
	v23 =	vmin.f32 v23, v2  }
0x16e: {  	[tilespmem:s16+$0xE990] =	vst v13;
	v13 =	vadd.f32 v14, v27;
	v14 =	vtrunc.f32 v23  }
0x16f: {  	v61 =	vld [tilespmem:s10+$0x9B0];
	v27 =	vmul.f32 v32, v3;
	[tilespmem:s9+$0xE5F0] =	vst v21;
	v21 =	vsub.f32 v22, v1;
	v14 =	vcvt.f32.s32 v14  }
0x170: {  	[tilespmem:s8+$0xE980] =	vst v13;
	v13 =	vld.idx.msk [tilespmem:v29+s21+$0x0], $0xffff;
	v18 =	vmul.f32 v18, v55  }
0x171: {  	v27 =	vsub.f32 v27, v1;
	v29 =	vld.idx.msk [tilespmem:v29+s7+$0x0], $0xffff;
	v21 =	vmax.f32 v21, v5  }
0x172: {  	v22 =	vld.idx.msk [tilespmem:v19+s21+$0x0], $0xffff;
	v21 =	vmin.f32 v21, v2;
	v18 =	vadd.f32 v18, v20;
	v20 =	vmul.f32 v25, v3  }
0x173: {  	v25 =	vmax.f32 v27, v5;
	v27 =	vld [tilespmem:s9+$0x9A0];
	v56 =	vtrunc.f32 v21  }
0x174: {  	v12 =	vmul.f32 v12, v3;
	v19 =	vld.idx.msk [tilespmem:v19+s7+$0x0], $0xffff;
	v30 =	vcvt.f32.s32 v56;
	[tilespmem:s10+$0xE5F0] =	vst v18;
	v18 =	vsub.f32 v20, v1  }
0x175: {  	v13 =	vmul.f32 v52, v13;
	v57 =	vld.idx.msk [tilespmem:v14+s21+$0x0], $0xffff  }
0x176: {  	v12 =	vsub.f32 v12, v1;
	v14 =	vld.idx.msk [tilespmem:v14+s7+$0x0], $0xffff;
	v18 =	vmax.f32 v18, v5  }
0x177: {  	v22 =	vmul.f32 v24, v22;
	v13 =	vadd.f32 v13, v29;
	v24 =	vld [tilespmem:s10+$0x9A0];
	v18 =	vmin.f32 v18, v2  }
0x178: {  	v26 =	vld.idx.msk [tilespmem:v11+s21+$0x0], $0xffff;
	v25 =	vmin.f32 v25, v2;
	v27 =	vmul.f32 v27, v3;
	v58 =	vtrunc.f32 v18  }
0x179: {  	v12 =	vmax.f32 v12, v5;
	v11 =	vld.idx.msk [tilespmem:v11+s7+$0x0], $0xffff;
	v20 =	vtrunc.f32 v25;
	[tilespmem:s9+$0xE980] =	vst v13;
	v13 =	vcvt.f32.s32 v58  }
0x17a: {  	v20 =	vcvt.f32.s32 v20;
	v59 =	vld.idx.msk [tilespmem:v30+s21+$0x0], $0xffff;
	v27 =	vsub.f32 v27, v1;
	v23 =	vmul.f32 v23, v57  }
0x17b: {  	v6 =	vmul.f32 v6, v3;
	v12 =	vmin.f32 v12, v2;
	v19 =	vadd.f32 v22, v19;
	v22 =	vld [tilespmem:s8+$0x9B0]  }
0x17c: {  	v15 =	vld [tilespmem:s8+$0x9C0];
	v27 =	vmax.f32 v27, v5;
	v14 =	vadd.f32 v23, v14;
	v23 =	vmul.f32 v24, v3  }
0x17d: {  	v10 =	vmul.f32 v10, v26;
	v30 =	vld.idx.msk [tilespmem:v30+s7+$0x0], $0xffff;
	[tilespmem:s8+$0xE990] =	vst v19;
	v19 =	vtrunc.f32 v12;
	v26 =	vmin.f32 v27, v2  }
0x17e: {  	v19 =	vcvt.f32.s32 v19;
	v27 =	vld [tilespmem:s9+$0x9B0];
	[tilespmem:s10+$0xE980] =	vst v14;
	v14 =	vtrunc.f32 v26;
	v23 =	vsub.f32 v23, v1  }
0x17f: {  	v10 =	vadd.f32 v10, v11;
	v11 =	vcvt.f32.s32 v14;
	v14 =	vmul.f32 v21, v59;
	v21 =	vld.idx.msk [tilespmem:v13+s21+$0x0], $0xffff  }
0x180: {  	v24 =	vld.idx.msk [tilespmem:v20+s21+$0x0], $0xffff;
	v22 =	vmul.f32 v22, v3;
	v23 =	vmax.f32 v23, v5  }
0x181: {  	v6 =	vsub.f32 v6, v1;
	v13 =	vld.idx.msk [tilespmem:v13+s7+$0x0], $0xffff;
	v23 =	vmin.f32 v23, v2  }
0x182: {  	v60 =	vld [tilespmem:s16+$0x9D0];
	[tilespmem:s16+$0xE9A0] =	vst v10;
	v10 =	vsub.f32 v22, v1;
	v14 =	vadd.f32 v14, v30;
	v22 =	vtrunc.f32 v23  }
0x183: {  	v6 =	vmax.f32 v6, v5;
	v20 =	vld.idx.msk [tilespmem:v20+s7+$0x0], $0xffff;
	v27 =	vmul.f32 v27, v3;
	v22 =	vcvt.f32.s32 v22  }
0x184: {  	v10 =	vmax.f32 v10, v5;
	[tilespmem:s9+$0xE990] =	vst v14;
	v14 =	vld.idx.msk [tilespmem:v19+s21+$0x0], $0xffff;
	v18 =	vmul.f32 v18, v21  }
0x185: {  	v15 =	vmul.f32 v15, v3;
	v16 =	vld [tilespmem:s9+$0x9C0];
	v10 =	vmin.f32 v10, v2;
	v21 =	vmul.f32 v25, v24  }
0x186: {  	v19 =	vld.idx.msk [tilespmem:v19+s7+$0x0], $0xffff;
	v25 =	vsub.f32 v27, v1;
	v27 =	vmul.f32 v61, v3;
	v13 =	vadd.f32 v18, v13  }
0x187: {  	v6 =	vmin.f32 v6, v2;
	v15 =	vsub.f32 v15, v1;
	v24 =	vld.idx.msk [tilespmem:v11+s21+$0x0], $0xffff;
	v18 =	vtrunc.f32 v10  }
0x188: {  	v11 =	vld.idx.msk [tilespmem:v11+s7+$0x0], $0xffff;
	v25 =	vmax.f32 v25, v5;
	v18 =	vcvt.f32.s32 v18;
	[tilespmem:s10+$0xE990] =	vst v13;
	v13 =	vsub.f32 v27, v1  }
0x189: {  	v25 =	vmin.f32 v25, v2;
	v12 =	vmul.f32 v12, v14;
	v14 =	vadd.f32 v21, v20;
	v21 =	vld.idx.msk [tilespmem:v22+s21+$0x0], $0xffff  }
0x18a: {  	v17 =	vld [tilespmem:s10+$0x9C0];
	v16 =	vmul.f32 v16, v3;
	v20 =	vtrunc.f32 v25;
	v13 =	vmax.f32 v13, v5  }
0x18b: {  	v20 =	vcvt.f32.s32 v20;
	v22 =	vld.idx.msk [tilespmem:v22+s7+$0x0], $0xffff;
	v12 =	vadd.f32 v12, v19;
	v13 =	vmin.f32 v13, v2  }
0x18c: {  	v15 =	vmax.f32 v15, v5;
	v27 =	vld [tilespmem:s8+$0x9D0];
	v24 =	vmul.f32 v26, v24;
	[tilespmem:s8+$0xE9A0] =	vst v14;
	v14 =	vtrunc.f32 v13  }
0x18d: {  	v26 =	vtrunc.f32 v6;
	[tilespmem:s16+$0xE9B0] =	vst v12;
	v12 =	vmin.f32 v15, v2;
	v15 =	vld [tilespmem:s10+$0x9D0];
	v14 =	vcvt.f32.s32 v14  }
0x18e: {  	v26 =	vcvt.f32.s32 v26;
	v11 =	vadd.f32 v24, v11;
	v24 =	vld.idx.msk [tilespmem:v18+s21+$0x0], $0xffff;
	v21 =	vmul.f32 v23, v21  }
0x18f: {  	v18 =	vld.idx.msk [tilespmem:v18+s7+$0x0], $0xffff  }
0x190: {  	v16 =	vsub.f32 v16, v1;
	v17 =	vmul.f32 v17, v3;
	v23 =	vld [tilespmem:s9+$0x9D0];
	[tilespmem:s9+$0xE9A0] =	vst v11;
	v19 =	vadd.f32 v21, v22  }
0x191: {  	v11 =	vld.idx.msk [tilespmem:v20+s21+$0x0], $0xffff  }
0x192: {  	v16 =	vmax.f32 v16, v5;
	v17 =	vsub.f32 v17, v1;
	v20 =	vld.idx.msk [tilespmem:v20+s7+$0x0], $0xffff;
	v22 =	vtrunc.f32 v12;
	[tilespmem:s10+$0xE9A0] =	vst v19  }
0x193: {  	v16 =	vmin.f32 v16, v2;
	v22 =	vcvt.f32.s32 v22;
	v15 =	vmul.f32 v15, v3;
	v62 =	vld.idx.msk [tilespmem:v14+s21+$0x0], $0xffff  }
0x194: {  	v17 =	vmax.f32 v17, v5;
	v21 =	vld.idx.msk [tilespmem:v26+s21+$0x0], $0xffff;
	v10 =	vmul.f32 v10, v24;
	v24 =	vtrunc.f32 v16  }
0x195: {  	v17 =	vmin.f32 v17, v2;
	v19 =	vmul.f32 v60, v3;
	v24 =	vcvt.f32.s32 v24;
	v14 =	vld.idx.msk [tilespmem:v14+s7+$0x0], $0xffff  }
0x196: {  	v10 =	vadd.f32 v10, v18;
	v11 =	vmul.f32 v25, v11;
	v18 =	vtrunc.f32 v17  }
0x197: {  	v19 =	vsub.f32 v19, v1;
	v25 =	vmul.f32 v27, v3;
	v18 =	vcvt.f32.s32 v18  }
0x198: {  	v26 =	vld.idx.msk [tilespmem:v26+s7+$0x0], $0xffff;
	v23 =	vmul.f32 v23, v3;
	v13 =	vmul.f32 v13, v62  }
0x199: {  	v19 =	vmax.f32 v19, v5;
	[tilespmem:s8+$0xE9B0] =	vst v10;
	v10 =	vsub.f32 v25, v1;
	v11 =	vadd.f32 v11, v20  }
0x19a: {  	v6 =	vmul.f32 v6, v21;
	v19 =	vmin.f32 v19, v2;
	v20 =	vld.idx.msk [tilespmem:v22+s21+$0x0], $0xffff;
	v13 =	vadd.f32 v13, v14  }
0x19b: {  	v21 =	vld.idx.msk [tilespmem:v22+s7+$0x0], $0xffff;
	v10 =	vmax.f32 v10, v5;
	[tilespmem:s9+$0xE9B0] =	vst v11;
	v11 =	vsub.f32 v23, v1;
	v14 =	vtrunc.f32 v19  }
0x19c: {  	v10 =	vmin.f32 v10, v2;
	v22 =	vld.idx.msk [tilespmem:v24+s21+$0x0], $0xffff;
	v14 =	vcvt.f32.s32 v14;
	[tilespmem:s10+$0xE9B0] =	vst v13;
	v13 =	vsub.f32 v15, v1  }
0x19d: {  	v6 =	vadd.f32 v6, v26;
	v11 =	vmax.f32 v11, v5;
	v15 =	vtrunc.f32 v10;
	v23 =	vld.idx.msk [tilespmem:v18+s21+$0x0], $0xffff  }
0x19e: {  	v24 =	vld.idx.msk [tilespmem:v24+s7+$0x0], $0xffff;
	v11 =	vmin.f32 v11, v2;
	v15 =	vcvt.f32.s32 v15;
	v13 =	vmax.f32 v13, v5  }
0x19f: {  	v12 =	vmul.f32 v12, v20;
	v20 =	vtrunc.f32 v11;
	v18 =	vld.idx.msk [tilespmem:v18+s7+$0x0], $0xffff;
	v13 =	vmin.f32 v13, v2  }
0x1a0: {  	v20 =	vcvt.f32.s32 v20;
	v25 =	vtrunc.f32 v13  }
0x1a1: {  	[tilespmem:s16+$0xE9C0] =	vst v6;
	v6 =	vadd.f32 v12, v21;
	v12 =	vmul.f32 v16, v22;
	v16 =	vcvt.f32.s32 v25  }
0x1a2: {  	v21 =	vld.idx.msk [tilespmem:v14+s21+$0x0], $0xffff;
	v17 =	vmul.f32 v17, v23  }
0x1a3: {  	[tilespmem:s8+$0xE9C0] =	vst v6;
	v6 =	vadd.f32 v12, v24;
	v14 =	vld.idx.msk [tilespmem:v14+s7+$0x0], $0xffff  }
0x1a4: {  	v12 =	vld.idx.msk [tilespmem:v15+s21+$0x0], $0xffff;
	v17 =	vadd.f32 v17, v18  }
0x1a5: {  	[tilespmem:s9+$0xE9C0] =	vst v6;
	v15 =	vld.idx.msk [tilespmem:v15+s7+$0x0], $0xffff  }
0x1a6: {  	v6 =	vld.idx.msk [tilespmem:v20+s21+$0x0], $0xffff;
	[tilespmem:s10+$0xE9C0] =	vst v17  }
0x1a7: {  	v17 =	vld.idx.msk [tilespmem:v16+s21+$0x0], $0xffff  }
0x1a8: {  	v7 =	vmul.f32 v7, v8;
	v8 =	vld.idx.msk [tilespmem:v20+s7+$0x0], $0xffff  }
0x1a9: {  	v18 =	vmul.f32 v19, v21;
	v16 =	vld.idx.msk [tilespmem:v16+s7+$0x0], $0xffff  }
0x1aa: {  	v7 =	vadd.f32 v7, v9;
	v9 =	vmul.f32 v10, v12  }
0x1ab: {  	v10 =	vadd.f32 v18, v14;
	v6 =	vmul.f32 v11, v6  }
0x1ac: {  	[tilespmem:s14+$0xE9D0] =	vst v7;
	v7 =	vadd.f32 v9, v15;
	v9 =	vmul.f32 v13, v17  }
0x1ad: {  	[tilespmem:s16+$0xE9D0] =	vst v10;
	v6 =	vadd.f32 v6, v8  }
0x1ae: {  	[tilespmem:s8+$0xE9D0] =	vst v7;
	v7 =	vadd.f32 v9, v16  }
0x1af: {  	[tilespmem:s9+$0xE9D0] =	vst v6  }
0x1b0: {  	s0 =	sadd.s32 s5, s0;
	s4 =	smul.u32 $0x1C00, s4;
	[tilespmem:s10+$0xE9D0] =	vst v7  }
0x1b1: {  	[hbm4b:s0+s7] =	stream.linear.scatter [tilespmem:s22], [sflag:$0x3], $0x7000, $0x38;
	[tilespmem:$0x1C580] =	vst v63  }
0x1b2: {  	s14 =	sadd.s32 s1, s4  }
0x1b3: {  	[tilespmem:s15], [sflag:$0x1] =	stream.linear.gather [hbm4b:s14+s7], $0x7000, $0x38;
	[tilespmem:$0x1C580] =	vst v63  }
0x1b4: {  	_ =	swait.ge [sflag:s23], $0x7000  }
0x1b5: {  	[sflag:s23] =	ssyncset.done $0x0  }
0x1b6: {  	s0 =	simm.s32 @!p0 $0x4;
	[sflag:s23] =	ssyncadd.s32 $0xFFFF9000  }
0x1b7: {  	s16 =	simm.s32 $0x0;
	_ =	swait.ge @!p0 [sflag:s0], $0x7000  }
0x1b8: {  	s29 =	sand.u32 $0x7800, s16;
	s4 =	sand.u32 $0x380, s16;
	[sflag:s0] =	ssyncset.done @!p0 $0x0  }
0x1b9: {  	[sflag:s0] =	ssyncadd.s32 @!p0 $0xFFFF9000;
	s0 =	sor.u32 s4, s29  }
0x1ba: {  	v6 =	vld [tilespmem:s0+$0x7580];
	_ =	sdelay $0x4  }
0x1bb: {  	v6 =	vmul.f32 v6, v3;
	_ =	sdelay $0x1  }
0x1bc: {  	v6 =	vsub.f32 v6, v1;
	_ =	sdelay $0x1  }
0x1bd: {  	v6 =	vmax.f32 v6, v5  }
0x1be: {  	v7 =	vld [tilespmem:s0+$0x7590];
	v6 =	vmin.f32 v6, v2  }
0x1bf: {  	v8 =	vtrunc.f32 v6  }
0x1c0: {  	v8 =	vcvt.f32.s32 v8;
	_ =	sdelay $0x2  }
0x1c1: {  	v7 =	vmul.f32 v7, v3;
	_ =	sdelay $0x1  }
0x1c2: {  	v7 =	vsub.f32 v7, v1  }
0x1c3: {  	v9 =	vld.idx.msk [tilespmem:v8+s21+$0x0], $0xffff  }
0x1c4: {  	v10 =	vld [tilespmem:s0+$0x75A0];
	v7 =	vmax.f32 v7, v5  }
0x1c5: {  	v7 =	vmin.f32 v7, v2;
	v8 =	vld.idx.msk [tilespmem:v8+s7+$0x0], $0xffff  }
0x1c6: {  	v11 =	vtrunc.f32 v7  }
0x1c7: {  	v11 =	vcvt.f32.s32 v11  }
0x1c8: {  	v6 =	vmul.f32 v6, v9;
	_ =	sdelay $0x1  }
0x1c9: {  	v6 =	vadd.f32 v6, v8;
	v8 =	vmul.f32 v10, v3;
	_ =	sdelay $0x1  }
0x1ca: {  	[tilespmem:s0+$0x15580] =	vst v6;
	v6 =	vsub.f32 v8, v1  }
0x1cb: {  	v8 =	vld.idx.msk [tilespmem:v11+s21+$0x0], $0xffff  }
0x1cc: {  	v9 =	vld [tilespmem:s0+$0x75B0];
	v6 =	vmax.f32 v6, v5  }
0x1cd: {  	v10 =	vld.idx.msk [tilespmem:v11+s7+$0x0], $0xffff;
	v6 =	vmin.f32 v6, v2  }
0x1ce: {  	v11 =	vtrunc.f32 v6  }
0x1cf: {  	v11 =	vcvt.f32.s32 v11  }
0x1d0: {  	v7 =	vmul.f32 v7, v8  }
0x1d1: {  	s9 =	simm.s32 $0x100;
	s10 =	simm.s32 $0x80  }
0x1d2: {  	s8 =	sand.u32 $0x380, s10;
	s4 =	sand.u32 $0x7800, s9;
	v8 =	vmul.f32 v9, v3;
	v7 =	vadd.f32 v7, v10  }
0x1d3: {  	s4 =	sor.u32 s8, s4  }
0x1d4: {  	v10 =	vld [tilespmem:s4+$0x7580];
	[tilespmem:s0+$0x15590] =	vst v7;
	v7 =	vsub.f32 v8, v1  }
0x1d5: {  	v8 =	vld.idx.msk [tilespmem:v11+s21+$0x0], $0xffff  }
0x1d6: {  	v9 =	vld [tilespmem:s0+$0x75C0];
	v7 =	vmax.f32 v7, v5  }
0x1d7: {  	v11 =	vld.idx.msk [tilespmem:v11+s7+$0x0], $0xffff;
	v7 =	vmin.f32 v7, v2  }
0x1d8: {  	v12 =	vtrunc.f32 v7  }
0x1d9: {  	v10 =	vmul.f32 v10, v3;
	v12 =	vcvt.f32.s32 v12  }
0x1da: {  	v6 =	vmul.f32 v6, v8  }
0x1db: {  	v8 =	vsub.f32 v10, v1  }
0x1dc: {  	v9 =	vmul.f32 v9, v3;
	v6 =	vadd.f32 v6, v11  }
0x1dd: {  	v8 =	vmax.f32 v8, v5  }
0x1de: {  	v11 =	vld [tilespmem:s4+$0x7590];
	v8 =	vmin.f32 v8, v2;
	[tilespmem:s0+$0x155A0] =	vst v6;
	v6 =	vsub.f32 v9, v1  }
0x1df: {  	v13 =	vtrunc.f32 v8;
	v9 =	vld.idx.msk [tilespmem:v12+s21+$0x0], $0xffff  }
0x1e0: {  	v10 =	vld [tilespmem:s0+$0x75D0];
	v13 =	vcvt.f32.s32 v13;
	v6 =	vmax.f32 v6, v5  }
0x1e1: {  	v12 =	vld.idx.msk [tilespmem:v12+s7+$0x0], $0xffff;
	v6 =	vmin.f32 v6, v2  }
0x1e2: {  	v14 =	vtrunc.f32 v6  }
0x1e3: {  	v11 =	vmul.f32 v11, v3;
	v14 =	vcvt.f32.s32 v14  }
0x1e4: {  	v7 =	vmul.f32 v7, v9  }
0x1e5: {  	v11 =	vsub.f32 v11, v1  }
0x1e6: {  	v10 =	vmul.f32 v10, v3;
	v7 =	vadd.f32 v7, v12;
	v12 =	vld.idx.msk [tilespmem:v13+s21+$0x0], $0xffff  }
0x1e7: {  	v15 =	vld [tilespmem:s4+$0x75A0];
	v11 =	vmax.f32 v11, v5  }
0x1e8: {  	v13 =	vld.idx.msk [tilespmem:v13+s7+$0x0], $0xffff;
	[tilespmem:s0+$0x155B0] =	vst v7;
	v7 =	vsub.f32 v10, v1;
	v10 =	vmin.f32 v11, v2  }
0x1e9: {  	v11 =	vld.idx.msk [tilespmem:v14+s21+$0x0], $0xffff;
	v16 =	vtrunc.f32 v10  }
0x1ea: {  	v9 =	vld [tilespmem:s0+$0x75E0];
	v7 =	vmax.f32 v7, v5;
	v16 =	vcvt.f32.s32 v16  }
0x1eb: {  	v14 =	vld.idx.msk [tilespmem:v14+s7+$0x0], $0xffff;
	v7 =	vmin.f32 v7, v2;
	v8 =	vmul.f32 v8, v12  }
0x1ec: {  	v12 =	vtrunc.f32 v7  }
0x1ed: {  	v12 =	vcvt.f32.s32 v12;
	v8 =	vadd.f32 v8, v13;
	v13 =	vmul.f32 v15, v3  }
0x1ee: {  	v6 =	vmul.f32 v6, v11  }
0x1ef: {  	[tilespmem:s4+$0x15580] =	vst v8;
	v8 =	vsub.f32 v13, v1  }
0x1f0: {  	v9 =	vmul.f32 v9, v3;
	v6 =	vadd.f32 v6, v14;
	v13 =	vld.idx.msk [tilespmem:v16+s21+$0x0], $0xffff  }
0x1f1: {  	v14 =	vld [tilespmem:s4+$0x75B0];
	v8 =	vmax.f32 v8, v5  }
0x1f2: {  	v15 =	vld.idx.msk [tilespmem:v16+s7+$0x0], $0xffff;
	[tilespmem:s0+$0x155C0] =	vst v6;
	v6 =	vsub.f32 v9, v1;
	v8 =	vmin.f32 v8, v2  }
0x1f3: {  	v9 =	vld.idx.msk [tilespmem:v12+s21+$0x0], $0xffff;
	v16 =	vtrunc.f32 v8  }
0x1f4: {  	v11 =	vld [tilespmem:s0+$0x75F0];
	v6 =	vmax.f32 v6, v5;
	v16 =	vcvt.f32.s32 v16  }
0x1f5: {  	v12 =	vld.idx.msk [tilespmem:v12+s7+$0x0], $0xffff;
	v6 =	vmin.f32 v6, v2;
	v10 =	vmul.f32 v10, v13  }
0x1f6: {  	v13 =	vtrunc.f32 v6  }
0x1f7: {  	v13 =	vcvt.f32.s32 v13;
	v10 =	vadd.f32 v10, v15  }
0x1f8: {  	s11 =	simm.s32 $0x200;
	s13 =	simm.s32 $0x100;
	v7 =	vmul.f32 v7, v9;
	v9 =	vmul.f32 v14, v3  }
0x1f9: {  	s9 =	sand.u32 $0x380, s13;
	s8 =	sand.u32 $0x7800, s11;
	v14 =	vld [tilespmem:s4+$0x75C0];
	[tilespmem:s4+$0x15590] =	vst v10  }
0x1fa: {  	s8 =	sor.u32 s9, s8;
	v11 =	vmul.f32 v11, v3;
	v7 =	vadd.f32 v7, v12;
	v10 =	vld.idx.msk [tilespmem:v16+s21+$0x0], $0xffff;
	v9 =	vsub.f32 v9, v1  }
0x1fb: {  	v12 =	vld [tilespmem:s8+$0x7580]  }
0x1fc: {  	v15 =	vld.idx.msk [tilespmem:v16+s7+$0x0], $0xffff;
	[tilespmem:s0+$0x155D0] =	vst v7;
	v7 =	vmax.f32 v9, v5;
	v9 =	vsub.f32 v11, v1  }
0x1fd: {  	v11 =	vld.idx.msk [tilespmem:v13+s21+$0x0], $0xffff;
	v16 =	vmin.f32 v7, v2  }
0x1fe: {  	v7 =	vtrunc.f32 v16;
	v9 =	vmax.f32 v9, v5  }
0x1ff: {  	v13 =	vld.idx.msk [tilespmem:v13+s7+$0x0], $0xffff;
	v17 =	vcvt.f32.s32 v7;
	v9 =	vmin.f32 v9, v2;
	v7 =	vmul.f32 v8, v10  }
0x200: {  	v8 =	vld [tilespmem:s0+$0x7980];
	v12 =	vmul.f32 v12, v3;
	v10 =	vtrunc.f32 v9  }
0x201: {  	v10 =	vcvt.f32.s32 v10;
	v15 =	vadd.f32 v7, v15  }
0x202: {  	v6 =	vmul.f32 v6, v11;
	v11 =	vsub.f32 v12, v1;
	v12 =	vmul.f32 v14, v3;
	_ =	sdelay $0x1  }
0x203: {  	[tilespmem:s4+$0x155A0] =	vst v15;
	v15 =	vld [tilespmem:s8+$0x7590];
	v6 =	vadd.f32 v6, v13;
	v11 =	vmax.f32 v11, v5;
	v12 =	vsub.f32 v12, v1  }
0x204: {  	v8 =	vmul.f32 v8, v3;
	v13 =	vld.idx.msk [tilespmem:v17+s21+$0x0], $0xffff;
	v11 =	vmin.f32 v11, v2  }
0x205: {  	v17 =	vld.idx.msk [tilespmem:v17+s7+$0x0], $0xffff;
	v18 =	vtrunc.f32 v11;
	[tilespmem:s0+$0x155E0] =	vst v6;
	v6 =	vmax.f32 v12, v5  }
0x206: {  	v8 =	vsub.f32 v8, v1;
	v12 =	vcvt.f32.s32 v18;
	v18 =	vld.idx.msk [tilespmem:v10+s21+$0x0], $0xffff;
	v6 =	vmin.f32 v6, v2  }
0x207: {  	v14 =	vld [tilespmem:s4+$0x75D0];
	v19 =	vtrunc.f32 v6  }
0x208: {  	v10 =	vld.idx.msk [tilespmem:v10+s7+$0x0], $0xffff;
	v8 =	vmax.f32 v8, v5;
	v19 =	vcvt.f32.s32 v19  }
0x209: {  	v8 =	vmin.f32 v8, v2;
	v13 =	vmul.f32 v16, v13;
	v16 =	vld [tilespmem:s0+$0x7990]  }
0x20a: {  	v15 =	vmul.f32 v15, v3;
	v20 =	vtrunc.f32 v8  }
0x20b: {  	v22 =	vld [tilespmem:s0+$0x79A0];
	v20 =	vcvt.f32.s32 v20;
	v13 =	vadd.f32 v13, v17;
	v9 =	vmul.f32 v9, v18  }
0x20c: {  	v14 =	vmul.f32 v14, v3;
	v15 =	vsub.f32 v15, v1;
	v17 =	vld.idx.msk [tilespmem:v12+s21+$0x0], $0xffff  }
0x20d: {  	v12 =	vld.idx.msk [tilespmem:v12+s7+$0x0], $0xffff;
	[tilespmem:s4+$0x155B0] =	vst v13;
	v9 =	vadd.f32 v9, v10  }
0x20e: {  	v10 =	vmax.f32 v15, v5;
	v13 =	vsub.f32 v14, v1;
	v14 =	vld.idx.msk [tilespmem:v19+s21+$0x0], $0xffff;
	v15 =	vmul.f32 v16, v3  }
0x20f: {  	v10 =	vmin.f32 v10, v2;
	v16 =	vld [tilespmem:s8+$0x75A0]  }
0x210: {  	v19 =	vld.idx.msk [tilespmem:v19+s7+$0x0], $0xffff;
	[tilespmem:s0+$0x155F0] =	vst v9;
	v9 =	vtrunc.f32 v10;
	v13 =	vmax.f32 v13, v5;
	v15 =	vsub.f32 v15, v1  }
0x211: {  	v18 =	vld.idx.msk [tilespmem:v20+s21+$0x0], $0xffff;
	v9 =	vcvt.f32.s32 v9;
	v13 =	vmin.f32 v13, v2  }
0x212: {  	v21 =	vld [tilespmem:s4+$0x75E0];
	v11 =	vmul.f32 v11, v17;
	v17 =	vtrunc.f32 v13;
	v15 =	vmax.f32 v15, v5  }
0x213: {  	v20 =	vld.idx.msk [tilespmem:v20+s7+$0x0], $0xffff;
	v17 =	vcvt.f32.s32 v17;
	v15 =	vmin.f32 v15, v2;
	v6 =	vmul.f32 v6, v14  }
0x214: {  	v24 =	vld [tilespmem:s8+$0x75D0];
	v11 =	vadd.f32 v11, v12;
	v14 =	vmul.f32 v16, v3;
	v12 =	vtrunc.f32 v15  }
0x215: {  	v7 =	vld [tilespmem:s0+$0x79C0];
	v12 =	vcvt.f32.s32 v12  }
0x216: {  	v16 =	vld [tilespmem:s4+$0x75F0];
	[tilespmem:s8+$0x15580] =	vst v11;
	v8 =	vmul.f32 v8, v18;
	v6 =	vadd.f32 v6, v19;
	v14 =	vsub.f32 v14, v1  }
0x217: {  	v18 =	vmul.f32 v21, v3;
	v11 =	vld.idx.msk [tilespmem:v9+s21+$0x0], $0xffff  }
0x218: {  	v19 =	vld [tilespmem:s8+$0x75B0];
	v8 =	vadd.f32 v8, v20;
	[tilespmem:s4+$0x155C0] =	vst v6;
	v6 =	vmax.f32 v14, v5  }
0x219: {  	v9 =	vld.idx.msk [tilespmem:v9+s7+$0x0], $0xffff;
	v14 =	vsub.f32 v18, v1;
	v18 =	vmul.f32 v22, v3;
	v6 =	vmin.f32 v6, v2  }
0x21a: {  	v20 =	vld.idx.msk [tilespmem:v17+s21+$0x0], $0xffff;
	[tilespmem:s0+$0x15980] =	vst v8;
	v8 =	vtrunc.f32 v6  }
0x21b: {  	v17 =	vld.idx.msk [tilespmem:v17+s7+$0x0], $0xffff;
	v14 =	vmax.f32 v14, v5;
	v18 =	vsub.f32 v18, v1;
	v8 =	vcvt.f32.s32 v8  }
0x21c: {  	v7 =	vmul.f32 v7, v3;
	v14 =	vmin.f32 v14, v2;
	v21 =	vld.idx.msk [tilespmem:v12+s21+$0x0], $0xffff;
	v10 =	vmul.f32 v10, v11  }
0x21d: {  	s16 =	simm.s32 $0x180;
	s14 =	simm.s32 $0x300;
	v22 =	vld [tilespmem:s0+$0x79B0];
	v19 =	vmul.f32 v19, v3;
	v11 =	vtrunc.f32 v14;
	v18 =	vmax.f32 v18, v5  }
0x21e: {  	s10 =	sand.u32 $0x380, s16;
	s9 =	sand.u32 $0x7800, s14;
	v12 =	vld.idx.msk [tilespmem:v12+s7+$0x0], $0xffff;
	v11 =	vcvt.f32.s32 v11;
	v18 =	vmin.f32 v18, v2;
	v9 =	vadd.f32 v10, v9  }
0x21f: {  	s14 =	sor.u32 s10, s9;
	v26 =	vld [tilespmem:s8+$0x75E0];
	v10 =	vmul.f32 v13, v20;
	v13 =	vtrunc.f32 v18  }
0x220: {  	v23 =	vld [tilespmem:s14+$0x7580];
	v16 =	vmul.f32 v16, v3;
	v13 =	vcvt.f32.s32 v13;
	[tilespmem:s8+$0x15590] =	vst v9  }
0x221: {  	v9 =	vadd.f32 v10, v17;
	v17 =	vsub.f32 v19, v1;
	v10 =	vmul.f32 v15, v21;
	v15 =	vld.idx.msk [tilespmem:v8+s21+$0x0], $0xffff  }
0x222: {  	v7 =	vsub.f32 v7, v1;
	v16 =	vsub.f32 v16, v1;
	v8 =	vld.idx.msk [tilespmem:v8+s7+$0x0], $0xffff  }
0x223: {  	v20 =	vld [tilespmem:s8+$0x75C0];
	[tilespmem:s4+$0x155D0] =	vst v9;
	v9 =	vadd.f32 v10, v12;
	v10 =	vmax.f32 v17, v5;
	v17 =	vmul.f32 v22, v3  }
0x224: {  	v7 =	vmax.f32 v7, v5;
	v12 =	vld.idx.msk [tilespmem:v11+s21+$0x0], $0xffff;
	v10 =	vmin.f32 v10, v2  }
0x225: {  	v16 =	vmax.f32 v16, v5;
	v11 =	vld.idx.msk [tilespmem:v11+s7+$0x0], $0xffff;
	[tilespmem:s0+$0x15990] =	vst v9;
	v9 =	vtrunc.f32 v10;
	v17 =	vsub.f32 v17, v1  }
0x226: {  	v16 =	vmin.f32 v16, v2;
	v22 =	vmul.f32 v23, v3;
	v19 =	vld.idx.msk [tilespmem:v13+s21+$0x0], $0xffff;
	v9 =	vcvt.f32.s32 v9  }
0x227: {  	v21 =	vld [tilespmem:s4+$0x7980];
	v6 =	vmul.f32 v6, v15;
	v15 =	vtrunc.f32 v16;
	v17 =	vmax.f32 v17, v5  }
0x228: {  	v22 =	vsub.f32 v22, v1;
	v13 =	vld.idx.msk [tilespmem:v13+s7+$0x0], $0xffff;
	v15 =	vcvt.f32.s32 v15;
	v17 =	vmin.f32 v17, v2  }
0x229: {  	v25 =	vld [tilespmem:s14+$0x7590];
	v8 =	vadd.f32 v6, v8;
	v12 =	vmul.f32 v14, v12;
	v14 =	vtrunc.f32 v17  }
0x22a: {  	v27 =	vmin.f32 v7, v2;
	v7 =	vld [tilespmem:s14+$0x75A0];
	v20 =	vmul.f32 v20, v3;
	v14 =	vcvt.f32.s32 v14  }
0x22b: {  	v23 =	vld [tilespmem:s0+$0x79D0];
	[tilespmem:s8+$0x155A0] =	vst v8;
	v8 =	vadd.f32 v12, v11;
	v12 =	vmax.f32 v22, v5;
	v11 =	vmul.f32 v18, v19  }
0x22c: {  	v19 =	vsub.f32 v20, v1;
	v20 =	vmul.f32 v21, v3;
	v12 =	vmin.f32 v12, v2;
	v18 =	vld.idx.msk [tilespmem:v9+s21+$0x0], $0xffff  }
0x22d: {  	v9 =	vld.idx.msk [tilespmem:v9+s7+$0x0], $0xffff;
	[tilespmem:s4+$0x155E0] =	vst v8;
	v8 =	vadd.f32 v11, v13;
	v11 =	vtrunc.f32 v12  }
0x22e: {  	v13 =	vmax.f32 v19, v5;
	v19 =	vld.idx.msk [tilespmem:v15+s21+$0x0], $0xffff;
	v20 =	vsub.f32 v20, v1;
	v11 =	vcvt.f32.s32 v11  }
0x22f: {  	v15 =	vld.idx.msk [tilespmem:v15+s7+$0x0], $0xffff;
	v13 =	vmin.f32 v13, v2;
	[tilespmem:s0+$0x159A0] =	vst v8  }
0x230: {  	v24 =	vmul.f32 v24, v3;
	v8 =	vtrunc.f32 v13;
	v20 =	vmax.f32 v20, v5;
	v21 =	vld.idx.msk [tilespmem:v14+s21+$0x0], $0xffff  }
0x231: {  	v22 =	vld [tilespmem:s4+$0x7990];
	v8 =	vcvt.f32.s32 v8;
	v20 =	vmin.f32 v20, v2;
	v10 =	vmul.f32 v10, v18  }
0x232: {  	v25 =	vmul.f32 v25, v3;
	v14 =	vld.idx.msk [tilespmem:v14+s7+$0x0], $0xffff;
	v18 =	vtrunc.f32 v20  }
0x233: {  	v6 =	vld [tilespmem:s4+$0x79C0];
	v18 =	vcvt.f32.s32 v18;
	v9 =	vadd.f32 v10, v9;
	v10 =	vmul.f32 v16, v19  }
0x234: {  	v25 =	vsub.f32 v25, v1;
	v23 =	vmul.f32 v23, v3;
	v16 =	vtrunc.f32 v27;
	v19 =	vld.idx.msk [tilespmem:v11+s21+$0x0], $0xffff  }
0x235: {  	v16 =	vcvt.f32.s32 v16;
	v11 =	vld.idx.msk [tilespmem:v11+s7+$0x0], $0xffff;
	[tilespmem:s8+$0x155B0] =	vst v9;
	v9 =	vadd.f32 v10, v15;
	v10 =	vmul.f32 v17, v21  }
0x236: {  	v22 =	vmul.f32 v22, v3;
	v15 =	vmax.f32 v25, v5;
	v21 =	vsub.f32 v24, v1;
	v25 =	vld [tilespmem:s8+$0x75F0]  }
0x237: {  	v17 =	vld.idx.msk [tilespmem:v8+s21+$0x0], $0xffff;
	v24 =	vmin.f32 v15, v2;
	[tilespmem:s4+$0x155F0] =	vst v9;
	v9 =	vadd.f32 v10, v14  }
0x238: {  	v8 =	vld.idx.msk [tilespmem:v8+s7+$0x0], $0xffff;
	v10 =	vtrunc.f32 v24;
	v14 =	vmax.f32 v21, v5;
	v21 =	vsub.f32 v22, v1  }
0x239: {  	v15 =	vld.idx.msk [tilespmem:v18+s21+$0x0], $0xffff;
	v10 =	vcvt.f32.s32 v10;
	v14 =	vmin.f32 v14, v2;
	[tilespmem:s0+$0x159B0] =	vst v9;
	v9 =	vmul.f32 v12, v19  }
0x23a: {  	v18 =	vld.idx.msk [tilespmem:v18+s7+$0x0], $0xffff;
	v12 =	vsub.f32 v23, v1;
	v19 =	vtrunc.f32 v14;
	v21 =	vmax.f32 v21, v5  }
0x23b: {  	v22 =	vld.idx.msk [tilespmem:v16+s21+$0x0], $0xffff;
	v19 =	vcvt.f32.s32 v19;
	v21 =	vmin.f32 v21, v2;
	v9 =	vadd.f32 v9, v11  }
0x23c: {  	v23 =	vld [tilespmem:s4+$0x79A0];
	v11 =	vmax.f32 v12, v5;
	v12 =	vmul.f32 v13, v17;
	v13 =	vtrunc.f32 v21  }
0x23d: {  	v17 =	vld.idx.msk [tilespmem:v16+s7+$0x0], $0xffff;
	v16 =	vmul.f32 v7, v3;
	v13 =	vcvt.f32.s32 v13  }
0x23e: {  	v7 =	vmin.f32 v11, v2;
	v11 =	vld [tilespmem:s14+$0x75B0];
	[tilespmem:s14+$0x15580] =	vst v9;
	v8 =	vadd.f32 v12, v8;
	v9 =	vmul.f32 v20, v15  }
0x23f: {  	v12 =	vtrunc.f32 v7;
	v15 =	vsub.f32 v16, v1;
	v16 =	vmul.f32 v26, v3;
	v20 =	vld.idx.msk [tilespmem:v10+s21+$0x0], $0xffff  }
0x240: {  	v26 =	vcvt.f32.s32 v12;
	v63 =	vld.idx.msk [tilespmem:v10+s7+$0x0], $0xffff;
	[tilespmem:s8+$0x155C0] =	vst v8;
	v8 =	vadd.f32 v9, v18;
	v9 =	vmul.f32 v27, v22  }
0x241: {  	v10 =	vmax.f32 v15, v5;
	v12 =	vsub.f32 v16, v1;
	v15 =	vmul.f32 v23, v3;
	v18 =	vld.idx.msk [tilespmem:v19+s21+$0x0], $0xffff  }
0x242: {  	v16 =	vmin.f32 v10, v2;
	v22 =	vld.idx.msk [tilespmem:v19+s7+$0x0], $0xffff;
	[tilespmem:s4+$0x15980] =	vst v8;
	v8 =	vadd.f32 v9, v17  }
0x243: {  	v9 =	vtrunc.f32 v16;
	v10 =	vmax.f32 v12, v5;
	v12 =	vsub.f32 v15, v1;
	v27 =	vld.idx.msk [tilespmem:v13+s21+$0x0], $0xffff  }
0x244: {  	v19 =	vcvt.f32.s32 v9;
	v13 =	vld.idx.msk [tilespmem:v13+s7+$0x0], $0xffff;
	v15 =	vmin.f32 v10, v2  }
0x245: {  	[tilespmem:s0+$0x159C0] =	vst v8;
	v9 =	vmul.f32 v24, v20;
	v17 =	vtrunc.f32 v15;
	v10 =	vmax.f32 v12, v5;
	v12 =	vld [tilespmem:s4+$0x79B0]  }
0x246: {  	s29 =	simm.s32 $0x400;
	s10 =	simm.s32 $0x200;
	v8 =	vld.idx.msk [tilespmem:v26+s21+$0x0], $0xffff;
	v10 =	vmin.f32 v10, v2;
	v17 =	vcvt.f32.s32 v17  }
0x247: {  	s9 =	sand.u32 $0x7800, s29;
	s11 =	sand.u32 $0x380, s10;
	v20 =	vadd.f32 v9, v63;
	v14 =	vmul.f32 v14, v18;
	v9 =	vld.idx.msk [tilespmem:v26+s7+$0x0], $0xffff;
	v23 =	vtrunc.f32 v10  }
0x248: {  	s9 =	sor.u32 s11, s9;
	v24 =	vmul.f32 v11, v3;
	v18 =	vld [tilespmem:s14+$0x75C0];
	v11 =	vcvt.f32.s32 v23  }
0x249: {  	v23 =	vld [tilespmem:s9+$0x7580];
	[tilespmem:s14+$0x15590] =	vst v20;
	v20 =	vadd.f32 v14, v22;
	v14 =	vmul.f32 v21, v27  }
0x24a: {  	s11 =	simm.s32 $0x500;
	v24 =	vsub.f32 v24, v1;
	v21 =	vmul.f32 v25, v3;
	v22 =	vld.idx.msk [tilespmem:v19+s21+$0x0], $0xffff  }
.LBB2_11:
0x24b: {  	p0 =	sne.s32 s11, $0x6F00;
	v19 =	vld.idx.msk [tilespmem:v19+s7+$0x0], $0xffff;
	[tilespmem:s8+$0x155D0] =	vst v20;
	v13 =	vadd.f32 v14, v13;
	v7 =	vmul.f32 v7, v8  }
0x24c: {  	v12 =	vmul.f32 v12, v3;
	v8 =	vmax.f32 v24, v5;
	v14 =	vld.idx.msk [tilespmem:v17+s21+$0x0], $0xffff;
	v20 =	vsub.f32 v21, v1  }
0x24d: {  	v8 =	vmin.f32 v8, v2;
	v17 =	vld.idx.msk [tilespmem:v17+s7+$0x0], $0xffff;
	[tilespmem:s4+$0x15990] =	vst v13;
	v7 =	vadd.f32 v7, v9  }
0x24e: {  	v12 =	vsub.f32 v12, v1;
	v9 =	vtrunc.f32 v8;
	v13 =	vmax.f32 v20, v5;
	v20 =	vld.idx.msk [tilespmem:v11+s21+$0x0], $0xffff  }
0x24f: {  	v9 =	vcvt.f32.s32 v9;
	v13 =	vmin.f32 v13, v2;
	v21 =	vld [tilespmem:s8+$0x7980];
	[tilespmem:s0+$0x159D0] =	vst v7;
	s0 =	smov.u32 s4;
	s4 =	smov.u32 s8;
	s8 =	smov.u32 s14  }
0x250: {  	v7 =	vmul.f32 v16, v22;
	v12 =	vmax.f32 v12, v5;
	s14 =	smov.u32 s9;
	v16 =	vtrunc.f32 v13;
	v11 =	vld.idx.msk [tilespmem:v11+s7+$0x0], $0xffff  }
0x251: {  	v22 =	vmul.f32 v23, v3;
	v12 =	vmin.f32 v12, v2;
	v16 =	vcvt.f32.s32 v16;
	v23 =	vld [tilespmem:s0+$0x79D0]  }
0x252: {  	v7 =	vadd.f32 v7, v19;
	v14 =	vmul.f32 v15, v14;
	v19 =	vtrunc.f32 v12;
	v15 =	vld [tilespmem:s4+$0x79C0]  }
0x253: {  	v18 =	vmul.f32 v18, v3;
	v22 =	vsub.f32 v22, v1;
	v19 =	vcvt.f32.s32 v19;
	v24 =	vld [tilespmem:s8+$0x75D0]  }
0x254: {  	v10 =	vmul.f32 v10, v20;
	v25 =	vld [tilespmem:s14+$0x7590];
	[tilespmem:s8+$0x155A0] =	vst v7;
	v7 =	vadd.f32 v14, v17;
	v14 =	vmul.f32 v6, v3  }
0x255: {  	v18 =	vsub.f32 v18, v1;
	v22 =	vmax.f32 v22, v5;
	v20 =	vmul.f32 v21, v3;
	v17 =	vld.idx.msk [tilespmem:v9+s21+$0x0], $0xffff  }
0x256: {  	v21 =	vmin.f32 v22, v2;
	v9 =	vld.idx.msk [tilespmem:v9+s7+$0x0], $0xffff;
	[tilespmem:s4+$0x155E0] =	vst v7;
	v7 =	vadd.f32 v10, v11  }
0x257: {  	v10 =	vtrunc.f32 v21;
	v11 =	vmax.f32 v18, v5;
	v20 =	vsub.f32 v20, v1;
	v18 =	vld.idx.msk [tilespmem:v16+s21+$0x0], $0xffff;
	v6 =	vmovc v15  }
0x258: {  	v10 =	vcvt.f32.s32 v10;
	v11 =	vmin.f32 v11, v2;
	v15 =	vld.idx.msk [tilespmem:v16+s7+$0x0], $0xffff;
	[tilespmem:s0+$0x159A0] =	vst v7  }
0x259: {  	v14 =	vsub.f32 v14, v1;
	v7 =	vtrunc.f32 v11;
	v16 =	vmax.f32 v20, v5;
	v20 =	vld.idx.msk [tilespmem:v19+s21+$0x0], $0xffff  }
0x25a: {  	v23 =	vmul.f32 v23, v3;
	v7 =	vcvt.f32.s32 v7;
	v16 =	vmin.f32 v16, v2;
	v22 =	vld [tilespmem:s4+$0x7990]  }
0x25b: {  	v14 =	vmax.f32 v14, v5;
	v8 =	vmul.f32 v8, v17;
	v17 =	vtrunc.f32 v16;
	v19 =	vld.idx.msk [tilespmem:v19+s7+$0x0], $0xffff  }
0x25c: {  	v25 =	vmul.f32 v25, v3;
	v14 =	vmin.f32 v14, v2;
	v17 =	vcvt.f32.s32 v17;
	v26 =	vld [tilespmem:s8+$0x75E0]  }
0x25d: {  	v8 =	vadd.f32 v8, v9;
	v9 =	vmul.f32 v13, v18;
	v13 =	vtrunc.f32 v14;
	v27 =	vld [tilespmem:s14+$0x75A0]  }
0x25e: {  	v24 =	vmul.f32 v24, v3;
	v25 =	vsub.f32 v25, v1;
	v13 =	vcvt.f32.s32 v13;
	v18 =	vld.idx.msk [tilespmem:v10+s21+$0x0], $0xffff  }
0x25f: {  	v10 =	vld.idx.msk [tilespmem:v10+s7+$0x0], $0xffff;
	[tilespmem:s8+$0x155B0] =	vst v8;
	v8 =	vadd.f32 v9, v15;
	v9 =	vmul.f32 v12, v20  }
0x260: {  	v12 =	vmax.f32 v25, v5;
	v20 =	vsub.f32 v24, v1;
	v22 =	vmul.f32 v22, v3;
	v15 =	vld.idx.msk [tilespmem:v7+s21+$0x0], $0xffff  }
0x261: {  	v12 =	vmin.f32 v12, v2;
	v24 =	vld.idx.msk [tilespmem:v7+s7+$0x0], $0xffff;
	[tilespmem:s4+$0x155F0] =	vst v8;
	v7 =	vadd.f32 v9, v19  }
0x262: {  	v8 =	vtrunc.f32 v12;
	v9 =	vmax.f32 v20, v5;
	v20 =	vsub.f32 v22, v1;
	v19 =	vld.idx.msk [tilespmem:v17+s21+$0x0], $0xffff  }
0x263: {  	v8 =	vcvt.f32.s32 v8;
	v9 =	vmin.f32 v9, v2;
	v17 =	vld.idx.msk [tilespmem:v17+s7+$0x0], $0xffff;
	[tilespmem:s0+$0x159B0] =	vst v7;
	v7 =	vsub.f32 v23, v1  }
0x264: {  	v18 =	vmul.f32 v21, v18;
	v21 =	vtrunc.f32 v9;
	v20 =	vmax.f32 v20, v5;
	v22 =	vld.idx.msk [tilespmem:v13+s21+$0x0], $0xffff  }
0x265: {  	v21 =	vcvt.f32.s32 v21;
	v25 =	vmin.f32 v20, v2;
	v20 =	vld [tilespmem:s4+$0x79A0];
	v7 =	vmax.f32 v7, v5  }
0x266: {  	v10 =	vadd.f32 v18, v10;
	v11 =	vmul.f32 v11, v15;
	v15 =	vtrunc.f32 v25;
	v13 =	vld.idx.msk [tilespmem:v13+s7+$0x0], $0xffff  }
0x267: {  	v18 =	vmul.f32 v27, v3;
	v23 =	vcvt.f32.s32 v15;
	v7 =	vmin.f32 v7, v2;
	v27 =	vld [tilespmem:s8+$0x75F0]  }
0x268: {  	v15 =	vtrunc.f32 v7;
	[tilespmem:s14+$0x15580] =	vst v10;
	v28 =	vld [tilespmem:s14+$0x75B0];
	v10 =	vadd.f32 v11, v24;
	v11 =	vmul.f32 v16, v19  }
0x269: {  	v16 =	vsub.f32 v18, v1;
	v18 =	vmul.f32 v26, v3;
	v26 =	vcvt.f32.s32 v15;
	v24 =	vld.idx.msk [tilespmem:v8+s21+$0x0], $0xffff  }
0x26a: {  	v29 =	vld.idx.msk [tilespmem:v8+s7+$0x0], $0xffff;
	[tilespmem:s8+$0x155C0] =	vst v10;
	v8 =	vadd.f32 v11, v17;
	v10 =	vmul.f32 v14, v22  }
0x26b: {  	v11 =	vmax.f32 v16, v5;
	v15 =	vsub.f32 v18, v1;
	v17 =	vmul.f32 v20, v3;
	v14 =	vld.idx.msk [tilespmem:v21+s21+$0x0], $0xffff  }
0x26c: {  	v16 =	vmin.f32 v11, v2;
	v20 =	vld.idx.msk [tilespmem:v21+s7+$0x0], $0xffff;
	[tilespmem:s4+$0x15980] =	vst v8;
	v8 =	vadd.f32 v10, v13  }
0x26d: {  	v10 =	vtrunc.f32 v16;
	v11 =	vmax.f32 v15, v5;
	v17 =	vsub.f32 v17, v1;
	v21 =	vld.idx.msk [tilespmem:v23+s21+$0x0], $0xffff  }
0x26e: {  	v19 =	vcvt.f32.s32 v10;
	v15 =	vmin.f32 v11, v2;
	v13 =	vld.idx.msk [tilespmem:v23+s7+$0x0], $0xffff;
	[tilespmem:s0+$0x159C0] =	vst v8  }
0x26f: {  	v11 =	vmul.f32 v12, v24;
	v10 =	vtrunc.f32 v15;
	v12 =	vmax.f32 v17, v5;
	v8 =	vld.idx.msk [tilespmem:v26+s21+$0x0], $0xffff  }
.Ltmp5:
0x270: {  	s10 =	sadd.s32 $0x80, s10;
	v17 =	vcvt.f32.s32 v10;
	v10 =	vmin.f32 v12, v2;
	v12 =	vld [tilespmem:s4+$0x79B0];
	(pc) =	sbr.rel @p0 .LBB2_11-.Ltmp5, $4  }
0x271: {  	s13 =	sand.u32 $0x380, s10;
	s9 =	sand.u32 $0x7800, s11;
	v22 =	vadd.f32 v11, v29;
	v14 =	vmul.f32 v9, v14;
	v11 =	vtrunc.f32 v10;
	v9 =	vld.idx.msk [tilespmem:v26+s7+$0x0], $0xffff  }
0x272: {  	s9 =	sor.u32 s13, s9;
	v24 =	vmul.f32 v28, v3;
	v11 =	vcvt.f32.s32 v11;
	v18 =	vld [tilespmem:s14+$0x75C0]  }
0x273: {  	v20 =	vadd.f32 v14, v20;
	v14 =	vmul.f32 v25, v21;
	v23 =	vld [tilespmem:s9+$0x7580];
	[tilespmem:s14+$0x15590] =	vst v22  }
0x274: {  	s11 =	sadd.s32 $0x100, s11;
	v24 =	vsub.f32 v24, v1;
	v21 =	vmul.f32 v27, v3;
	v22 =	vld.idx.msk [tilespmem:v19+s21+$0x0], $0xffff  }
0x275: {  	_ =	sdelay $0x2  }
0x276: {  	v23 =	vmul.f32 v23, v3;
	_ =	sdelay $0x1  }
0x277: {  	v23 =	vsub.f32 v23, v1;
	_ =	sdelay $0x1  }
0x278: {  	v23 =	vmax.f32 v23, v5  }
0x279: {  	v25 =	vld [tilespmem:s9+$0x7590];
	v23 =	vmin.f32 v23, v2  }
0x27a: {  	v26 =	vtrunc.f32 v23  }
0x27b: {  	v26 =	vcvt.f32.s32 v26;
	_ =	sdelay $0x2  }
0x27c: {  	v25 =	vmul.f32 v25, v3;
	_ =	sdelay $0x1  }
0x27d: {  	v25 =	vsub.f32 v25, v1  }
0x27e: {  	v27 =	vld.idx.msk [tilespmem:v26+s21+$0x0], $0xffff  }
0x27f: {  	v28 =	vld [tilespmem:s9+$0x75A0];
	v25 =	vmax.f32 v25, v5  }
0x280: {  	v25 =	vmin.f32 v25, v2;
	v26 =	vld.idx.msk [tilespmem:v26+s7+$0x0], $0xffff  }
0x281: {  	v29 =	vtrunc.f32 v25  }
0x282: {  	v29 =	vcvt.f32.s32 v29  }
0x283: {  	v23 =	vmul.f32 v23, v27;
	_ =	sdelay $0x1  }
0x284: {  	v43 =	vmul.f32 v28, v3;
	v23 =	vadd.f32 v23, v26;
	_ =	sdelay $0x1  }
0x285: {  	v44 =	vsub.f32 v43, v1;
	[tilespmem:s9+$0x15580] =	vst v23  }
0x286: {  	v45 =	vld.idx.msk [tilespmem:v29+s21+$0x0], $0xffff  }
0x287: {  	v46 =	vld [tilespmem:s9+$0x75B0];
	v23 =	vmax.f32 v44, v5  }
0x288: {  	v47 =	vld.idx.msk [tilespmem:v29+s7+$0x0], $0xffff;
	v23 =	vmin.f32 v23, v2  }
0x289: {  	v48 =	vtrunc.f32 v23  }
0x28a: {  	v29 =	vcvt.f32.s32 v48  }
0x28b: {  	v25 =	vmul.f32 v25, v45;
	_ =	sdelay $0x1  }
0x28c: {  	v24 =	vmax.f32 v24, v5;
	v49 =	vmul.f32 v46, v3;
	v25 =	vadd.f32 v25, v47  }
0x28d: {  	v19 =	vld.idx.msk [tilespmem:v19+s7+$0x0], $0xffff;
	v24 =	vmin.f32 v24, v2  }
0x28e: {  	v50 =	vtrunc.f32 v24;
	v52 =	vsub.f32 v49, v1;
	[tilespmem:s9+$0x15590] =	vst v25  }
0x28f: {  	v27 =	vcvt.f32.s32 v50;
	v53 =	vld.idx.msk [tilespmem:v29+s21+$0x0], $0xffff  }
0x290: {  	v51 =	vld [tilespmem:s9+$0x75C0];
	v16 =	vmul.f32 v16, v22;
	v25 =	vmax.f32 v52, v5  }
0x291: {  	v54 =	vld.idx.msk [tilespmem:v29+s7+$0x0], $0xffff;
	v25 =	vmin.f32 v25, v2  }
0x292: {  	v18 =	vmul.f32 v18, v3;
	v16 =	vadd.f32 v16, v19;
	v56 =	vtrunc.f32 v25  }
0x293: {  	v58 =	vcvt.f32.s32 v56  }
0x294: {  	v57 =	vsub.f32 v18, v1;
	[tilespmem:s14+$0x155A0] =	vst v16;
	v22 =	vmul.f32 v23, v53  }
0x295: {  	v59 =	vld.idx.msk [tilespmem:v27+s21+$0x0], $0xffff  }
0x296: {  	v55 =	vld [tilespmem:s14+$0x75D0];
	v61 =	vmul.f32 v51, v3;
	v16 =	vmax.f32 v57, v5;
	v19 =	vadd.f32 v22, v54  }
0x297: {  	v16 =	vmin.f32 v16, v2;
	v60 =	vld.idx.msk [tilespmem:v27+s7+$0x0], $0xffff  }
0x298: {  	v31 =	vsub.f32 v61, v1;
	v62 =	vtrunc.f32 v16;
	[tilespmem:s9+$0x155A0] =	vst v19  }
0x299: {  	v27 =	vcvt.f32.s32 v62;
	v33 =	vld.idx.msk [tilespmem:v58+s21+$0x0], $0xffff  }
0x29a: {  	v63 =	vld [tilespmem:s9+$0x75D0];
	v32 =	vmul.f32 v24, v59;
	v19 =	vmax.f32 v31, v5  }
0x29b: {  	v18 =	vld.idx.msk [tilespmem:v58+s7+$0x0], $0xffff;
	v19 =	vmin.f32 v19, v2  }
0x29c: {  	v34 =	vmul.f32 v55, v3;
	v22 =	vadd.f32 v32, v60;
	v36 =	vtrunc.f32 v19  }
0x29d: {  	v38 =	vcvt.f32.s32 v36  }
0x29e: {  	v37 =	vsub.f32 v34, v1;
	[tilespmem:s14+$0x155B0] =	vst v22;
	v24 =	vmul.f32 v25, v33  }
0x29f: {  	v39 =	vld.idx.msk [tilespmem:v27+s21+$0x0], $0xffff  }
0x2a0: {  	v35 =	vld [tilespmem:s14+$0x75E0];
	v41 =	vmul.f32 v63, v3;
	v22 =	vmax.f32 v37, v5;
	v18 =	vadd.f32 v24, v18  }
0x2a1: {  	[tilespmem:s8+$0x155D0] =	vst v20;
	v27 =	vld.idx.msk [tilespmem:v27+s7+$0x0], $0xffff;
	v22 =	vmin.f32 v22, v2  }
0x2a2: {  	v40 =	vld.idx.msk [tilespmem:v17+s21+$0x0], $0xffff;
	v21 =	vsub.f32 v21, v1;
	v44 =	vsub.f32 v41, v1;
	v42 =	vtrunc.f32 v22;
	[tilespmem:s9+$0x155B0] =	vst v18  }
0x2a3: {  	v28 =	vcvt.f32.s32 v42;
	v46 =	vld.idx.msk [tilespmem:v38+s21+$0x0], $0xffff  }
0x2a4: {  	v21 =	vmax.f32 v21, v5;
	v43 =	vld [tilespmem:s9+$0x75E0];
	v16 =	vmul.f32 v16, v39;
	v18 =	vmax.f32 v44, v5  }
0x2a5: {  	v21 =	vmin.f32 v21, v2;
	v23 =	vld.idx.msk [tilespmem:v38+s7+$0x0], $0xffff;
	v18 =	vmin.f32 v18, v2  }
0x2a6: {  	v26 =	vmul.f32 v35, v3;
	v47 =	vld.idx.msk [tilespmem:v17+s7+$0x0], $0xffff;
	v16 =	vadd.f32 v16, v27;
	v49 =	vtrunc.f32 v18  }
0x2a7: {  	v45 =	vtrunc.f32 v21;
	v51 =	vcvt.f32.s32 v49  }
0x2a8: {  	v30 =	vld [tilespmem:s8+$0x7980];
	v50 =	vsub.f32 v26, v1;
	v24 =	vcvt.f32.s32 v45;
	[tilespmem:s14+$0x155C0] =	vst v16;
	v19 =	vmul.f32 v19, v46  }
0x2a9: {  	v25 =	vmul.f32 v15, v40;
	v31 =	vld.idx.msk [tilespmem:v28+s21+$0x0], $0xffff  }
0x2aa: {  	v48 =	vld [tilespmem:s14+$0x75F0];
	v54 =	vmul.f32 v43, v3;
	v16 =	vmax.f32 v50, v5;
	v19 =	vadd.f32 v19, v23  }
0x2ab: {  	v17 =	vadd.f32 v25, v47;
	v53 =	vld.idx.msk [tilespmem:v28+s7+$0x0], $0xffff;
	v16 =	vmin.f32 v16, v2  }
0x2ac: {  	v56 =	vld [tilespmem:s9+$0x75F0];
	v58 =	vsub.f32 v54, v1;
	v55 =	vtrunc.f32 v16;
	[tilespmem:s9+$0x155C0] =	vst v19  }
0x2ad: {  	[tilespmem:s8+$0x155E0] =	vst v17;
	v17 =	vcvt.f32.s32 v55;
	v59 =	vld.idx.msk [tilespmem:v51+s21+$0x0], $0xffff  }
0x2ae: {  	v57 =	vld.idx.msk [tilespmem:v24+s21+$0x0], $0xffff;
	v22 =	vmul.f32 v22, v31;
	v19 =	vmax.f32 v58, v5  }
0x2af: {  	v26 =	vld.idx.msk [tilespmem:v51+s7+$0x0], $0xffff;
	v19 =	vmin.f32 v19, v2  }
0x2b0: {  	v61 =	vmul.f32 v48, v3;
	v24 =	vld.idx.msk [tilespmem:v24+s7+$0x0], $0xffff;
	v22 =	vadd.f32 v22, v53;
	v63 =	vtrunc.f32 v19  }
0x2b1: {  	v35 =	vcvt.f32.s32 v63  }
0x2b2: {  	v34 =	vsub.f32 v61, v1;
	[tilespmem:s14+$0x155D0] =	vst v22;
	v18 =	vmul.f32 v18, v59  }
0x2b3: {  	v30 =	vmul.f32 v30, v3;
	v21 =	vmul.f32 v21, v57;
	v36 =	vld.idx.msk [tilespmem:v17+s21+$0x0], $0xffff  }
0x2b4: {  	v37 =	vld [tilespmem:s14+$0x7980];
	v38 =	vmul.f32 v56, v3;
	v22 =	vmax.f32 v34, v5;
	v18 =	vadd.f32 v18, v26  }
0x2b5: {  	v21 =	vadd.f32 v21, v24;
	v17 =	vld.idx.msk [tilespmem:v17+s7+$0x0], $0xffff;
	v22 =	vmin.f32 v22, v2  }
0x2b6: {  	v52 =	vsub.f32 v30, v1;
	v33 =	vld [tilespmem:s8+$0x7990];
	v41 =	vsub.f32 v38, v1;
	v39 =	vtrunc.f32 v22;
	[tilespmem:s9+$0x155D0] =	vst v18  }
0x2b7: {  	[tilespmem:s8+$0x155F0] =	vst v21;
	v21 =	vcvt.f32.s32 v39;
	v42 =	vld.idx.msk [tilespmem:v35+s21+$0x0], $0xffff  }
0x2b8: {  	v20 =	vmax.f32 v52, v5;
	v44 =	vld [tilespmem:s9+$0x7980];
	v16 =	vmul.f32 v16, v36;
	v18 =	vmax.f32 v41, v5  }
0x2b9: {  	v20 =	vmin.f32 v20, v2;
	v25 =	vld.idx.msk [tilespmem:v35+s7+$0x0], $0xffff;
	v18 =	vmin.f32 v18, v2  }
0x2ba: {  	v23 =	vmul.f32 v37, v3;
	v17 =	vadd.f32 v16, v17;
	v45 =	vtrunc.f32 v18  }
0x2bb: {  	v60 =	vtrunc.f32 v20;
	v47 =	vcvt.f32.s32 v45  }
0x2bc: {  	v32 =	vld [tilespmem:s8+$0x79A0];
	v62 =	vcvt.f32.s32 v60;
	v46 =	vsub.f32 v23, v1;
	[tilespmem:s14+$0x155E0] =	vst v17;
	v19 =	vmul.f32 v19, v42  }
0x2bd: {  	v43 =	vmul.f32 v33, v3;
	v48 =	vld.idx.msk [tilespmem:v21+s21+$0x0], $0xffff  }
0x2be: {  	v52 =	vmul.f32 v44, v3;
	v51 =	vld [tilespmem:s14+$0x7990];
	v17 =	vmax.f32 v46, v5;
	v19 =	vadd.f32 v19, v25  }
0x2bf: {  	v21 =	vld.idx.msk [tilespmem:v21+s7+$0x0], $0xffff;
	v50 =	vmin.f32 v17, v2  }
0x2c0: {  	v60 =	vld [tilespmem:s9+$0x7990];
	v28 =	vsub.f32 v43, v1;
	v53 =	vtrunc.f32 v50;
	v25 =	vsub.f32 v52, v1;
	[tilespmem:s9+$0x155E0] =	vst v19  }
0x2c1: {  	v29 =	vcvt.f32.s32 v53;
	v55 =	vld.idx.msk [tilespmem:v47+s21+$0x0], $0xffff  }
0x2c2: {  	v49 =	vmax.f32 v28, v5;
	v40 =	vld.idx.msk [tilespmem:v62+s21+$0x0], $0xffff;
	v22 =	vmul.f32 v22, v48;
	v58 =	vmax.f32 v25, v5  }
0x2c3: {  	v24 =	vmin.f32 v49, v2;
	v57 =	vld.idx.msk [tilespmem:v47+s7+$0x0], $0xffff;
	v23 =	vmin.f32 v58, v2  }
0x2c4: {  	v27 =	vld.idx.msk [tilespmem:v62+s7+$0x0], $0xffff;
	v59 =	vmul.f32 v51, v3;
	v21 =	vadd.f32 v22, v21;
	v62 =	vtrunc.f32 v23  }
0x2c5: {  	v13 =	vadd.f32 v14, v13;
	v54 =	vtrunc.f32 v24;
	v14 =	vcvt.f32.s32 v62  }
0x2c6: {  	v38 =	vld [tilespmem:s14+$0x79A0];
	v33 =	vsub.f32 v59, v1;
	v19 =	vcvt.f32.s32 v54;
	[tilespmem:s14+$0x155F0] =	vst v21;
	v18 =	vmul.f32 v18, v55  }
0x2c7: {  	v56 =	vmul.f32 v20, v40;
	v34 =	vld.idx.msk [tilespmem:v29+s21+$0x0], $0xffff  }
0x2c8: {  	[tilespmem:s4+$0x15990] =	vst v13;
	v43 =	vld [tilespmem:s9+$0x79A0];
	v36 =	vmul.f32 v60, v3;
	v21 =	vmax.f32 v33, v5;
	v18 =	vadd.f32 v18, v57  }
0x2c9: {  	v32 =	vmul.f32 v32, v3;
	v61 =	vadd.f32 v56, v27;
	v29 =	vld.idx.msk [tilespmem:v29+s7+$0x0], $0xffff;
	v21 =	vmin.f32 v21, v2  }
0x2ca: {  	v63 =	vld.idx.msk [tilespmem:v11+s21+$0x0], $0xffff;
	v40 =	vsub.f32 v36, v1;
	v39 =	vtrunc.f32 v21;
	[tilespmem:s9+$0x155F0] =	vst v18  }
0x2cb: {  	v27 =	vsub.f32 v32, v1;
	[tilespmem:s8+$0x15980] =	vst v61;
	v30 =	vcvt.f32.s32 v39;
	v42 =	vld.idx.msk [tilespmem:v14+s21+$0x0], $0xffff  }
0x2cc: {  	v35 =	vld.idx.msk [tilespmem:v19+s21+$0x0], $0xffff;
	v13 =	vmul.f32 v50, v34;
	v18 =	vmax.f32 v40, v5  }
0x2cd: {  	v37 =	vmax.f32 v27, v5;
	v27 =	vmul.f32 v38, v3;
	v14 =	vld.idx.msk [tilespmem:v14+s7+$0x0], $0xffff;
	v18 =	vmin.f32 v18, v2  }
0x2ce: {  	v25 =	vmin.f32 v37, v2;
	v19 =	vld.idx.msk [tilespmem:v19+s7+$0x0], $0xffff;
	v13 =	vadd.f32 v13, v29;
	v44 =	vtrunc.f32 v18  }
0x2cf: {  	v11 =	vld.idx.msk [tilespmem:v11+s7+$0x0], $0xffff;
	v41 =	vtrunc.f32 v25;
	v46 =	vcvt.f32.s32 v44  }
0x2d0: {  	v45 =	vld [tilespmem:s8+$0x79B0];
	v27 =	vsub.f32 v27, v1;
	v20 =	vcvt.f32.s32 v41;
	[tilespmem:s14+$0x15980] =	vst v13;
	v23 =	vmul.f32 v23, v42  }
0x2d1: {  	v12 =	vmul.f32 v12, v3;
	v22 =	vmul.f32 v24, v35;
	v47 =	vld.idx.msk [tilespmem:v30+s21+$0x0], $0xffff  }
0x2d2: {  	v53 =	vld [tilespmem:s14+$0x79B0];
	v27 =	vmax.f32 v27, v5;
	v50 =	vmul.f32 v43, v3;
	v14 =	vadd.f32 v23, v14  }
0x2d3: {  	v10 =	vmul.f32 v10, v63;
	v52 =	vmin.f32 v27, v2;
	v30 =	vld.idx.msk [tilespmem:v30+s7+$0x0], $0xffff;
	v19 =	vadd.f32 v22, v19  }
0x2d4: {  	v54 =	vtrunc.f32 v52;
	v57 =	vld [tilespmem:s9+$0x79B0];
	v23 =	vsub.f32 v50, v1;
	[tilespmem:s9+$0x15980] =	vst v14  }
0x2d5: {  	v12 =	vsub.f32 v12, v1;
	v10 =	vadd.f32 v10, v11;
	v11 =	vcvt.f32.s32 v54;
	[tilespmem:s8+$0x15990] =	vst v19;
	v56 =	vld.idx.msk [tilespmem:v46+s21+$0x0], $0xffff  }
0x2d6: {  	v6 =	vmul.f32 v6, v3;
	v51 =	vld.idx.msk [tilespmem:v20+s21+$0x0], $0xffff;
	v55 =	vmul.f32 v21, v47;
	v23 =	vmax.f32 v23, v5  }
0x2d7: {  	v12 =	vmax.f32 v12, v5;
	v22 =	vmul.f32 v45, v3;
	v13 =	vld.idx.msk [tilespmem:v46+s7+$0x0], $0xffff;
	v23 =	vmin.f32 v23, v2  }
0x2d8: {  	v15 =	vld [tilespmem:s8+$0x79C0];
	v27 =	vmul.f32 v53, v3;
	v14 =	vadd.f32 v55, v30;
	v58 =	vtrunc.f32 v23  }
0x2d9: {  	v12 =	vmin.f32 v12, v2;
	v16 =	vld [tilespmem:s14+$0x79C0];
	[tilespmem:s4+$0x159A0] =	vst v10;
	v10 =	vsub.f32 v22, v1;
	v22 =	vcvt.f32.s32 v58  }
0x2da: {  	v49 =	vtrunc.f32 v12;
	v62 =	vsub.f32 v27, v1;
	v20 =	vld.idx.msk [tilespmem:v20+s7+$0x0], $0xffff;
	[tilespmem:s14+$0x15990] =	vst v14;
	v18 =	vmul.f32 v18, v56  }
0x2db: {  	v19 =	vcvt.f32.s32 v49;
	v30 =	vmul.f32 v57, v3;
	v61 =	vld.idx.msk [tilespmem:v11+s21+$0x0], $0xffff  }
0x2dc: {  	v17 =	vld [tilespmem:s9+$0x79C0];
	v60 =	vmul.f32 v25, v51;
	v25 =	vmax.f32 v62, v5;
	v13 =	vadd.f32 v18, v13  }
0x2dd: {  	v6 =	vsub.f32 v6, v1;
	v10 =	vmax.f32 v10, v5;
	v25 =	vmin.f32 v25, v2;
	v11 =	vld.idx.msk [tilespmem:v11+s7+$0x0], $0xffff  }
0x2de: {  	v48 =	vld [tilespmem:s4+$0x79D0];
	v10 =	vmin.f32 v10, v2;
	v31 =	vsub.f32 v30, v1;
	v33 =	vtrunc.f32 v25;
	[tilespmem:s9+$0x15990] =	vst v13  }
0x2df: {  	v63 =	vtrunc.f32 v10;
	v32 =	vadd.f32 v60, v20;
	v20 =	vcvt.f32.s32 v33;
	v34 =	vld.idx.msk [tilespmem:v22+s21+$0x0], $0xffff  }
0x2e0: {  	v39 =	vld [tilespmem:s14+$0x79D0];
	v18 =	vcvt.f32.s32 v63;
	v24 =	vmul.f32 v52, v61;
	v13 =	vmax.f32 v31, v5  }
0x2e1: {  	v6 =	vmax.f32 v6, v5;
	v22 =	vld.idx.msk [tilespmem:v22+s7+$0x0], $0xffff;
	v13 =	vmin.f32 v13, v2  }
0x2e2: {  	v15 =	vmul.f32 v15, v3;
	v59 =	vld.idx.msk [tilespmem:v19+s21+$0x0], $0xffff;
	v11 =	vadd.f32 v24, v11;
	v37 =	vtrunc.f32 v13  }
0x2e3: {  	v6 =	vmin.f32 v6, v2;
	v16 =	vmul.f32 v16, v3;
	v35 =	vld [tilespmem:s8+$0x79D0];
	v14 =	vcvt.f32.s32 v37  }
0x2e4: {  	v15 =	vsub.f32 v15, v1;
	v19 =	vld.idx.msk [tilespmem:v19+s7+$0x0], $0xffff;
	[tilespmem:s14+$0x159A0] =	vst v11;
	v21 =	vmul.f32 v23, v34  }
0x2e5: {  	v36 =	vtrunc.f32 v6;
	v16 =	vsub.f32 v16, v1;
	v17 =	vmul.f32 v17, v3;
	[tilespmem:s8+$0x159A0] =	vst v32;
	v11 =	vld.idx.msk [tilespmem:v20+s21+$0x0], $0xffff  }
0x2e6: {  	v15 =	vmax.f32 v15, v5;
	v26 =	vcvt.f32.s32 v36;
	v38 =	vld.idx.msk [tilespmem:v18+s21+$0x0], $0xffff;
	v40 =	vadd.f32 v21, v22  }
0x2e7: {  	v16 =	vmax.f32 v16, v5;
	v17 =	vsub.f32 v17, v1;
	v12 =	vmul.f32 v12, v59;
	v20 =	vld.idx.msk [tilespmem:v20+s7+$0x0], $0xffff  }
0x2e8: {  	v16 =	vmin.f32 v16, v2;
	v41 =	vmin.f32 v15, v2;
	v18 =	vld.idx.msk [tilespmem:v18+s7+$0x0], $0xffff;
	[tilespmem:s9+$0x159A0] =	vst v40  }
0x2e9: {  	v44 =	vtrunc.f32 v41;
	v45 =	vmul.f32 v48, v3;
	v12 =	vadd.f32 v12, v19;
	v46 =	vld.idx.msk [tilespmem:v14+s21+$0x0], $0xffff  }
0x2ea: {  	v17 =	vmax.f32 v17, v5;
	v42 =	vld [tilespmem:s9+$0x79D0];
	v47 =	vtrunc.f32 v16;
	v22 =	vcvt.f32.s32 v44  }
0x2eb: {  	v17 =	vmin.f32 v17, v2;
	[tilespmem:s4+$0x159B0] =	vst v12;
	v24 =	vcvt.f32.s32 v47;
	v10 =	vmul.f32 v10, v38;
	v14 =	vld.idx.msk [tilespmem:v14+s7+$0x0], $0xffff  }
0x2ec: {  	v48 =	vtrunc.f32 v17;
	v19 =	vsub.f32 v45, v1;
	v43 =	vld.idx.msk [tilespmem:v26+s21+$0x0], $0xffff;
	v11 =	vmul.f32 v25, v11  }
0x2ed: {  	v49 =	vmul.f32 v35, v3;
	v10 =	vadd.f32 v10, v18;
	v18 =	vcvt.f32.s32 v48  }
0x2ee: {  	v19 =	vmax.f32 v19, v5;
	v26 =	vld.idx.msk [tilespmem:v26+s7+$0x0], $0xffff;
	v11 =	vadd.f32 v11, v20;
	v13 =	vmul.f32 v13, v46  }
0x2ef: {  	v19 =	vmin.f32 v19, v2;
	v23 =	vmul.f32 v39, v3;
	[tilespmem:s8+$0x159B0] =	vst v10;
	v10 =	vsub.f32 v49, v1  }
0x2f0: {  	v15 =	vmul.f32 v42, v3;
	v51 =	vtrunc.f32 v19;
	[tilespmem:s14+$0x159B0] =	vst v11;
	v50 =	vld.idx.msk [tilespmem:v22+s21+$0x0], $0xffff;
	v13 =	vadd.f32 v13, v14  }
0x2f1: {  	v6 =	vmul.f32 v6, v43;
	v11 =	vsub.f32 v23, v1;
	v53 =	vld.idx.msk [tilespmem:v24+s21+$0x0], $0xffff;
	v10 =	vmax.f32 v10, v5  }
0x2f2: {  	v54 =	vsub.f32 v15, v1;
	v52 =	vld.idx.msk [tilespmem:v22+s7+$0x0], $0xffff;
	v10 =	vmin.f32 v10, v2;
	v14 =	vcvt.f32.s32 v51;
	[tilespmem:s9+$0x159B0] =	vst v13  }
0x2f3: {  	v6 =	vadd.f32 v6, v26;
	v11 =	vmax.f32 v11, v5;
	v55 =	vtrunc.f32 v10;
	v56 =	vld.idx.msk [tilespmem:v18+s21+$0x0], $0xffff  }
0x2f4: {  	v24 =	vld.idx.msk [tilespmem:v24+s7+$0x0], $0xffff;
	v11 =	vmin.f32 v11, v2;
	v15 =	vcvt.f32.s32 v55;
	v13 =	vmax.f32 v54, v5  }
0x2f5: {  	v57 =	vtrunc.f32 v11;
	v12 =	vmul.f32 v41, v50;
	v18 =	vld.idx.msk [tilespmem:v18+s7+$0x0], $0xffff;
	v13 =	vmin.f32 v13, v2  }
0x2f6: {  	v20 =	vcvt.f32.s32 v57;
	v58 =	vtrunc.f32 v13  }
0x2f7: {  	[tilespmem:s4+$0x159C0] =	vst v6;
	v59 =	vmul.f32 v16, v53;
	v6 =	vadd.f32 v12, v52;
	v60 =	vcvt.f32.s32 v58  }
0x2f8: {  	v61 =	vld.idx.msk [tilespmem:v14+s21+$0x0], $0xffff;
	v17 =	vmul.f32 v17, v56  }
0x2f9: {  	[tilespmem:s8+$0x159C0] =	vst v6;
	v6 =	vadd.f32 v59, v24;
	v14 =	vld.idx.msk [tilespmem:v14+s7+$0x0], $0xffff  }
0x2fa: {  	v62 =	vld.idx.msk [tilespmem:v15+s21+$0x0], $0xffff;
	v17 =	vadd.f32 v17, v18  }
0x2fb: {  	v15 =	vld.idx.msk [tilespmem:v15+s7+$0x0], $0xffff;
	[tilespmem:s14+$0x159C0] =	vst v6  }
0x2fc: {  	v6 =	vld.idx.msk [tilespmem:v20+s21+$0x0], $0xffff;
	[tilespmem:s9+$0x159C0] =	vst v17  }
0x2fd: {  	v17 =	vld.idx.msk [tilespmem:v60+s21+$0x0], $0xffff  }
0x2fe: {  	v7 =	vmul.f32 v7, v8;
	v8 =	vld.idx.msk [tilespmem:v20+s7+$0x0], $0xffff  }
0x2ff: {  	v63 =	vmul.f32 v19, v61;
	v16 =	vld.idx.msk [tilespmem:v60+s7+$0x0], $0xffff  }
0x300: {  	v7 =	vadd.f32 v7, v9;
	v9 =	vmul.f32 v10, v62  }
0x301: {  	v10 =	vadd.f32 v63, v14;
	v6 =	vmul.f32 v11, v6  }
0x302: {  	[tilespmem:s0+$0x159D0] =	vst v7;
	v7 =	vadd.f32 v9, v15;
	v9 =	vmul.f32 v13, v17  }
0x303: {  	[tilespmem:s4+$0x159D0] =	vst v10;
	v6 =	vadd.f32 v6, v8  }
0x304: {  	s0 =	sor.u32 $0x1, s31;
	[tilespmem:s8+$0x159D0] =	vst v7;
	v7 =	vadd.f32 v9, v16  }
0x305: {  	s8 =	sadd.s32 s6, s0;
	[tilespmem:s14+$0x159D0] =	vst v6  }
0x306: {  	s3 =	sadd.s32 s5, s3;
	s10 =	simm.s32 $0x0;
	s16 =	smulhi.u32 $0x2AAAAAAB, s8;
	[tilespmem:s9+$0x159D0] =	vst v7  }
0x307: {  	[hbm4b:s3+s10] =	stream.linear.scatter [tilespmem:s24], [sflag:$0x4], $0x7000, $0x38;
	[tilespmem:$0x1C580] =	vst v63  }
0x308: {  	s4 =	sshrl.u32 s16, $0x4;
	s3 =	smul.u32 $0xE000, s8  }
0x309: {  	s29 =	smul.u32 $0x60, s4  }
0x30a: {  	s4 =	sshrl.u32 s3, $0x3  }
0x30b: {  	s9 =	ssub.s32 s8, s29;
	s31 =	sadd.s32 $0xE00, s4  }
0x30c: {  	v6 =	vmov s9;
	s11 =	sadd.s32 s1, s31  }
0x30d: {  	[tilespmem:s17], [sflag:$0x2] =	stream.linear.gather [hbm4b:s11+s10], $0x7000, $0x38;
	[tilespmem:$0x1C580] =	vst v63  }
0x30e: {  	_ =	swait.ge [sflag:s25], $0x100  }
0x30f: {  	[sflag:s25] =	ssyncset.done $0x0  }
0x310: {  	[sflag:s25] =	ssyncadd.s32 $0xFFFFFF00  }
0x311: {  	v7 =	vld.idx.msk [tilespmem:v6+s12+$0x0], $0xffff  }
0x312: {  	s9 =	simm.s32 $0x0  }
0x313: {  	v8 =	vld [tilespmem:s9+$0x380];
	_ =	sdelay $0x2  }
0x314: {  	s11 =	simm.s32 $0x40;
	v6 =	vmul.f32 v7, v4  }
.LBB2_13:
0x315: {  	p0 =	sne.s32 s11, $0x3C0  }
.Ltmp6:
0x316: {  	s13 =	sshra.s32 s11, $0x2;
	s11 =	sadd.s32 $0x40, s11;
	v9 =	vmul.f32 v8, v7;
	(pc) =	sbr.rel @p0 .LBB2_13-.Ltmp6, $3  }
0x317: {  	v8 =	vld [tilespmem:s13+$0x380]  }
0x318: {  	v9 =	vadd.f32 v9, v6;
	_ =	sdelay $0x1  }
0x319: {  	[tilespmem:s9+$0x0] =	vst v9;
	s9 =	smov.u32 s13  }
0x31a: {  	s11 =	simm.s32 $0x1  }
0x31b: {  	v7 =	vmul.f32 v8, v7;
	v8 =	vadd.s32 s11, v0;
	_ =	sdelay $0x1  }
0x31c: {  	s14 =	simm.s32 $0x11;
	v6 =	vadd.f32 v7, v6  }
0x31d: {  	v7 =	vadd.s32 s14, v0  }
0x31e: {  	[tilespmem:s9+$0x0] =	vst v6;
	s9 =	simm.s32 $0x0  }
0x31f: {  	v6 =	vld.idx.msk [tilespmem:v8+s9+$0x0], $0xffff  }
0x320: {  	s29 =	simm.s32 $0x10;
	v8 =	vld [tilespmem:s10+$0x0]  }
0x321: {  	s16 =	simm.s32 $0x21;
	v10 =	vld [tilespmem:s29+$0x0]  }
0x322: {  	v9 =	vadd.s32 s16, v0;
	v7 =	vld.idx.msk [tilespmem:v7+s9+$0x0], $0xffff;
	_ =	sdelay $0x2  }
0x323: {  	v6 =	vsub.f32 v6, v8  }
0x324: {  	s10 =	simm.s32 $0x180  }
0x325: {  	s13 =	simm.s32 $0x20;
	s11 =	simm.s32 $0x31;
	s14 =	simm.s32 $0x180;
	[tilespmem:s10+$0x0] =	vst v6;
	v6 =	vld.idx.msk [tilespmem:v9+s9+$0x0], $0xffff;
	v7 =	vsub.f32 v7, v10  }
.LBB2_15:
0x326: {  	v8 =	vadd.s32 s11, v0;
	p0 =	sne.s32 s11, $0xF1;
	s11 =	sadd.s32 $0x10, s11;
	v9 =	vld [tilespmem:s13+$0x0];
	s14 =	sadd.s32 $0x10, s14  }
.Ltmp7:
0x327: {  	[tilespmem:s14+$0x0] =	vst v7;
	(pc) =	sbr.rel @p0 .LBB2_15-.Ltmp7, $2  }
0x328: {  	_ =	sdelay $0x2  }
0x329: {  	s13 =	sadd.s32 $0x10, s13;
	v7 =	vsub.f32 v6, v9;
	v6 =	vld.idx.msk [tilespmem:v8+s9+$0x0], $0xffff  }
0x32a: {  	v8 =	vld [tilespmem:s13+$0x0];
	_ =	sdelay $0x4  }
0x32b: {  	s11 =	sadd.s32 $0x10, s14;
	v6 =	vsub.f32 v6, v8  }
0x32c: {  	[tilespmem:s11+$0x0] =	vst v7;
	s11 =	sadd.s32 $0x10, s11  }
0x32d: {  	[tilespmem:s11+$0x0] =	vst v6  }
0x32e: {  	p0 =	por $0x1, $0x1;
	v7 =	vld [tilespmem:s10+$0x0]  }
.Ltmp8:
0x32f: {  	v6 =	vor.u32 s9, v0;
	(pc) =	sbr.rel @!p0 .LBB2_18-.Ltmp8, $2  }
0x330: {  	v8 =	vcvt.s32.f32 v6;
	v6 =	vld [tilespmem:s9+$0x0];
	_ =	sdelay $0x2  }
0x331: {  	s13 =	simm.s32 $0x0;
	s11 =	simm.s32 $0x190;
	s10 =	simm.s32 $0x10;
	v7 =	vmul.f32 v8, v7  }
.LBB2_17:
0x332: {  	v8 =	vld [tilespmem:s11+$0x0];
	p0 =	sne.s32 s10, $0xF0;
	s14 =	smov.u32 s10;
	s10 =	sadd.s32 $0x10, s10  }
.Ltmp9:
0x333: {  	s13 =	sadd.s32 $0x10, s13;
	v7 =	vsub.f32 v6, v7;
	(pc) =	sbr.rel @p0 .LBB2_17-.Ltmp9, $3  }
0x334: {  	v9 =	vor.u32 s14, v0;
	v6 =	vld [tilespmem:s13+$0x0]  }
0x335: {  	v9 =	vcvt.s32.f32 v9;
	[tilespmem:s9+$0x0] =	vst v7;
	s9 =	smov.u32 s13;
	_ =	sdelay $0x1  }
0x336: {  	s11 =	sadd.s32 $0x10, s11;
	v7 =	vmul.f32 v9, v8  }
.LBB2_18:
0x337: {  	p0 =	seq.s32 s30, $0xB  }
0x338: {  	s8 =	sadd.s32 @!p0 $0x1, s8  }
0x339: {  	s10 =	smulhi.u32 @!p0 $0x2AAAAAAB, s8;
	_ =	sdelay $0x1  }
0x33a: {  	s10 =	sshrl.u32 @!p0 s10, $0x4  }
0x33b: {  	s10 =	smul.u32 @!p0 $0x60, s10;
	_ =	sdelay $0x1  }
0x33c: {  	v6 =	vsub.f32 v6, v7;
	s8 =	ssub.s32 @!p0 s8, s10  }
0x33d: {  	s8 =	sshll.u32 @!p0 s8, $0x5  }
0x33e: {  	[tilespmem:s9+$0x0] =	vst v6;
	s9 =	simm.s32 @!p0 $0x0;
	s10 =	simm.s32 @!p0 $0x280;
	s8 =	sadd.s32 @!p0 s2, s8  }
0x33f: {  	[tilespmem:s10], [sflag:$0x5] =	stream.linear.gather @!p0 [hbm4b:s8+s9], $0x100, $0x38;
	[tilespmem:$0x1C580] =	vst v63  }
0x340: {  	_ =	swait.ge [sflag:s20], $0x7000  }
0x341: {  	[sflag:s20] =	ssyncset.done $0x0  }
0x342: {  	[sflag:s20] =	ssyncadd.s32 $0xFFFF9000  }
0x343: {  	s13 =	simm.s32 $0x0;
	_ =	swait.ge [sflag:s26], $0x7000  }
0x344: {  	s14 =	sand.u32 $0x7800, s13;
	s8 =	sand.u32 $0x380, s13;
	[sflag:s26] =	ssyncset.done $0x0  }
0x345: {  	s14 =	sor.u32 s8, s14;
	[sflag:s26] =	ssyncadd.s32 $0xFFFF9000  }
0x346: {  	v6 =	vld [tilespmem:s14+$0x580];
	_ =	sdelay $0x4  }
0x347: {  	v6 =	vmul.f32 v6, v3;
	_ =	sdelay $0x1  }
0x348: {  	v6 =	vsub.f32 v6, v1;
	_ =	sdelay $0x1  }
0x349: {  	v6 =	vmax.f32 v6, v5  }
0x34a: {  	v7 =	vld [tilespmem:s14+$0x590];
	v6 =	vmin.f32 v6, v2  }
0x34b: {  	v8 =	vtrunc.f32 v6  }
0x34c: {  	v8 =	vcvt.f32.s32 v8;
	_ =	sdelay $0x2  }
0x34d: {  	v7 =	vmul.f32 v7, v3;
	_ =	sdelay $0x1  }
0x34e: {  	v7 =	vsub.f32 v7, v1  }
0x34f: {  	v9 =	vld.idx.msk [tilespmem:v8+s21+$0x0], $0xffff  }
0x350: {  	v10 =	vld [tilespmem:s14+$0x5A0];
	v7 =	vmax.f32 v7, v5  }
0x351: {  	v7 =	vmin.f32 v7, v2;
	v8 =	vld.idx.msk [tilespmem:v8+s7+$0x0], $0xffff  }
0x352: {  	v11 =	vtrunc.f32 v7  }
0x353: {  	v11 =	vcvt.f32.s32 v11  }
0x354: {  	v6 =	vmul.f32 v6, v9;
	_ =	sdelay $0x1  }
0x355: {  	v6 =	vadd.f32 v6, v8;
	v8 =	vmul.f32 v10, v3;
	_ =	sdelay $0x1  }
0x356: {  	[tilespmem:s14+$0xE580] =	vst v6;
	v6 =	vsub.f32 v8, v1  }
0x357: {  	v8 =	vld.idx.msk [tilespmem:v11+s21+$0x0], $0xffff  }
0x358: {  	v9 =	vld [tilespmem:s14+$0x5B0];
	v6 =	vmax.f32 v6, v5  }
0x359: {  	v10 =	vld.idx.msk [tilespmem:v11+s7+$0x0], $0xffff;
	v6 =	vmin.f32 v6, v2  }
0x35a: {  	v11 =	vtrunc.f32 v6  }
0x35b: {  	v11 =	vcvt.f32.s32 v11  }
0x35c: {  	v7 =	vmul.f32 v7, v8  }
0x35d: {  	s16 =	simm.s32 $0x100;
	s29 =	simm.s32 $0x80  }
0x35e: {  	s9 =	sand.u32 $0x380, s29;
	s8 =	sand.u32 $0x7800, s16;
	v8 =	vmul.f32 v9, v3;
	v7 =	vadd.f32 v7, v10  }
0x35f: {  	s16 =	sor.u32 s9, s8  }
0x360: {  	v10 =	vld [tilespmem:s16+$0x580];
	[tilespmem:s14+$0xE590] =	vst v7;
	v7 =	vsub.f32 v8, v1  }
0x361: {  	v8 =	vld.idx.msk [tilespmem:v11+s21+$0x0], $0xffff  }
0x362: {  	v9 =	vld [tilespmem:s14+$0x5C0];
	v7 =	vmax.f32 v7, v5  }
0x363: {  	v11 =	vld.idx.msk [tilespmem:v11+s7+$0x0], $0xffff;
	v7 =	vmin.f32 v7, v2  }
0x364: {  	v12 =	vtrunc.f32 v7  }
0x365: {  	v10 =	vmul.f32 v10, v3;
	v12 =	vcvt.f32.s32 v12  }
0x366: {  	v6 =	vmul.f32 v6, v8  }
0x367: {  	v8 =	vsub.f32 v10, v1  }
0x368: {  	v9 =	vmul.f32 v9, v3;
	v6 =	vadd.f32 v6, v11  }
0x369: {  	v8 =	vmax.f32 v8, v5  }
0x36a: {  	v11 =	vld [tilespmem:s16+$0x590];
	v8 =	vmin.f32 v8, v2;
	[tilespmem:s14+$0xE5A0] =	vst v6;
	v6 =	vsub.f32 v9, v1  }
0x36b: {  	v13 =	vtrunc.f32 v8;
	v9 =	vld.idx.msk [tilespmem:v12+s21+$0x0], $0xffff  }
0x36c: {  	v10 =	vld [tilespmem:s14+$0x5D0];
	v13 =	vcvt.f32.s32 v13;
	v6 =	vmax.f32 v6, v5  }
0x36d: {  	v12 =	vld.idx.msk [tilespmem:v12+s7+$0x0], $0xffff;
	v6 =	vmin.f32 v6, v2  }
0x36e: {  	v14 =	vtrunc.f32 v6  }
0x36f: {  	v11 =	vmul.f32 v11, v3;
	v14 =	vcvt.f32.s32 v14  }
0x370: {  	v7 =	vmul.f32 v7, v9  }
0x371: {  	v11 =	vsub.f32 v11, v1  }
0x372: {  	v10 =	vmul.f32 v10, v3;
	v7 =	vadd.f32 v7, v12;
	v12 =	vld.idx.msk [tilespmem:v13+s21+$0x0], $0xffff  }
0x373: {  	v15 =	vld [tilespmem:s16+$0x5A0];
	v11 =	vmax.f32 v11, v5  }
0x374: {  	v13 =	vld.idx.msk [tilespmem:v13+s7+$0x0], $0xffff;
	[tilespmem:s14+$0xE5B0] =	vst v7;
	v7 =	vsub.f32 v10, v1;
	v10 =	vmin.f32 v11, v2  }
0x375: {  	v11 =	vld.idx.msk [tilespmem:v14+s21+$0x0], $0xffff;
	v16 =	vtrunc.f32 v10  }
0x376: {  	v9 =	vld [tilespmem:s14+$0x5E0];
	v7 =	vmax.f32 v7, v5;
	v16 =	vcvt.f32.s32 v16  }
0x377: {  	v14 =	vld.idx.msk [tilespmem:v14+s7+$0x0], $0xffff;
	v7 =	vmin.f32 v7, v2;
	v8 =	vmul.f32 v8, v12  }
0x378: {  	v12 =	vtrunc.f32 v7  }
0x379: {  	v12 =	vcvt.f32.s32 v12;
	v8 =	vadd.f32 v8, v13;
	v13 =	vmul.f32 v15, v3  }
0x37a: {  	v6 =	vmul.f32 v6, v11  }
0x37b: {  	[tilespmem:s16+$0xE580] =	vst v8;
	v8 =	vsub.f32 v13, v1  }
0x37c: {  	v9 =	vmul.f32 v9, v3;
	v6 =	vadd.f32 v6, v14;
	v13 =	vld.idx.msk [tilespmem:v16+s21+$0x0], $0xffff  }
0x37d: {  	v14 =	vld [tilespmem:s16+$0x5B0];
	v8 =	vmax.f32 v8, v5  }
0x37e: {  	v15 =	vld.idx.msk [tilespmem:v16+s7+$0x0], $0xffff;
	[tilespmem:s14+$0xE5C0] =	vst v6;
	v6 =	vsub.f32 v9, v1;
	v8 =	vmin.f32 v8, v2  }
0x37f: {  	v9 =	vld.idx.msk [tilespmem:v12+s21+$0x0], $0xffff;
	v16 =	vtrunc.f32 v8  }
0x380: {  	v11 =	vld [tilespmem:s14+$0x5F0];
	v6 =	vmax.f32 v6, v5;
	v16 =	vcvt.f32.s32 v16  }
0x381: {  	v12 =	vld.idx.msk [tilespmem:v12+s7+$0x0], $0xffff;
	v6 =	vmin.f32 v6, v2;
	v10 =	vmul.f32 v10, v13  }
0x382: {  	v13 =	vtrunc.f32 v6  }
0x383: {  	v13 =	vcvt.f32.s32 v13;
	v10 =	vadd.f32 v10, v15  }
0x384: {  	s10 =	simm.s32 $0x100;
	s9 =	simm.s32 $0x200;
	v7 =	vmul.f32 v7, v9;
	v9 =	vmul.f32 v14, v3  }
0x385: {  	s8 =	sand.u32 $0x7800, s9;
	s9 =	sand.u32 $0x380, s10;
	v14 =	vld [tilespmem:s16+$0x5C0];
	[tilespmem:s16+$0xE590] =	vst v10  }
0x386: {  	s8 =	sor.u32 s9, s8;
	v11 =	vmul.f32 v11, v3;
	v7 =	vadd.f32 v7, v12;
	v10 =	vld.idx.msk [tilespmem:v16+s21+$0x0], $0xffff;
	v9 =	vsub.f32 v9, v1  }
0x387: {  	v12 =	vld [tilespmem:s8+$0x580]  }
0x388: {  	v15 =	vld.idx.msk [tilespmem:v16+s7+$0x0], $0xffff;
	[tilespmem:s14+$0xE5D0] =	vst v7;
	v7 =	vmax.f32 v9, v5;
	v9 =	vsub.f32 v11, v1  }
0x389: {  	v11 =	vld.idx.msk [tilespmem:v13+s21+$0x0], $0xffff;
	v16 =	vmin.f32 v7, v2  }
0x38a: {  	v7 =	vtrunc.f32 v16;
	v9 =	vmax.f32 v9, v5  }
0x38b: {  	v13 =	vld.idx.msk [tilespmem:v13+s7+$0x0], $0xffff;
	v17 =	vcvt.f32.s32 v7;
	v9 =	vmin.f32 v9, v2;
	v7 =	vmul.f32 v8, v10  }
0x38c: {  	v8 =	vld [tilespmem:s14+$0x980];
	v12 =	vmul.f32 v12, v3;
	v10 =	vtrunc.f32 v9  }
0x38d: {  	v10 =	vcvt.f32.s32 v10;
	v15 =	vadd.f32 v7, v15  }
0x38e: {  	v6 =	vmul.f32 v6, v11;
	v11 =	vsub.f32 v12, v1;
	v12 =	vmul.f32 v14, v3;
	_ =	sdelay $0x1  }
0x38f: {  	[tilespmem:s16+$0xE5A0] =	vst v15;
	v15 =	vld [tilespmem:s8+$0x590];
	v6 =	vadd.f32 v6, v13;
	v11 =	vmax.f32 v11, v5;
	v12 =	vsub.f32 v12, v1  }
0x390: {  	v8 =	vmul.f32 v8, v3;
	v13 =	vld.idx.msk [tilespmem:v17+s21+$0x0], $0xffff;
	v11 =	vmin.f32 v11, v2  }
0x391: {  	v17 =	vld.idx.msk [tilespmem:v17+s7+$0x0], $0xffff;
	v18 =	vtrunc.f32 v11;
	[tilespmem:s14+$0xE5E0] =	vst v6;
	v6 =	vmax.f32 v12, v5  }
0x392: {  	v8 =	vsub.f32 v8, v1;
	v12 =	vcvt.f32.s32 v18;
	v18 =	vld.idx.msk [tilespmem:v10+s21+$0x0], $0xffff;
	v6 =	vmin.f32 v6, v2  }
0x393: {  	v14 =	vld [tilespmem:s16+$0x5D0];
	v19 =	vtrunc.f32 v6  }
0x394: {  	v10 =	vld.idx.msk [tilespmem:v10+s7+$0x0], $0xffff;
	v8 =	vmax.f32 v8, v5;
	v19 =	vcvt.f32.s32 v19  }
0x395: {  	v8 =	vmin.f32 v8, v2;
	v13 =	vmul.f32 v16, v13;
	v16 =	vld [tilespmem:s14+$0x990]  }
0x396: {  	v15 =	vmul.f32 v15, v3;
	v20 =	vtrunc.f32 v8  }
0x397: {  	v21 =	vld [tilespmem:s16+$0x5E0];
	v20 =	vcvt.f32.s32 v20;
	v13 =	vadd.f32 v13, v17;
	v9 =	vmul.f32 v9, v18  }
0x398: {  	v14 =	vmul.f32 v14, v3;
	v15 =	vsub.f32 v15, v1;
	v17 =	vld.idx.msk [tilespmem:v12+s21+$0x0], $0xffff  }
0x399: {  	v12 =	vld.idx.msk [tilespmem:v12+s7+$0x0], $0xffff;
	[tilespmem:s16+$0xE5B0] =	vst v13;
	v9 =	vadd.f32 v9, v10  }
0x39a: {  	v10 =	vmax.f32 v15, v5;
	v13 =	vsub.f32 v14, v1;
	v14 =	vld.idx.msk [tilespmem:v19+s21+$0x0], $0xffff;
	v15 =	vmul.f32 v16, v3  }
0x39b: {  	v10 =	vmin.f32 v10, v2;
	v16 =	vld [tilespmem:s8+$0x5A0]  }
0x39c: {  	v19 =	vld.idx.msk [tilespmem:v19+s7+$0x0], $0xffff;
	[tilespmem:s14+$0xE5F0] =	vst v9;
	v9 =	vtrunc.f32 v10;
	v13 =	vmax.f32 v13, v5;
	v15 =	vsub.f32 v15, v1  }
0x39d: {  	s11 =	simm.s32 $0x300;
	s13 =	simm.s32 $0x180;
	v18 =	vld.idx.msk [tilespmem:v20+s21+$0x0], $0xffff;
	v9 =	vcvt.f32.s32 v9;
	v13 =	vmin.f32 v13, v2  }
0x39e: {  	s10 =	sand.u32 $0x380, s13;
	s9 =	sand.u32 $0x7800, s11;
	v22 =	vld [tilespmem:s14+$0x9A0];
	v11 =	vmul.f32 v11, v17;
	v17 =	vtrunc.f32 v13;
	v15 =	vmax.f32 v15, v5  }
0x39f: {  	s9 =	sor.u32 s10, s9;
	v20 =	vld.idx.msk [tilespmem:v20+s7+$0x0], $0xffff;
	v17 =	vcvt.f32.s32 v17;
	v15 =	vmin.f32 v15, v2;
	v6 =	vmul.f32 v6, v14  }
0x3a0: {  	v23 =	vld [tilespmem:s9+$0x580];
	v11 =	vadd.f32 v11, v12;
	v14 =	vmul.f32 v16, v3;
	v12 =	vtrunc.f32 v15  }
0x3a1: {  	v7 =	vld [tilespmem:s14+$0x9C0];
	v12 =	vcvt.f32.s32 v12  }
0x3a2: {  	v16 =	vld [tilespmem:s16+$0x5F0];
	[tilespmem:s8+$0xE580] =	vst v11;
	v8 =	vmul.f32 v8, v18;
	v6 =	vadd.f32 v6, v19;
	v14 =	vsub.f32 v14, v1  }
0x3a3: {  	v18 =	vmul.f32 v21, v3;
	v11 =	vld.idx.msk [tilespmem:v9+s21+$0x0], $0xffff  }
0x3a4: {  	v19 =	vld [tilespmem:s8+$0x5B0];
	v8 =	vadd.f32 v8, v20;
	[tilespmem:s16+$0xE5C0] =	vst v6;
	v6 =	vmax.f32 v14, v5  }
0x3a5: {  	v9 =	vld.idx.msk [tilespmem:v9+s7+$0x0], $0xffff;
	v14 =	vsub.f32 v18, v1;
	v18 =	vmul.f32 v22, v3;
	v6 =	vmin.f32 v6, v2  }
0x3a6: {  	v20 =	vld.idx.msk [tilespmem:v17+s21+$0x0], $0xffff;
	[tilespmem:s14+$0xE980] =	vst v8;
	v8 =	vtrunc.f32 v6  }
0x3a7: {  	v17 =	vld.idx.msk [tilespmem:v17+s7+$0x0], $0xffff;
	v14 =	vmax.f32 v14, v5;
	v18 =	vsub.f32 v18, v1;
	v8 =	vcvt.f32.s32 v8  }
0x3a8: {  	v7 =	vmul.f32 v7, v3;
	v14 =	vmin.f32 v14, v2;
	v21 =	vld.idx.msk [tilespmem:v12+s21+$0x0], $0xffff;
	v10 =	vmul.f32 v10, v11  }
0x3a9: {  	v22 =	vld [tilespmem:s14+$0x9B0];
	v19 =	vmul.f32 v19, v3;
	v11 =	vtrunc.f32 v14;
	v18 =	vmax.f32 v18, v5  }
0x3aa: {  	v12 =	vld.idx.msk [tilespmem:v12+s7+$0x0], $0xffff;
	v11 =	vcvt.f32.s32 v11;
	v18 =	vmin.f32 v18, v2;
	v9 =	vadd.f32 v10, v9  }
0x3ab: {  	v24 =	vld [tilespmem:s8+$0x5D0];
	v10 =	vmul.f32 v13, v20;
	v13 =	vtrunc.f32 v18  }
0x3ac: {  	v25 =	vld [tilespmem:s9+$0x590];
	v16 =	vmul.f32 v16, v3;
	v13 =	vcvt.f32.s32 v13;
	[tilespmem:s8+$0xE590] =	vst v9  }
0x3ad: {  	v9 =	vadd.f32 v10, v17;
	v17 =	vsub.f32 v19, v1;
	v10 =	vmul.f32 v15, v21;
	v15 =	vld.idx.msk [tilespmem:v8+s21+$0x0], $0xffff  }
0x3ae: {  	v7 =	vsub.f32 v7, v1;
	v16 =	vsub.f32 v16, v1;
	v8 =	vld.idx.msk [tilespmem:v8+s7+$0x0], $0xffff  }
0x3af: {  	v20 =	vld [tilespmem:s8+$0x5C0];
	[tilespmem:s16+$0xE5D0] =	vst v9;
	v9 =	vadd.f32 v10, v12;
	v10 =	vmax.f32 v17, v5;
	v17 =	vmul.f32 v22, v3  }
0x3b0: {  	v7 =	vmax.f32 v7, v5;
	v12 =	vld.idx.msk [tilespmem:v11+s21+$0x0], $0xffff;
	v10 =	vmin.f32 v10, v2  }
0x3b1: {  	v16 =	vmax.f32 v16, v5;
	v11 =	vld.idx.msk [tilespmem:v11+s7+$0x0], $0xffff;
	[tilespmem:s14+$0xE990] =	vst v9;
	v9 =	vtrunc.f32 v10;
	v17 =	vsub.f32 v17, v1  }
0x3b2: {  	v16 =	vmin.f32 v16, v2;
	v22 =	vmul.f32 v23, v3;
	v19 =	vld.idx.msk [tilespmem:v13+s21+$0x0], $0xffff;
	v9 =	vcvt.f32.s32 v9  }
0x3b3: {  	v21 =	vld [tilespmem:s16+$0x980];
	v6 =	vmul.f32 v6, v15;
	v15 =	vtrunc.f32 v16;
	v17 =	vmax.f32 v17, v5  }
0x3b4: {  	v22 =	vsub.f32 v22, v1;
	v13 =	vld.idx.msk [tilespmem:v13+s7+$0x0], $0xffff;
	v15 =	vcvt.f32.s32 v15;
	v17 =	vmin.f32 v17, v2  }
0x3b5: {  	v26 =	vld [tilespmem:s8+$0x5E0];
	v8 =	vadd.f32 v6, v8;
	v12 =	vmul.f32 v14, v12;
	v14 =	vtrunc.f32 v17  }
0x3b6: {  	v27 =	vmin.f32 v7, v2;
	v7 =	vld [tilespmem:s9+$0x5A0];
	v20 =	vmul.f32 v20, v3;
	v14 =	vcvt.f32.s32 v14  }
0x3b7: {  	v23 =	vld [tilespmem:s14+$0x9D0];
	[tilespmem:s8+$0xE5A0] =	vst v8;
	v8 =	vadd.f32 v12, v11;
	v12 =	vmax.f32 v22, v5;
	v11 =	vmul.f32 v18, v19  }
0x3b8: {  	v19 =	vsub.f32 v20, v1;
	v20 =	vmul.f32 v21, v3;
	v12 =	vmin.f32 v12, v2;
	v18 =	vld.idx.msk [tilespmem:v9+s21+$0x0], $0xffff  }
0x3b9: {  	v9 =	vld.idx.msk [tilespmem:v9+s7+$0x0], $0xffff;
	[tilespmem:s16+$0xE5E0] =	vst v8;
	v8 =	vadd.f32 v11, v13;
	v11 =	vtrunc.f32 v12  }
0x3ba: {  	v13 =	vmax.f32 v19, v5;
	v19 =	vld.idx.msk [tilespmem:v15+s21+$0x0], $0xffff;
	v20 =	vsub.f32 v20, v1;
	v11 =	vcvt.f32.s32 v11  }
0x3bb: {  	v15 =	vld.idx.msk [tilespmem:v15+s7+$0x0], $0xffff;
	v13 =	vmin.f32 v13, v2;
	[tilespmem:s14+$0xE9A0] =	vst v8  }
0x3bc: {  	v25 =	vmul.f32 v25, v3;
	v8 =	vtrunc.f32 v13;
	v20 =	vmax.f32 v20, v5;
	v21 =	vld.idx.msk [tilespmem:v14+s21+$0x0], $0xffff  }
0x3bd: {  	v22 =	vld [tilespmem:s16+$0x990];
	v8 =	vcvt.f32.s32 v8;
	v20 =	vmin.f32 v20, v2;
	v10 =	vmul.f32 v10, v18  }
0x3be: {  	v24 =	vmul.f32 v24, v3;
	v14 =	vld.idx.msk [tilespmem:v14+s7+$0x0], $0xffff;
	v18 =	vtrunc.f32 v20  }
0x3bf: {  	v6 =	vld [tilespmem:s16+$0x9C0];
	v18 =	vcvt.f32.s32 v18;
	v9 =	vadd.f32 v10, v9;
	v10 =	vmul.f32 v16, v19  }
0x3c0: {  	v25 =	vsub.f32 v25, v1;
	v23 =	vmul.f32 v23, v3;
	v16 =	vtrunc.f32 v27;
	v19 =	vld.idx.msk [tilespmem:v11+s21+$0x0], $0xffff  }
0x3c1: {  	v16 =	vcvt.f32.s32 v16;
	v11 =	vld.idx.msk [tilespmem:v11+s7+$0x0], $0xffff;
	[tilespmem:s8+$0xE5B0] =	vst v9;
	v9 =	vadd.f32 v10, v15;
	v10 =	vmul.f32 v17, v21  }
0x3c2: {  	v22 =	vmul.f32 v22, v3;
	v15 =	vmax.f32 v25, v5;
	v21 =	vsub.f32 v24, v1;
	v25 =	vld [tilespmem:s8+$0x5F0]  }
0x3c3: {  	v17 =	vld.idx.msk [tilespmem:v8+s21+$0x0], $0xffff;
	v24 =	vmin.f32 v15, v2;
	[tilespmem:s16+$0xE5F0] =	vst v9;
	v9 =	vadd.f32 v10, v14  }
0x3c4: {  	v8 =	vld.idx.msk [tilespmem:v8+s7+$0x0], $0xffff;
	v10 =	vtrunc.f32 v24;
	v14 =	vmax.f32 v21, v5;
	v21 =	vsub.f32 v22, v1  }
0x3c5: {  	v15 =	vld.idx.msk [tilespmem:v18+s21+$0x0], $0xffff;
	v10 =	vcvt.f32.s32 v10;
	v14 =	vmin.f32 v14, v2;
	[tilespmem:s14+$0xE9B0] =	vst v9;
	v9 =	vmul.f32 v12, v19  }
0x3c6: {  	v18 =	vld.idx.msk [tilespmem:v18+s7+$0x0], $0xffff;
	v12 =	vsub.f32 v23, v1;
	v19 =	vtrunc.f32 v14;
	v21 =	vmax.f32 v21, v5  }
0x3c7: {  	v22 =	vld.idx.msk [tilespmem:v16+s21+$0x0], $0xffff;
	v19 =	vcvt.f32.s32 v19;
	v21 =	vmin.f32 v21, v2;
	v9 =	vadd.f32 v9, v11  }
0x3c8: {  	v23 =	vld [tilespmem:s16+$0x9A0];
	v11 =	vmax.f32 v12, v5;
	v12 =	vmul.f32 v13, v17;
	v13 =	vtrunc.f32 v21  }
0x3c9: {  	v17 =	vld.idx.msk [tilespmem:v16+s7+$0x0], $0xffff;
	v16 =	vmul.f32 v7, v3;
	v13 =	vcvt.f32.s32 v13  }
0x3ca: {  	v7 =	vmin.f32 v11, v2;
	v11 =	vld [tilespmem:s9+$0x5B0];
	[tilespmem:s9+$0xE580] =	vst v9;
	v8 =	vadd.f32 v12, v8;
	v9 =	vmul.f32 v20, v15  }
0x3cb: {  	v12 =	vtrunc.f32 v7;
	v15 =	vsub.f32 v16, v1;
	v16 =	vmul.f32 v26, v3;
	v20 =	vld.idx.msk [tilespmem:v10+s21+$0x0], $0xffff  }
0x3cc: {  	v26 =	vcvt.f32.s32 v12;
	v28 =	vld.idx.msk [tilespmem:v10+s7+$0x0], $0xffff;
	[tilespmem:s8+$0xE5C0] =	vst v8;
	v8 =	vadd.f32 v9, v18;
	v9 =	vmul.f32 v27, v22  }
0x3cd: {  	v10 =	vmax.f32 v15, v5;
	v12 =	vsub.f32 v16, v1;
	v15 =	vmul.f32 v23, v3;
	v18 =	vld.idx.msk [tilespmem:v19+s21+$0x0], $0xffff  }
0x3ce: {  	v16 =	vmin.f32 v10, v2;
	v22 =	vld.idx.msk [tilespmem:v19+s7+$0x0], $0xffff;
	[tilespmem:s16+$0xE980] =	vst v8;
	v8 =	vadd.f32 v9, v17  }
0x3cf: {  	v9 =	vtrunc.f32 v16;
	v10 =	vmax.f32 v12, v5;
	v12 =	vsub.f32 v15, v1;
	v27 =	vld.idx.msk [tilespmem:v13+s21+$0x0], $0xffff  }
0x3d0: {  	v19 =	vcvt.f32.s32 v9;
	v13 =	vld.idx.msk [tilespmem:v13+s7+$0x0], $0xffff;
	v15 =	vmin.f32 v10, v2  }
0x3d1: {  	[tilespmem:s14+$0xE9C0] =	vst v8;
	v9 =	vmul.f32 v24, v20;
	v17 =	vtrunc.f32 v15;
	v10 =	vmax.f32 v12, v5;
	v12 =	vld [tilespmem:s16+$0x9B0]  }
0x3d2: {  	s29 =	simm.s32 $0x400;
	s11 =	simm.s32 $0x200;
	v8 =	vld.idx.msk [tilespmem:v26+s21+$0x0], $0xffff;
	v10 =	vmin.f32 v10, v2;
	v17 =	vcvt.f32.s32 v17  }
0x3d3: {  	s10 =	sand.u32 $0x7800, s29;
	s13 =	sand.u32 $0x380, s11;
	v20 =	vadd.f32 v9, v28;
	v14 =	vmul.f32 v14, v18;
	v9 =	vld.idx.msk [tilespmem:v26+s7+$0x0], $0xffff;
	v23 =	vtrunc.f32 v10  }
0x3d4: {  	s10 =	sor.u32 s13, s10;
	v24 =	vmul.f32 v11, v3;
	v18 =	vld [tilespmem:s9+$0x5C0];
	v11 =	vcvt.f32.s32 v23  }
0x3d5: {  	v23 =	vld [tilespmem:s10+$0x580];
	[tilespmem:s9+$0xE590] =	vst v20;
	v20 =	vadd.f32 v14, v22;
	v14 =	vmul.f32 v21, v27  }
0x3d6: {  	s13 =	simm.s32 $0x500;
	v24 =	vsub.f32 v24, v1;
	v21 =	vmul.f32 v25, v3;
	v22 =	vld.idx.msk [tilespmem:v19+s21+$0x0], $0xffff  }
.LBB2_19:
0x3d7: {  	p0 =	sne.s32 s13, $0x6F00;
	v19 =	vld.idx.msk [tilespmem:v19+s7+$0x0], $0xffff;
	[tilespmem:s8+$0xE5D0] =	vst v20;
	v13 =	vadd.f32 v14, v13;
	v7 =	vmul.f32 v7, v8  }
0x3d8: {  	v12 =	vmul.f32 v12, v3;
	v8 =	vmax.f32 v24, v5;
	v14 =	vld.idx.msk [tilespmem:v17+s21+$0x0], $0xffff;
	v20 =	vsub.f32 v21, v1  }
0x3d9: {  	v8 =	vmin.f32 v8, v2;
	v17 =	vld.idx.msk [tilespmem:v17+s7+$0x0], $0xffff;
	[tilespmem:s16+$0xE990] =	vst v13;
	v7 =	vadd.f32 v7, v9  }
0x3da: {  	v12 =	vsub.f32 v12, v1;
	v9 =	vtrunc.f32 v8;
	v13 =	vmax.f32 v20, v5;
	v20 =	vld.idx.msk [tilespmem:v11+s21+$0x0], $0xffff  }
0x3db: {  	v9 =	vcvt.f32.s32 v9;
	v13 =	vmin.f32 v13, v2;
	v21 =	vld [tilespmem:s8+$0x980];
	[tilespmem:s14+$0xE9D0] =	vst v7;
	s14 =	smov.u32 s16;
	s16 =	smov.u32 s8;
	s8 =	smov.u32 s9  }
0x3dc: {  	v7 =	vmul.f32 v16, v22;
	v12 =	vmax.f32 v12, v5;
	s9 =	smov.u32 s10;
	v16 =	vtrunc.f32 v13;
	v11 =	vld.idx.msk [tilespmem:v11+s7+$0x0], $0xffff  }
0x3dd: {  	v22 =	vmul.f32 v23, v3;
	v12 =	vmin.f32 v12, v2;
	v16 =	vcvt.f32.s32 v16;
	v23 =	vld [tilespmem:s14+$0x9D0]  }
0x3de: {  	v7 =	vadd.f32 v7, v19;
	v14 =	vmul.f32 v15, v14;
	v19 =	vtrunc.f32 v12;
	v15 =	vld [tilespmem:s16+$0x9C0]  }
0x3df: {  	v18 =	vmul.f32 v18, v3;
	v22 =	vsub.f32 v22, v1;
	v19 =	vcvt.f32.s32 v19;
	v24 =	vld [tilespmem:s8+$0x5D0]  }
0x3e0: {  	v10 =	vmul.f32 v10, v20;
	v25 =	vld [tilespmem:s9+$0x590];
	[tilespmem:s8+$0xE5A0] =	vst v7;
	v7 =	vadd.f32 v14, v17;
	v14 =	vmul.f32 v6, v3  }
0x3e1: {  	v18 =	vsub.f32 v18, v1;
	v22 =	vmax.f32 v22, v5;
	v20 =	vmul.f32 v21, v3;
	v17 =	vld.idx.msk [tilespmem:v9+s21+$0x0], $0xffff  }
0x3e2: {  	v21 =	vmin.f32 v22, v2;
	v9 =	vld.idx.msk [tilespmem:v9+s7+$0x0], $0xffff;
	[tilespmem:s16+$0xE5E0] =	vst v7;
	v7 =	vadd.f32 v10, v11  }
0x3e3: {  	v10 =	vtrunc.f32 v21;
	v11 =	vmax.f32 v18, v5;
	v20 =	vsub.f32 v20, v1;
	v18 =	vld.idx.msk [tilespmem:v16+s21+$0x0], $0xffff;
	v6 =	vmovc v15  }
0x3e4: {  	v10 =	vcvt.f32.s32 v10;
	v11 =	vmin.f32 v11, v2;
	v15 =	vld.idx.msk [tilespmem:v16+s7+$0x0], $0xffff;
	[tilespmem:s14+$0xE9A0] =	vst v7  }
0x3e5: {  	v14 =	vsub.f32 v14, v1;
	v7 =	vtrunc.f32 v11;
	v16 =	vmax.f32 v20, v5;
	v20 =	vld.idx.msk [tilespmem:v19+s21+$0x0], $0xffff  }
0x3e6: {  	v23 =	vmul.f32 v23, v3;
	v7 =	vcvt.f32.s32 v7;
	v16 =	vmin.f32 v16, v2;
	v22 =	vld [tilespmem:s16+$0x990]  }
0x3e7: {  	v14 =	vmax.f32 v14, v5;
	v8 =	vmul.f32 v8, v17;
	v17 =	vtrunc.f32 v16;
	v19 =	vld.idx.msk [tilespmem:v19+s7+$0x0], $0xffff  }
0x3e8: {  	v25 =	vmul.f32 v25, v3;
	v14 =	vmin.f32 v14, v2;
	v17 =	vcvt.f32.s32 v17;
	v26 =	vld [tilespmem:s8+$0x5E0]  }
0x3e9: {  	v8 =	vadd.f32 v8, v9;
	v9 =	vmul.f32 v13, v18;
	v13 =	vtrunc.f32 v14;
	v27 =	vld [tilespmem:s9+$0x5A0]  }
0x3ea: {  	v24 =	vmul.f32 v24, v3;
	v25 =	vsub.f32 v25, v1;
	v13 =	vcvt.f32.s32 v13;
	v18 =	vld.idx.msk [tilespmem:v10+s21+$0x0], $0xffff  }
0x3eb: {  	v10 =	vld.idx.msk [tilespmem:v10+s7+$0x0], $0xffff;
	[tilespmem:s8+$0xE5B0] =	vst v8;
	v8 =	vadd.f32 v9, v15;
	v9 =	vmul.f32 v12, v20  }
0x3ec: {  	v12 =	vmax.f32 v25, v5;
	v20 =	vsub.f32 v24, v1;
	v22 =	vmul.f32 v22, v3;
	v15 =	vld.idx.msk [tilespmem:v7+s21+$0x0], $0xffff  }
0x3ed: {  	v12 =	vmin.f32 v12, v2;
	v24 =	vld.idx.msk [tilespmem:v7+s7+$0x0], $0xffff;
	[tilespmem:s16+$0xE5F0] =	vst v8;
	v7 =	vadd.f32 v9, v19  }
0x3ee: {  	v8 =	vtrunc.f32 v12;
	v9 =	vmax.f32 v20, v5;
	v20 =	vsub.f32 v22, v1;
	v19 =	vld.idx.msk [tilespmem:v17+s21+$0x0], $0xffff  }
0x3ef: {  	v8 =	vcvt.f32.s32 v8;
	v9 =	vmin.f32 v9, v2;
	v17 =	vld.idx.msk [tilespmem:v17+s7+$0x0], $0xffff;
	[tilespmem:s14+$0xE9B0] =	vst v7;
	v7 =	vsub.f32 v23, v1  }
0x3f0: {  	v18 =	vmul.f32 v21, v18;
	v21 =	vtrunc.f32 v9;
	v20 =	vmax.f32 v20, v5;
	v22 =	vld.idx.msk [tilespmem:v13+s21+$0x0], $0xffff  }
0x3f1: {  	v21 =	vcvt.f32.s32 v21;
	v25 =	vmin.f32 v20, v2;
	v20 =	vld [tilespmem:s16+$0x9A0];
	v7 =	vmax.f32 v7, v5  }
0x3f2: {  	v10 =	vadd.f32 v18, v10;
	v11 =	vmul.f32 v11, v15;
	v15 =	vtrunc.f32 v25;
	v13 =	vld.idx.msk [tilespmem:v13+s7+$0x0], $0xffff  }
0x3f3: {  	v18 =	vmul.f32 v27, v3;
	v23 =	vcvt.f32.s32 v15;
	v7 =	vmin.f32 v7, v2;
	v27 =	vld [tilespmem:s8+$0x5F0]  }
0x3f4: {  	v15 =	vtrunc.f32 v7;
	[tilespmem:s9+$0xE580] =	vst v10;
	v28 =	vld [tilespmem:s9+$0x5B0];
	v10 =	vadd.f32 v11, v24;
	v11 =	vmul.f32 v16, v19  }
0x3f5: {  	v16 =	vsub.f32 v18, v1;
	v18 =	vmul.f32 v26, v3;
	v26 =	vcvt.f32.s32 v15;
	v24 =	vld.idx.msk [tilespmem:v8+s21+$0x0], $0xffff  }
0x3f6: {  	v29 =	vld.idx.msk [tilespmem:v8+s7+$0x0], $0xffff;
	[tilespmem:s8+$0xE5C0] =	vst v10;
	v8 =	vadd.f32 v11, v17;
	v10 =	vmul.f32 v14, v22  }
0x3f7: {  	v11 =	vmax.f32 v16, v5;
	v15 =	vsub.f32 v18, v1;
	v17 =	vmul.f32 v20, v3;
	v14 =	vld.idx.msk [tilespmem:v21+s21+$0x0], $0xffff  }
0x3f8: {  	v16 =	vmin.f32 v11, v2;
	v20 =	vld.idx.msk [tilespmem:v21+s7+$0x0], $0xffff;
	[tilespmem:s16+$0xE980] =	vst v8;
	v8 =	vadd.f32 v10, v13  }
0x3f9: {  	v10 =	vtrunc.f32 v16;
	v11 =	vmax.f32 v15, v5;
	v17 =	vsub.f32 v17, v1;
	v21 =	vld.idx.msk [tilespmem:v23+s21+$0x0], $0xffff  }
0x3fa: {  	v19 =	vcvt.f32.s32 v10;
	v15 =	vmin.f32 v11, v2;
	v13 =	vld.idx.msk [tilespmem:v23+s7+$0x0], $0xffff;
	[tilespmem:s14+$0xE9C0] =	vst v8  }
0x3fb: {  	v11 =	vmul.f32 v12, v24;
	v10 =	vtrunc.f32 v15;
	v12 =	vmax.f32 v17, v5;
	v8 =	vld.idx.msk [tilespmem:v26+s21+$0x0], $0xffff  }
.Ltmp10:
0x3fc: {  	s11 =	sadd.s32 $0x80, s11;
	v17 =	vcvt.f32.s32 v10;
	v10 =	vmin.f32 v12, v2;
	v12 =	vld [tilespmem:s16+$0x9B0];
	(pc) =	sbr.rel @p0 .LBB2_19-.Ltmp10, $4  }
0x3fd: {  	s29 =	sand.u32 $0x380, s11;
	s10 =	sand.u32 $0x7800, s13;
	v22 =	vadd.f32 v11, v29;
	v14 =	vmul.f32 v9, v14;
	v11 =	vtrunc.f32 v10;
	v9 =	vld.idx.msk [tilespmem:v26+s7+$0x0], $0xffff  }
0x3fe: {  	s10 =	sor.u32 s29, s10;
	v24 =	vmul.f32 v28, v3;
	v11 =	vcvt.f32.s32 v11;
	v18 =	vld [tilespmem:s9+$0x5C0]  }
0x3ff: {  	v20 =	vadd.f32 v14, v20;
	v14 =	vmul.f32 v25, v21;
	v23 =	vld [tilespmem:s10+$0x580];
	[tilespmem:s9+$0xE590] =	vst v22  }
0x400: {  	s13 =	sadd.s32 $0x100, s13;
	v24 =	vsub.f32 v24, v1;
	v21 =	vmul.f32 v27, v3;
	v22 =	vld.idx.msk [tilespmem:v19+s21+$0x0], $0xffff  }
0x401: {  	_ =	sdelay $0x2  }
0x402: {  	v23 =	vmul.f32 v23, v3;
	_ =	sdelay $0x1  }
0x403: {  	v23 =	vsub.f32 v23, v1;
	_ =	sdelay $0x1  }
0x404: {  	v23 =	vmax.f32 v23, v5  }
0x405: {  	v25 =	vld [tilespmem:s10+$0x590];
	v23 =	vmin.f32 v23, v2  }
0x406: {  	v26 =	vtrunc.f32 v23  }
0x407: {  	v26 =	vcvt.f32.s32 v26;
	_ =	sdelay $0x2  }
0x408: {  	v25 =	vmul.f32 v25, v3;
	_ =	sdelay $0x1  }
0x409: {  	v25 =	vsub.f32 v25, v1  }
0x40a: {  	v27 =	vld.idx.msk [tilespmem:v26+s21+$0x0], $0xffff  }
0x40b: {  	v28 =	vld [tilespmem:s10+$0x5A0];
	v25 =	vmax.f32 v25, v5  }
0x40c: {  	v25 =	vmin.f32 v25, v2;
	v26 =	vld.idx.msk [tilespmem:v26+s7+$0x0], $0xffff  }
0x40d: {  	v29 =	vtrunc.f32 v25  }
0x40e: {  	v29 =	vcvt.f32.s32 v29  }
0x40f: {  	v23 =	vmul.f32 v23, v27;
	_ =	sdelay $0x1  }
0x410: {  	v23 =	vadd.f32 v23, v26;
	v26 =	vmul.f32 v28, v3;
	_ =	sdelay $0x1  }
0x411: {  	[tilespmem:s10+$0xE580] =	vst v23;
	v23 =	vsub.f32 v26, v1  }
0x412: {  	v26 =	vld.idx.msk [tilespmem:v29+s21+$0x0], $0xffff  }
0x413: {  	v27 =	vld [tilespmem:s10+$0x5B0];
	v23 =	vmax.f32 v23, v5  }
0x414: {  	v33 =	vld.idx.msk [tilespmem:v29+s7+$0x0], $0xffff;
	v23 =	vmin.f32 v23, v2  }
0x415: {  	v34 =	vtrunc.f32 v23  }
0x416: {  	v29 =	vcvt.f32.s32 v34  }
0x417: {  	v25 =	vmul.f32 v25, v26  }
0x418: {  	v24 =	vmax.f32 v24, v5  }
0x419: {  	v19 =	vld.idx.msk [tilespmem:v19+s7+$0x0], $0xffff;
	v24 =	vmin.f32 v24, v2;
	v26 =	vmul.f32 v27, v3;
	v25 =	vadd.f32 v25, v33  }
0x41a: {  	v27 =	vtrunc.f32 v24  }
0x41b: {  	v27 =	vcvt.f32.s32 v27;
	[tilespmem:s10+$0xE590] =	vst v25;
	v25 =	vsub.f32 v26, v1  }
0x41c: {  	v16 =	vmul.f32 v16, v22;
	v22 =	vld.idx.msk [tilespmem:v29+s21+$0x0], $0xffff  }
0x41d: {  	v35 =	vld [tilespmem:s10+$0x5C0];
	v25 =	vmax.f32 v25, v5  }
0x41e: {  	v18 =	vmul.f32 v18, v3;
	v16 =	vadd.f32 v16, v19;
	v19 =	vld.idx.msk [tilespmem:v29+s7+$0x0], $0xffff;
	v25 =	vmin.f32 v25, v2  }
0x41f: {  	v36 =	vtrunc.f32 v25  }
0x420: {  	[tilespmem:s9+$0xE5A0] =	vst v16;
	v16 =	vsub.f32 v18, v1;
	v18 =	vcvt.f32.s32 v36  }
0x421: {  	v37 =	vld.idx.msk [tilespmem:v27+s21+$0x0], $0xffff;
	v22 =	vmul.f32 v23, v22  }
0x422: {  	v16 =	vmax.f32 v16, v5;
	v26 =	vld [tilespmem:s9+$0x5D0]  }
0x423: {  	v16 =	vmin.f32 v16, v2;
	v23 =	vld.idx.msk [tilespmem:v27+s7+$0x0], $0xffff;
	v19 =	vadd.f32 v22, v19;
	v22 =	vmul.f32 v35, v3  }
0x424: {  	v27 =	vtrunc.f32 v16  }
0x425: {  	v27 =	vcvt.f32.s32 v27;
	[tilespmem:s10+$0xE5A0] =	vst v19;
	v19 =	vsub.f32 v22, v1  }
0x426: {  	v22 =	vmul.f32 v24, v37;
	v24 =	vld.idx.msk [tilespmem:v18+s21+$0x0], $0xffff  }
0x427: {  	v38 =	vld [tilespmem:s10+$0x5D0];
	v19 =	vmax.f32 v19, v5  }
0x428: {  	v18 =	vld.idx.msk [tilespmem:v18+s7+$0x0], $0xffff;
	v22 =	vadd.f32 v22, v23;
	v23 =	vmul.f32 v26, v3;
	v19 =	vmin.f32 v19, v2  }
0x429: {  	v39 =	vtrunc.f32 v19  }
0x42a: {  	[tilespmem:s9+$0xE5B0] =	vst v22;
	v22 =	vsub.f32 v23, v1;
	v23 =	vcvt.f32.s32 v39  }
0x42b: {  	[tilespmem:s8+$0xE5D0] =	vst v20;
	v20 =	vld.idx.msk [tilespmem:v27+s21+$0x0], $0xffff;
	v24 =	vmul.f32 v25, v24  }
0x42c: {  	v21 =	vsub.f32 v21, v1;
	v26 =	vld [tilespmem:s9+$0x5E0];
	v22 =	vmax.f32 v22, v5  }
0x42d: {  	v27 =	vld.idx.msk [tilespmem:v27+s7+$0x0], $0xffff;
	v22 =	vmin.f32 v22, v2;
	v18 =	vadd.f32 v24, v18;
	v24 =	vmul.f32 v38, v3  }
0x42e: {  	v25 =	vld.idx.msk [tilespmem:v17+s21+$0x0], $0xffff;
	v40 =	vtrunc.f32 v22  }
0x42f: {  	v41 =	vld [tilespmem:s10+$0x5E0];
	v21 =	vmax.f32 v21, v5;
	v28 =	vcvt.f32.s32 v40;
	[tilespmem:s10+$0xE5B0] =	vst v18;
	v18 =	vsub.f32 v24, v1  }
0x430: {  	v21 =	vmin.f32 v21, v2;
	v16 =	vmul.f32 v16, v20;
	v20 =	vld.idx.msk [tilespmem:v23+s21+$0x0], $0xffff  }
0x431: {  	v17 =	vld.idx.msk [tilespmem:v17+s7+$0x0], $0xffff;
	v26 =	vmul.f32 v26, v3;
	v24 =	vtrunc.f32 v21;
	v18 =	vmax.f32 v18, v5  }
0x432: {  	v24 =	vcvt.f32.s32 v24;
	v23 =	vld.idx.msk [tilespmem:v23+s7+$0x0], $0xffff;
	v16 =	vadd.f32 v16, v27;
	v18 =	vmin.f32 v18, v2  }
0x433: {  	v25 =	vmul.f32 v15, v25;
	v15 =	vtrunc.f32 v18  }
0x434: {  	v30 =	vld [tilespmem:s8+$0x980];
	[tilespmem:s9+$0xE5C0] =	vst v16;
	v16 =	vsub.f32 v26, v1;
	v26 =	vcvt.f32.s32 v15  }
0x435: {  	v31 =	vld.idx.msk [tilespmem:v28+s21+$0x0], $0xffff;
	v19 =	vmul.f32 v19, v20  }
0x436: {  	v27 =	vld [tilespmem:s9+$0x5F0];
	v17 =	vadd.f32 v25, v17;
	v16 =	vmax.f32 v16, v5  }
0x437: {  	v25 =	vld.idx.msk [tilespmem:v28+s7+$0x0], $0xffff;
	v16 =	vmin.f32 v16, v2;
	v19 =	vadd.f32 v19, v23;
	v23 =	vmul.f32 v41, v3  }
0x438: {  	v42 =	vld [tilespmem:s10+$0x5F0];
	[tilespmem:s8+$0xE5E0] =	vst v17;
	v17 =	vtrunc.f32 v16  }
0x439: {  	v43 =	vld.idx.msk [tilespmem:v24+s21+$0x0], $0xffff;
	v17 =	vcvt.f32.s32 v17;
	[tilespmem:s10+$0xE5C0] =	vst v19;
	v19 =	vsub.f32 v23, v1  }
0x43a: {  	v22 =	vmul.f32 v22, v31;
	v23 =	vld.idx.msk [tilespmem:v26+s21+$0x0], $0xffff  }
0x43b: {  	v30 =	vmul.f32 v30, v3;
	v24 =	vld.idx.msk [tilespmem:v24+s7+$0x0], $0xffff;
	v19 =	vmax.f32 v19, v5  }
0x43c: {  	v26 =	vld.idx.msk [tilespmem:v26+s7+$0x0], $0xffff;
	v22 =	vadd.f32 v22, v25;
	v25 =	vmul.f32 v27, v3;
	v19 =	vmin.f32 v19, v2  }
0x43d: {  	v20 =	vsub.f32 v30, v1;
	v45 =	vtrunc.f32 v19  }
0x43e: {  	v21 =	vmul.f32 v21, v43;
	[tilespmem:s9+$0xE5D0] =	vst v22;
	v22 =	vsub.f32 v25, v1;
	v25 =	vcvt.f32.s32 v45  }
0x43f: {  	v47 =	vld.idx.msk [tilespmem:v17+s21+$0x0], $0xffff;
	v18 =	vmul.f32 v18, v23  }
0x440: {  	v20 =	vmax.f32 v20, v5;
	v21 =	vadd.f32 v21, v24;
	v17 =	vld.idx.msk [tilespmem:v17+s7+$0x0], $0xffff;
	v22 =	vmax.f32 v22, v5  }
0x441: {  	v24 =	vmul.f32 v42, v3;
	v23 =	vld [tilespmem:s9+$0x980];
	v22 =	vmin.f32 v22, v2;
	v18 =	vadd.f32 v18, v26  }
0x442: {  	v20 =	vmin.f32 v20, v2;
	[tilespmem:s8+$0xE5F0] =	vst v21;
	v21 =	vtrunc.f32 v22  }
0x443: {  	v46 =	vld [tilespmem:s8+$0x990];
	v44 =	vtrunc.f32 v20;
	v21 =	vcvt.f32.s32 v21;
	[tilespmem:s10+$0xE5D0] =	vst v18;
	v18 =	vsub.f32 v24, v1  }
0x444: {  	v27 =	vcvt.f32.s32 v44;
	v16 =	vmul.f32 v16, v47;
	v24 =	vld.idx.msk [tilespmem:v25+s21+$0x0], $0xffff  }
0x445: {  	v49 =	vld [tilespmem:s10+$0x980];
	v18 =	vmax.f32 v18, v5  }
0x446: {  	v25 =	vld.idx.msk [tilespmem:v25+s7+$0x0], $0xffff;
	v23 =	vmul.f32 v23, v3;
	v17 =	vadd.f32 v16, v17;
	v18 =	vmin.f32 v18, v2  }
0x447: {  	v50 =	vtrunc.f32 v18  }
0x448: {  	v53 =	vld [tilespmem:s9+$0x990];
	v48 =	vmul.f32 v46, v3;
	[tilespmem:s9+$0xE5E0] =	vst v17;
	v17 =	vsub.f32 v23, v1;
	v23 =	vcvt.f32.s32 v50  }
0x449: {  	v51 =	vld.idx.msk [tilespmem:v21+s21+$0x0], $0xffff;
	v19 =	vmul.f32 v19, v24  }
0x44a: {  	v28 =	vsub.f32 v48, v1;
	v26 =	vld.idx.msk [tilespmem:v27+s21+$0x0], $0xffff;
	v17 =	vmax.f32 v17, v5  }
0x44b: {  	v21 =	vld.idx.msk [tilespmem:v21+s7+$0x0], $0xffff;
	v52 =	vmin.f32 v17, v2;
	v19 =	vadd.f32 v19, v25;
	v25 =	vmul.f32 v49, v3  }
0x44c: {  	v27 =	vld.idx.msk [tilespmem:v27+s7+$0x0], $0xffff;
	v24 =	vmax.f32 v28, v5;
	v54 =	vtrunc.f32 v52  }
0x44d: {  	v32 =	vld [tilespmem:s8+$0x9A0];
	v24 =	vmin.f32 v24, v2;
	v29 =	vcvt.f32.s32 v54;
	[tilespmem:s10+$0xE5E0] =	vst v19;
	v25 =	vsub.f32 v25, v1  }
0x44e: {  	v13 =	vadd.f32 v14, v13;
	v19 =	vtrunc.f32 v24;
	v22 =	vmul.f32 v22, v51;
	v55 =	vld.idx.msk [tilespmem:v23+s21+$0x0], $0xffff  }
0x44f: {  	v14 =	vmul.f32 v20, v26;
	v19 =	vcvt.f32.s32 v19;
	v20 =	vld.idx.msk [tilespmem:v23+s7+$0x0], $0xffff;
	v23 =	vmax.f32 v25, v5  }
0x450: {  	v21 =	vadd.f32 v22, v21;
	v22 =	vmul.f32 v53, v3;
	v25 =	vld [tilespmem:s10+$0x990];
	v23 =	vmin.f32 v23, v2  }
0x451: {  	[tilespmem:s16+$0xE990] =	vst v13;
	v13 =	vadd.f32 v14, v27;
	v14 =	vtrunc.f32 v23  }
0x452: {  	v61 =	vld [tilespmem:s10+$0x9B0];
	v27 =	vmul.f32 v32, v3;
	[tilespmem:s9+$0xE5F0] =	vst v21;
	v21 =	vsub.f32 v22, v1;
	v14 =	vcvt.f32.s32 v14  }
0x453: {  	[tilespmem:s8+$0xE980] =	vst v13;
	v13 =	vld.idx.msk [tilespmem:v29+s21+$0x0], $0xffff;
	v18 =	vmul.f32 v18, v55  }
0x454: {  	v27 =	vsub.f32 v27, v1;
	v29 =	vld.idx.msk [tilespmem:v29+s7+$0x0], $0xffff;
	v21 =	vmax.f32 v21, v5  }
0x455: {  	v22 =	vld.idx.msk [tilespmem:v19+s21+$0x0], $0xffff;
	v21 =	vmin.f32 v21, v2;
	v18 =	vadd.f32 v18, v20;
	v20 =	vmul.f32 v25, v3  }
0x456: {  	v25 =	vmax.f32 v27, v5;
	v27 =	vld [tilespmem:s9+$0x9A0];
	v56 =	vtrunc.f32 v21  }
0x457: {  	v12 =	vmul.f32 v12, v3;
	v19 =	vld.idx.msk [tilespmem:v19+s7+$0x0], $0xffff;
	v30 =	vcvt.f32.s32 v56;
	[tilespmem:s10+$0xE5F0] =	vst v18;
	v18 =	vsub.f32 v20, v1  }
0x458: {  	v13 =	vmul.f32 v52, v13;
	v57 =	vld.idx.msk [tilespmem:v14+s21+$0x0], $0xffff  }
0x459: {  	v12 =	vsub.f32 v12, v1;
	v14 =	vld.idx.msk [tilespmem:v14+s7+$0x0], $0xffff;
	v18 =	vmax.f32 v18, v5  }
0x45a: {  	v22 =	vmul.f32 v24, v22;
	v13 =	vadd.f32 v13, v29;
	v24 =	vld [tilespmem:s10+$0x9A0];
	v18 =	vmin.f32 v18, v2  }
0x45b: {  	v26 =	vld.idx.msk [tilespmem:v11+s21+$0x0], $0xffff;
	v25 =	vmin.f32 v25, v2;
	v27 =	vmul.f32 v27, v3;
	v58 =	vtrunc.f32 v18  }
0x45c: {  	v12 =	vmax.f32 v12, v5;
	v11 =	vld.idx.msk [tilespmem:v11+s7+$0x0], $0xffff;
	v20 =	vtrunc.f32 v25;
	[tilespmem:s9+$0xE980] =	vst v13;
	v13 =	vcvt.f32.s32 v58  }
0x45d: {  	v20 =	vcvt.f32.s32 v20;
	v59 =	vld.idx.msk [tilespmem:v30+s21+$0x0], $0xffff;
	v27 =	vsub.f32 v27, v1;
	v23 =	vmul.f32 v23, v57  }
0x45e: {  	v6 =	vmul.f32 v6, v3;
	v12 =	vmin.f32 v12, v2;
	v19 =	vadd.f32 v22, v19;
	v22 =	vld [tilespmem:s8+$0x9B0]  }
0x45f: {  	v15 =	vld [tilespmem:s8+$0x9C0];
	v27 =	vmax.f32 v27, v5;
	v14 =	vadd.f32 v23, v14;
	v23 =	vmul.f32 v24, v3  }
0x460: {  	v10 =	vmul.f32 v10, v26;
	v30 =	vld.idx.msk [tilespmem:v30+s7+$0x0], $0xffff;
	[tilespmem:s8+$0xE990] =	vst v19;
	v19 =	vtrunc.f32 v12;
	v26 =	vmin.f32 v27, v2  }
0x461: {  	v19 =	vcvt.f32.s32 v19;
	v27 =	vld [tilespmem:s9+$0x9B0];
	[tilespmem:s10+$0xE980] =	vst v14;
	v14 =	vtrunc.f32 v26;
	v23 =	vsub.f32 v23, v1  }
0x462: {  	v10 =	vadd.f32 v10, v11;
	v11 =	vcvt.f32.s32 v14;
	v14 =	vmul.f32 v21, v59;
	v21 =	vld.idx.msk [tilespmem:v13+s21+$0x0], $0xffff  }
0x463: {  	v24 =	vld.idx.msk [tilespmem:v20+s21+$0x0], $0xffff;
	v22 =	vmul.f32 v22, v3;
	v23 =	vmax.f32 v23, v5  }
0x464: {  	v6 =	vsub.f32 v6, v1;
	v13 =	vld.idx.msk [tilespmem:v13+s7+$0x0], $0xffff;
	v23 =	vmin.f32 v23, v2  }
0x465: {  	v60 =	vld [tilespmem:s16+$0x9D0];
	[tilespmem:s16+$0xE9A0] =	vst v10;
	v10 =	vsub.f32 v22, v1;
	v14 =	vadd.f32 v14, v30;
	v22 =	vtrunc.f32 v23  }
0x466: {  	v6 =	vmax.f32 v6, v5;
	v20 =	vld.idx.msk [tilespmem:v20+s7+$0x0], $0xffff;
	v27 =	vmul.f32 v27, v3;
	v22 =	vcvt.f32.s32 v22  }
0x467: {  	v10 =	vmax.f32 v10, v5;
	[tilespmem:s9+$0xE990] =	vst v14;
	v14 =	vld.idx.msk [tilespmem:v19+s21+$0x0], $0xffff;
	v18 =	vmul.f32 v18, v21  }
0x468: {  	v15 =	vmul.f32 v15, v3;
	v16 =	vld [tilespmem:s9+$0x9C0];
	v10 =	vmin.f32 v10, v2;
	v21 =	vmul.f32 v25, v24  }
0x469: {  	v19 =	vld.idx.msk [tilespmem:v19+s7+$0x0], $0xffff;
	v25 =	vsub.f32 v27, v1;
	v27 =	vmul.f32 v61, v3;
	v13 =	vadd.f32 v18, v13  }
0x46a: {  	v6 =	vmin.f32 v6, v2;
	v15 =	vsub.f32 v15, v1;
	v24 =	vld.idx.msk [tilespmem:v11+s21+$0x0], $0xffff;
	v18 =	vtrunc.f32 v10  }
0x46b: {  	v11 =	vld.idx.msk [tilespmem:v11+s7+$0x0], $0xffff;
	v25 =	vmax.f32 v25, v5;
	v18 =	vcvt.f32.s32 v18;
	[tilespmem:s10+$0xE990] =	vst v13;
	v13 =	vsub.f32 v27, v1  }
0x46c: {  	v25 =	vmin.f32 v25, v2;
	v12 =	vmul.f32 v12, v14;
	v14 =	vadd.f32 v21, v20;
	v21 =	vld.idx.msk [tilespmem:v22+s21+$0x0], $0xffff  }
0x46d: {  	v17 =	vld [tilespmem:s10+$0x9C0];
	v16 =	vmul.f32 v16, v3;
	v20 =	vtrunc.f32 v25;
	v13 =	vmax.f32 v13, v5  }
0x46e: {  	v20 =	vcvt.f32.s32 v20;
	v22 =	vld.idx.msk [tilespmem:v22+s7+$0x0], $0xffff;
	v12 =	vadd.f32 v12, v19;
	v13 =	vmin.f32 v13, v2  }
0x46f: {  	v15 =	vmax.f32 v15, v5;
	v27 =	vld [tilespmem:s8+$0x9D0];
	v24 =	vmul.f32 v26, v24;
	[tilespmem:s8+$0xE9A0] =	vst v14;
	v14 =	vtrunc.f32 v13  }
0x470: {  	v26 =	vtrunc.f32 v6;
	[tilespmem:s16+$0xE9B0] =	vst v12;
	v12 =	vmin.f32 v15, v2;
	v15 =	vld [tilespmem:s10+$0x9D0];
	v14 =	vcvt.f32.s32 v14  }
0x471: {  	v26 =	vcvt.f32.s32 v26;
	v11 =	vadd.f32 v24, v11;
	v24 =	vld.idx.msk [tilespmem:v18+s21+$0x0], $0xffff;
	v21 =	vmul.f32 v23, v21  }
0x472: {  	v18 =	vld.idx.msk [tilespmem:v18+s7+$0x0], $0xffff  }
0x473: {  	v16 =	vsub.f32 v16, v1;
	v17 =	vmul.f32 v17, v3;
	v23 =	vld [tilespmem:s9+$0x9D0];
	[tilespmem:s9+$0xE9A0] =	vst v11;
	v19 =	vadd.f32 v21, v22  }
0x474: {  	v11 =	vld.idx.msk [tilespmem:v20+s21+$0x0], $0xffff  }
0x475: {  	v16 =	vmax.f32 v16, v5;
	v17 =	vsub.f32 v17, v1;
	v20 =	vld.idx.msk [tilespmem:v20+s7+$0x0], $0xffff;
	v22 =	vtrunc.f32 v12;
	[tilespmem:s10+$0xE9A0] =	vst v19  }
0x476: {  	v16 =	vmin.f32 v16, v2;
	v22 =	vcvt.f32.s32 v22;
	v15 =	vmul.f32 v15, v3;
	v62 =	vld.idx.msk [tilespmem:v14+s21+$0x0], $0xffff  }
0x477: {  	v17 =	vmax.f32 v17, v5;
	v21 =	vld.idx.msk [tilespmem:v26+s21+$0x0], $0xffff;
	v10 =	vmul.f32 v10, v24;
	v24 =	vtrunc.f32 v16  }
0x478: {  	v17 =	vmin.f32 v17, v2;
	v19 =	vmul.f32 v60, v3;
	v24 =	vcvt.f32.s32 v24;
	v14 =	vld.idx.msk [tilespmem:v14+s7+$0x0], $0xffff  }
0x479: {  	v10 =	vadd.f32 v10, v18;
	v11 =	vmul.f32 v25, v11;
	v18 =	vtrunc.f32 v17  }
0x47a: {  	v19 =	vsub.f32 v19, v1;
	v25 =	vmul.f32 v27, v3;
	v18 =	vcvt.f32.s32 v18  }
0x47b: {  	v26 =	vld.idx.msk [tilespmem:v26+s7+$0x0], $0xffff;
	v23 =	vmul.f32 v23, v3;
	v13 =	vmul.f32 v13, v62  }
0x47c: {  	v19 =	vmax.f32 v19, v5;
	[tilespmem:s8+$0xE9B0] =	vst v10;
	v10 =	vsub.f32 v25, v1;
	v11 =	vadd.f32 v11, v20  }
0x47d: {  	v6 =	vmul.f32 v6, v21;
	v19 =	vmin.f32 v19, v2;
	v20 =	vld.idx.msk [tilespmem:v22+s21+$0x0], $0xffff;
	v13 =	vadd.f32 v13, v14  }
0x47e: {  	v21 =	vld.idx.msk [tilespmem:v22+s7+$0x0], $0xffff;
	v10 =	vmax.f32 v10, v5;
	[tilespmem:s9+$0xE9B0] =	vst v11;
	v11 =	vsub.f32 v23, v1;
	v14 =	vtrunc.f32 v19  }
0x47f: {  	v10 =	vmin.f32 v10, v2;
	v22 =	vld.idx.msk [tilespmem:v24+s21+$0x0], $0xffff;
	v14 =	vcvt.f32.s32 v14;
	[tilespmem:s10+$0xE9B0] =	vst v13;
	v13 =	vsub.f32 v15, v1  }
0x480: {  	v6 =	vadd.f32 v6, v26;
	v11 =	vmax.f32 v11, v5;
	v15 =	vtrunc.f32 v10;
	v23 =	vld.idx.msk [tilespmem:v18+s21+$0x0], $0xffff  }
0x481: {  	v24 =	vld.idx.msk [tilespmem:v24+s7+$0x0], $0xffff;
	v11 =	vmin.f32 v11, v2;
	v15 =	vcvt.f32.s32 v15;
	v13 =	vmax.f32 v13, v5  }
0x482: {  	v12 =	vmul.f32 v12, v20;
	v20 =	vtrunc.f32 v11;
	v18 =	vld.idx.msk [tilespmem:v18+s7+$0x0], $0xffff;
	v13 =	vmin.f32 v13, v2  }
0x483: {  	v20 =	vcvt.f32.s32 v20;
	v25 =	vtrunc.f32 v13  }
0x484: {  	[tilespmem:s16+$0xE9C0] =	vst v6;
	v6 =	vadd.f32 v12, v21;
	v12 =	vmul.f32 v16, v22;
	v16 =	vcvt.f32.s32 v25  }
0x485: {  	v21 =	vld.idx.msk [tilespmem:v14+s21+$0x0], $0xffff;
	v17 =	vmul.f32 v17, v23  }
0x486: {  	[tilespmem:s8+$0xE9C0] =	vst v6;
	v6 =	vadd.f32 v12, v24;
	v14 =	vld.idx.msk [tilespmem:v14+s7+$0x0], $0xffff  }
0x487: {  	v12 =	vld.idx.msk [tilespmem:v15+s21+$0x0], $0xffff;
	v17 =	vadd.f32 v17, v18  }
0x488: {  	[tilespmem:s9+$0xE9C0] =	vst v6;
	v15 =	vld.idx.msk [tilespmem:v15+s7+$0x0], $0xffff  }
0x489: {  	v6 =	vld.idx.msk [tilespmem:v20+s21+$0x0], $0xffff;
	[tilespmem:s10+$0xE9C0] =	vst v17  }
0x48a: {  	v17 =	vld.idx.msk [tilespmem:v16+s21+$0x0], $0xffff  }
0x48b: {  	v7 =	vmul.f32 v7, v8;
	v8 =	vld.idx.msk [tilespmem:v20+s7+$0x0], $0xffff  }
0x48c: {  	v18 =	vmul.f32 v19, v21;
	v16 =	vld.idx.msk [tilespmem:v16+s7+$0x0], $0xffff  }
0x48d: {  	v7 =	vadd.f32 v7, v9;
	v9 =	vmul.f32 v10, v12  }
0x48e: {  	v10 =	vadd.f32 v18, v14;
	v6 =	vmul.f32 v11, v6  }
0x48f: {  	[tilespmem:s14+$0xE9D0] =	vst v7;
	v7 =	vadd.f32 v9, v15;
	v9 =	vmul.f32 v13, v17  }
0x490: {  	[tilespmem:s16+$0xE9D0] =	vst v10;
	v6 =	vadd.f32 v6, v8  }
0x491: {  	p0 =	sgt.u32 s0, $0x16;
	[tilespmem:s8+$0xE9D0] =	vst v7;
	v7 =	vadd.f32 v9, v16  }
0x492: {  	s0 =	sshrl.u32 @!p0 s3, $0x3;
	[tilespmem:s9+$0xE9D0] =	vst v6  }
0x493: {  	s4 =	sadd.s32 s5, s4;
	s0 =	sadd.s32 @!p0 s1, s0;
	[tilespmem:s10+$0xE9D0] =	vst v7  }
0x494: {  	[hbm4b:s4+s7] =	stream.linear.scatter [tilespmem:s22], [sflag:$0x3], $0x7000, $0x38;
	[tilespmem:$0x1C580] =	vst v63  }
0x495: {  	s3 =	simm.s32 @!p0 $0x0;
	s0 =	sadd.s32 @!p0 $0x1C00, s0;
	s4 =	simm.s32 @!p0 $0x580  }
0x496: {  	[tilespmem:s4], [sflag:$0x1] =	stream.linear.gather @!p0 [hbm4b:s0+s3], $0x7000, $0x38;
	[tilespmem:$0x1C580] =	vst v63  }
0x497: {  	_ =	swait.ge [sflag:s23], $0x7000  }
0x498: {  	[sflag:s23] =	ssyncset.done $0x0  }
0x499: {  	[sflag:s23] =	ssyncadd.s32 $0xFFFF9000  }
0x49a: {  	s4 =	simm.s32 $0x0;
	_ =	swait.ge [sflag:s28], $0x7000  }
0x49b: {  	s8 =	sand.u32 $0x7800, s4;
	s0 =	sand.u32 $0x380, s4;
	[sflag:s28] =	ssyncset.done $0x0  }
0x49c: {  	s0 =	sor.u32 s0, s8;
	[sflag:s28] =	ssyncadd.s32 $0xFFFF9000  }
0x49d: {  	v6 =	vld [tilespmem:s0+$0x7580];
	_ =	sdelay $0x4  }
0x49e: {  	v6 =	vmul.f32 v6, v3;
	_ =	sdelay $0x1  }
0x49f: {  	v6 =	vsub.f32 v6, v1;
	_ =	sdelay $0x1  }
0x4a0: {  	v6 =	vmax.f32 v6, v5  }
0x4a1: {  	v7 =	vld [tilespmem:s0+$0x7590];
	v6 =	vmin.f32 v6, v2  }
0x4a2: {  	v8 =	vtrunc.f32 v6  }
0x4a3: {  	v8 =	vcvt.f32.s32 v8;
	_ =	sdelay $0x2  }
0x4a4: {  	v7 =	vmul.f32 v7, v3;
	_ =	sdelay $0x1  }
0x4a5: {  	v7 =	vsub.f32 v7, v1  }
0x4a6: {  	v9 =	vld.idx.msk [tilespmem:v8+s21+$0x0], $0xffff  }
0x4a7: {  	v10 =	vld [tilespmem:s0+$0x75A0];
	v7 =	vmax.f32 v7, v5  }
0x4a8: {  	v7 =	vmin.f32 v7, v2;
	v8 =	vld.idx.msk [tilespmem:v8+s7+$0x0], $0xffff  }
0x4a9: {  	v11 =	vtrunc.f32 v7  }
0x4aa: {  	v11 =	vcvt.f32.s32 v11  }
0x4ab: {  	v6 =	vmul.f32 v6, v9;
	_ =	sdelay $0x1  }
0x4ac: {  	v6 =	vadd.f32 v6, v8;
	v8 =	vmul.f32 v10, v3;
	_ =	sdelay $0x1  }
0x4ad: {  	[tilespmem:s0+$0x15580] =	vst v6;
	v6 =	vsub.f32 v8, v1  }
0x4ae: {  	v8 =	vld.idx.msk [tilespmem:v11+s21+$0x0], $0xffff  }
0x4af: {  	v9 =	vld [tilespmem:s0+$0x75B0];
	v6 =	vmax.f32 v6, v5  }
0x4b0: {  	v10 =	vld.idx.msk [tilespmem:v11+s7+$0x0], $0xffff;
	v6 =	vmin.f32 v6, v2  }
0x4b1: {  	v11 =	vtrunc.f32 v6  }
0x4b2: {  	v11 =	vcvt.f32.s32 v11  }
0x4b3: {  	v7 =	vmul.f32 v7, v8  }
0x4b4: {  	s9 =	simm.s32 $0x100;
	s10 =	simm.s32 $0x80  }
0x4b5: {  	s3 =	sand.u32 $0x7800, s9;
	s4 =	sand.u32 $0x380, s10;
	v8 =	vmul.f32 v9, v3;
	v7 =	vadd.f32 v7, v10  }
0x4b6: {  	s3 =	sor.u32 s4, s3  }
0x4b7: {  	v10 =	vld [tilespmem:s3+$0x7580];
	[tilespmem:s0+$0x15590] =	vst v7;
	v7 =	vsub.f32 v8, v1  }
0x4b8: {  	v8 =	vld.idx.msk [tilespmem:v11+s21+$0x0], $0xffff  }
0x4b9: {  	v9 =	vld [tilespmem:s0+$0x75C0];
	v7 =	vmax.f32 v7, v5  }
0x4ba: {  	v11 =	vld.idx.msk [tilespmem:v11+s7+$0x0], $0xffff;
	v7 =	vmin.f32 v7, v2  }
0x4bb: {  	v12 =	vtrunc.f32 v7  }
0x4bc: {  	v10 =	vmul.f32 v10, v3;
	v12 =	vcvt.f32.s32 v12  }
0x4bd: {  	v6 =	vmul.f32 v6, v8  }
0x4be: {  	v8 =	vsub.f32 v10, v1  }
0x4bf: {  	v9 =	vmul.f32 v9, v3;
	v6 =	vadd.f32 v6, v11  }
0x4c0: {  	v8 =	vmax.f32 v8, v5  }
0x4c1: {  	v11 =	vld [tilespmem:s3+$0x7590];
	v8 =	vmin.f32 v8, v2;
	[tilespmem:s0+$0x155A0] =	vst v6;
	v6 =	vsub.f32 v9, v1  }
0x4c2: {  	v13 =	vtrunc.f32 v8;
	v9 =	vld.idx.msk [tilespmem:v12+s21+$0x0], $0xffff  }
0x4c3: {  	v10 =	vld [tilespmem:s0+$0x75D0];
	v13 =	vcvt.f32.s32 v13;
	v6 =	vmax.f32 v6, v5  }
0x4c4: {  	v12 =	vld.idx.msk [tilespmem:v12+s7+$0x0], $0xffff;
	v6 =	vmin.f32 v6, v2  }
0x4c5: {  	v14 =	vtrunc.f32 v6  }
0x4c6: {  	v11 =	vmul.f32 v11, v3;
	v14 =	vcvt.f32.s32 v14  }
0x4c7: {  	v7 =	vmul.f32 v7, v9  }
0x4c8: {  	v11 =	vsub.f32 v11, v1  }
0x4c9: {  	v10 =	vmul.f32 v10, v3;
	v7 =	vadd.f32 v7, v12;
	v12 =	vld.idx.msk [tilespmem:v13+s21+$0x0], $0xffff  }
0x4ca: {  	v15 =	vld [tilespmem:s3+$0x75A0];
	v11 =	vmax.f32 v11, v5  }
0x4cb: {  	v13 =	vld.idx.msk [tilespmem:v13+s7+$0x0], $0xffff;
	[tilespmem:s0+$0x155B0] =	vst v7;
	v7 =	vsub.f32 v10, v1;
	v10 =	vmin.f32 v11, v2  }
0x4cc: {  	v11 =	vld.idx.msk [tilespmem:v14+s21+$0x0], $0xffff;
	v16 =	vtrunc.f32 v10  }
0x4cd: {  	v9 =	vld [tilespmem:s0+$0x75E0];
	v7 =	vmax.f32 v7, v5;
	v16 =	vcvt.f32.s32 v16  }
0x4ce: {  	v14 =	vld.idx.msk [tilespmem:v14+s7+$0x0], $0xffff;
	v7 =	vmin.f32 v7, v2;
	v8 =	vmul.f32 v8, v12  }
0x4cf: {  	v12 =	vtrunc.f32 v7  }
0x4d0: {  	v12 =	vcvt.f32.s32 v12;
	v8 =	vadd.f32 v8, v13;
	v13 =	vmul.f32 v15, v3  }
0x4d1: {  	v6 =	vmul.f32 v6, v11  }
0x4d2: {  	[tilespmem:s3+$0x15580] =	vst v8;
	v8 =	vsub.f32 v13, v1  }
0x4d3: {  	v9 =	vmul.f32 v9, v3;
	v6 =	vadd.f32 v6, v14;
	v13 =	vld.idx.msk [tilespmem:v16+s21+$0x0], $0xffff  }
0x4d4: {  	v14 =	vld [tilespmem:s3+$0x75B0];
	v8 =	vmax.f32 v8, v5  }
0x4d5: {  	v15 =	vld.idx.msk [tilespmem:v16+s7+$0x0], $0xffff;
	[tilespmem:s0+$0x155C0] =	vst v6;
	v6 =	vsub.f32 v9, v1;
	v8 =	vmin.f32 v8, v2  }
0x4d6: {  	v9 =	vld.idx.msk [tilespmem:v12+s21+$0x0], $0xffff;
	v16 =	vtrunc.f32 v8  }
0x4d7: {  	v11 =	vld [tilespmem:s0+$0x75F0];
	v6 =	vmax.f32 v6, v5;
	v16 =	vcvt.f32.s32 v16  }
0x4d8: {  	v12 =	vld.idx.msk [tilespmem:v12+s7+$0x0], $0xffff;
	v6 =	vmin.f32 v6, v2;
	v10 =	vmul.f32 v10, v13  }
0x4d9: {  	v13 =	vtrunc.f32 v6  }
0x4da: {  	v13 =	vcvt.f32.s32 v13;
	v10 =	vadd.f32 v10, v15  }
0x4db: {  	s11 =	simm.s32 $0x200;
	s13 =	simm.s32 $0x100;
	v7 =	vmul.f32 v7, v9;
	v9 =	vmul.f32 v14, v3  }
0x4dc: {  	s4 =	sand.u32 $0x7800, s11;
	s8 =	sand.u32 $0x380, s13;
	v14 =	vld [tilespmem:s3+$0x75C0];
	[tilespmem:s3+$0x15590] =	vst v10  }
0x4dd: {  	s4 =	sor.u32 s8, s4;
	v11 =	vmul.f32 v11, v3;
	v7 =	vadd.f32 v7, v12;
	v10 =	vld.idx.msk [tilespmem:v16+s21+$0x0], $0xffff;
	v9 =	vsub.f32 v9, v1  }
0x4de: {  	v12 =	vld [tilespmem:s4+$0x7580]  }
0x4df: {  	v15 =	vld.idx.msk [tilespmem:v16+s7+$0x0], $0xffff;
	[tilespmem:s0+$0x155D0] =	vst v7;
	v7 =	vmax.f32 v9, v5;
	v9 =	vsub.f32 v11, v1  }
0x4e0: {  	v11 =	vld.idx.msk [tilespmem:v13+s21+$0x0], $0xffff;
	v16 =	vmin.f32 v7, v2  }
0x4e1: {  	v7 =	vtrunc.f32 v16;
	v9 =	vmax.f32 v9, v5  }
0x4e2: {  	v13 =	vld.idx.msk [tilespmem:v13+s7+$0x0], $0xffff;
	v17 =	vcvt.f32.s32 v7;
	v9 =	vmin.f32 v9, v2;
	v7 =	vmul.f32 v8, v10  }
0x4e3: {  	v8 =	vld [tilespmem:s0+$0x7980];
	v12 =	vmul.f32 v12, v3;
	v10 =	vtrunc.f32 v9  }
0x4e4: {  	v10 =	vcvt.f32.s32 v10;
	v15 =	vadd.f32 v7, v15  }
0x4e5: {  	v6 =	vmul.f32 v6, v11;
	v11 =	vsub.f32 v12, v1;
	v12 =	vmul.f32 v14, v3;
	_ =	sdelay $0x1  }
0x4e6: {  	[tilespmem:s3+$0x155A0] =	vst v15;
	v15 =	vld [tilespmem:s4+$0x7590];
	v6 =	vadd.f32 v6, v13;
	v11 =	vmax.f32 v11, v5;
	v12 =	vsub.f32 v12, v1  }
0x4e7: {  	v8 =	vmul.f32 v8, v3;
	v13 =	vld.idx.msk [tilespmem:v17+s21+$0x0], $0xffff;
	v11 =	vmin.f32 v11, v2  }
0x4e8: {  	v17 =	vld.idx.msk [tilespmem:v17+s7+$0x0], $0xffff;
	v18 =	vtrunc.f32 v11;
	[tilespmem:s0+$0x155E0] =	vst v6;
	v6 =	vmax.f32 v12, v5  }
0x4e9: {  	v8 =	vsub.f32 v8, v1;
	v12 =	vcvt.f32.s32 v18;
	v18 =	vld.idx.msk [tilespmem:v10+s21+$0x0], $0xffff;
	v6 =	vmin.f32 v6, v2  }
0x4ea: {  	v14 =	vld [tilespmem:s3+$0x75D0];
	v19 =	vtrunc.f32 v6  }
0x4eb: {  	v10 =	vld.idx.msk [tilespmem:v10+s7+$0x0], $0xffff;
	v8 =	vmax.f32 v8, v5;
	v19 =	vcvt.f32.s32 v19  }
0x4ec: {  	v8 =	vmin.f32 v8, v2;
	v13 =	vmul.f32 v16, v13;
	v16 =	vld [tilespmem:s0+$0x7990]  }
0x4ed: {  	v15 =	vmul.f32 v15, v3;
	v20 =	vtrunc.f32 v8  }
0x4ee: {  	v21 =	vld [tilespmem:s3+$0x75E0];
	v20 =	vcvt.f32.s32 v20;
	v13 =	vadd.f32 v13, v17;
	v9 =	vmul.f32 v9, v18  }
0x4ef: {  	v14 =	vmul.f32 v14, v3;
	v15 =	vsub.f32 v15, v1;
	v17 =	vld.idx.msk [tilespmem:v12+s21+$0x0], $0xffff  }
0x4f0: {  	v12 =	vld.idx.msk [tilespmem:v12+s7+$0x0], $0xffff;
	[tilespmem:s3+$0x155B0] =	vst v13;
	v9 =	vadd.f32 v9, v10  }
0x4f1: {  	v10 =	vmax.f32 v15, v5;
	v13 =	vsub.f32 v14, v1;
	v14 =	vld.idx.msk [tilespmem:v19+s21+$0x0], $0xffff;
	v15 =	vmul.f32 v16, v3  }
0x4f2: {  	v10 =	vmin.f32 v10, v2;
	v16 =	vld [tilespmem:s4+$0x75A0]  }
0x4f3: {  	v19 =	vld.idx.msk [tilespmem:v19+s7+$0x0], $0xffff;
	[tilespmem:s0+$0x155F0] =	vst v9;
	v9 =	vtrunc.f32 v10;
	v13 =	vmax.f32 v13, v5;
	v15 =	vsub.f32 v15, v1  }
0x4f4: {  	s14 =	simm.s32 $0x300;
	s16 =	simm.s32 $0x180;
	v18 =	vld.idx.msk [tilespmem:v20+s21+$0x0], $0xffff;
	v9 =	vcvt.f32.s32 v9;
	v13 =	vmin.f32 v13, v2  }
0x4f5: {  	s9 =	sand.u32 $0x380, s16;
	s8 =	sand.u32 $0x7800, s14;
	v22 =	vld [tilespmem:s0+$0x79A0];
	v11 =	vmul.f32 v11, v17;
	v17 =	vtrunc.f32 v13;
	v15 =	vmax.f32 v15, v5  }
0x4f6: {  	s8 =	sor.u32 s9, s8;
	v20 =	vld.idx.msk [tilespmem:v20+s7+$0x0], $0xffff;
	v17 =	vcvt.f32.s32 v17;
	v15 =	vmin.f32 v15, v2;
	v6 =	vmul.f32 v6, v14  }
0x4f7: {  	v23 =	vld [tilespmem:s8+$0x7580];
	v11 =	vadd.f32 v11, v12;
	v14 =	vmul.f32 v16, v3;
	v12 =	vtrunc.f32 v15  }
0x4f8: {  	v7 =	vld [tilespmem:s0+$0x79C0];
	v12 =	vcvt.f32.s32 v12  }
0x4f9: {  	v16 =	vld [tilespmem:s3+$0x75F0];
	[tilespmem:s4+$0x15580] =	vst v11;
	v8 =	vmul.f32 v8, v18;
	v6 =	vadd.f32 v6, v19;
	v14 =	vsub.f32 v14, v1  }
0x4fa: {  	v18 =	vmul.f32 v21, v3;
	v11 =	vld.idx.msk [tilespmem:v9+s21+$0x0], $0xffff  }
0x4fb: {  	v19 =	vld [tilespmem:s4+$0x75B0];
	v8 =	vadd.f32 v8, v20;
	[tilespmem:s3+$0x155C0] =	vst v6;
	v6 =	vmax.f32 v14, v5  }
0x4fc: {  	v9 =	vld.idx.msk [tilespmem:v9+s7+$0x0], $0xffff;
	v14 =	vsub.f32 v18, v1;
	v18 =	vmul.f32 v22, v3;
	v6 =	vmin.f32 v6, v2  }
0x4fd: {  	v20 =	vld.idx.msk [tilespmem:v17+s21+$0x0], $0xffff;
	[tilespmem:s0+$0x15980] =	vst v8;
	v8 =	vtrunc.f32 v6  }
0x4fe: {  	v17 =	vld.idx.msk [tilespmem:v17+s7+$0x0], $0xffff;
	v14 =	vmax.f32 v14, v5;
	v18 =	vsub.f32 v18, v1;
	v8 =	vcvt.f32.s32 v8  }
0x4ff: {  	v7 =	vmul.f32 v7, v3;
	v14 =	vmin.f32 v14, v2;
	v21 =	vld.idx.msk [tilespmem:v12+s21+$0x0], $0xffff;
	v10 =	vmul.f32 v10, v11  }
0x500: {  	v22 =	vld [tilespmem:s0+$0x79B0];
	v19 =	vmul.f32 v19, v3;
	v11 =	vtrunc.f32 v14;
	v18 =	vmax.f32 v18, v5  }
0x501: {  	v12 =	vld.idx.msk [tilespmem:v12+s7+$0x0], $0xffff;
	v11 =	vcvt.f32.s32 v11;
	v18 =	vmin.f32 v18, v2;
	v9 =	vadd.f32 v10, v9  }
0x502: {  	v24 =	vld [tilespmem:s4+$0x75D0];
	v10 =	vmul.f32 v13, v20;
	v13 =	vtrunc.f32 v18  }
0x503: {  	v25 =	vld [tilespmem:s8+$0x7590];
	v16 =	vmul.f32 v16, v3;
	v13 =	vcvt.f32.s32 v13;
	[tilespmem:s4+$0x15590] =	vst v9  }
0x504: {  	v9 =	vadd.f32 v10, v17;
	v17 =	vsub.f32 v19, v1;
	v10 =	vmul.f32 v15, v21;
	v15 =	vld.idx.msk [tilespmem:v8+s21+$0x0], $0xffff  }
0x505: {  	v7 =	vsub.f32 v7, v1;
	v16 =	vsub.f32 v16, v1;
	v8 =	vld.idx.msk [tilespmem:v8+s7+$0x0], $0xffff  }
0x506: {  	v20 =	vld [tilespmem:s4+$0x75C0];
	[tilespmem:s3+$0x155D0] =	vst v9;
	v9 =	vadd.f32 v10, v12;
	v10 =	vmax.f32 v17, v5;
	v17 =	vmul.f32 v22, v3  }
0x507: {  	v7 =	vmax.f32 v7, v5;
	v12 =	vld.idx.msk [tilespmem:v11+s21+$0x0], $0xffff;
	v10 =	vmin.f32 v10, v2  }
0x508: {  	v16 =	vmax.f32 v16, v5;
	v11 =	vld.idx.msk [tilespmem:v11+s7+$0x0], $0xffff;
	[tilespmem:s0+$0x15990] =	vst v9;
	v9 =	vtrunc.f32 v10;
	v17 =	vsub.f32 v17, v1  }
0x509: {  	v16 =	vmin.f32 v16, v2;
	v22 =	vmul.f32 v23, v3;
	v19 =	vld.idx.msk [tilespmem:v13+s21+$0x0], $0xffff;
	v9 =	vcvt.f32.s32 v9  }
0x50a: {  	v21 =	vld [tilespmem:s3+$0x7980];
	v6 =	vmul.f32 v6, v15;
	v15 =	vtrunc.f32 v16;
	v17 =	vmax.f32 v17, v5  }
0x50b: {  	v22 =	vsub.f32 v22, v1;
	v13 =	vld.idx.msk [tilespmem:v13+s7+$0x0], $0xffff;
	v15 =	vcvt.f32.s32 v15;
	v17 =	vmin.f32 v17, v2  }
0x50c: {  	v26 =	vld [tilespmem:s4+$0x75E0];
	v8 =	vadd.f32 v6, v8;
	v12 =	vmul.f32 v14, v12;
	v14 =	vtrunc.f32 v17  }
0x50d: {  	v27 =	vmin.f32 v7, v2;
	v7 =	vld [tilespmem:s8+$0x75A0];
	v20 =	vmul.f32 v20, v3;
	v14 =	vcvt.f32.s32 v14  }
0x50e: {  	v23 =	vld [tilespmem:s0+$0x79D0];
	[tilespmem:s4+$0x155A0] =	vst v8;
	v8 =	vadd.f32 v12, v11;
	v12 =	vmax.f32 v22, v5;
	v11 =	vmul.f32 v18, v19  }
0x50f: {  	v19 =	vsub.f32 v20, v1;
	v20 =	vmul.f32 v21, v3;
	v12 =	vmin.f32 v12, v2;
	v18 =	vld.idx.msk [tilespmem:v9+s21+$0x0], $0xffff  }
0x510: {  	v9 =	vld.idx.msk [tilespmem:v9+s7+$0x0], $0xffff;
	[tilespmem:s3+$0x155E0] =	vst v8;
	v8 =	vadd.f32 v11, v13;
	v11 =	vtrunc.f32 v12  }
0x511: {  	v13 =	vmax.f32 v19, v5;
	v19 =	vld.idx.msk [tilespmem:v15+s21+$0x0], $0xffff;
	v20 =	vsub.f32 v20, v1;
	v11 =	vcvt.f32.s32 v11  }
0x512: {  	v15 =	vld.idx.msk [tilespmem:v15+s7+$0x0], $0xffff;
	v13 =	vmin.f32 v13, v2;
	[tilespmem:s0+$0x159A0] =	vst v8  }
0x513: {  	v25 =	vmul.f32 v25, v3;
	v8 =	vtrunc.f32 v13;
	v20 =	vmax.f32 v20, v5;
	v21 =	vld.idx.msk [tilespmem:v14+s21+$0x0], $0xffff  }
0x514: {  	v22 =	vld [tilespmem:s3+$0x7990];
	v8 =	vcvt.f32.s32 v8;
	v20 =	vmin.f32 v20, v2;
	v10 =	vmul.f32 v10, v18  }
0x515: {  	v24 =	vmul.f32 v24, v3;
	v14 =	vld.idx.msk [tilespmem:v14+s7+$0x0], $0xffff;
	v18 =	vtrunc.f32 v20  }
0x516: {  	v6 =	vld [tilespmem:s3+$0x79C0];
	v18 =	vcvt.f32.s32 v18;
	v9 =	vadd.f32 v10, v9;
	v10 =	vmul.f32 v16, v19  }
0x517: {  	v25 =	vsub.f32 v25, v1;
	v23 =	vmul.f32 v23, v3;
	v16 =	vtrunc.f32 v27;
	v19 =	vld.idx.msk [tilespmem:v11+s21+$0x0], $0xffff  }
0x518: {  	v16 =	vcvt.f32.s32 v16;
	v11 =	vld.idx.msk [tilespmem:v11+s7+$0x0], $0xffff;
	[tilespmem:s4+$0x155B0] =	vst v9;
	v9 =	vadd.f32 v10, v15;
	v10 =	vmul.f32 v17, v21  }
0x519: {  	v22 =	vmul.f32 v22, v3;
	v15 =	vmax.f32 v25, v5;
	v21 =	vsub.f32 v24, v1;
	v25 =	vld [tilespmem:s4+$0x75F0]  }
0x51a: {  	v17 =	vld.idx.msk [tilespmem:v8+s21+$0x0], $0xffff;
	v24 =	vmin.f32 v15, v2;
	[tilespmem:s3+$0x155F0] =	vst v9;
	v9 =	vadd.f32 v10, v14  }
0x51b: {  	v8 =	vld.idx.msk [tilespmem:v8+s7+$0x0], $0xffff;
	v10 =	vtrunc.f32 v24;
	v14 =	vmax.f32 v21, v5;
	v21 =	vsub.f32 v22, v1  }
0x51c: {  	v15 =	vld.idx.msk [tilespmem:v18+s21+$0x0], $0xffff;
	v10 =	vcvt.f32.s32 v10;
	v14 =	vmin.f32 v14, v2;
	[tilespmem:s0+$0x159B0] =	vst v9;
	v9 =	vmul.f32 v12, v19  }
0x51d: {  	v18 =	vld.idx.msk [tilespmem:v18+s7+$0x0], $0xffff;
	v12 =	vsub.f32 v23, v1;
	v19 =	vtrunc.f32 v14;
	v21 =	vmax.f32 v21, v5  }
0x51e: {  	v22 =	vld.idx.msk [tilespmem:v16+s21+$0x0], $0xffff;
	v19 =	vcvt.f32.s32 v19;
	v21 =	vmin.f32 v21, v2;
	v9 =	vadd.f32 v9, v11  }
0x51f: {  	v23 =	vld [tilespmem:s3+$0x79A0];
	v11 =	vmax.f32 v12, v5;
	v12 =	vmul.f32 v13, v17;
	v13 =	vtrunc.f32 v21  }
0x520: {  	v17 =	vld.idx.msk [tilespmem:v16+s7+$0x0], $0xffff;
	v16 =	vmul.f32 v7, v3;
	v13 =	vcvt.f32.s32 v13  }
0x521: {  	v7 =	vmin.f32 v11, v2;
	v11 =	vld [tilespmem:s8+$0x75B0];
	[tilespmem:s8+$0x15580] =	vst v9;
	v8 =	vadd.f32 v12, v8;
	v9 =	vmul.f32 v20, v15  }
0x522: {  	v12 =	vtrunc.f32 v7;
	v15 =	vsub.f32 v16, v1;
	v16 =	vmul.f32 v26, v3;
	v20 =	vld.idx.msk [tilespmem:v10+s21+$0x0], $0xffff  }
0x523: {  	v26 =	vcvt.f32.s32 v12;
	v63 =	vld.idx.msk [tilespmem:v10+s7+$0x0], $0xffff;
	[tilespmem:s4+$0x155C0] =	vst v8;
	v8 =	vadd.f32 v9, v18;
	v9 =	vmul.f32 v27, v22  }
0x524: {  	v10 =	vmax.f32 v15, v5;
	v12 =	vsub.f32 v16, v1;
	v15 =	vmul.f32 v23, v3;
	v18 =	vld.idx.msk [tilespmem:v19+s21+$0x0], $0xffff  }
0x525: {  	v16 =	vmin.f32 v10, v2;
	v22 =	vld.idx.msk [tilespmem:v19+s7+$0x0], $0xffff;
	[tilespmem:s3+$0x15980] =	vst v8;
	v8 =	vadd.f32 v9, v17  }
0x526: {  	v9 =	vtrunc.f32 v16;
	v10 =	vmax.f32 v12, v5;
	v12 =	vsub.f32 v15, v1;
	v27 =	vld.idx.msk [tilespmem:v13+s21+$0x0], $0xffff  }
0x527: {  	v19 =	vcvt.f32.s32 v9;
	v13 =	vld.idx.msk [tilespmem:v13+s7+$0x0], $0xffff;
	v15 =	vmin.f32 v10, v2  }
0x528: {  	[tilespmem:s0+$0x159C0] =	vst v8;
	v9 =	vmul.f32 v24, v20;
	v17 =	vtrunc.f32 v15;
	v10 =	vmax.f32 v12, v5;
	v12 =	vld [tilespmem:s3+$0x79B0]  }
0x529: {  	s29 =	simm.s32 $0x400;
	s10 =	simm.s32 $0x200;
	v8 =	vld.idx.msk [tilespmem:v26+s21+$0x0], $0xffff;
	v10 =	vmin.f32 v10, v2;
	v17 =	vcvt.f32.s32 v17  }
0x52a: {  	s11 =	sand.u32 $0x380, s10;
	s9 =	sand.u32 $0x7800, s29;
	v20 =	vadd.f32 v9, v63;
	v14 =	vmul.f32 v14, v18;
	v9 =	vld.idx.msk [tilespmem:v26+s7+$0x0], $0xffff;
	v23 =	vtrunc.f32 v10  }
0x52b: {  	s9 =	sor.u32 s11, s9;
	v24 =	vmul.f32 v11, v3;
	v18 =	vld [tilespmem:s8+$0x75C0];
	v11 =	vcvt.f32.s32 v23  }
0x52c: {  	v23 =	vld [tilespmem:s9+$0x7580];
	[tilespmem:s8+$0x15590] =	vst v20;
	v20 =	vadd.f32 v14, v22;
	v14 =	vmul.f32 v21, v27  }
0x52d: {  	s11 =	simm.s32 $0x500;
	v24 =	vsub.f32 v24, v1;
	v21 =	vmul.f32 v25, v3;
	v22 =	vld.idx.msk [tilespmem:v19+s21+$0x0], $0xffff  }
.LBB2_21:
0x52e: {  	p0 =	sne.s32 s11, $0x6F00;
	v19 =	vld.idx.msk [tilespmem:v19+s7+$0x0], $0xffff;
	[tilespmem:s4+$0x155D0] =	vst v20;
	v13 =	vadd.f32 v14, v13;
	v7 =	vmul.f32 v7, v8  }
0x52f: {  	v12 =	vmul.f32 v12, v3;
	v8 =	vmax.f32 v24, v5;
	v14 =	vld.idx.msk [tilespmem:v17+s21+$0x0], $0xffff;
	v20 =	vsub.f32 v21, v1  }
0x530: {  	v8 =	vmin.f32 v8, v2;
	v17 =	vld.idx.msk [tilespmem:v17+s7+$0x0], $0xffff;
	[tilespmem:s3+$0x15990] =	vst v13;
	v7 =	vadd.f32 v7, v9  }
0x531: {  	v12 =	vsub.f32 v12, v1;
	v9 =	vtrunc.f32 v8;
	v13 =	vmax.f32 v20, v5;
	v20 =	vld.idx.msk [tilespmem:v11+s21+$0x0], $0xffff  }
0x532: {  	v9 =	vcvt.f32.s32 v9;
	v13 =	vmin.f32 v13, v2;
	v21 =	vld [tilespmem:s4+$0x7980];
	[tilespmem:s0+$0x159D0] =	vst v7;
	s0 =	smov.u32 s3;
	s3 =	smov.u32 s4;
	s4 =	smov.u32 s8  }
0x533: {  	v7 =	vmul.f32 v16, v22;
	v12 =	vmax.f32 v12, v5;
	s8 =	smov.u32 s9;
	v16 =	vtrunc.f32 v13;
	v11 =	vld.idx.msk [tilespmem:v11+s7+$0x0], $0xffff  }
0x534: {  	v22 =	vmul.f32 v23, v3;
	v12 =	vmin.f32 v12, v2;
	v16 =	vcvt.f32.s32 v16;
	v23 =	vld [tilespmem:s0+$0x79D0]  }
0x535: {  	v7 =	vadd.f32 v7, v19;
	v14 =	vmul.f32 v15, v14;
	v19 =	vtrunc.f32 v12;
	v15 =	vld [tilespmem:s3+$0x79C0]  }
0x536: {  	v18 =	vmul.f32 v18, v3;
	v22 =	vsub.f32 v22, v1;
	v19 =	vcvt.f32.s32 v19;
	v24 =	vld [tilespmem:s4+$0x75D0]  }
0x537: {  	v10 =	vmul.f32 v10, v20;
	v25 =	vld [tilespmem:s8+$0x7590];
	[tilespmem:s4+$0x155A0] =	vst v7;
	v7 =	vadd.f32 v14, v17;
	v14 =	vmul.f32 v6, v3  }
0x538: {  	v18 =	vsub.f32 v18, v1;
	v22 =	vmax.f32 v22, v5;
	v20 =	vmul.f32 v21, v3;
	v17 =	vld.idx.msk [tilespmem:v9+s21+$0x0], $0xffff  }
0x539: {  	v21 =	vmin.f32 v22, v2;
	v9 =	vld.idx.msk [tilespmem:v9+s7+$0x0], $0xffff;
	[tilespmem:s3+$0x155E0] =	vst v7;
	v7 =	vadd.f32 v10, v11  }
0x53a: {  	v10 =	vtrunc.f32 v21;
	v11 =	vmax.f32 v18, v5;
	v20 =	vsub.f32 v20, v1;
	v18 =	vld.idx.msk [tilespmem:v16+s21+$0x0], $0xffff;
	v6 =	vmovc v15  }
0x53b: {  	v10 =	vcvt.f32.s32 v10;
	v11 =	vmin.f32 v11, v2;
	v15 =	vld.idx.msk [tilespmem:v16+s7+$0x0], $0xffff;
	[tilespmem:s0+$0x159A0] =	vst v7  }
0x53c: {  	v14 =	vsub.f32 v14, v1;
	v7 =	vtrunc.f32 v11;
	v16 =	vmax.f32 v20, v5;
	v20 =	vld.idx.msk [tilespmem:v19+s21+$0x0], $0xffff  }
0x53d: {  	v23 =	vmul.f32 v23, v3;
	v7 =	vcvt.f32.s32 v7;
	v16 =	vmin.f32 v16, v2;
	v22 =	vld [tilespmem:s3+$0x7990]  }
0x53e: {  	v14 =	vmax.f32 v14, v5;
	v8 =	vmul.f32 v8, v17;
	v17 =	vtrunc.f32 v16;
	v19 =	vld.idx.msk [tilespmem:v19+s7+$0x0], $0xffff  }
0x53f: {  	v25 =	vmul.f32 v25, v3;
	v14 =	vmin.f32 v14, v2;
	v17 =	vcvt.f32.s32 v17;
	v26 =	vld [tilespmem:s4+$0x75E0]  }
0x540: {  	v8 =	vadd.f32 v8, v9;
	v9 =	vmul.f32 v13, v18;
	v13 =	vtrunc.f32 v14;
	v27 =	vld [tilespmem:s8+$0x75A0]  }
0x541: {  	v24 =	vmul.f32 v24, v3;
	v25 =	vsub.f32 v25, v1;
	v13 =	vcvt.f32.s32 v13;
	v18 =	vld.idx.msk [tilespmem:v10+s21+$0x0], $0xffff  }
0x542: {  	v10 =	vld.idx.msk [tilespmem:v10+s7+$0x0], $0xffff;
	[tilespmem:s4+$0x155B0] =	vst v8;
	v8 =	vadd.f32 v9, v15;
	v9 =	vmul.f32 v12, v20  }
0x543: {  	v12 =	vmax.f32 v25, v5;
	v20 =	vsub.f32 v24, v1;
	v22 =	vmul.f32 v22, v3;
	v15 =	vld.idx.msk [tilespmem:v7+s21+$0x0], $0xffff  }
0x544: {  	v12 =	vmin.f32 v12, v2;
	v24 =	vld.idx.msk [tilespmem:v7+s7+$0x0], $0xffff;
	[tilespmem:s3+$0x155F0] =	vst v8;
	v7 =	vadd.f32 v9, v19  }
0x545: {  	v8 =	vtrunc.f32 v12;
	v9 =	vmax.f32 v20, v5;
	v20 =	vsub.f32 v22, v1;
	v19 =	vld.idx.msk [tilespmem:v17+s21+$0x0], $0xffff  }
0x546: {  	v8 =	vcvt.f32.s32 v8;
	v9 =	vmin.f32 v9, v2;
	v17 =	vld.idx.msk [tilespmem:v17+s7+$0x0], $0xffff;
	[tilespmem:s0+$0x159B0] =	vst v7;
	v7 =	vsub.f32 v23, v1  }
0x547: {  	v18 =	vmul.f32 v21, v18;
	v21 =	vtrunc.f32 v9;
	v20 =	vmax.f32 v20, v5;
	v22 =	vld.idx.msk [tilespmem:v13+s21+$0x0], $0xffff  }
0x548: {  	v21 =	vcvt.f32.s32 v21;
	v25 =	vmin.f32 v20, v2;
	v20 =	vld [tilespmem:s3+$0x79A0];
	v7 =	vmax.f32 v7, v5  }
0x549: {  	v10 =	vadd.f32 v18, v10;
	v11 =	vmul.f32 v11, v15;
	v15 =	vtrunc.f32 v25;
	v13 =	vld.idx.msk [tilespmem:v13+s7+$0x0], $0xffff  }
0x54a: {  	v18 =	vmul.f32 v27, v3;
	v23 =	vcvt.f32.s32 v15;
	v7 =	vmin.f32 v7, v2;
	v27 =	vld [tilespmem:s4+$0x75F0]  }
0x54b: {  	v15 =	vtrunc.f32 v7;
	[tilespmem:s8+$0x15580] =	vst v10;
	v28 =	vld [tilespmem:s8+$0x75B0];
	v10 =	vadd.f32 v11, v24;
	v11 =	vmul.f32 v16, v19  }
0x54c: {  	v16 =	vsub.f32 v18, v1;
	v18 =	vmul.f32 v26, v3;
	v26 =	vcvt.f32.s32 v15;
	v24 =	vld.idx.msk [tilespmem:v8+s21+$0x0], $0xffff  }
0x54d: {  	v29 =	vld.idx.msk [tilespmem:v8+s7+$0x0], $0xffff;
	[tilespmem:s4+$0x155C0] =	vst v10;
	v8 =	vadd.f32 v11, v17;
	v10 =	vmul.f32 v14, v22  }
0x54e: {  	v11 =	vmax.f32 v16, v5;
	v15 =	vsub.f32 v18, v1;
	v17 =	vmul.f32 v20, v3;
	v14 =	vld.idx.msk [tilespmem:v21+s21+$0x0], $0xffff  }
0x54f: {  	v16 =	vmin.f32 v11, v2;
	v20 =	vld.idx.msk [tilespmem:v21+s7+$0x0], $0xffff;
	[tilespmem:s3+$0x15980] =	vst v8;
	v8 =	vadd.f32 v10, v13  }
0x550: {  	v10 =	vtrunc.f32 v16;
	v11 =	vmax.f32 v15, v5;
	v17 =	vsub.f32 v17, v1;
	v21 =	vld.idx.msk [tilespmem:v23+s21+$0x0], $0xffff  }
0x551: {  	v19 =	vcvt.f32.s32 v10;
	v15 =	vmin.f32 v11, v2;
	v13 =	vld.idx.msk [tilespmem:v23+s7+$0x0], $0xffff;
	[tilespmem:s0+$0x159C0] =	vst v8  }
0x552: {  	v11 =	vmul.f32 v12, v24;
	v10 =	vtrunc.f32 v15;
	v12 =	vmax.f32 v17, v5;
	v8 =	vld.idx.msk [tilespmem:v26+s21+$0x0], $0xffff  }
.Ltmp11:
0x553: {  	s10 =	sadd.s32 $0x80, s10;
	v17 =	vcvt.f32.s32 v10;
	v10 =	vmin.f32 v12, v2;
	v12 =	vld [tilespmem:s3+$0x79B0];
	(pc) =	sbr.rel @p0 .LBB2_21-.Ltmp11, $4  }
0x554: {  	s13 =	sand.u32 $0x380, s10;
	s9 =	sand.u32 $0x7800, s11;
	v22 =	vadd.f32 v11, v29;
	v14 =	vmul.f32 v9, v14;
	v11 =	vtrunc.f32 v10;
	v9 =	vld.idx.msk [tilespmem:v26+s7+$0x0], $0xffff  }
0x555: {  	s9 =	sor.u32 s13, s9;
	v24 =	vmul.f32 v28, v3;
	v11 =	vcvt.f32.s32 v11;
	v18 =	vld [tilespmem:s8+$0x75C0]  }
0x556: {  	v20 =	vadd.f32 v14, v20;
	v14 =	vmul.f32 v25, v21;
	v23 =	vld [tilespmem:s9+$0x7580];
	[tilespmem:s8+$0x15590] =	vst v22  }
0x557: {  	s11 =	sadd.s32 $0x100, s11;
	v24 =	vsub.f32 v24, v1;
	v21 =	vmul.f32 v27, v3;
	v22 =	vld.idx.msk [tilespmem:v19+s21+$0x0], $0xffff  }
0x558: {  	_ =	sdelay $0x2  }
0x559: {  	v23 =	vmul.f32 v23, v3;
	_ =	sdelay $0x1  }
0x55a: {  	v23 =	vsub.f32 v23, v1;
	_ =	sdelay $0x1  }
0x55b: {  	v23 =	vmax.f32 v23, v5  }
0x55c: {  	v25 =	vld [tilespmem:s9+$0x7590];
	v23 =	vmin.f32 v23, v2  }
0x55d: {  	v26 =	vtrunc.f32 v23  }
0x55e: {  	v26 =	vcvt.f32.s32 v26;
	_ =	sdelay $0x2  }
0x55f: {  	v25 =	vmul.f32 v25, v3;
	_ =	sdelay $0x1  }
0x560: {  	v25 =	vsub.f32 v25, v1  }
0x561: {  	v27 =	vld.idx.msk [tilespmem:v26+s21+$0x0], $0xffff  }
0x562: {  	v28 =	vld [tilespmem:s9+$0x75A0];
	v25 =	vmax.f32 v25, v5  }
0x563: {  	v25 =	vmin.f32 v25, v2;
	v26 =	vld.idx.msk [tilespmem:v26+s7+$0x0], $0xffff  }
0x564: {  	v29 =	vtrunc.f32 v25  }
0x565: {  	v29 =	vcvt.f32.s32 v29  }
0x566: {  	v23 =	vmul.f32 v23, v27;
	_ =	sdelay $0x1  }
0x567: {  	v33 =	vmul.f32 v28, v3;
	v23 =	vadd.f32 v23, v26;
	_ =	sdelay $0x1  }
0x568: {  	v34 =	vsub.f32 v33, v1;
	[tilespmem:s9+$0x15580] =	vst v23  }
0x569: {  	v35 =	vld.idx.msk [tilespmem:v29+s21+$0x0], $0xffff  }
0x56a: {  	v36 =	vld [tilespmem:s9+$0x75B0];
	v23 =	vmax.f32 v34, v5  }
0x56b: {  	v37 =	vld.idx.msk [tilespmem:v29+s7+$0x0], $0xffff;
	v23 =	vmin.f32 v23, v2  }
0x56c: {  	v38 =	vtrunc.f32 v23  }
0x56d: {  	v29 =	vcvt.f32.s32 v38  }
0x56e: {  	v25 =	vmul.f32 v25, v35;
	_ =	sdelay $0x1  }
0x56f: {  	v24 =	vmax.f32 v24, v5;
	v39 =	vmul.f32 v36, v3;
	v25 =	vadd.f32 v25, v37  }
0x570: {  	v19 =	vld.idx.msk [tilespmem:v19+s7+$0x0], $0xffff;
	v24 =	vmin.f32 v24, v2  }
0x571: {  	v40 =	vtrunc.f32 v24;
	v42 =	vsub.f32 v39, v1;
	[tilespmem:s9+$0x15590] =	vst v25  }
0x572: {  	v27 =	vcvt.f32.s32 v40;
	v43 =	vld.idx.msk [tilespmem:v29+s21+$0x0], $0xffff  }
0x573: {  	v41 =	vld [tilespmem:s9+$0x75C0];
	v16 =	vmul.f32 v16, v22;
	v25 =	vmax.f32 v42, v5  }
0x574: {  	v44 =	vld.idx.msk [tilespmem:v29+s7+$0x0], $0xffff;
	v25 =	vmin.f32 v25, v2  }
0x575: {  	v18 =	vmul.f32 v18, v3;
	v16 =	vadd.f32 v16, v19;
	v46 =	vtrunc.f32 v25  }
0x576: {  	v48 =	vcvt.f32.s32 v46  }
0x577: {  	v47 =	vsub.f32 v18, v1;
	[tilespmem:s8+$0x155A0] =	vst v16;
	v22 =	vmul.f32 v23, v43  }
0x578: {  	v49 =	vld.idx.msk [tilespmem:v27+s21+$0x0], $0xffff  }
0x579: {  	v45 =	vld [tilespmem:s8+$0x75D0];
	v51 =	vmul.f32 v41, v3;
	v16 =	vmax.f32 v47, v5;
	v19 =	vadd.f32 v22, v44  }
0x57a: {  	v16 =	vmin.f32 v16, v2;
	v50 =	vld.idx.msk [tilespmem:v27+s7+$0x0], $0xffff  }
0x57b: {  	v54 =	vsub.f32 v51, v1;
	v52 =	vtrunc.f32 v16;
	[tilespmem:s9+$0x155A0] =	vst v19  }
0x57c: {  	v27 =	vcvt.f32.s32 v52;
	v56 =	vld.idx.msk [tilespmem:v48+s21+$0x0], $0xffff  }
0x57d: {  	v53 =	vld [tilespmem:s9+$0x75D0];
	v55 =	vmul.f32 v24, v49;
	v19 =	vmax.f32 v54, v5  }
0x57e: {  	v18 =	vld.idx.msk [tilespmem:v48+s7+$0x0], $0xffff;
	v19 =	vmin.f32 v19, v2  }
0x57f: {  	v57 =	vmul.f32 v45, v3;
	v22 =	vadd.f32 v55, v50;
	v59 =	vtrunc.f32 v19  }
0x580: {  	v61 =	vcvt.f32.s32 v59  }
0x581: {  	v60 =	vsub.f32 v57, v1;
	[tilespmem:s8+$0x155B0] =	vst v22;
	v24 =	vmul.f32 v25, v56  }
0x582: {  	v62 =	vld.idx.msk [tilespmem:v27+s21+$0x0], $0xffff  }
0x583: {  	v58 =	vld [tilespmem:s8+$0x75E0];
	v33 =	vmul.f32 v53, v3;
	v22 =	vmax.f32 v60, v5;
	v18 =	vadd.f32 v24, v18  }
0x584: {  	[tilespmem:s4+$0x155D0] =	vst v20;
	v27 =	vld.idx.msk [tilespmem:v27+s7+$0x0], $0xffff;
	v22 =	vmin.f32 v22, v2  }
0x585: {  	v63 =	vld.idx.msk [tilespmem:v17+s21+$0x0], $0xffff;
	v21 =	vsub.f32 v21, v1;
	v36 =	vsub.f32 v33, v1;
	v34 =	vtrunc.f32 v22;
	[tilespmem:s9+$0x155B0] =	vst v18  }
0x586: {  	v28 =	vcvt.f32.s32 v34;
	v38 =	vld.idx.msk [tilespmem:v61+s21+$0x0], $0xffff  }
0x587: {  	v21 =	vmax.f32 v21, v5;
	v35 =	vld [tilespmem:s9+$0x75E0];
	v16 =	vmul.f32 v16, v62;
	v18 =	vmax.f32 v36, v5  }
0x588: {  	v21 =	vmin.f32 v21, v2;
	v23 =	vld.idx.msk [tilespmem:v61+s7+$0x0], $0xffff;
	v18 =	vmin.f32 v18, v2  }
0x589: {  	v39 =	vld.idx.msk [tilespmem:v17+s7+$0x0], $0xffff;
	v26 =	vmul.f32 v58, v3;
	v16 =	vadd.f32 v16, v27;
	v41 =	vtrunc.f32 v18  }
0x58a: {  	v37 =	vtrunc.f32 v21;
	v43 =	vcvt.f32.s32 v41  }
0x58b: {  	v30 =	vld [tilespmem:s4+$0x7980];
	v42 =	vsub.f32 v26, v1;
	v24 =	vcvt.f32.s32 v37;
	[tilespmem:s8+$0x155C0] =	vst v16;
	v19 =	vmul.f32 v19, v38  }
0x58c: {  	v25 =	vmul.f32 v15, v63;
	v31 =	vld.idx.msk [tilespmem:v28+s21+$0x0], $0xffff  }
0x58d: {  	v40 =	vld [tilespmem:s8+$0x75F0];
	v46 =	vmul.f32 v35, v3;
	v16 =	vmax.f32 v42, v5;
	v19 =	vadd.f32 v19, v23  }
0x58e: {  	v17 =	vadd.f32 v25, v39;
	v45 =	vld.idx.msk [tilespmem:v28+s7+$0x0], $0xffff;
	v16 =	vmin.f32 v16, v2  }
0x58f: {  	v50 =	vsub.f32 v46, v1;
	v48 =	vld [tilespmem:s9+$0x75F0];
	v47 =	vtrunc.f32 v16;
	[tilespmem:s9+$0x155C0] =	vst v19  }
0x590: {  	[tilespmem:s4+$0x155E0] =	vst v17;
	v17 =	vcvt.f32.s32 v47;
	v51 =	vld.idx.msk [tilespmem:v43+s21+$0x0], $0xffff  }
0x591: {  	v49 =	vld.idx.msk [tilespmem:v24+s21+$0x0], $0xffff;
	v22 =	vmul.f32 v22, v31;
	v19 =	vmax.f32 v50, v5  }
0x592: {  	v26 =	vld.idx.msk [tilespmem:v43+s7+$0x0], $0xffff;
	v19 =	vmin.f32 v19, v2  }
0x593: {  	v53 =	vmul.f32 v40, v3;
	v24 =	vld.idx.msk [tilespmem:v24+s7+$0x0], $0xffff;
	v22 =	vadd.f32 v22, v45;
	v55 =	vtrunc.f32 v19  }
0x594: {  	v30 =	vmul.f32 v30, v3;
	v58 =	vcvt.f32.s32 v55  }
0x595: {  	v57 =	vsub.f32 v53, v1;
	[tilespmem:s8+$0x155D0] =	vst v22;
	v18 =	vmul.f32 v18, v51  }
0x596: {  	v44 =	vsub.f32 v30, v1;
	v21 =	vmul.f32 v21, v49;
	v59 =	vld.idx.msk [tilespmem:v17+s21+$0x0], $0xffff  }
0x597: {  	v60 =	vld [tilespmem:s8+$0x7980];
	v61 =	vmul.f32 v48, v3;
	v22 =	vmax.f32 v57, v5;
	v18 =	vadd.f32 v18, v26  }
0x598: {  	v20 =	vmax.f32 v44, v5;
	v21 =	vadd.f32 v21, v24;
	v17 =	vld.idx.msk [tilespmem:v17+s7+$0x0], $0xffff;
	v22 =	vmin.f32 v22, v2  }
0x599: {  	v20 =	vmin.f32 v20, v2;
	v32 =	vsub.f32 v61, v1;
	v62 =	vtrunc.f32 v22;
	[tilespmem:s9+$0x155D0] =	vst v18  }
0x59a: {  	v52 =	vtrunc.f32 v20;
	[tilespmem:s4+$0x155F0] =	vst v21;
	v21 =	vcvt.f32.s32 v62;
	v33 =	vld.idx.msk [tilespmem:v58+s21+$0x0], $0xffff  }
0x59b: {  	v35 =	vld [tilespmem:s9+$0x7980];
	v54 =	vcvt.f32.s32 v52;
	v16 =	vmul.f32 v16, v59;
	v18 =	vmax.f32 v32, v5  }
0x59c: {  	v25 =	vld.idx.msk [tilespmem:v58+s7+$0x0], $0xffff;
	v18 =	vmin.f32 v18, v2  }
0x59d: {  	v56 =	vld [tilespmem:s4+$0x7990];
	v23 =	vmul.f32 v60, v3;
	v17 =	vadd.f32 v16, v17;
	v36 =	vtrunc.f32 v18  }
0x59e: {  	v38 =	vcvt.f32.s32 v36  }
0x59f: {  	v42 =	vld [tilespmem:s8+$0x7990];
	v37 =	vsub.f32 v23, v1;
	[tilespmem:s8+$0x155E0] =	vst v17;
	v19 =	vmul.f32 v19, v33  }
0x5a0: {  	v39 =	vld.idx.msk [tilespmem:v21+s21+$0x0], $0xffff  }
0x5a1: {  	v43 =	vmul.f32 v35, v3;
	v63 =	vld.idx.msk [tilespmem:v54+s21+$0x0], $0xffff;
	v17 =	vmax.f32 v37, v5;
	v19 =	vadd.f32 v19, v25  }
0x5a2: {  	v34 =	vmul.f32 v56, v3;
	v21 =	vld.idx.msk [tilespmem:v21+s7+$0x0], $0xffff;
	v41 =	vmin.f32 v17, v2  }
0x5a3: {  	v27 =	vld.idx.msk [tilespmem:v54+s7+$0x0], $0xffff;
	v44 =	vtrunc.f32 v41;
	v25 =	vsub.f32 v43, v1;
	[tilespmem:s9+$0x155E0] =	vst v19  }
0x5a4: {  	v28 =	vsub.f32 v34, v1;
	v29 =	vcvt.f32.s32 v44;
	v46 =	vld.idx.msk [tilespmem:v38+s21+$0x0], $0xffff  }
0x5a5: {  	v51 =	vld [tilespmem:s9+$0x7990];
	v22 =	vmul.f32 v22, v39;
	v49 =	vmax.f32 v25, v5  }
0x5a6: {  	v40 =	vmax.f32 v28, v5;
	v50 =	vmul.f32 v42, v3;
	v48 =	vld.idx.msk [tilespmem:v38+s7+$0x0], $0xffff;
	v23 =	vmin.f32 v49, v2  }
0x5a7: {  	v24 =	vmin.f32 v40, v2;
	v32 =	vld [tilespmem:s4+$0x79A0];
	v21 =	vadd.f32 v22, v21;
	v53 =	vtrunc.f32 v23  }
0x5a8: {  	v13 =	vadd.f32 v14, v13;
	v45 =	vtrunc.f32 v24;
	v14 =	vcvt.f32.s32 v53  }
0x5a9: {  	v61 =	vld [tilespmem:s8+$0x79A0];
	v56 =	vsub.f32 v50, v1;
	v19 =	vcvt.f32.s32 v45;
	[tilespmem:s8+$0x155F0] =	vst v21;
	v18 =	vmul.f32 v18, v46  }
0x5aa: {  	v47 =	vmul.f32 v20, v63;
	v57 =	vld.idx.msk [tilespmem:v29+s21+$0x0], $0xffff  }
0x5ab: {  	[tilespmem:s3+$0x15990] =	vst v13;
	v34 =	vld [tilespmem:s9+$0x79A0];
	v59 =	vmul.f32 v51, v3;
	v21 =	vmax.f32 v56, v5;
	v18 =	vadd.f32 v18, v48  }
0x5ac: {  	v52 =	vadd.f32 v47, v27;
	v55 =	vmul.f32 v32, v3;
	v29 =	vld.idx.msk [tilespmem:v29+s7+$0x0], $0xffff;
	v21 =	vmin.f32 v21, v2  }
0x5ad: {  	v35 =	vld.idx.msk [tilespmem:v11+s7+$0x0], $0xffff;
	v63 =	vsub.f32 v59, v1;
	v62 =	vtrunc.f32 v21;
	[tilespmem:s9+$0x155F0] =	vst v18  }
0x5ae: {  	[tilespmem:s4+$0x15980] =	vst v52;
	v27 =	vsub.f32 v55, v1;
	v30 =	vcvt.f32.s32 v62;
	v33 =	vld.idx.msk [tilespmem:v14+s21+$0x0], $0xffff  }
0x5af: {  	v58 =	vld.idx.msk [tilespmem:v19+s21+$0x0], $0xffff;
	v13 =	vmul.f32 v41, v57;
	v18 =	vmax.f32 v63, v5  }
0x5b0: {  	v60 =	vmax.f32 v27, v5;
	v27 =	vmul.f32 v61, v3;
	v14 =	vld.idx.msk [tilespmem:v14+s7+$0x0], $0xffff;
	v18 =	vmin.f32 v18, v2  }
0x5b1: {  	v25 =	vmin.f32 v60, v2;
	v19 =	vld.idx.msk [tilespmem:v19+s7+$0x0], $0xffff;
	v13 =	vadd.f32 v13, v29;
	v36 =	vtrunc.f32 v18  }
0x5b2: {  	v50 =	vld [tilespmem:s9+$0x79B0];
	v32 =	vtrunc.f32 v25;
	v38 =	vcvt.f32.s32 v36  }
0x5b3: {  	v37 =	vld [tilespmem:s4+$0x79B0];
	v27 =	vsub.f32 v27, v1;
	v20 =	vcvt.f32.s32 v32;
	[tilespmem:s8+$0x15980] =	vst v13;
	v23 =	vmul.f32 v23, v33  }
0x5b4: {  	v12 =	vmul.f32 v12, v3;
	v22 =	vmul.f32 v24, v58;
	v39 =	vld.idx.msk [tilespmem:v30+s21+$0x0], $0xffff  }
0x5b5: {  	v42 =	vmul.f32 v34, v3;
	v45 =	vld [tilespmem:s8+$0x79B0];
	v27 =	vmax.f32 v27, v5;
	v14 =	vadd.f32 v23, v14  }
0x5b6: {  	v6 =	vmul.f32 v6, v3;
	v44 =	vmin.f32 v27, v2;
	v30 =	vld.idx.msk [tilespmem:v30+s7+$0x0], $0xffff;
	v19 =	vadd.f32 v22, v19  }
0x5b7: {  	v12 =	vsub.f32 v12, v1;
	v54 =	vld.idx.msk [tilespmem:v11+s21+$0x0], $0xffff;
	v46 =	vtrunc.f32 v44;
	v23 =	vsub.f32 v42, v1;
	[tilespmem:s9+$0x15980] =	vst v14  }
0x5b8: {  	v6 =	vsub.f32 v6, v1;
	v47 =	vcvt.f32.s32 v46;
	[tilespmem:s4+$0x15990] =	vst v19;
	v49 =	vld.idx.msk [tilespmem:v38+s21+$0x0], $0xffff  }
0x5b9: {  	v12 =	vmax.f32 v12, v5;
	v43 =	vld.idx.msk [tilespmem:v20+s21+$0x0], $0xffff;
	v48 =	vmul.f32 v21, v39;
	v23 =	vmax.f32 v23, v5  }
0x5ba: {  	v12 =	vmin.f32 v12, v2;
	v22 =	vmul.f32 v37, v3;
	v13 =	vld.idx.msk [tilespmem:v38+s7+$0x0], $0xffff;
	v23 =	vmin.f32 v23, v2  }
0x5bb: {  	v15 =	vld [tilespmem:s4+$0x79C0];
	v27 =	vmul.f32 v45, v3;
	v14 =	vadd.f32 v48, v30;
	v52 =	vtrunc.f32 v23  }
0x5bc: {  	v40 =	vld [tilespmem:s3+$0x79D0];
	v10 =	vmul.f32 v10, v54;
	v51 =	vsub.f32 v22, v1;
	v22 =	vcvt.f32.s32 v52  }
0x5bd: {  	v41 =	vtrunc.f32 v12;
	v56 =	vsub.f32 v27, v1;
	v20 =	vld.idx.msk [tilespmem:v20+s7+$0x0], $0xffff;
	[tilespmem:s8+$0x15990] =	vst v14;
	v18 =	vmul.f32 v18, v49  }
0x5be: {  	v10 =	vadd.f32 v10, v35;
	v58 =	vmul.f32 v50, v3;
	v19 =	vcvt.f32.s32 v41;
	v55 =	vld.idx.msk [tilespmem:v47+s21+$0x0], $0xffff  }
0x5bf: {  	v16 =	vld [tilespmem:s8+$0x79C0];
	v54 =	vmul.f32 v25, v43;
	v25 =	vmax.f32 v56, v5;
	v13 =	vadd.f32 v18, v13  }
0x5c0: {  	[tilespmem:s3+$0x159A0] =	vst v10;
	v10 =	vmax.f32 v51, v5;
	v25 =	vmin.f32 v25, v2;
	v11 =	vld.idx.msk [tilespmem:v47+s7+$0x0], $0xffff  }
0x5c1: {  	v17 =	vld [tilespmem:s9+$0x79C0];
	v59 =	vsub.f32 v58, v1;
	v10 =	vmin.f32 v10, v2;
	v61 =	vtrunc.f32 v25;
	[tilespmem:s9+$0x15990] =	vst v13  }
0x5c2: {  	v57 =	vtrunc.f32 v10;
	v60 =	vadd.f32 v54, v20;
	v20 =	vcvt.f32.s32 v61;
	v62 =	vld.idx.msk [tilespmem:v22+s21+$0x0], $0xffff  }
0x5c3: {  	v63 =	vld [tilespmem:s4+$0x79D0];
	v18 =	vcvt.f32.s32 v57;
	v24 =	vmul.f32 v44, v55;
	v13 =	vmax.f32 v59, v5  }
0x5c4: {  	v15 =	vmul.f32 v15, v3;
	v22 =	vld.idx.msk [tilespmem:v22+s7+$0x0], $0xffff;
	v13 =	vmin.f32 v13, v2  }
0x5c5: {  	v6 =	vmax.f32 v6, v5;
	v53 =	vld.idx.msk [tilespmem:v19+s21+$0x0], $0xffff;
	v11 =	vadd.f32 v24, v11;
	v31 =	vtrunc.f32 v13  }
0x5c6: {  	v15 =	vsub.f32 v15, v1;
	v16 =	vmul.f32 v16, v3;
	v36 =	vld [tilespmem:s9+$0x79D0];
	v14 =	vcvt.f32.s32 v31  }
0x5c7: {  	v6 =	vmin.f32 v6, v2;
	v19 =	vld.idx.msk [tilespmem:v19+s7+$0x0], $0xffff;
	[tilespmem:s8+$0x159A0] =	vst v11;
	v21 =	vmul.f32 v23, v62  }
0x5c8: {  	v15 =	vmax.f32 v15, v5;
	v16 =	vsub.f32 v16, v1;
	v30 =	vtrunc.f32 v6;
	[tilespmem:s4+$0x159A0] =	vst v60;
	v11 =	vld.idx.msk [tilespmem:v20+s21+$0x0], $0xffff  }
0x5c9: {  	v17 =	vmul.f32 v17, v3;
	v26 =	vcvt.f32.s32 v30;
	v32 =	vld.idx.msk [tilespmem:v18+s21+$0x0], $0xffff;
	v34 =	vadd.f32 v21, v22  }
0x5ca: {  	v35 =	vmin.f32 v15, v2;
	v16 =	vmax.f32 v16, v5;
	v12 =	vmul.f32 v12, v53;
	v20 =	vld.idx.msk [tilespmem:v20+s7+$0x0], $0xffff  }
0x5cb: {  	v17 =	vsub.f32 v17, v1;
	v16 =	vmin.f32 v16, v2;
	v18 =	vld.idx.msk [tilespmem:v18+s7+$0x0], $0xffff;
	[tilespmem:s9+$0x159A0] =	vst v34  }
0x5cc: {  	v39 =	vmul.f32 v40, v3;
	v38 =	vtrunc.f32 v35;
	v12 =	vadd.f32 v12, v19;
	v40 =	vld.idx.msk [tilespmem:v14+s21+$0x0], $0xffff  }
0x5cd: {  	v17 =	vmax.f32 v17, v5;
	v41 =	vtrunc.f32 v16;
	v33 =	vld [tilespmem:s8+$0x79D0];
	v22 =	vcvt.f32.s32 v38  }
0x5ce: {  	v17 =	vmin.f32 v17, v2;
	[tilespmem:s3+$0x159B0] =	vst v12;
	v24 =	vcvt.f32.s32 v41;
	v10 =	vmul.f32 v10, v32;
	v14 =	vld.idx.msk [tilespmem:v14+s7+$0x0], $0xffff  }
0x5cf: {  	v42 =	vtrunc.f32 v17;
	v19 =	vsub.f32 v39, v1;
	v37 =	vld.idx.msk [tilespmem:v26+s21+$0x0], $0xffff;
	v11 =	vmul.f32 v25, v11  }
0x5d0: {  	v43 =	vmul.f32 v63, v3;
	v10 =	vadd.f32 v10, v18;
	v18 =	vcvt.f32.s32 v42  }
0x5d1: {  	v19 =	vmax.f32 v19, v5;
	v26 =	vld.idx.msk [tilespmem:v26+s7+$0x0], $0xffff;
	v11 =	vadd.f32 v11, v20;
	v13 =	vmul.f32 v13, v40  }
0x5d2: {  	v44 =	vsub.f32 v43, v1;
	v19 =	vmin.f32 v19, v2;
	v23 =	vmul.f32 v33, v3;
	[tilespmem:s4+$0x159B0] =	vst v10  }
0x5d3: {  	v15 =	vmul.f32 v36, v3;
	v46 =	vtrunc.f32 v19;
	[tilespmem:s8+$0x159B0] =	vst v11;
	v45 =	vld.idx.msk [tilespmem:v22+s21+$0x0], $0xffff;
	v13 =	vadd.f32 v13, v14  }
0x5d4: {  	v6 =	vmul.f32 v6, v37;
	v48 =	vsub.f32 v23, v1;
	v10 =	vmax.f32 v44, v5;
	v49 =	vld.idx.msk [tilespmem:v24+s21+$0x0], $0xffff  }
0x5d5: {  	v50 =	vsub.f32 v15, v1;
	v47 =	vld.idx.msk [tilespmem:v22+s7+$0x0], $0xffff;
	v10 =	vmin.f32 v10, v2;
	v14 =	vcvt.f32.s32 v46;
	[tilespmem:s9+$0x159B0] =	vst v13  }
0x5d6: {  	v6 =	vadd.f32 v6, v26;
	v11 =	vmax.f32 v48, v5;
	v51 =	vtrunc.f32 v10;
	v52 =	vld.idx.msk [tilespmem:v18+s21+$0x0], $0xffff  }
0x5d7: {  	v24 =	vld.idx.msk [tilespmem:v24+s7+$0x0], $0xffff;
	v11 =	vmin.f32 v11, v2;
	v15 =	vcvt.f32.s32 v51;
	v13 =	vmax.f32 v50, v5  }
0x5d8: {  	v53 =	vtrunc.f32 v11;
	v12 =	vmul.f32 v35, v45;
	v18 =	vld.idx.msk [tilespmem:v18+s7+$0x0], $0xffff;
	v13 =	vmin.f32 v13, v2  }
0x5d9: {  	v20 =	vcvt.f32.s32 v53;
	v54 =	vtrunc.f32 v13  }
0x5da: {  	[tilespmem:s3+$0x159C0] =	vst v6;
	v55 =	vmul.f32 v16, v49;
	v6 =	vadd.f32 v12, v47;
	v56 =	vcvt.f32.s32 v54  }
0x5db: {  	v57 =	vld.idx.msk [tilespmem:v14+s21+$0x0], $0xffff;
	v17 =	vmul.f32 v17, v52  }
0x5dc: {  	[tilespmem:s4+$0x159C0] =	vst v6;
	v6 =	vadd.f32 v55, v24;
	v14 =	vld.idx.msk [tilespmem:v14+s7+$0x0], $0xffff  }
0x5dd: {  	v58 =	vld.idx.msk [tilespmem:v15+s21+$0x0], $0xffff;
	v17 =	vadd.f32 v17, v18  }
0x5de: {  	v15 =	vld.idx.msk [tilespmem:v15+s7+$0x0], $0xffff;
	[tilespmem:s8+$0x159C0] =	vst v6  }
0x5df: {  	v6 =	vld.idx.msk [tilespmem:v20+s21+$0x0], $0xffff;
	[tilespmem:s9+$0x159C0] =	vst v17  }
0x5e0: {  	v17 =	vld.idx.msk [tilespmem:v56+s21+$0x0], $0xffff  }
0x5e1: {  	v7 =	vmul.f32 v7, v8;
	v59 =	vld.idx.msk [tilespmem:v20+s7+$0x0], $0xffff  }
0x5e2: {  	v60 =	vmul.f32 v19, v57;
	v16 =	vld.idx.msk [tilespmem:v56+s7+$0x0], $0xffff  }
0x5e3: {  	v7 =	vadd.f32 v7, v9;
	v61 =	vmul.f32 v10, v58  }
0x5e4: {  	s30 =	sadd.s32 $0x1, s30;
	v62 =	vadd.f32 v60, v14;
	v6 =	vmul.f32 v11, v6  }
0x5e5: {  	p0 =	sne.s32 s30, $0xC;
	[tilespmem:s0+$0x159D0] =	vst v7;
	v7 =	vadd.f32 v61, v15;
	v63 =	vmul.f32 v13, v17  }
.Ltmp12:
0x5e6: {  	[tilespmem:s3+$0x159D0] =	vst v62;
	v6 =	vadd.f32 v6, v59;
	(pc) =	sbr.rel @p0 .LBB2_2-.Ltmp12, $4  }
0x5e7: {  	[tilespmem:s4+$0x159D0] =	vst v7;
	v7 =	vadd.f32 v63, v16  }
0x5e8: {  	[tilespmem:s8+$0x159D0] =	vst v6  }
0x5e9: {  	s31 =	sadd.s32 s5, s31;
	[tilespmem:s9+$0x159D0] =	vst v7  }
0x5ea: {  	[hbm4b:s31+s7] =	stream.linear.scatter [tilespmem:s24], [sflag:$0x4], $0x7000, $0x38;
	[tilespmem:$0x1C580] =	vst v63  }
0x5eb: {  	_ =	swait.ge [sflag:s26], $0x7000  }
0x5ec: {  	[sflag:s26] =	ssyncset.done $0x0  }
0x5ed: {  	[sflag:s26] =	ssyncadd.s32 $0xFFFF9000  }
0x5ee: {  	_ =	swait.ge [sflag:s28], $0x7000  }
0x5ef: {  	s3 =	rddreg [dreg:$0xa]  }
0x5f0: {  	s0 =	rddreg [dreg:$0x9];
	s3 =	sadd.s32 $0x1, s3  }
0x5f1: {  	p0 =	sne.s32 s3, s0  }
.Ltmp13:
0x5f2: {  	_ = 	snop;
	(pc) =	sbr.rel @p0 .LBB2_1-.Ltmp13, $3  }
0x5f3: {  	_ =	sdelay $0x1  }
0x5f4: {  	[sflag:s28] =	ssyncset.done $0x0  }
0x5f5: {  	[sflag:s28] =	ssyncadd.s32 $0xFFFF9000  }
0x5f6: {  	_ =	sfence.sel $0x180000  }
0x5f7: {  	[bflag:$0x0] =	sbarrier.arrive $0xFFFF  }
0x5f8: {  	_ =	strace $0x90000047  }
0x5f9: {  	s0 =	stileid.u32;
	[bflag:$0x2] =	sbarrier.arrive $0xFFFF  }
0x5fa: {  	p0 =	sne.s32 s0, $0x0;
	s0 =	rddreg [dreg:$0x5]  }
0x5fb: {  	s0 =	sadd.s32 @!p0 $0x100000, s0  }
0x5fc: {  	[sflag:s0] =	ssyncadd.tile.s32 @!p0 $0x1;
	_ =	shalt  }
.Lfunc_end2:
_tile_overlayer_lowered:
.L_overlay_start_2:
0x5fd: {  	(tag) =	ssettag $0x2  }
0x5fe: {  	s0 =	rddreg [dreg:$0x0];
	s2 =	stileid.u32  }
0x5ff: {  	s1 =	rddreg [dreg:$0x1];
	p0 =	sne.s32 s2, $0x0  }
0x600: {  	s3 =	rddreg [dreg:$0x2];
	[bflag:$0x3] =	sbarrier.arrive $0xFFFF;
	s2 =	simm.s32 @!p0 $0x1C07  }
0x601: {  	[timem:s3], [sflag:s2] =	dma.local @!p0 [hbm:s0], s1  }
0x602: {  	s0 =	simm.s32 @!p0 $0x7  }
0x603: {  	_ =	swait.ge @!p0 [sflag:s0], s1  }
0x604: {  	s1 =	ssub.s32 @!p0 $0x0, s1;
	[sflag:s0] =	ssyncset.done @!p0 $0x0  }
0x605: {  	[sflag:s0] =	ssyncadd.s32 @!p0 s1  }
0x606: {  	[bflag:$0x3] =	sbarrier.arrive $0xFFFF  }
0x607: {  	_ =	shalt  }

</sc_bundles>
